<compile_context>
chip_gen: v7x
topology: tpu7x:2x2x1
jax: 0.10.2.dev20260603
libtpu: 0.0.44.dev20260713+nightly
codegen_flags: <defaults>
</compile_context>

<pallas_src>
import functools

import jax
import jax.numpy as jnp
from jax import lax
from jax.experimental import pallas as pl
from jax.experimental.pallas import tpu as pltpu
from jax.experimental.pallas import tpu_sc as plsc

N = 16
C = 192
H = 56
W = 56
HALF = C // 2
K = 8
NUM_WORKERS = 32
CHUNKS = HALF // K
TUPLES_PER_WORKER = (N * CHUNKS) // NUM_WORKERS


def _shuffle_sc(x1, x2):
    mesh = plsc.VectorSubcoreMesh(core_axis_name="c", subcore_axis_name="s")
    out_t = jax.ShapeDtypeStruct((N, HALF, 2, H, W), jnp.float32)

    @functools.partial(
        pl.kernel,
        out_type=(out_t, out_t),
        mesh=mesh,
        scratch_types=[
            pltpu.VMEM((K, H, W), jnp.float32),
            pltpu.VMEM((K, H, W), jnp.float32),
            pltpu.SemaphoreType.DMA,
            pltpu.SemaphoreType.DMA,
            pltpu.SemaphoreType.DMA,
            pltpu.SemaphoreType.DMA,
        ],
        compiler_params=pltpu.CompilerParams(use_tc_tiling_on_sc=True),
    )
    def body(x1_hbm, x2_hbm, o1_hbm, o2_hbm, buf0, buf1, si0, si1, so0, so1):
        wid = lax.axis_index("s") * 2 + lax.axis_index("c")
        bufs = (buf0, buf1)
        sems_in = (si0, si1)
        sems_out = (so0, so1)
        srcs = (x1_hbm, x2_hbm)
        dsts = (o1_hbm, o2_hbm)

        def slices(c):
            h = c // (2 * TUPLES_PER_WORKER)
            j = (c % (2 * TUPLES_PER_WORKER)) // 2
            p = c % 2
            u = wid * TUPLES_PER_WORKER + j
            n = u // CHUNKS
            q = u % CHUNKS
            src = srcs[p].at[n, pl.ds(h * HALF + q * K, K), :, :]
            dst = dsts[h].at[n, pl.ds(q * K, K), p, :, :]
            return src, dst

        ncopies = 4 * TUPLES_PER_WORKER
        hin = [None, None]
        hout = [None, None]

        def start_in(c):
            src, _ = slices(c)
            hin[c % 2] = pltpu.async_copy(src, bufs[c % 2], sems_in[c % 2])

        def start_out(c):
            _, dst = slices(c)
            hout[c % 2] = pltpu.async_copy(bufs[c % 2], dst, sems_out[c % 2])

        start_in(0)
        for c in range(ncopies):
            nb = (c + 1) % 2
            if c + 1 < ncopies:
                if c >= 1:
                    hout[nb].wait()
                start_in(c + 1)
            hin[c % 2].wait()
            start_out(c)
        hout[0].wait()
        hout[1].wait()

    return body(x1, x2)


def kernel(x1, x2, fp_index1, fp_index2):
    del fp_index1, fp_index2
    o1, o2 = _shuffle_sc(x1, x2)
    return (o1.reshape(N, C, H, W), o2.reshape(N, C, H, W))

# --- scband reference (transcript-rebuilt; emitter-appended) ---
"""Pipeline reference for scband-channel-shuffle-35304631173572 (READ-ONLY COPY).

The authoritative reference and input builder live on the scoring server;
editing this copy changes nothing except your own understanding.
"""

import jax, jax.numpy as jnp
import numpy as np

INP = 384
GROUPS = 2
GROUP_LEN = INP // GROUPS


def _make_indices():
    out = np.arange(INP).reshape(GROUPS, GROUP_LEN).transpose(1, 0).flatten()
    fp_index1 = jnp.asarray(out[:GROUP_LEN], dtype=jnp.int32)
    fp_index2 = jnp.asarray(out[GROUP_LEN:], dtype=jnp.int32)
    return fp_index1, fp_index2


def setup_inputs(seed: int = 0) -> dict:
    key = jax.random.key(seed)
    k1, k2 = jax.random.split(key)
    x1 = jax.random.normal(k1, (16, 192, 56, 56), dtype=jnp.float32)
    x2 = jax.random.normal(k2, (16, 192, 56, 56), dtype=jnp.float32)
    fp_index1, fp_index2 = _make_indices()
    return {"x1": x1, "x2": x2, "fp_index1": fp_index1, "fp_index2": fp_index2}


def reference(x1, x2, fp_index1, fp_index2):
    # Channel_Shuffle with split_shuffle=True:
    # concat along channel dim, then gather interleaved channel indices into two halves.
    x = jnp.concatenate([x1, x2], axis=1)
    out1 = jnp.take(x, fp_index1, axis=1)
    out2 = jnp.take(x, fp_index2, axis=1)
    return (out1, out2)

if __name__ == "__main__":
    import jax
    _d = setup_inputs()
    print(jax.jit(kernel)(*tuple(_d.values())))

</pallas_src>

<mosaic_0001>
#map = affine_map<(d0, d1) -> (0, 0, 0, 0)>
#map1 = affine_map<(d0, d1) -> (0, 0, 0, 0, 0)>
module attributes {stable_mosaic.version = 14 : i64} {
  func.func @body(%arg0: i32, %arg1: i32, %arg2: memref<16x192x56x56xf32, #tpu.memory_space<hbm>>, %arg3: memref<16x192x56x56xf32, #tpu.memory_space<hbm>>, %arg4: memref<16x96x2x56x56xf32, #tpu.memory_space<hbm>>, %arg5: memref<16x96x2x56x56xf32, #tpu.memory_space<hbm>>, %arg6: memref<8x56x56xf32, #tpu.memory_space<vmem>>, %arg7: memref<8x56x56xf32, #tpu.memory_space<vmem>>, %arg8: memref<!tpu.dma_semaphore, #tpu.memory_space<semaphore_mem>>, %arg9: memref<!tpu.dma_semaphore, #tpu.memory_space<semaphore_mem>>, %arg10: memref<!tpu.dma_semaphore, #tpu.memory_space<semaphore_mem>>, %arg11: memref<!tpu.dma_semaphore, #tpu.memory_space<semaphore_mem>>) attributes {dimension_semantics = [#tpu.dimension_semantics<core_parallel>, #tpu.dimension_semantics<subcore_parallel>], iteration_bounds = array<i64: 2, 16>, scalar_prefetch = 0 : i64, scratch_operands = 6 : i64, tpu.core_type = #tpu.core_type<sc_vector_subcore>, window_params = [{transform_indices = #map}, {transform_indices = #map}, {transform_indices = #map1}, {transform_indices = #map1}]} {
    %mul3A = arith.constant 2 : i32
    %mul3A_0 = arith.muli %arg1, %mul3A : i32
    %add3A = arith.addi %mul3A_0, %arg0 : i32
    %mul3A_1 = arith.constant 6 : i32
    %mul3A_2 = arith.muli %add3A, %mul3A_1 : i32
    %add3A_3 = arith.constant 0 : i32
    %add3A_4 = arith.addi %mul3A_2, %add3A_3 : i32
    %jit3A = arith.constant 12 : i32
    %div3A = arith.divsi %add3A_4, %jit3A : i32
    %sign3A = arith.constant 0 : i32
    %sign3A_5 = arith.cmpi sgt, %add3A_4, %sign3A : i32
    %sign3A_6 = arith.extui %sign3A_5 : i1 to i32
    %sign3A_7 = arith.constant 0 : i32
    %sign3A_8 = arith.cmpi slt, %add3A_4, %sign3A_7 : i32
    %sign3A_9 = arith.extui %sign3A_8 : i1 to i32
    %sign3A_10 = arith.subi %sign3A_6, %sign3A_9 : i32
    %sign3A_11 = arith.constant 0 : i32
    %sign3A_12 = arith.cmpi sgt, %jit3A, %sign3A_11 : i32
    %sign3A_13 = arith.extui %sign3A_12 : i1 to i32
    %sign3A_14 = arith.constant 0 : i32
    %sign3A_15 = arith.cmpi slt, %jit3A, %sign3A_14 : i32
    %sign3A_16 = arith.extui %sign3A_15 : i1 to i32
    %sign3A_17 = arith.subi %sign3A_13, %sign3A_16 : i32
    %ne3A = arith.cmpi ne, %sign3A_10, %sign3A_17 : i32
    %rem3A = arith.remsi %add3A_4, %jit3A : i32
    %ne3A_18 = arith.constant 0 : i32
    %ne3A_19 = arith.cmpi ne, %rem3A, %ne3A_18 : i32
    %and3A = arith.andi %ne3A, %ne3A_19 : i1
    %sub3A = arith.constant 1 : i32
    %sub3A_20 = arith.subi %div3A, %sub3A : i32
    %select_n3A = arith.select %and3A, %sub3A_20, %div3A : i32
    %jit3A_21 = arith.constant 12 : i32
    %eq3A = arith.constant 0 : i32
    %eq3A_22 = arith.cmpi eq, %jit3A_21, %eq3A : i32
    %jit3A_23 = arith.constant 1 : i32
    %select_n3A_24 = arith.select %eq3A_22, %jit3A_23, %jit3A_21 : i32
    %rem3A_25 = arith.remsi %add3A_4, %select_n3A_24 : i32
    %ne3A_26 = arith.constant 0 : i32
    %ne3A_27 = arith.cmpi ne, %rem3A_25, %ne3A_26 : i32
    %lt3A = arith.constant 0 : i32
    %lt3A_28 = arith.cmpi slt, %rem3A_25, %lt3A : i32
    %lt3A_29 = arith.constant 0 : i32
    %lt3A_30 = arith.cmpi slt, %select_n3A_24, %lt3A_29 : i32
    %ne3A_31 = arith.xori %lt3A_28, %lt3A_30 : i1
    %and3A_32 = arith.andi %ne3A_31, %ne3A_27 : i1
    %add3A_33 = arith.addi %rem3A_25, %select_n3A_24 : i32
    %select_n3A_34 = arith.select %and3A_32, %add3A_33, %rem3A_25 : i32
    %mul3A_35 = arith.constant 8 : i32
    %mul3A_36 = arith.muli %select_n3A_34, %mul3A_35 : i32
    %add3A_37 = arith.constant 0 : i32
    %add3A_38 = arith.addi %add3A_37, %mul3A_36 : i32
    %mul3A_39 = arith.constant 8 : i32
    %mul3A_40 = arith.muli %select_n3A_34, %mul3A_39 : i32
    %dma_start3A = arith.constant 0 : i32
    %dma_start3A_41 = arith.constant 0 : i32
    %dma_start3A_42 = tpu.memref_slice %arg2[%select_n3A, %add3A_38, %dma_start3A, %dma_start3A_41] : memref<16x192x56x56xf32, #tpu.memory_space<hbm>> -> memref<1x8x56x56xf32, #tpu.memory_space<hbm>>
    %dma_start3A_43 = tpu.memref_squeeze %dma_start3A_42 : memref<1x8x56x56xf32, #tpu.memory_space<hbm>> -> memref<8x56x56xf32, #tpu.memory_space<hbm>>
    %dma_start3A_44 = arith.constant 0 : i32
    %dma_start3A_45 = arith.constant 0 : i32
    %dma_start3A_46 = tpu.memref_slice %arg2[%select_n3A, %add3A_38, %dma_start3A_44, %dma_start3A_45] : memref<16x192x56x56xf32, #tpu.memory_space<hbm>> -> memref<1x8x56x56xf32, #tpu.memory_space<hbm>>
    %dma_start3A_47 = tpu.memref_squeeze %dma_start3A_46 : memref<1x8x56x56xf32, #tpu.memory_space<hbm>> -> memref<8x56x56xf32, #tpu.memory_space<hbm>>
    tpu.enqueue_dma source(%dma_start3A_47 : memref<8x56x56xf32, #tpu.memory_space<hbm>>) target(%arg6 : memref<8x56x56xf32, #tpu.memory_space<vmem>>) target_semaphore(%arg8 : memref<!tpu.dma_semaphore, #tpu.memory_space<semaphore_mem>>)
    %mul3A_48 = arith.constant 6 : i32
    %mul3A_49 = arith.muli %add3A, %mul3A_48 : i32
    %add3A_50 = arith.constant 0 : i32
    %add3A_51 = arith.addi %mul3A_49, %add3A_50 : i32
    %jit3A_52 = arith.constant 12 : i32
    %div3A_53 = arith.divsi %add3A_51, %jit3A_52 : i32
    %sign3A_54 = arith.constant 0 : i32
    %sign3A_55 = arith.cmpi sgt, %add3A_51, %sign3A_54 : i32
    %sign3A_56 = arith.extui %sign3A_55 : i1 to i32
    %sign3A_57 = arith.constant 0 : i32
    %sign3A_58 = arith.cmpi slt, %add3A_51, %sign3A_57 : i32
    %sign3A_59 = arith.extui %sign3A_58 : i1 to i32
    %sign3A_60 = arith.subi %sign3A_56, %sign3A_59 : i32
    %sign3A_61 = arith.constant 0 : i32
    %sign3A_62 = arith.cmpi sgt, %jit3A_52, %sign3A_61 : i32
    %sign3A_63 = arith.extui %sign3A_62 : i1 to i32
    %sign3A_64 = arith.constant 0 : i32
    %sign3A_65 = arith.cmpi slt, %jit3A_52, %sign3A_64 : i32
    %sign3A_66 = arith.extui %sign3A_65 : i1 to i32
    %sign3A_67 = arith.subi %sign3A_63, %sign3A_66 : i32
    %ne3A_68 = arith.cmpi ne, %sign3A_60, %sign3A_67 : i32
    %rem3A_69 = arith.remsi %add3A_51, %jit3A_52 : i32
    %ne3A_70 = arith.constant 0 : i32
    %ne3A_71 = arith.cmpi ne, %rem3A_69, %ne3A_70 : i32
    %and3A_72 = arith.andi %ne3A_68, %ne3A_71 : i1
    %sub3A_73 = arith.constant 1 : i32
    %sub3A_74 = arith.subi %div3A_53, %sub3A_73 : i32
    %select_n3A_75 = arith.select %and3A_72, %sub3A_74, %div3A_53 : i32
    %jit3A_76 = arith.constant 12 : i32
    %eq3A_77 = arith.constant 0 : i32
    %eq3A_78 = arith.cmpi eq, %jit3A_76, %eq3A_77 : i32
    %jit3A_79 = arith.constant 1 : i32
    %select_n3A_80 = arith.select %eq3A_78, %jit3A_79, %jit3A_76 : i32
    %rem3A_81 = arith.remsi %add3A_51, %select_n3A_80 : i32
    %ne3A_82 = arith.constant 0 : i32
    %ne3A_83 = arith.cmpi ne, %rem3A_81, %ne3A_82 : i32
    %lt3A_84 = arith.constant 0 : i32
    %lt3A_85 = arith.cmpi slt, %rem3A_81, %lt3A_84 : i32
    %lt3A_86 = arith.constant 0 : i32
    %lt3A_87 = arith.cmpi slt, %select_n3A_80, %lt3A_86 : i32
    %ne3A_88 = arith.xori %lt3A_85, %lt3A_87 : i1
    %and3A_89 = arith.andi %ne3A_88, %ne3A_83 : i1
    %add3A_90 = arith.addi %rem3A_81, %select_n3A_80 : i32
    %select_n3A_91 = arith.select %and3A_89, %add3A_90, %rem3A_81 : i32
    %mul3A_92 = arith.constant 8 : i32
    %mul3A_93 = arith.muli %select_n3A_91, %mul3A_92 : i32
    %add3A_94 = arith.constant 0 : i32
    %add3A_95 = arith.addi %add3A_94, %mul3A_93 : i32
    %mul3A_96 = arith.constant 8 : i32
    %mul3A_97 = arith.muli %select_n3A_91, %mul3A_96 : i32
    %dma_start3A_98 = arith.constant 0 : i32
    %dma_start3A_99 = arith.constant 0 : i32
    %dma_start3A_100 = tpu.memref_slice %arg3[%select_n3A_75, %add3A_95, %dma_start3A_98, %dma_start3A_99] : memref<16x192x56x56xf32, #tpu.memory_space<hbm>> -> memref<1x8x56x56xf32, #tpu.memory_space<hbm>>
    %dma_start3A_101 = tpu.memref_squeeze %dma_start3A_100 : memref<1x8x56x56xf32, #tpu.memory_space<hbm>> -> memref<8x56x56xf32, #tpu.memory_space<hbm>>
    %dma_start3A_102 = arith.constant 0 : i32
    %dma_start3A_103 = arith.constant 0 : i32
    %dma_start3A_104 = tpu.memref_slice %arg3[%select_n3A_75, %add3A_95, %dma_start3A_102, %dma_start3A_103] : memref<16x192x56x56xf32, #tpu.memory_space<hbm>> -> memref<1x8x56x56xf32, #tpu.memory_space<hbm>>
    %dma_start3A_105 = tpu.memref_squeeze %dma_start3A_104 : memref<1x8x56x56xf32, #tpu.memory_space<hbm>> -> memref<8x56x56xf32, #tpu.memory_space<hbm>>
    tpu.enqueue_dma source(%dma_start3A_105 : memref<8x56x56xf32, #tpu.memory_space<hbm>>) target(%arg7 : memref<8x56x56xf32, #tpu.memory_space<vmem>>) target_semaphore(%arg9 : memref<!tpu.dma_semaphore, #tpu.memory_space<semaphore_mem>>)
    %dma_wait3A = arith.constant 0 : i32
    %dma_wait3A_106 = arith.constant 0 : i32
    %dma_wait3A_107 = tpu.memref_slice %arg2[%select_n3A, %add3A_38, %dma_wait3A, %dma_wait3A_106] : memref<16x192x56x56xf32, #tpu.memory_space<hbm>> -> memref<1x8x56x56xf32, #tpu.memory_space<hbm>>
    %dma_wait3A_108 = tpu.memref_squeeze %dma_wait3A_107 : memref<1x8x56x56xf32, #tpu.memory_space<hbm>> -> memref<8x56x56xf32, #tpu.memory_space<hbm>>
    %dma_wait3A_109 = arith.constant 0 : i32
    %dma_wait3A_110 = arith.constant 0 : i32
    %dma_wait3A_111 = tpu.memref_slice %arg2[%select_n3A, %add3A_38, %dma_wait3A_109, %dma_wait3A_110] : memref<16x192x56x56xf32, #tpu.memory_space<hbm>> -> memref<1x8x56x56xf32, #tpu.memory_space<hbm>>
    %dma_wait3A_112 = tpu.memref_squeeze %dma_wait3A_111 : memref<1x8x56x56xf32, #tpu.memory_space<hbm>> -> memref<8x56x56xf32, #tpu.memory_space<hbm>>
    tpu.wait_dma2 semaphore(%arg8 : memref<!tpu.dma_semaphore, #tpu.memory_space<semaphore_mem>>) src(%dma_wait3A_112 : memref<8x56x56xf32, #tpu.memory_space<hbm>>) dst(%arg6 : memref<8x56x56xf32, #tpu.memory_space<vmem>>)
    %mul3A_113 = arith.constant 6 : i32
    %mul3A_114 = arith.muli %add3A, %mul3A_113 : i32
    %add3A_115 = arith.constant 0 : i32
    %add3A_116 = arith.addi %mul3A_114, %add3A_115 : i32
    %jit3A_117 = arith.constant 12 : i32
    %div3A_118 = arith.divsi %add3A_116, %jit3A_117 : i32
    %sign3A_119 = arith.constant 0 : i32
    %sign3A_120 = arith.cmpi sgt, %add3A_116, %sign3A_119 : i32
    %sign3A_121 = arith.extui %sign3A_120 : i1 to i32
    %sign3A_122 = arith.constant 0 : i32
    %sign3A_123 = arith.cmpi slt, %add3A_116, %sign3A_122 : i32
    %sign3A_124 = arith.extui %sign3A_123 : i1 to i32
    %sign3A_125 = arith.subi %sign3A_121, %sign3A_124 : i32
    %sign3A_126 = arith.constant 0 : i32
    %sign3A_127 = arith.cmpi sgt, %jit3A_117, %sign3A_126 : i32
    %sign3A_128 = arith.extui %sign3A_127 : i1 to i32
    %sign3A_129 = arith.constant 0 : i32
    %sign3A_130 = arith.cmpi slt, %jit3A_117, %sign3A_129 : i32
    %sign3A_131 = arith.extui %sign3A_130 : i1 to i32
    %sign3A_132 = arith.subi %sign3A_128, %sign3A_131 : i32
    %ne3A_133 = arith.cmpi ne, %sign3A_125, %sign3A_132 : i32
    %rem3A_134 = arith.remsi %add3A_116, %jit3A_117 : i32
    %ne3A_135 = arith.constant 0 : i32
    %ne3A_136 = arith.cmpi ne, %rem3A_134, %ne3A_135 : i32
    %and3A_137 = arith.andi %ne3A_133, %ne3A_136 : i1
    %sub3A_138 = arith.constant 1 : i32
    %sub3A_139 = arith.subi %div3A_118, %sub3A_138 : i32
    %select_n3A_140 = arith.select %and3A_137, %sub3A_139, %div3A_118 : i32
    %jit3A_141 = arith.constant 12 : i32
    %eq3A_142 = arith.constant 0 : i32
    %eq3A_143 = arith.cmpi eq, %jit3A_141, %eq3A_142 : i32
    %jit3A_144 = arith.constant 1 : i32
    %select_n3A_145 = arith.select %eq3A_143, %jit3A_144, %jit3A_141 : i32
    %rem3A_146 = arith.remsi %add3A_116, %select_n3A_145 : i32
    %ne3A_147 = arith.constant 0 : i32
    %ne3A_148 = arith.cmpi ne, %rem3A_146, %ne3A_147 : i32
    %lt3A_149 = arith.constant 0 : i32
    %lt3A_150 = arith.cmpi slt, %rem3A_146, %lt3A_149 : i32
    %lt3A_151 = arith.constant 0 : i32
    %lt3A_152 = arith.cmpi slt, %select_n3A_145, %lt3A_151 : i32
    %ne3A_153 = arith.xori %lt3A_150, %lt3A_152 : i1
    %and3A_154 = arith.andi %ne3A_153, %ne3A_148 : i1
    %add3A_155 = arith.addi %rem3A_146, %select_n3A_145 : i32
    %select_n3A_156 = arith.select %and3A_154, %add3A_155, %rem3A_146 : i32
    %mul3A_157 = arith.constant 8 : i32
    %mul3A_158 = arith.muli %select_n3A_156, %mul3A_157 : i32
    %add3A_159 = arith.constant 0 : i32
    %add3A_160 = arith.addi %add3A_159, %mul3A_158 : i32
    %mul3A_161 = arith.constant 8 : i32
    %mul3A_162 = arith.muli %select_n3A_156, %mul3A_161 : i32
    %dma_start3A_163 = arith.constant 0 : i32
    %dma_start3A_164 = arith.constant 0 : i32
    %dma_start3A_165 = arith.constant 0 : i32
    %dma_start3A_166 = tpu.memref_slice %arg4[%select_n3A_140, %mul3A_162, %dma_start3A_163, %dma_start3A_164, %dma_start3A_165] : memref<16x96x2x56x56xf32, #tpu.memory_space<hbm>> -> memref<1x8x1x56x56xf32, #tpu.memory_space<hbm>>
    %dma_start3A_167 = tpu.memref_squeeze %dma_start3A_166 : memref<1x8x1x56x56xf32, #tpu.memory_space<hbm>> -> memref<8x56x56xf32, #tpu.memory_space<hbm>>
    %dma_start3A_168 = arith.constant 0 : i32
    %dma_start3A_169 = arith.constant 0 : i32
    %dma_start3A_170 = tpu.memref_slice %arg4[%select_n3A_140, %mul3A_162, %dma_start3A_163, %dma_start3A_168, %dma_start3A_169] : memref<16x96x2x56x56xf32, #tpu.memory_space<hbm>> -> memref<1x8x1x56x56xf32, #tpu.memory_space<hbm>>
    %dma_start3A_171 = tpu.memref_squeeze %dma_start3A_170 : memref<1x8x1x56x56xf32, #tpu.memory_space<hbm>> -> memref<8x56x56xf32, #tpu.memory_space<hbm>>
    tpu.enqueue_dma source(%arg6 : memref<8x56x56xf32, #tpu.memory_space<vmem>>) target(%dma_start3A_171 : memref<8x56x56xf32, #tpu.memory_space<hbm>>) target_semaphore(%arg10 : memref<!tpu.dma_semaphore, #tpu.memory_space<semaphore_mem>>)
    %dma_wait3A_172 = arith.constant 0 : i32
    %dma_wait3A_173 = arith.constant 0 : i32
    %dma_wait3A_174 = arith.constant 0 : i32
    %dma_wait3A_175 = tpu.memref_slice %arg4[%select_n3A_140, %mul3A_162, %dma_wait3A_172, %dma_wait3A_173, %dma_wait3A_174] : memref<16x96x2x56x56xf32, #tpu.memory_space<hbm>> -> memref<1x8x1x56x56xf32, #tpu.memory_space<hbm>>
    %dma_wait3A_176 = tpu.memref_squeeze %dma_wait3A_175 : memref<1x8x1x56x56xf32, #tpu.memory_space<hbm>> -> memref<8x56x56xf32, #tpu.memory_space<hbm>>
    %dma_wait3A_177 = arith.constant 0 : i32
    %dma_wait3A_178 = arith.constant 0 : i32
    %dma_wait3A_179 = tpu.memref_slice %arg4[%select_n3A_140, %mul3A_162, %dma_wait3A_172, %dma_wait3A_177, %dma_wait3A_178] : memref<16x96x2x56x56xf32, #tpu.memory_space<hbm>> -> memref<1x8x1x56x56xf32, #tpu.memory_space<hbm>>
    %dma_wait3A_180 = tpu.memref_squeeze %dma_wait3A_179 : memref<1x8x1x56x56xf32, #tpu.memory_space<hbm>> -> memref<8x56x56xf32, #tpu.memory_space<hbm>>
    tpu.wait_dma2 semaphore(%arg10 : memref<!tpu.dma_semaphore, #tpu.memory_space<semaphore_mem>>) src(%arg6 : memref<8x56x56xf32, #tpu.memory_space<vmem>>) dst(%dma_wait3A_180 : memref<8x56x56xf32, #tpu.memory_space<hbm>>)
    %mul3A_181 = arith.constant 6 : i32
    %mul3A_182 = arith.muli %add3A, %mul3A_181 : i32
    %add3A_183 = arith.constant 1 : i32
    %add3A_184 = arith.addi %mul3A_182, %add3A_183 : i32
    %jit3A_185 = arith.constant 12 : i32
    %div3A_186 = arith.divsi %add3A_184, %jit3A_185 : i32
    %sign3A_187 = arith.constant 0 : i32
    %sign3A_188 = arith.cmpi sgt, %add3A_184, %sign3A_187 : i32
    %sign3A_189 = arith.extui %sign3A_188 : i1 to i32
    %sign3A_190 = arith.constant 0 : i32
    %sign3A_191 = arith.cmpi slt, %add3A_184, %sign3A_190 : i32
    %sign3A_192 = arith.extui %sign3A_191 : i1 to i32
    %sign3A_193 = arith.subi %sign3A_189, %sign3A_192 : i32
    %sign3A_194 = arith.constant 0 : i32
    %sign3A_195 = arith.cmpi sgt, %jit3A_185, %sign3A_194 : i32
    %sign3A_196 = arith.extui %sign3A_195 : i1 to i32
    %sign3A_197 = arith.constant 0 : i32
    %sign3A_198 = arith.cmpi slt, %jit3A_185, %sign3A_197 : i32
    %sign3A_199 = arith.extui %sign3A_198 : i1 to i32
    %sign3A_200 = arith.subi %sign3A_196, %sign3A_199 : i32
    %ne3A_201 = arith.cmpi ne, %sign3A_193, %sign3A_200 : i32
    %rem3A_202 = arith.remsi %add3A_184, %jit3A_185 : i32
    %ne3A_203 = arith.constant 0 : i32
    %ne3A_204 = arith.cmpi ne, %rem3A_202, %ne3A_203 : i32
    %and3A_205 = arith.andi %ne3A_201, %ne3A_204 : i1
    %sub3A_206 = arith.constant 1 : i32
    %sub3A_207 = arith.subi %div3A_186, %sub3A_206 : i32
    %select_n3A_208 = arith.select %and3A_205, %sub3A_207, %div3A_186 : i32
    %jit3A_209 = arith.constant 12 : i32
    %eq3A_210 = arith.constant 0 : i32
    %eq3A_211 = arith.cmpi eq, %jit3A_209, %eq3A_210 : i32
    %jit3A_212 = arith.constant 1 : i32
    %select_n3A_213 = arith.select %eq3A_211, %jit3A_212, %jit3A_209 : i32
    %rem3A_214 = arith.remsi %add3A_184, %select_n3A_213 : i32
    %ne3A_215 = arith.constant 0 : i32
    %ne3A_216 = arith.cmpi ne, %rem3A_214, %ne3A_215 : i32
    %lt3A_217 = arith.constant 0 : i32
    %lt3A_218 = arith.cmpi slt, %rem3A_214, %lt3A_217 : i32
    %lt3A_219 = arith.constant 0 : i32
    %lt3A_220 = arith.cmpi slt, %select_n3A_213, %lt3A_219 : i32
    %ne3A_221 = arith.xori %lt3A_218, %lt3A_220 : i1
    %and3A_222 = arith.andi %ne3A_221, %ne3A_216 : i1
    %add3A_223 = arith.addi %rem3A_214, %select_n3A_213 : i32
    %select_n3A_224 = arith.select %and3A_222, %add3A_223, %rem3A_214 : i32
    %mul3A_225 = arith.constant 8 : i32
    %mul3A_226 = arith.muli %select_n3A_224, %mul3A_225 : i32
    %add3A_227 = arith.constant 0 : i32
    %add3A_228 = arith.addi %add3A_227, %mul3A_226 : i32
    %mul3A_229 = arith.constant 8 : i32
    %mul3A_230 = arith.muli %select_n3A_224, %mul3A_229 : i32
    %dma_start3A_231 = arith.constant 0 : i32
    %dma_start3A_232 = arith.constant 0 : i32
    %dma_start3A_233 = tpu.memref_slice %arg2[%select_n3A_208, %add3A_228, %dma_start3A_231, %dma_start3A_232] : memref<16x192x56x56xf32, #tpu.memory_space<hbm>> -> memref<1x8x56x56xf32, #tpu.memory_space<hbm>>
    %dma_start3A_234 = tpu.memref_squeeze %dma_start3A_233 : memref<1x8x56x56xf32, #tpu.memory_space<hbm>> -> memref<8x56x56xf32, #tpu.memory_space<hbm>>
    %dma_start3A_235 = arith.constant 0 : i32
    %dma_start3A_236 = arith.constant 0 : i32
    %dma_start3A_237 = tpu.memref_slice %arg2[%select_n3A_208, %add3A_228, %dma_start3A_235, %dma_start3A_236] : memref<16x192x56x56xf32, #tpu.memory_space<hbm>> -> memref<1x8x56x56xf32, #tpu.memory_space<hbm>>
    %dma_start3A_238 = tpu.memref_squeeze %dma_start3A_237 : memref<1x8x56x56xf32, #tpu.memory_space<hbm>> -> memref<8x56x56xf32, #tpu.memory_space<hbm>>
    tpu.enqueue_dma source(%dma_start3A_238 : memref<8x56x56xf32, #tpu.memory_space<hbm>>) target(%arg6 : memref<8x56x56xf32, #tpu.memory_space<vmem>>) target_semaphore(%arg8 : memref<!tpu.dma_semaphore, #tpu.memory_space<semaphore_mem>>)
    %dma_wait3A_239 = arith.constant 0 : i32
    %dma_wait3A_240 = arith.constant 0 : i32
    %dma_wait3A_241 = tpu.memref_slice %arg3[%select_n3A_75, %add3A_95, %dma_wait3A_239, %dma_wait3A_240] : memref<16x192x56x56xf32, #tpu.memory_space<hbm>> -> memref<1x8x56x56xf32, #tpu.memory_space<hbm>>
    %dma_wait3A_242 = tpu.memref_squeeze %dma_wait3A_241 : memref<1x8x56x56xf32, #tpu.memory_space<hbm>> -> memref<8x56x56xf32, #tpu.memory_space<hbm>>
    %dma_wait3A_243 = arith.constant 0 : i32
    %dma_wait3A_244 = arith.constant 0 : i32
    %dma_wait3A_245 = tpu.memref_slice %arg3[%select_n3A_75, %add3A_95, %dma_wait3A_243, %dma_wait3A_244] : memref<16x192x56x56xf32, #tpu.memory_space<hbm>> -> memref<1x8x56x56xf32, #tpu.memory_space<hbm>>
    %dma_wait3A_246 = tpu.memref_squeeze %dma_wait3A_245 : memref<1x8x56x56xf32, #tpu.memory_space<hbm>> -> memref<8x56x56xf32, #tpu.memory_space<hbm>>
    tpu.wait_dma2 semaphore(%arg9 : memref<!tpu.dma_semaphore, #tpu.memory_space<semaphore_mem>>) src(%dma_wait3A_246 : memref<8x56x56xf32, #tpu.memory_space<hbm>>) dst(%arg7 : memref<8x56x56xf32, #tpu.memory_space<vmem>>)
    %mul3A_247 = arith.constant 6 : i32
    %mul3A_248 = arith.muli %add3A, %mul3A_247 : i32
    %add3A_249 = arith.constant 0 : i32
    %add3A_250 = arith.addi %mul3A_248, %add3A_249 : i32
    %jit3A_251 = arith.constant 12 : i32
    %div3A_252 = arith.divsi %add3A_250, %jit3A_251 : i32
    %sign3A_253 = arith.constant 0 : i32
    %sign3A_254 = arith.cmpi sgt, %add3A_250, %sign3A_253 : i32
    %sign3A_255 = arith.extui %sign3A_254 : i1 to i32
    %sign3A_256 = arith.constant 0 : i32
    %sign3A_257 = arith.cmpi slt, %add3A_250, %sign3A_256 : i32
    %sign3A_258 = arith.extui %sign3A_257 : i1 to i32
    %sign3A_259 = arith.subi %sign3A_255, %sign3A_258 : i32
    %sign3A_260 = arith.constant 0 : i32
    %sign3A_261 = arith.cmpi sgt, %jit3A_251, %sign3A_260 : i32
    %sign3A_262 = arith.extui %sign3A_261 : i1 to i32
    %sign3A_263 = arith.constant 0 : i32
    %sign3A_264 = arith.cmpi slt, %jit3A_251, %sign3A_263 : i32
    %sign3A_265 = arith.extui %sign3A_264 : i1 to i32
    %sign3A_266 = arith.subi %sign3A_262, %sign3A_265 : i32
    %ne3A_267 = arith.cmpi ne, %sign3A_259, %sign3A_266 : i32
    %rem3A_268 = arith.remsi %add3A_250, %jit3A_251 : i32
    %ne3A_269 = arith.constant 0 : i32
    %ne3A_270 = arith.cmpi ne, %rem3A_268, %ne3A_269 : i32
    %and3A_271 = arith.andi %ne3A_267, %ne3A_270 : i1
    %sub3A_272 = arith.constant 1 : i32
    %sub3A_273 = arith.subi %div3A_252, %sub3A_272 : i32
    %select_n3A_274 = arith.select %and3A_271, %sub3A_273, %div3A_252 : i32
    %jit3A_275 = arith.constant 12 : i32
    %eq3A_276 = arith.constant 0 : i32
    %eq3A_277 = arith.cmpi eq, %jit3A_275, %eq3A_276 : i32
    %jit3A_278 = arith.constant 1 : i32
    %select_n3A_279 = arith.select %eq3A_277, %jit3A_278, %jit3A_275 : i32
    %rem3A_280 = arith.remsi %add3A_250, %select_n3A_279 : i32
    %ne3A_281 = arith.constant 0 : i32
    %ne3A_282 = arith.cmpi ne, %rem3A_280, %ne3A_281 : i32
    %lt3A_283 = arith.constant 0 : i32
    %lt3A_284 = arith.cmpi slt, %rem3A_280, %lt3A_283 : i32
    %lt3A_285 = arith.constant 0 : i32
    %lt3A_286 = arith.cmpi slt, %select_n3A_279, %lt3A_285 : i32
    %ne3A_287 = arith.xori %lt3A_284, %lt3A_286 : i1
    %and3A_288 = arith.andi %ne3A_287, %ne3A_282 : i1
    %add3A_289 = arith.addi %rem3A_280, %select_n3A_279 : i32
    %select_n3A_290 = arith.select %and3A_288, %add3A_289, %rem3A_280 : i32
    %mul3A_291 = arith.constant 8 : i32
    %mul3A_292 = arith.muli %select_n3A_290, %mul3A_291 : i32
    %add3A_293 = arith.constant 0 : i32
    %add3A_294 = arith.addi %add3A_293, %mul3A_292 : i32
    %mul3A_295 = arith.constant 8 : i32
    %mul3A_296 = arith.muli %select_n3A_290, %mul3A_295 : i32
    %dma_start3A_297 = arith.constant 1 : i32
    %dma_start3A_298 = arith.constant 0 : i32
    %dma_start3A_299 = arith.constant 0 : i32
    %dma_start3A_300 = tpu.memref_slice %arg4[%select_n3A_274, %mul3A_296, %dma_start3A_297, %dma_start3A_298, %dma_start3A_299] : memref<16x96x2x56x56xf32, #tpu.memory_space<hbm>> -> memref<1x8x1x56x56xf32, #tpu.memory_space<hbm>>
    %dma_start3A_301 = tpu.memref_squeeze %dma_start3A_300 : memref<1x8x1x56x56xf32, #tpu.memory_space<hbm>> -> memref<8x56x56xf32, #tpu.memory_space<hbm>>
    %dma_start3A_302 = arith.constant 0 : i32
    %dma_start3A_303 = arith.constant 0 : i32
    %dma_start3A_304 = tpu.memref_slice %arg4[%select_n3A_274, %mul3A_296, %dma_start3A_297, %dma_start3A_302, %dma_start3A_303] : memref<16x96x2x56x56xf32, #tpu.memory_space<hbm>> -> memref<1x8x1x56x56xf32, #tpu.memory_space<hbm>>
    %dma_start3A_305 = tpu.memref_squeeze %dma_start3A_304 : memref<1x8x1x56x56xf32, #tpu.memory_space<hbm>> -> memref<8x56x56xf32, #tpu.memory_space<hbm>>
    tpu.enqueue_dma source(%arg7 : memref<8x56x56xf32, #tpu.memory_space<vmem>>) target(%dma_start3A_305 : memref<8x56x56xf32, #tpu.memory_space<hbm>>) target_semaphore(%arg11 : memref<!tpu.dma_semaphore, #tpu.memory_space<semaphore_mem>>)
    %dma_wait3A_306 = arith.constant 1 : i32
    %dma_wait3A_307 = arith.constant 0 : i32
    %dma_wait3A_308 = arith.constant 0 : i32
    %dma_wait3A_309 = tpu.memref_slice %arg4[%select_n3A_274, %mul3A_296, %dma_wait3A_306, %dma_wait3A_307, %dma_wait3A_308] : memref<16x96x2x56x56xf32, #tpu.memory_space<hbm>> -> memref<1x8x1x56x56xf32, #tpu.memory_space<hbm>>
    %dma_wait3A_310 = tpu.memref_squeeze %dma_wait3A_309 : memref<1x8x1x56x56xf32, #tpu.memory_space<hbm>> -> memref<8x56x56xf32, #tpu.memory_space<hbm>>
    %dma_wait3A_311 = arith.constant 0 : i32
    %dma_wait3A_312 = arith.constant 0 : i32
    %dma_wait3A_313 = tpu.memref_slice %arg4[%select_n3A_274, %mul3A_296, %dma_wait3A_306, %dma_wait3A_311, %dma_wait3A_312] : memref<16x96x2x56x56xf32, #tpu.memory_space<hbm>> -> memref<1x8x1x56x56xf32, #tpu.memory_space<hbm>>
    %dma_wait3A_314 = tpu.memref_squeeze %dma_wait3A_313 : memref<1x8x1x56x56xf32, #tpu.memory_space<hbm>> -> memref<8x56x56xf32, #tpu.memory_space<hbm>>
    tpu.wait_dma2 semaphore(%arg11 : memref<!tpu.dma_semaphore, #tpu.memory_space<semaphore_mem>>) src(%arg7 : memref<8x56x56xf32, #tpu.memory_space<vmem>>) dst(%dma_wait3A_314 : memref<8x56x56xf32, #tpu.memory_space<hbm>>)
    %mul3A_315 = arith.constant 6 : i32
    %mul3A_316 = arith.muli %add3A, %mul3A_315 : i32
    %add3A_317 = arith.constant 1 : i32
    %add3A_318 = arith.addi %mul3A_316, %add3A_317 : i32
    %jit3A_319 = arith.constant 12 : i32
    %div3A_320 = arith.divsi %add3A_318, %jit3A_319 : i32
    %sign3A_321 = arith.constant 0 : i32
    %sign3A_322 = arith.cmpi sgt, %add3A_318, %sign3A_321 : i32
    %sign3A_323 = arith.extui %sign3A_322 : i1 to i32
    %sign3A_324 = arith.constant 0 : i32
    %sign3A_325 = arith.cmpi slt, %add3A_318, %sign3A_324 : i32
    %sign3A_326 = arith.extui %sign3A_325 : i1 to i32
    %sign3A_327 = arith.subi %sign3A_323, %sign3A_326 : i32
    %sign3A_328 = arith.constant 0 : i32
    %sign3A_329 = arith.cmpi sgt, %jit3A_319, %sign3A_328 : i32
    %sign3A_330 = arith.extui %sign3A_329 : i1 to i32
    %sign3A_331 = arith.constant 0 : i32
    %sign3A_332 = arith.cmpi slt, %jit3A_319, %sign3A_331 : i32
    %sign3A_333 = arith.extui %sign3A_332 : i1 to i32
    %sign3A_334 = arith.subi %sign3A_330, %sign3A_333 : i32
    %ne3A_335 = arith.cmpi ne, %sign3A_327, %sign3A_334 : i32
    %rem3A_336 = arith.remsi %add3A_318, %jit3A_319 : i32
    %ne3A_337 = arith.constant 0 : i32
    %ne3A_338 = arith.cmpi ne, %rem3A_336, %ne3A_337 : i32
    %and3A_339 = arith.andi %ne3A_335, %ne3A_338 : i1
    %sub3A_340 = arith.constant 1 : i32
    %sub3A_341 = arith.subi %div3A_320, %sub3A_340 : i32
    %select_n3A_342 = arith.select %and3A_339, %sub3A_341, %div3A_320 : i32
    %jit3A_343 = arith.constant 12 : i32
    %eq3A_344 = arith.constant 0 : i32
    %eq3A_345 = arith.cmpi eq, %jit3A_343, %eq3A_344 : i32
    %jit3A_346 = arith.constant 1 : i32
    %select_n3A_347 = arith.select %eq3A_345, %jit3A_346, %jit3A_343 : i32
    %rem3A_348 = arith.remsi %add3A_318, %select_n3A_347 : i32
    %ne3A_349 = arith.constant 0 : i32
    %ne3A_350 = arith.cmpi ne, %rem3A_348, %ne3A_349 : i32
    %lt3A_351 = arith.constant 0 : i32
    %lt3A_352 = arith.cmpi slt, %rem3A_348, %lt3A_351 : i32
    %lt3A_353 = arith.constant 0 : i32
    %lt3A_354 = arith.cmpi slt, %select_n3A_347, %lt3A_353 : i32
    %ne3A_355 = arith.xori %lt3A_352, %lt3A_354 : i1
    %and3A_356 = arith.andi %ne3A_355, %ne3A_350 : i1
    %add3A_357 = arith.addi %rem3A_348, %select_n3A_347 : i32
    %select_n3A_358 = arith.select %and3A_356, %add3A_357, %rem3A_348 : i32
    %mul3A_359 = arith.constant 8 : i32
    %mul3A_360 = arith.muli %select_n3A_358, %mul3A_359 : i32
    %add3A_361 = arith.constant 0 : i32
    %add3A_362 = arith.addi %add3A_361, %mul3A_360 : i32
    %mul3A_363 = arith.constant 8 : i32
    %mul3A_364 = arith.muli %select_n3A_358, %mul3A_363 : i32
    %dma_start3A_365 = arith.constant 0 : i32
    %dma_start3A_366 = arith.constant 0 : i32
    %dma_start3A_367 = tpu.memref_slice %arg3[%select_n3A_342, %add3A_362, %dma_start3A_365, %dma_start3A_366] : memref<16x192x56x56xf32, #tpu.memory_space<hbm>> -> memref<1x8x56x56xf32, #tpu.memory_space<hbm>>
    %dma_start3A_368 = tpu.memref_squeeze %dma_start3A_367 : memref<1x8x56x56xf32, #tpu.memory_space<hbm>> -> memref<8x56x56xf32, #tpu.memory_space<hbm>>
    %dma_start3A_369 = arith.constant 0 : i32
    %dma_start3A_370 = arith.constant 0 : i32
    %dma_start3A_371 = tpu.memref_slice %arg3[%select_n3A_342, %add3A_362, %dma_start3A_369, %dma_start3A_370] : memref<16x192x56x56xf32, #tpu.memory_space<hbm>> -> memref<1x8x56x56xf32, #tpu.memory_space<hbm>>
    %dma_start3A_372 = tpu.memref_squeeze %dma_start3A_371 : memref<1x8x56x56xf32, #tpu.memory_space<hbm>> -> memref<8x56x56xf32, #tpu.memory_space<hbm>>
    tpu.enqueue_dma source(%dma_start3A_372 : memref<8x56x56xf32, #tpu.memory_space<hbm>>) target(%arg7 : memref<8x56x56xf32, #tpu.memory_space<vmem>>) target_semaphore(%arg9 : memref<!tpu.dma_semaphore, #tpu.memory_space<semaphore_mem>>)
    %dma_wait3A_373 = arith.constant 0 : i32
    %dma_wait3A_374 = arith.constant 0 : i32
    %dma_wait3A_375 = tpu.memref_slice %arg2[%select_n3A_208, %add3A_228, %dma_wait3A_373, %dma_wait3A_374] : memref<16x192x56x56xf32, #tpu.memory_space<hbm>> -> memref<1x8x56x56xf32, #tpu.memory_space<hbm>>
    %dma_wait3A_376 = tpu.memref_squeeze %dma_wait3A_375 : memref<1x8x56x56xf32, #tpu.memory_space<hbm>> -> memref<8x56x56xf32, #tpu.memory_space<hbm>>
    %dma_wait3A_377 = arith.constant 0 : i32
    %dma_wait3A_378 = arith.constant 0 : i32
    %dma_wait3A_379 = tpu.memref_slice %arg2[%select_n3A_208, %add3A_228, %dma_wait3A_377, %dma_wait3A_378] : memref<16x192x56x56xf32, #tpu.memory_space<hbm>> -> memref<1x8x56x56xf32, #tpu.memory_space<hbm>>
    %dma_wait3A_380 = tpu.memref_squeeze %dma_wait3A_379 : memref<1x8x56x56xf32, #tpu.memory_space<hbm>> -> memref<8x56x56xf32, #tpu.memory_space<hbm>>
    tpu.wait_dma2 semaphore(%arg8 : memref<!tpu.dma_semaphore, #tpu.memory_space<semaphore_mem>>) src(%dma_wait3A_380 : memref<8x56x56xf32, #tpu.memory_space<hbm>>) dst(%arg6 : memref<8x56x56xf32, #tpu.memory_space<vmem>>)
    %mul3A_381 = arith.constant 6 : i32
    %mul3A_382 = arith.muli %add3A, %mul3A_381 : i32
    %add3A_383 = arith.constant 1 : i32
    %add3A_384 = arith.addi %mul3A_382, %add3A_383 : i32
    %jit3A_385 = arith.constant 12 : i32
    %div3A_386 = arith.divsi %add3A_384, %jit3A_385 : i32
    %sign3A_387 = arith.constant 0 : i32
    %sign3A_388 = arith.cmpi sgt, %add3A_384, %sign3A_387 : i32
    %sign3A_389 = arith.extui %sign3A_388 : i1 to i32
    %sign3A_390 = arith.constant 0 : i32
    %sign3A_391 = arith.cmpi slt, %add3A_384, %sign3A_390 : i32
    %sign3A_392 = arith.extui %sign3A_391 : i1 to i32
    %sign3A_393 = arith.subi %sign3A_389, %sign3A_392 : i32
    %sign3A_394 = arith.constant 0 : i32
    %sign3A_395 = arith.cmpi sgt, %jit3A_385, %sign3A_394 : i32
    %sign3A_396 = arith.extui %sign3A_395 : i1 to i32
    %sign3A_397 = arith.constant 0 : i32
    %sign3A_398 = arith.cmpi slt, %jit3A_385, %sign3A_397 : i32
    %sign3A_399 = arith.extui %sign3A_398 : i1 to i32
    %sign3A_400 = arith.subi %sign3A_396, %sign3A_399 : i32
    %ne3A_401 = arith.cmpi ne, %sign3A_393, %sign3A_400 : i32
    %rem3A_402 = arith.remsi %add3A_384, %jit3A_385 : i32
    %ne3A_403 = arith.constant 0 : i32
    %ne3A_404 = arith.cmpi ne, %rem3A_402, %ne3A_403 : i32
    %and3A_405 = arith.andi %ne3A_401, %ne3A_404 : i1
    %sub3A_406 = arith.constant 1 : i32
    %sub3A_407 = arith.subi %div3A_386, %sub3A_406 : i32
    %select_n3A_408 = arith.select %and3A_405, %sub3A_407, %div3A_386 : i32
    %jit3A_409 = arith.constant 12 : i32
    %eq3A_410 = arith.constant 0 : i32
    %eq3A_411 = arith.cmpi eq, %jit3A_409, %eq3A_410 : i32
    %jit3A_412 = arith.constant 1 : i32
    %select_n3A_413 = arith.select %eq3A_411, %jit3A_412, %jit3A_409 : i32
    %rem3A_414 = arith.remsi %add3A_384, %select_n3A_413 : i32
    %ne3A_415 = arith.constant 0 : i32
    %ne3A_416 = arith.cmpi ne, %rem3A_414, %ne3A_415 : i32
    %lt3A_417 = arith.constant 0 : i32
    %lt3A_418 = arith.cmpi slt, %rem3A_414, %lt3A_417 : i32
    %lt3A_419 = arith.constant 0 : i32
    %lt3A_420 = arith.cmpi slt, %select_n3A_413, %lt3A_419 : i32
    %ne3A_421 = arith.xori %lt3A_418, %lt3A_420 : i1
    %and3A_422 = arith.andi %ne3A_421, %ne3A_416 : i1
    %add3A_423 = arith.addi %rem3A_414, %select_n3A_413 : i32
    %select_n3A_424 = arith.select %and3A_422, %add3A_423, %rem3A_414 : i32
    %mul3A_425 = arith.constant 8 : i32
    %mul3A_426 = arith.muli %select_n3A_424, %mul3A_425 : i32
    %add3A_427 = arith.constant 0 : i32
    %add3A_428 = arith.addi %add3A_427, %mul3A_426 : i32
    %mul3A_429 = arith.constant 8 : i32
    %mul3A_430 = arith.muli %select_n3A_424, %mul3A_429 : i32
    %dma_start3A_431 = arith.constant 0 : i32
    %dma_start3A_432 = arith.constant 0 : i32
    %dma_start3A_433 = arith.constant 0 : i32
    %dma_start3A_434 = tpu.memref_slice %arg4[%select_n3A_408, %mul3A_430, %dma_start3A_431, %dma_start3A_432, %dma_start3A_433] : memref<16x96x2x56x56xf32, #tpu.memory_space<hbm>> -> memref<1x8x1x56x56xf32, #tpu.memory_space<hbm>>
    %dma_start3A_435 = tpu.memref_squeeze %dma_start3A_434 : memref<1x8x1x56x56xf32, #tpu.memory_space<hbm>> -> memref<8x56x56xf32, #tpu.memory_space<hbm>>
    %dma_start3A_436 = arith.constant 0 : i32
    %dma_start3A_437 = arith.constant 0 : i32
    %dma_start3A_438 = tpu.memref_slice %arg4[%select_n3A_408, %mul3A_430, %dma_start3A_431, %dma_start3A_436, %dma_start3A_437] : memref<16x96x2x56x56xf32, #tpu.memory_space<hbm>> -> memref<1x8x1x56x56xf32, #tpu.memory_space<hbm>>
    %dma_start3A_439 = tpu.memref_squeeze %dma_start3A_438 : memref<1x8x1x56x56xf32, #tpu.memory_space<hbm>> -> memref<8x56x56xf32, #tpu.memory_space<hbm>>
    tpu.enqueue_dma source(%arg6 : memref<8x56x56xf32, #tpu.memory_space<vmem>>) target(%dma_start3A_439 : memref<8x56x56xf32, #tpu.memory_space<hbm>>) target_semaphore(%arg10 : memref<!tpu.dma_semaphore, #tpu.memory_space<semaphore_mem>>)
    %dma_wait3A_440 = arith.constant 0 : i32
    %dma_wait3A_441 = arith.constant 0 : i32
    %dma_wait3A_442 = arith.constant 0 : i32
    %dma_wait3A_443 = tpu.memref_slice %arg4[%select_n3A_408, %mul3A_430, %dma_wait3A_440, %dma_wait3A_441, %dma_wait3A_442] : memref<16x96x2x56x56xf32, #tpu.memory_space<hbm>> -> memref<1x8x1x56x56xf32, #tpu.memory_space<hbm>>
    %dma_wait3A_444 = tpu.memref_squeeze %dma_wait3A_443 : memref<1x8x1x56x56xf32, #tpu.memory_space<hbm>> -> memref<8x56x56xf32, #tpu.memory_space<hbm>>
    %dma_wait3A_445 = arith.constant 0 : i32
    %dma_wait3A_446 = arith.constant 0 : i32
    %dma_wait3A_447 = tpu.memref_slice %arg4[%select_n3A_408, %mul3A_430, %dma_wait3A_440, %dma_wait3A_445, %dma_wait3A_446] : memref<16x96x2x56x56xf32, #tpu.memory_space<hbm>> -> memref<1x8x1x56x56xf32, #tpu.memory_space<hbm>>
    %dma_wait3A_448 = tpu.memref_squeeze %dma_wait3A_447 : memref<1x8x1x56x56xf32, #tpu.memory_space<hbm>> -> memref<8x56x56xf32, #tpu.memory_space<hbm>>
    tpu.wait_dma2 semaphore(%arg10 : memref<!tpu.dma_semaphore, #tpu.memory_space<semaphore_mem>>) src(%arg6 : memref<8x56x56xf32, #tpu.memory_space<vmem>>) dst(%dma_wait3A_448 : memref<8x56x56xf32, #tpu.memory_space<hbm>>)
    %mul3A_449 = arith.constant 6 : i32
    %mul3A_450 = arith.muli %add3A, %mul3A_449 : i32
    %add3A_451 = arith.constant 2 : i32
    %add3A_452 = arith.addi %mul3A_450, %add3A_451 : i32
    %jit3A_453 = arith.constant 12 : i32
    %div3A_454 = arith.divsi %add3A_452, %jit3A_453 : i32
    %sign3A_455 = arith.constant 0 : i32
    %sign3A_456 = arith.cmpi sgt, %add3A_452, %sign3A_455 : i32
    %sign3A_457 = arith.extui %sign3A_456 : i1 to i32
    %sign3A_458 = arith.constant 0 : i32
    %sign3A_459 = arith.cmpi slt, %add3A_452, %sign3A_458 : i32
    %sign3A_460 = arith.extui %sign3A_459 : i1 to i32
    %sign3A_461 = arith.subi %sign3A_457, %sign3A_460 : i32
    %sign3A_462 = arith.constant 0 : i32
    %sign3A_463 = arith.cmpi sgt, %jit3A_453, %sign3A_462 : i32
    %sign3A_464 = arith.extui %sign3A_463 : i1 to i32
    %sign3A_465 = arith.constant 0 : i32
    %sign3A_466 = arith.cmpi slt, %jit3A_453, %sign3A_465 : i32
    %sign3A_467 = arith.extui %sign3A_466 : i1 to i32
    %sign3A_468 = arith.subi %sign3A_464, %sign3A_467 : i32
    %ne3A_469 = arith.cmpi ne, %sign3A_461, %sign3A_468 : i32
    %rem3A_470 = arith.remsi %add3A_452, %jit3A_453 : i32
    %ne3A_471 = arith.constant 0 : i32
    %ne3A_472 = arith.cmpi ne, %rem3A_470, %ne3A_471 : i32
    %and3A_473 = arith.andi %ne3A_469, %ne3A_472 : i1
    %sub3A_474 = arith.constant 1 : i32
    %sub3A_475 = arith.subi %div3A_454, %sub3A_474 : i32
    %select_n3A_476 = arith.select %and3A_473, %sub3A_475, %div3A_454 : i32
    %jit3A_477 = arith.constant 12 : i32
    %eq3A_478 = arith.constant 0 : i32
    %eq3A_479 = arith.cmpi eq, %jit3A_477, %eq3A_478 : i32
    %jit3A_480 = arith.constant 1 : i32
    %select_n3A_481 = arith.select %eq3A_479, %jit3A_480, %jit3A_477 : i32
    %rem3A_482 = arith.remsi %add3A_452, %select_n3A_481 : i32
    %ne3A_483 = arith.constant 0 : i32
    %ne3A_484 = arith.cmpi ne, %rem3A_482, %ne3A_483 : i32
    %lt3A_485 = arith.constant 0 : i32
    %lt3A_486 = arith.cmpi slt, %rem3A_482, %lt3A_485 : i32
    %lt3A_487 = arith.constant 0 : i32
    %lt3A_488 = arith.cmpi slt, %select_n3A_481, %lt3A_487 : i32
    %ne3A_489 = arith.xori %lt3A_486, %lt3A_488 : i1
    %and3A_490 = arith.andi %ne3A_489, %ne3A_484 : i1
    %add3A_491 = arith.addi %rem3A_482, %select_n3A_481 : i32
    %select_n3A_492 = arith.select %and3A_490, %add3A_491, %rem3A_482 : i32
    %mul3A_493 = arith.constant 8 : i32
    %mul3A_494 = arith.muli %select_n3A_492, %mul3A_493 : i32
    %add3A_495 = arith.constant 0 : i32
    %add3A_496 = arith.addi %add3A_495, %mul3A_494 : i32
    %mul3A_497 = arith.constant 8 : i32
    %mul3A_498 = arith.muli %select_n3A_492, %mul3A_497 : i32
    %dma_start3A_499 = arith.constant 0 : i32
    %dma_start3A_500 = arith.constant 0 : i32
    %dma_start3A_501 = tpu.memref_slice %arg2[%select_n3A_476, %add3A_496, %dma_start3A_499, %dma_start3A_500] : memref<16x192x56x56xf32, #tpu.memory_space<hbm>> -> memref<1x8x56x56xf32, #tpu.memory_space<hbm>>
    %dma_start3A_502 = tpu.memref_squeeze %dma_start3A_501 : memref<1x8x56x56xf32, #tpu.memory_space<hbm>> -> memref<8x56x56xf32, #tpu.memory_space<hbm>>
    %dma_start3A_503 = arith.constant 0 : i32
    %dma_start3A_504 = arith.constant 0 : i32
    %dma_start3A_505 = tpu.memref_slice %arg2[%select_n3A_476, %add3A_496, %dma_start3A_503, %dma_start3A_504] : memref<16x192x56x56xf32, #tpu.memory_space<hbm>> -> memref<1x8x56x56xf32, #tpu.memory_space<hbm>>
    %dma_start3A_506 = tpu.memref_squeeze %dma_start3A_505 : memref<1x8x56x56xf32, #tpu.memory_space<hbm>> -> memref<8x56x56xf32, #tpu.memory_space<hbm>>
    tpu.enqueue_dma source(%dma_start3A_506 : memref<8x56x56xf32, #tpu.memory_space<hbm>>) target(%arg6 : memref<8x56x56xf32, #tpu.memory_space<vmem>>) target_semaphore(%arg8 : memref<!tpu.dma_semaphore, #tpu.memory_space<semaphore_mem>>)
    %dma_wait3A_507 = arith.constant 0 : i32
    %dma_wait3A_508 = arith.constant 0 : i32
    %dma_wait3A_509 = tpu.memref_slice %arg3[%select_n3A_342, %add3A_362, %dma_wait3A_507, %dma_wait3A_508] : memref<16x192x56x56xf32, #tpu.memory_space<hbm>> -> memref<1x8x56x56xf32, #tpu.memory_space<hbm>>
    %dma_wait3A_510 = tpu.memref_squeeze %dma_wait3A_509 : memref<1x8x56x56xf32, #tpu.memory_space<hbm>> -> memref<8x56x56xf32, #tpu.memory_space<hbm>>
    %dma_wait3A_511 = arith.constant 0 : i32
    %dma_wait3A_512 = arith.constant 0 : i32
    %dma_wait3A_513 = tpu.memref_slice %arg3[%select_n3A_342, %add3A_362, %dma_wait3A_511, %dma_wait3A_512] : memref<16x192x56x56xf32, #tpu.memory_space<hbm>> -> memref<1x8x56x56xf32, #tpu.memory_space<hbm>>
    %dma_wait3A_514 = tpu.memref_squeeze %dma_wait3A_513 : memref<1x8x56x56xf32, #tpu.memory_space<hbm>> -> memref<8x56x56xf32, #tpu.memory_space<hbm>>
    tpu.wait_dma2 semaphore(%arg9 : memref<!tpu.dma_semaphore, #tpu.memory_space<semaphore_mem>>) src(%dma_wait3A_514 : memref<8x56x56xf32, #tpu.memory_space<hbm>>) dst(%arg7 : memref<8x56x56xf32, #tpu.memory_space<vmem>>)
    %mul3A_515 = arith.constant 6 : i32
    %mul3A_516 = arith.muli %add3A, %mul3A_515 : i32
    %add3A_517 = arith.constant 1 : i32
    %add3A_518 = arith.addi %mul3A_516, %add3A_517 : i32
    %jit3A_519 = arith.constant 12 : i32
    %div3A_520 = arith.divsi %add3A_518, %jit3A_519 : i32
    %sign3A_521 = arith.constant 0 : i32
    %sign3A_522 = arith.cmpi sgt, %add3A_518, %sign3A_521 : i32
    %sign3A_523 = arith.extui %sign3A_522 : i1 to i32
    %sign3A_524 = arith.constant 0 : i32
    %sign3A_525 = arith.cmpi slt, %add3A_518, %sign3A_524 : i32
    %sign3A_526 = arith.extui %sign3A_525 : i1 to i32
    %sign3A_527 = arith.subi %sign3A_523, %sign3A_526 : i32
    %sign3A_528 = arith.constant 0 : i32
    %sign3A_529 = arith.cmpi sgt, %jit3A_519, %sign3A_528 : i32
    %sign3A_530 = arith.extui %sign3A_529 : i1 to i32
    %sign3A_531 = arith.constant 0 : i32
    %sign3A_532 = arith.cmpi slt, %jit3A_519, %sign3A_531 : i32
    %sign3A_533 = arith.extui %sign3A_532 : i1 to i32
    %sign3A_534 = arith.subi %sign3A_530, %sign3A_533 : i32
    %ne3A_535 = arith.cmpi ne, %sign3A_527, %sign3A_534 : i32
    %rem3A_536 = arith.remsi %add3A_518, %jit3A_519 : i32
    %ne3A_537 = arith.constant 0 : i32
    %ne3A_538 = arith.cmpi ne, %rem3A_536, %ne3A_537 : i32
    %and3A_539 = arith.andi %ne3A_535, %ne3A_538 : i1
    %sub3A_540 = arith.constant 1 : i32
    %sub3A_541 = arith.subi %div3A_520, %sub3A_540 : i32
    %select_n3A_542 = arith.select %and3A_539, %sub3A_541, %div3A_520 : i32
    %jit3A_543 = arith.constant 12 : i32
    %eq3A_544 = arith.constant 0 : i32
    %eq3A_545 = arith.cmpi eq, %jit3A_543, %eq3A_544 : i32
    %jit3A_546 = arith.constant 1 : i32
    %select_n3A_547 = arith.select %eq3A_545, %jit3A_546, %jit3A_543 : i32
    %rem3A_548 = arith.remsi %add3A_518, %select_n3A_547 : i32
    %ne3A_549 = arith.constant 0 : i32
    %ne3A_550 = arith.cmpi ne, %rem3A_548, %ne3A_549 : i32
    %lt3A_551 = arith.constant 0 : i32
    %lt3A_552 = arith.cmpi slt, %rem3A_548, %lt3A_551 : i32
    %lt3A_553 = arith.constant 0 : i32
    %lt3A_554 = arith.cmpi slt, %select_n3A_547, %lt3A_553 : i32
    %ne3A_555 = arith.xori %lt3A_552, %lt3A_554 : i1
    %and3A_556 = arith.andi %ne3A_555, %ne3A_550 : i1
    %add3A_557 = arith.addi %rem3A_548, %select_n3A_547 : i32
    %select_n3A_558 = arith.select %and3A_556, %add3A_557, %rem3A_548 : i32
    %mul3A_559 = arith.constant 8 : i32
    %mul3A_560 = arith.muli %select_n3A_558, %mul3A_559 : i32
    %add3A_561 = arith.constant 0 : i32
    %add3A_562 = arith.addi %add3A_561, %mul3A_560 : i32
    %mul3A_563 = arith.constant 8 : i32
    %mul3A_564 = arith.muli %select_n3A_558, %mul3A_563 : i32
    %dma_start3A_565 = arith.constant 1 : i32
    %dma_start3A_566 = arith.constant 0 : i32
    %dma_start3A_567 = arith.constant 0 : i32
    %dma_start3A_568 = tpu.memref_slice %arg4[%select_n3A_542, %mul3A_564, %dma_start3A_565, %dma_start3A_566, %dma_start3A_567] : memref<16x96x2x56x56xf32, #tpu.memory_space<hbm>> -> memref<1x8x1x56x56xf32, #tpu.memory_space<hbm>>
    %dma_start3A_569 = tpu.memref_squeeze %dma_start3A_568 : memref<1x8x1x56x56xf32, #tpu.memory_space<hbm>> -> memref<8x56x56xf32, #tpu.memory_space<hbm>>
    %dma_start3A_570 = arith.constant 0 : i32
    %dma_start3A_571 = arith.constant 0 : i32
    %dma_start3A_572 = tpu.memref_slice %arg4[%select_n3A_542, %mul3A_564, %dma_start3A_565, %dma_start3A_570, %dma_start3A_571] : memref<16x96x2x56x56xf32, #tpu.memory_space<hbm>> -> memref<1x8x1x56x56xf32, #tpu.memory_space<hbm>>
    %dma_start3A_573 = tpu.memref_squeeze %dma_start3A_572 : memref<1x8x1x56x56xf32, #tpu.memory_space<hbm>> -> memref<8x56x56xf32, #tpu.memory_space<hbm>>
    tpu.enqueue_dma source(%arg7 : memref<8x56x56xf32, #tpu.memory_space<vmem>>) target(%dma_start3A_573 : memref<8x56x56xf32, #tpu.memory_space<hbm>>) target_semaphore(%arg11 : memref<!tpu.dma_semaphore, #tpu.memory_space<semaphore_mem>>)
    %dma_wait3A_574 = arith.constant 1 : i32
    %dma_wait3A_575 = arith.constant 0 : i32
    %dma_wait3A_576 = arith.constant 0 : i32
    %dma_wait3A_577 = tpu.memref_slice %arg4[%select_n3A_542, %mul3A_564, %dma_wait3A_574, %dma_wait3A_575, %dma_wait3A_576] : memref<16x96x2x56x56xf32, #tpu.memory_space<hbm>> -> memref<1x8x1x56x56xf32, #tpu.memory_space<hbm>>
    %dma_wait3A_578 = tpu.memref_squeeze %dma_wait3A_577 : memref<1x8x1x56x56xf32, #tpu.memory_space<hbm>> -> memref<8x56x56xf32, #tpu.memory_space<hbm>>
    %dma_wait3A_579 = arith.constant 0 : i32
    %dma_wait3A_580 = arith.constant 0 : i32
    %dma_wait3A_581 = tpu.memref_slice %arg4[%select_n3A_542, %mul3A_564, %dma_wait3A_574, %dma_wait3A_579, %dma_wait3A_580] : memref<16x96x2x56x56xf32, #tpu.memory_space<hbm>> -> memref<1x8x1x56x56xf32, #tpu.memory_space<hbm>>
    %dma_wait3A_582 = tpu.memref_squeeze %dma_wait3A_581 : memref<1x8x1x56x56xf32, #tpu.memory_space<hbm>> -> memref<8x56x56xf32, #tpu.memory_space<hbm>>
    tpu.wait_dma2 semaphore(%arg11 : memref<!tpu.dma_semaphore, #tpu.memory_space<semaphore_mem>>) src(%arg7 : memref<8x56x56xf32, #tpu.memory_space<vmem>>) dst(%dma_wait3A_582 : memref<8x56x56xf32, #tpu.memory_space<hbm>>)
    %mul3A_583 = arith.constant 6 : i32
    %mul3A_584 = arith.muli %add3A, %mul3A_583 : i32
    %add3A_585 = arith.constant 2 : i32
    %add3A_586 = arith.addi %mul3A_584, %add3A_585 : i32
    %jit3A_587 = arith.constant 12 : i32
    %div3A_588 = arith.divsi %add3A_586, %jit3A_587 : i32
    %sign3A_589 = arith.constant 0 : i32
    %sign3A_590 = arith.cmpi sgt, %add3A_586, %sign3A_589 : i32
    %sign3A_591 = arith.extui %sign3A_590 : i1 to i32
    %sign3A_592 = arith.constant 0 : i32
    %sign3A_593 = arith.cmpi slt, %add3A_586, %sign3A_592 : i32
    %sign3A_594 = arith.extui %sign3A_593 : i1 to i32
    %sign3A_595 = arith.subi %sign3A_591, %sign3A_594 : i32
    %sign3A_596 = arith.constant 0 : i32
    %sign3A_597 = arith.cmpi sgt, %jit3A_587, %sign3A_596 : i32
    %sign3A_598 = arith.extui %sign3A_597 : i1 to i32
    %sign3A_599 = arith.constant 0 : i32
    %sign3A_600 = arith.cmpi slt, %jit3A_587, %sign3A_599 : i32
    %sign3A_601 = arith.extui %sign3A_600 : i1 to i32
    %sign3A_602 = arith.subi %sign3A_598, %sign3A_601 : i32
    %ne3A_603 = arith.cmpi ne, %sign3A_595, %sign3A_602 : i32
    %rem3A_604 = arith.remsi %add3A_586, %jit3A_587 : i32
    %ne3A_605 = arith.constant 0 : i32
    %ne3A_606 = arith.cmpi ne, %rem3A_604, %ne3A_605 : i32
    %and3A_607 = arith.andi %ne3A_603, %ne3A_606 : i1
    %sub3A_608 = arith.constant 1 : i32
    %sub3A_609 = arith.subi %div3A_588, %sub3A_608 : i32
    %select_n3A_610 = arith.select %and3A_607, %sub3A_609, %div3A_588 : i32
    %jit3A_611 = arith.constant 12 : i32
    %eq3A_612 = arith.constant 0 : i32
    %eq3A_613 = arith.cmpi eq, %jit3A_611, %eq3A_612 : i32
    %jit3A_614 = arith.constant 1 : i32
    %select_n3A_615 = arith.select %eq3A_613, %jit3A_614, %jit3A_611 : i32
    %rem3A_616 = arith.remsi %add3A_586, %select_n3A_615 : i32
    %ne3A_617 = arith.constant 0 : i32
    %ne3A_618 = arith.cmpi ne, %rem3A_616, %ne3A_617 : i32
    %lt3A_619 = arith.constant 0 : i32
    %lt3A_620 = arith.cmpi slt, %rem3A_616, %lt3A_619 : i32
    %lt3A_621 = arith.constant 0 : i32
    %lt3A_622 = arith.cmpi slt, %select_n3A_615, %lt3A_621 : i32
    %ne3A_623 = arith.xori %lt3A_620, %lt3A_622 : i1
    %and3A_624 = arith.andi %ne3A_623, %ne3A_618 : i1
    %add3A_625 = arith.addi %rem3A_616, %select_n3A_615 : i32
    %select_n3A_626 = arith.select %and3A_624, %add3A_625, %rem3A_616 : i32
    %mul3A_627 = arith.constant 8 : i32
    %mul3A_628 = arith.muli %select_n3A_626, %mul3A_627 : i32
    %add3A_629 = arith.constant 0 : i32
    %add3A_630 = arith.addi %add3A_629, %mul3A_628 : i32
    %mul3A_631 = arith.constant 8 : i32
    %mul3A_632 = arith.muli %select_n3A_626, %mul3A_631 : i32
    %dma_start3A_633 = arith.constant 0 : i32
    %dma_start3A_634 = arith.constant 0 : i32
    %dma_start3A_635 = tpu.memref_slice %arg3[%select_n3A_610, %add3A_630, %dma_start3A_633, %dma_start3A_634] : memref<16x192x56x56xf32, #tpu.memory_space<hbm>> -> memref<1x8x56x56xf32, #tpu.memory_space<hbm>>
    %dma_start3A_636 = tpu.memref_squeeze %dma_start3A_635 : memref<1x8x56x56xf32, #tpu.memory_space<hbm>> -> memref<8x56x56xf32, #tpu.memory_space<hbm>>
    %dma_start3A_637 = arith.constant 0 : i32
    %dma_start3A_638 = arith.constant 0 : i32
    %dma_start3A_639 = tpu.memref_slice %arg3[%select_n3A_610, %add3A_630, %dma_start3A_637, %dma_start3A_638] : memref<16x192x56x56xf32, #tpu.memory_space<hbm>> -> memref<1x8x56x56xf32, #tpu.memory_space<hbm>>
    %dma_start3A_640 = tpu.memref_squeeze %dma_start3A_639 : memref<1x8x56x56xf32, #tpu.memory_space<hbm>> -> memref<8x56x56xf32, #tpu.memory_space<hbm>>
    tpu.enqueue_dma source(%dma_start3A_640 : memref<8x56x56xf32, #tpu.memory_space<hbm>>) target(%arg7 : memref<8x56x56xf32, #tpu.memory_space<vmem>>) target_semaphore(%arg9 : memref<!tpu.dma_semaphore, #tpu.memory_space<semaphore_mem>>)
    %dma_wait3A_641 = arith.constant 0 : i32
    %dma_wait3A_642 = arith.constant 0 : i32
    %dma_wait3A_643 = tpu.memref_slice %arg2[%select_n3A_476, %add3A_496, %dma_wait3A_641, %dma_wait3A_642] : memref<16x192x56x56xf32, #tpu.memory_space<hbm>> -> memref<1x8x56x56xf32, #tpu.memory_space<hbm>>
    %dma_wait3A_644 = tpu.memref_squeeze %dma_wait3A_643 : memref<1x8x56x56xf32, #tpu.memory_space<hbm>> -> memref<8x56x56xf32, #tpu.memory_space<hbm>>
    %dma_wait3A_645 = arith.constant 0 : i32
    %dma_wait3A_646 = arith.constant 0 : i32
    %dma_wait3A_647 = tpu.memref_slice %arg2[%select_n3A_476, %add3A_496, %dma_wait3A_645, %dma_wait3A_646] : memref<16x192x56x56xf32, #tpu.memory_space<hbm>> -> memref<1x8x56x56xf32, #tpu.memory_space<hbm>>
    %dma_wait3A_648 = tpu.memref_squeeze %dma_wait3A_647 : memref<1x8x56x56xf32, #tpu.memory_space<hbm>> -> memref<8x56x56xf32, #tpu.memory_space<hbm>>
    tpu.wait_dma2 semaphore(%arg8 : memref<!tpu.dma_semaphore, #tpu.memory_space<semaphore_mem>>) src(%dma_wait3A_648 : memref<8x56x56xf32, #tpu.memory_space<hbm>>) dst(%arg6 : memref<8x56x56xf32, #tpu.memory_space<vmem>>)
    %mul3A_649 = arith.constant 6 : i32
    %mul3A_650 = arith.muli %add3A, %mul3A_649 : i32
    %add3A_651 = arith.constant 2 : i32
    %add3A_652 = arith.addi %mul3A_650, %add3A_651 : i32
    %jit3A_653 = arith.constant 12 : i32
    %div3A_654 = arith.divsi %add3A_652, %jit3A_653 : i32
    %sign3A_655 = arith.constant 0 : i32
    %sign3A_656 = arith.cmpi sgt, %add3A_652, %sign3A_655 : i32
    %sign3A_657 = arith.extui %sign3A_656 : i1 to i32
    %sign3A_658 = arith.constant 0 : i32
    %sign3A_659 = arith.cmpi slt, %add3A_652, %sign3A_658 : i32
    %sign3A_660 = arith.extui %sign3A_659 : i1 to i32
    %sign3A_661 = arith.subi %sign3A_657, %sign3A_660 : i32
    %sign3A_662 = arith.constant 0 : i32
    %sign3A_663 = arith.cmpi sgt, %jit3A_653, %sign3A_662 : i32
    %sign3A_664 = arith.extui %sign3A_663 : i1 to i32
    %sign3A_665 = arith.constant 0 : i32
    %sign3A_666 = arith.cmpi slt, %jit3A_653, %sign3A_665 : i32
    %sign3A_667 = arith.extui %sign3A_666 : i1 to i32
    %sign3A_668 = arith.subi %sign3A_664, %sign3A_667 : i32
    %ne3A_669 = arith.cmpi ne, %sign3A_661, %sign3A_668 : i32
    %rem3A_670 = arith.remsi %add3A_652, %jit3A_653 : i32
    %ne3A_671 = arith.constant 0 : i32
    %ne3A_672 = arith.cmpi ne, %rem3A_670, %ne3A_671 : i32
    %and3A_673 = arith.andi %ne3A_669, %ne3A_672 : i1
    %sub3A_674 = arith.constant 1 : i32
    %sub3A_675 = arith.subi %div3A_654, %sub3A_674 : i32
    %select_n3A_676 = arith.select %and3A_673, %sub3A_675, %div3A_654 : i32
    %jit3A_677 = arith.constant 12 : i32
    %eq3A_678 = arith.constant 0 : i32
    %eq3A_679 = arith.cmpi eq, %jit3A_677, %eq3A_678 : i32
    %jit3A_680 = arith.constant 1 : i32
    %select_n3A_681 = arith.select %eq3A_679, %jit3A_680, %jit3A_677 : i32
    %rem3A_682 = arith.remsi %add3A_652, %select_n3A_681 : i32
    %ne3A_683 = arith.constant 0 : i32
    %ne3A_684 = arith.cmpi ne, %rem3A_682, %ne3A_683 : i32
    %lt3A_685 = arith.constant 0 : i32
    %lt3A_686 = arith.cmpi slt, %rem3A_682, %lt3A_685 : i32
    %lt3A_687 = arith.constant 0 : i32
    %lt3A_688 = arith.cmpi slt, %select_n3A_681, %lt3A_687 : i32
    %ne3A_689 = arith.xori %lt3A_686, %lt3A_688 : i1
    %and3A_690 = arith.andi %ne3A_689, %ne3A_684 : i1
    %add3A_691 = arith.addi %rem3A_682, %select_n3A_681 : i32
    %select_n3A_692 = arith.select %and3A_690, %add3A_691, %rem3A_682 : i32
    %mul3A_693 = arith.constant 8 : i32
    %mul3A_694 = arith.muli %select_n3A_692, %mul3A_693 : i32
    %add3A_695 = arith.constant 0 : i32
    %add3A_696 = arith.addi %add3A_695, %mul3A_694 : i32
    %mul3A_697 = arith.constant 8 : i32
    %mul3A_698 = arith.muli %select_n3A_692, %mul3A_697 : i32
    %dma_start3A_699 = arith.constant 0 : i32
    %dma_start3A_700 = arith.constant 0 : i32
    %dma_start3A_701 = arith.constant 0 : i32
    %dma_start3A_702 = tpu.memref_slice %arg4[%select_n3A_676, %mul3A_698, %dma_start3A_699, %dma_start3A_700, %dma_start3A_701] : memref<16x96x2x56x56xf32, #tpu.memory_space<hbm>> -> memref<1x8x1x56x56xf32, #tpu.memory_space<hbm>>
    %dma_start3A_703 = tpu.memref_squeeze %dma_start3A_702 : memref<1x8x1x56x56xf32, #tpu.memory_space<hbm>> -> memref<8x56x56xf32, #tpu.memory_space<hbm>>
    %dma_start3A_704 = arith.constant 0 : i32
    %dma_start3A_705 = arith.constant 0 : i32
    %dma_start3A_706 = tpu.memref_slice %arg4[%select_n3A_676, %mul3A_698, %dma_start3A_699, %dma_start3A_704, %dma_start3A_705] : memref<16x96x2x56x56xf32, #tpu.memory_space<hbm>> -> memref<1x8x1x56x56xf32, #tpu.memory_space<hbm>>
    %dma_start3A_707 = tpu.memref_squeeze %dma_start3A_706 : memref<1x8x1x56x56xf32, #tpu.memory_space<hbm>> -> memref<8x56x56xf32, #tpu.memory_space<hbm>>
    tpu.enqueue_dma source(%arg6 : memref<8x56x56xf32, #tpu.memory_space<vmem>>) target(%dma_start3A_707 : memref<8x56x56xf32, #tpu.memory_space<hbm>>) target_semaphore(%arg10 : memref<!tpu.dma_semaphore, #tpu.memory_space<semaphore_mem>>)
    %dma_wait3A_708 = arith.constant 0 : i32
    %dma_wait3A_709 = arith.constant 0 : i32
    %dma_wait3A_710 = arith.constant 0 : i32
    %dma_wait3A_711 = tpu.memref_slice %arg4[%select_n3A_676, %mul3A_698, %dma_wait3A_708, %dma_wait3A_709, %dma_wait3A_710] : memref<16x96x2x56x56xf32, #tpu.memory_space<hbm>> -> memref<1x8x1x56x56xf32, #tpu.memory_space<hbm>>
    %dma_wait3A_712 = tpu.memref_squeeze %dma_wait3A_711 : memref<1x8x1x56x56xf32, #tpu.memory_space<hbm>> -> memref<8x56x56xf32, #tpu.memory_space<hbm>>
    %dma_wait3A_713 = arith.constant 0 : i32
    %dma_wait3A_714 = arith.constant 0 : i32
    %dma_wait3A_715 = tpu.memref_slice %arg4[%select_n3A_676, %mul3A_698, %dma_wait3A_708, %dma_wait3A_713, %dma_wait3A_714] : memref<16x96x2x56x56xf32, #tpu.memory_space<hbm>> -> memref<1x8x1x56x56xf32, #tpu.memory_space<hbm>>
    %dma_wait3A_716 = tpu.memref_squeeze %dma_wait3A_715 : memref<1x8x1x56x56xf32, #tpu.memory_space<hbm>> -> memref<8x56x56xf32, #tpu.memory_space<hbm>>
    tpu.wait_dma2 semaphore(%arg10 : memref<!tpu.dma_semaphore, #tpu.memory_space<semaphore_mem>>) src(%arg6 : memref<8x56x56xf32, #tpu.memory_space<vmem>>) dst(%dma_wait3A_716 : memref<8x56x56xf32, #tpu.memory_space<hbm>>)
    %mul3A_717 = arith.constant 6 : i32
    %mul3A_718 = arith.muli %add3A, %mul3A_717 : i32
    %add3A_719 = arith.constant 3 : i32
    %add3A_720 = arith.addi %mul3A_718, %add3A_719 : i32
    %jit3A_721 = arith.constant 12 : i32
    %div3A_722 = arith.divsi %add3A_720, %jit3A_721 : i32
    %sign3A_723 = arith.constant 0 : i32
    %sign3A_724 = arith.cmpi sgt, %add3A_720, %sign3A_723 : i32
    %sign3A_725 = arith.extui %sign3A_724 : i1 to i32
    %sign3A_726 = arith.constant 0 : i32
    %sign3A_727 = arith.cmpi slt, %add3A_720, %sign3A_726 : i32
    %sign3A_728 = arith.extui %sign3A_727 : i1 to i32
    %sign3A_729 = arith.subi %sign3A_725, %sign3A_728 : i32
    %sign3A_730 = arith.constant 0 : i32
    %sign3A_731 = arith.cmpi sgt, %jit3A_721, %sign3A_730 : i32
    %sign3A_732 = arith.extui %sign3A_731 : i1 to i32
    %sign3A_733 = arith.constant 0 : i32
    %sign3A_734 = arith.cmpi slt, %jit3A_721, %sign3A_733 : i32
    %sign3A_735 = arith.extui %sign3A_734 : i1 to i32
    %sign3A_736 = arith.subi %sign3A_732, %sign3A_735 : i32
    %ne3A_737 = arith.cmpi ne, %sign3A_729, %sign3A_736 : i32
    %rem3A_738 = arith.remsi %add3A_720, %jit3A_721 : i32
    %ne3A_739 = arith.constant 0 : i32
    %ne3A_740 = arith.cmpi ne, %rem3A_738, %ne3A_739 : i32
    %and3A_741 = arith.andi %ne3A_737, %ne3A_740 : i1
    %sub3A_742 = arith.constant 1 : i32
    %sub3A_743 = arith.subi %div3A_722, %sub3A_742 : i32
    %select_n3A_744 = arith.select %and3A_741, %sub3A_743, %div3A_722 : i32
    %jit3A_745 = arith.constant 12 : i32
    %eq3A_746 = arith.constant 0 : i32
    %eq3A_747 = arith.cmpi eq, %jit3A_745, %eq3A_746 : i32
    %jit3A_748 = arith.constant 1 : i32
    %select_n3A_749 = arith.select %eq3A_747, %jit3A_748, %jit3A_745 : i32
    %rem3A_750 = arith.remsi %add3A_720, %select_n3A_749 : i32
    %ne3A_751 = arith.constant 0 : i32
    %ne3A_752 = arith.cmpi ne, %rem3A_750, %ne3A_751 : i32
    %lt3A_753 = arith.constant 0 : i32
    %lt3A_754 = arith.cmpi slt, %rem3A_750, %lt3A_753 : i32
    %lt3A_755 = arith.constant 0 : i32
    %lt3A_756 = arith.cmpi slt, %select_n3A_749, %lt3A_755 : i32
    %ne3A_757 = arith.xori %lt3A_754, %lt3A_756 : i1
    %and3A_758 = arith.andi %ne3A_757, %ne3A_752 : i1
    %add3A_759 = arith.addi %rem3A_750, %select_n3A_749 : i32
    %select_n3A_760 = arith.select %and3A_758, %add3A_759, %rem3A_750 : i32
    %mul3A_761 = arith.constant 8 : i32
    %mul3A_762 = arith.muli %select_n3A_760, %mul3A_761 : i32
    %add3A_763 = arith.constant 0 : i32
    %add3A_764 = arith.addi %add3A_763, %mul3A_762 : i32
    %mul3A_765 = arith.constant 8 : i32
    %mul3A_766 = arith.muli %select_n3A_760, %mul3A_765 : i32
    %dma_start3A_767 = arith.constant 0 : i32
    %dma_start3A_768 = arith.constant 0 : i32
    %dma_start3A_769 = tpu.memref_slice %arg2[%select_n3A_744, %add3A_764, %dma_start3A_767, %dma_start3A_768] : memref<16x192x56x56xf32, #tpu.memory_space<hbm>> -> memref<1x8x56x56xf32, #tpu.memory_space<hbm>>
    %dma_start3A_770 = tpu.memref_squeeze %dma_start3A_769 : memref<1x8x56x56xf32, #tpu.memory_space<hbm>> -> memref<8x56x56xf32, #tpu.memory_space<hbm>>
    %dma_start3A_771 = arith.constant 0 : i32
    %dma_start3A_772 = arith.constant 0 : i32
    %dma_start3A_773 = tpu.memref_slice %arg2[%select_n3A_744, %add3A_764, %dma_start3A_771, %dma_start3A_772] : memref<16x192x56x56xf32, #tpu.memory_space<hbm>> -> memref<1x8x56x56xf32, #tpu.memory_space<hbm>>
    %dma_start3A_774 = tpu.memref_squeeze %dma_start3A_773 : memref<1x8x56x56xf32, #tpu.memory_space<hbm>> -> memref<8x56x56xf32, #tpu.memory_space<hbm>>
    tpu.enqueue_dma source(%dma_start3A_774 : memref<8x56x56xf32, #tpu.memory_space<hbm>>) target(%arg6 : memref<8x56x56xf32, #tpu.memory_space<vmem>>) target_semaphore(%arg8 : memref<!tpu.dma_semaphore, #tpu.memory_space<semaphore_mem>>)
    %dma_wait3A_775 = arith.constant 0 : i32
    %dma_wait3A_776 = arith.constant 0 : i32
    %dma_wait3A_777 = tpu.memref_slice %arg3[%select_n3A_610, %add3A_630, %dma_wait3A_775, %dma_wait3A_776] : memref<16x192x56x56xf32, #tpu.memory_space<hbm>> -> memref<1x8x56x56xf32, #tpu.memory_space<hbm>>
    %dma_wait3A_778 = tpu.memref_squeeze %dma_wait3A_777 : memref<1x8x56x56xf32, #tpu.memory_space<hbm>> -> memref<8x56x56xf32, #tpu.memory_space<hbm>>
    %dma_wait3A_779 = arith.constant 0 : i32
    %dma_wait3A_780 = arith.constant 0 : i32
    %dma_wait3A_781 = tpu.memref_slice %arg3[%select_n3A_610, %add3A_630, %dma_wait3A_779, %dma_wait3A_780] : memref<16x192x56x56xf32, #tpu.memory_space<hbm>> -> memref<1x8x56x56xf32, #tpu.memory_space<hbm>>
    %dma_wait3A_782 = tpu.memref_squeeze %dma_wait3A_781 : memref<1x8x56x56xf32, #tpu.memory_space<hbm>> -> memref<8x56x56xf32, #tpu.memory_space<hbm>>
    tpu.wait_dma2 semaphore(%arg9 : memref<!tpu.dma_semaphore, #tpu.memory_space<semaphore_mem>>) src(%dma_wait3A_782 : memref<8x56x56xf32, #tpu.memory_space<hbm>>) dst(%arg7 : memref<8x56x56xf32, #tpu.memory_space<vmem>>)
    %mul3A_783 = arith.constant 6 : i32
    %mul3A_784 = arith.muli %add3A, %mul3A_783 : i32
    %add3A_785 = arith.constant 2 : i32
    %add3A_786 = arith.addi %mul3A_784, %add3A_785 : i32
    %jit3A_787 = arith.constant 12 : i32
    %div3A_788 = arith.divsi %add3A_786, %jit3A_787 : i32
    %sign3A_789 = arith.constant 0 : i32
    %sign3A_790 = arith.cmpi sgt, %add3A_786, %sign3A_789 : i32
    %sign3A_791 = arith.extui %sign3A_790 : i1 to i32
    %sign3A_792 = arith.constant 0 : i32
    %sign3A_793 = arith.cmpi slt, %add3A_786, %sign3A_792 : i32
    %sign3A_794 = arith.extui %sign3A_793 : i1 to i32
    %sign3A_795 = arith.subi %sign3A_791, %sign3A_794 : i32
    %sign3A_796 = arith.constant 0 : i32
    %sign3A_797 = arith.cmpi sgt, %jit3A_787, %sign3A_796 : i32
    %sign3A_798 = arith.extui %sign3A_797 : i1 to i32
    %sign3A_799 = arith.constant 0 : i32
    %sign3A_800 = arith.cmpi slt, %jit3A_787, %sign3A_799 : i32
    %sign3A_801 = arith.extui %sign3A_800 : i1 to i32
    %sign3A_802 = arith.subi %sign3A_798, %sign3A_801 : i32
    %ne3A_803 = arith.cmpi ne, %sign3A_795, %sign3A_802 : i32
    %rem3A_804 = arith.remsi %add3A_786, %jit3A_787 : i32
    %ne3A_805 = arith.constant 0 : i32
    %ne3A_806 = arith.cmpi ne, %rem3A_804, %ne3A_805 : i32
    %and3A_807 = arith.andi %ne3A_803, %ne3A_806 : i1
    %sub3A_808 = arith.constant 1 : i32
    %sub3A_809 = arith.subi %div3A_788, %sub3A_808 : i32
    %select_n3A_810 = arith.select %and3A_807, %sub3A_809, %div3A_788 : i32
    %jit3A_811 = arith.constant 12 : i32
    %eq3A_812 = arith.constant 0 : i32
    %eq3A_813 = arith.cmpi eq, %jit3A_811, %eq3A_812 : i32
    %jit3A_814 = arith.constant 1 : i32
    %select_n3A_815 = arith.select %eq3A_813, %jit3A_814, %jit3A_811 : i32
    %rem3A_816 = arith.remsi %add3A_786, %select_n3A_815 : i32
    %ne3A_817 = arith.constant 0 : i32
    %ne3A_818 = arith.cmpi ne, %rem3A_816, %ne3A_817 : i32
    %lt3A_819 = arith.constant 0 : i32
    %lt3A_820 = arith.cmpi slt, %rem3A_816, %lt3A_819 : i32
    %lt3A_821 = arith.constant 0 : i32
    %lt3A_822 = arith.cmpi slt, %select_n3A_815, %lt3A_821 : i32
    %ne3A_823 = arith.xori %lt3A_820, %lt3A_822 : i1
    %and3A_824 = arith.andi %ne3A_823, %ne3A_818 : i1
    %add3A_825 = arith.addi %rem3A_816, %select_n3A_815 : i32
    %select_n3A_826 = arith.select %and3A_824, %add3A_825, %rem3A_816 : i32
    %mul3A_827 = arith.constant 8 : i32
    %mul3A_828 = arith.muli %select_n3A_826, %mul3A_827 : i32
    %add3A_829 = arith.constant 0 : i32
    %add3A_830 = arith.addi %add3A_829, %mul3A_828 : i32
    %mul3A_831 = arith.constant 8 : i32
    %mul3A_832 = arith.muli %select_n3A_826, %mul3A_831 : i32
    %dma_start3A_833 = arith.constant 1 : i32
    %dma_start3A_834 = arith.constant 0 : i32
    %dma_start3A_835 = arith.constant 0 : i32
    %dma_start3A_836 = tpu.memref_slice %arg4[%select_n3A_810, %mul3A_832, %dma_start3A_833, %dma_start3A_834, %dma_start3A_835] : memref<16x96x2x56x56xf32, #tpu.memory_space<hbm>> -> memref<1x8x1x56x56xf32, #tpu.memory_space<hbm>>
    %dma_start3A_837 = tpu.memref_squeeze %dma_start3A_836 : memref<1x8x1x56x56xf32, #tpu.memory_space<hbm>> -> memref<8x56x56xf32, #tpu.memory_space<hbm>>
    %dma_start3A_838 = arith.constant 0 : i32
    %dma_start3A_839 = arith.constant 0 : i32
    %dma_start3A_840 = tpu.memref_slice %arg4[%select_n3A_810, %mul3A_832, %dma_start3A_833, %dma_start3A_838, %dma_start3A_839] : memref<16x96x2x56x56xf32, #tpu.memory_space<hbm>> -> memref<1x8x1x56x56xf32, #tpu.memory_space<hbm>>
    %dma_start3A_841 = tpu.memref_squeeze %dma_start3A_840 : memref<1x8x1x56x56xf32, #tpu.memory_space<hbm>> -> memref<8x56x56xf32, #tpu.memory_space<hbm>>
    tpu.enqueue_dma source(%arg7 : memref<8x56x56xf32, #tpu.memory_space<vmem>>) target(%dma_start3A_841 : memref<8x56x56xf32, #tpu.memory_space<hbm>>) target_semaphore(%arg11 : memref<!tpu.dma_semaphore, #tpu.memory_space<semaphore_mem>>)
    %dma_wait3A_842 = arith.constant 1 : i32
    %dma_wait3A_843 = arith.constant 0 : i32
    %dma_wait3A_844 = arith.constant 0 : i32
    %dma_wait3A_845 = tpu.memref_slice %arg4[%select_n3A_810, %mul3A_832, %dma_wait3A_842, %dma_wait3A_843, %dma_wait3A_844] : memref<16x96x2x56x56xf32, #tpu.memory_space<hbm>> -> memref<1x8x1x56x56xf32, #tpu.memory_space<hbm>>
    %dma_wait3A_846 = tpu.memref_squeeze %dma_wait3A_845 : memref<1x8x1x56x56xf32, #tpu.memory_space<hbm>> -> memref<8x56x56xf32, #tpu.memory_space<hbm>>
    %dma_wait3A_847 = arith.constant 0 : i32
    %dma_wait3A_848 = arith.constant 0 : i32
    %dma_wait3A_849 = tpu.memref_slice %arg4[%select_n3A_810, %mul3A_832, %dma_wait3A_842, %dma_wait3A_847, %dma_wait3A_848] : memref<16x96x2x56x56xf32, #tpu.memory_space<hbm>> -> memref<1x8x1x56x56xf32, #tpu.memory_space<hbm>>
    %dma_wait3A_850 = tpu.memref_squeeze %dma_wait3A_849 : memref<1x8x1x56x56xf32, #tpu.memory_space<hbm>> -> memref<8x56x56xf32, #tpu.memory_space<hbm>>
    tpu.wait_dma2 semaphore(%arg11 : memref<!tpu.dma_semaphore, #tpu.memory_space<semaphore_mem>>) src(%arg7 : memref<8x56x56xf32, #tpu.memory_space<vmem>>) dst(%dma_wait3A_850 : memref<8x56x56xf32, #tpu.memory_space<hbm>>)
    %mul3A_851 = arith.constant 6 : i32
    %mul3A_852 = arith.muli %add3A, %mul3A_851 : i32
    %add3A_853 = arith.constant 3 : i32
    %add3A_854 = arith.addi %mul3A_852, %add3A_853 : i32
    %jit3A_855 = arith.constant 12 : i32
    %div3A_856 = arith.divsi %add3A_854, %jit3A_855 : i32
    %sign3A_857 = arith.constant 0 : i32
    %sign3A_858 = arith.cmpi sgt, %add3A_854, %sign3A_857 : i32
    %sign3A_859 = arith.extui %sign3A_858 : i1 to i32
    %sign3A_860 = arith.constant 0 : i32
    %sign3A_861 = arith.cmpi slt, %add3A_854, %sign3A_860 : i32
    %sign3A_862 = arith.extui %sign3A_861 : i1 to i32
    %sign3A_863 = arith.subi %sign3A_859, %sign3A_862 : i32
    %sign3A_864 = arith.constant 0 : i32
    %sign3A_865 = arith.cmpi sgt, %jit3A_855, %sign3A_864 : i32
    %sign3A_866 = arith.extui %sign3A_865 : i1 to i32
    %sign3A_867 = arith.constant 0 : i32
    %sign3A_868 = arith.cmpi slt, %jit3A_855, %sign3A_867 : i32
    %sign3A_869 = arith.extui %sign3A_868 : i1 to i32
    %sign3A_870 = arith.subi %sign3A_866, %sign3A_869 : i32
    %ne3A_871 = arith.cmpi ne, %sign3A_863, %sign3A_870 : i32
    %rem3A_872 = arith.remsi %add3A_854, %jit3A_855 : i32
    %ne3A_873 = arith.constant 0 : i32
    %ne3A_874 = arith.cmpi ne, %rem3A_872, %ne3A_873 : i32
    %and3A_875 = arith.andi %ne3A_871, %ne3A_874 : i1
    %sub3A_876 = arith.constant 1 : i32
    %sub3A_877 = arith.subi %div3A_856, %sub3A_876 : i32
    %select_n3A_878 = arith.select %and3A_875, %sub3A_877, %div3A_856 : i32
    %jit3A_879 = arith.constant 12 : i32
    %eq3A_880 = arith.constant 0 : i32
    %eq3A_881 = arith.cmpi eq, %jit3A_879, %eq3A_880 : i32
    %jit3A_882 = arith.constant 1 : i32
    %select_n3A_883 = arith.select %eq3A_881, %jit3A_882, %jit3A_879 : i32
    %rem3A_884 = arith.remsi %add3A_854, %select_n3A_883 : i32
    %ne3A_885 = arith.constant 0 : i32
    %ne3A_886 = arith.cmpi ne, %rem3A_884, %ne3A_885 : i32
    %lt3A_887 = arith.constant 0 : i32
    %lt3A_888 = arith.cmpi slt, %rem3A_884, %lt3A_887 : i32
    %lt3A_889 = arith.constant 0 : i32
    %lt3A_890 = arith.cmpi slt, %select_n3A_883, %lt3A_889 : i32
    %ne3A_891 = arith.xori %lt3A_888, %lt3A_890 : i1
    %and3A_892 = arith.andi %ne3A_891, %ne3A_886 : i1
    %add3A_893 = arith.addi %rem3A_884, %select_n3A_883 : i32
    %select_n3A_894 = arith.select %and3A_892, %add3A_893, %rem3A_884 : i32
    %mul3A_895 = arith.constant 8 : i32
    %mul3A_896 = arith.muli %select_n3A_894, %mul3A_895 : i32
    %add3A_897 = arith.constant 0 : i32
    %add3A_898 = arith.addi %add3A_897, %mul3A_896 : i32
    %mul3A_899 = arith.constant 8 : i32
    %mul3A_900 = arith.muli %select_n3A_894, %mul3A_899 : i32
    %dma_start3A_901 = arith.constant 0 : i32
    %dma_start3A_902 = arith.constant 0 : i32
    %dma_start3A_903 = tpu.memref_slice %arg3[%select_n3A_878, %add3A_898, %dma_start3A_901, %dma_start3A_902] : memref<16x192x56x56xf32, #tpu.memory_space<hbm>> -> memref<1x8x56x56xf32, #tpu.memory_space<hbm>>
    %dma_start3A_904 = tpu.memref_squeeze %dma_start3A_903 : memref<1x8x56x56xf32, #tpu.memory_space<hbm>> -> memref<8x56x56xf32, #tpu.memory_space<hbm>>
    %dma_start3A_905 = arith.constant 0 : i32
    %dma_start3A_906 = arith.constant 0 : i32
    %dma_start3A_907 = tpu.memref_slice %arg3[%select_n3A_878, %add3A_898, %dma_start3A_905, %dma_start3A_906] : memref<16x192x56x56xf32, #tpu.memory_space<hbm>> -> memref<1x8x56x56xf32, #tpu.memory_space<hbm>>
    %dma_start3A_908 = tpu.memref_squeeze %dma_start3A_907 : memref<1x8x56x56xf32, #tpu.memory_space<hbm>> -> memref<8x56x56xf32, #tpu.memory_space<hbm>>
    tpu.enqueue_dma source(%dma_start3A_908 : memref<8x56x56xf32, #tpu.memory_space<hbm>>) target(%arg7 : memref<8x56x56xf32, #tpu.memory_space<vmem>>) target_semaphore(%arg9 : memref<!tpu.dma_semaphore, #tpu.memory_space<semaphore_mem>>)
    %dma_wait3A_909 = arith.constant 0 : i32
    %dma_wait3A_910 = arith.constant 0 : i32
    %dma_wait3A_911 = tpu.memref_slice %arg2[%select_n3A_744, %add3A_764, %dma_wait3A_909, %dma_wait3A_910] : memref<16x192x56x56xf32, #tpu.memory_space<hbm>> -> memref<1x8x56x56xf32, #tpu.memory_space<hbm>>
    %dma_wait3A_912 = tpu.memref_squeeze %dma_wait3A_911 : memref<1x8x56x56xf32, #tpu.memory_space<hbm>> -> memref<8x56x56xf32, #tpu.memory_space<hbm>>
    %dma_wait3A_913 = arith.constant 0 : i32
    %dma_wait3A_914 = arith.constant 0 : i32
    %dma_wait3A_915 = tpu.memref_slice %arg2[%select_n3A_744, %add3A_764, %dma_wait3A_913, %dma_wait3A_914] : memref<16x192x56x56xf32, #tpu.memory_space<hbm>> -> memref<1x8x56x56xf32, #tpu.memory_space<hbm>>
    %dma_wait3A_916 = tpu.memref_squeeze %dma_wait3A_915 : memref<1x8x56x56xf32, #tpu.memory_space<hbm>> -> memref<8x56x56xf32, #tpu.memory_space<hbm>>
    tpu.wait_dma2 semaphore(%arg8 : memref<!tpu.dma_semaphore, #tpu.memory_space<semaphore_mem>>) src(%dma_wait3A_916 : memref<8x56x56xf32, #tpu.memory_space<hbm>>) dst(%arg6 : memref<8x56x56xf32, #tpu.memory_space<vmem>>)
    %mul3A_917 = arith.constant 6 : i32
    %mul3A_918 = arith.muli %add3A, %mul3A_917 : i32
    %add3A_919 = arith.constant 3 : i32
    %add3A_920 = arith.addi %mul3A_918, %add3A_919 : i32
    %jit3A_921 = arith.constant 12 : i32
    %div3A_922 = arith.divsi %add3A_920, %jit3A_921 : i32
    %sign3A_923 = arith.constant 0 : i32
    %sign3A_924 = arith.cmpi sgt, %add3A_920, %sign3A_923 : i32
    %sign3A_925 = arith.extui %sign3A_924 : i1 to i32
    %sign3A_926 = arith.constant 0 : i32
    %sign3A_927 = arith.cmpi slt, %add3A_920, %sign3A_926 : i32
    %sign3A_928 = arith.extui %sign3A_927 : i1 to i32
    %sign3A_929 = arith.subi %sign3A_925, %sign3A_928 : i32
    %sign3A_930 = arith.constant 0 : i32
    %sign3A_931 = arith.cmpi sgt, %jit3A_921, %sign3A_930 : i32
    %sign3A_932 = arith.extui %sign3A_931 : i1 to i32
    %sign3A_933 = arith.constant 0 : i32
    %sign3A_934 = arith.cmpi slt, %jit3A_921, %sign3A_933 : i32
    %sign3A_935 = arith.extui %sign3A_934 : i1 to i32
    %sign3A_936 = arith.subi %sign3A_932, %sign3A_935 : i32
    %ne3A_937 = arith.cmpi ne, %sign3A_929, %sign3A_936 : i32
    %rem3A_938 = arith.remsi %add3A_920, %jit3A_921 : i32
    %ne3A_939 = arith.constant 0 : i32
    %ne3A_940 = arith.cmpi ne, %rem3A_938, %ne3A_939 : i32
    %and3A_941 = arith.andi %ne3A_937, %ne3A_940 : i1
    %sub3A_942 = arith.constant 1 : i32
    %sub3A_943 = arith.subi %div3A_922, %sub3A_942 : i32
    %select_n3A_944 = arith.select %and3A_941, %sub3A_943, %div3A_922 : i32
    %jit3A_945 = arith.constant 12 : i32
    %eq3A_946 = arith.constant 0 : i32
    %eq3A_947 = arith.cmpi eq, %jit3A_945, %eq3A_946 : i32
    %jit3A_948 = arith.constant 1 : i32
    %select_n3A_949 = arith.select %eq3A_947, %jit3A_948, %jit3A_945 : i32
    %rem3A_950 = arith.remsi %add3A_920, %select_n3A_949 : i32
    %ne3A_951 = arith.constant 0 : i32
    %ne3A_952 = arith.cmpi ne, %rem3A_950, %ne3A_951 : i32
    %lt3A_953 = arith.constant 0 : i32
    %lt3A_954 = arith.cmpi slt, %rem3A_950, %lt3A_953 : i32
    %lt3A_955 = arith.constant 0 : i32
    %lt3A_956 = arith.cmpi slt, %select_n3A_949, %lt3A_955 : i32
    %ne3A_957 = arith.xori %lt3A_954, %lt3A_956 : i1
    %and3A_958 = arith.andi %ne3A_957, %ne3A_952 : i1
    %add3A_959 = arith.addi %rem3A_950, %select_n3A_949 : i32
    %select_n3A_960 = arith.select %and3A_958, %add3A_959, %rem3A_950 : i32
    %mul3A_961 = arith.constant 8 : i32
    %mul3A_962 = arith.muli %select_n3A_960, %mul3A_961 : i32
    %add3A_963 = arith.constant 0 : i32
    %add3A_964 = arith.addi %add3A_963, %mul3A_962 : i32
    %mul3A_965 = arith.constant 8 : i32
    %mul3A_966 = arith.muli %select_n3A_960, %mul3A_965 : i32
    %dma_start3A_967 = arith.constant 0 : i32
    %dma_start3A_968 = arith.constant 0 : i32
    %dma_start3A_969 = arith.constant 0 : i32
    %dma_start3A_970 = tpu.memref_slice %arg4[%select_n3A_944, %mul3A_966, %dma_start3A_967, %dma_start3A_968, %dma_start3A_969] : memref<16x96x2x56x56xf32, #tpu.memory_space<hbm>> -> memref<1x8x1x56x56xf32, #tpu.memory_space<hbm>>
    %dma_start3A_971 = tpu.memref_squeeze %dma_start3A_970 : memref<1x8x1x56x56xf32, #tpu.memory_space<hbm>> -> memref<8x56x56xf32, #tpu.memory_space<hbm>>
    %dma_start3A_972 = arith.constant 0 : i32
    %dma_start3A_973 = arith.constant 0 : i32
    %dma_start3A_974 = tpu.memref_slice %arg4[%select_n3A_944, %mul3A_966, %dma_start3A_967, %dma_start3A_972, %dma_start3A_973] : memref<16x96x2x56x56xf32, #tpu.memory_space<hbm>> -> memref<1x8x1x56x56xf32, #tpu.memory_space<hbm>>
    %dma_start3A_975 = tpu.memref_squeeze %dma_start3A_974 : memref<1x8x1x56x56xf32, #tpu.memory_space<hbm>> -> memref<8x56x56xf32, #tpu.memory_space<hbm>>
    tpu.enqueue_dma source(%arg6 : memref<8x56x56xf32, #tpu.memory_space<vmem>>) target(%dma_start3A_975 : memref<8x56x56xf32, #tpu.memory_space<hbm>>) target_semaphore(%arg10 : memref<!tpu.dma_semaphore, #tpu.memory_space<semaphore_mem>>)
    %dma_wait3A_976 = arith.constant 0 : i32
    %dma_wait3A_977 = arith.constant 0 : i32
    %dma_wait3A_978 = arith.constant 0 : i32
    %dma_wait3A_979 = tpu.memref_slice %arg4[%select_n3A_944, %mul3A_966, %dma_wait3A_976, %dma_wait3A_977, %dma_wait3A_978] : memref<16x96x2x56x56xf32, #tpu.memory_space<hbm>> -> memref<1x8x1x56x56xf32, #tpu.memory_space<hbm>>
    %dma_wait3A_980 = tpu.memref_squeeze %dma_wait3A_979 : memref<1x8x1x56x56xf32, #tpu.memory_space<hbm>> -> memref<8x56x56xf32, #tpu.memory_space<hbm>>
    %dma_wait3A_981 = arith.constant 0 : i32
    %dma_wait3A_982 = arith.constant 0 : i32
    %dma_wait3A_983 = tpu.memref_slice %arg4[%select_n3A_944, %mul3A_966, %dma_wait3A_976, %dma_wait3A_981, %dma_wait3A_982] : memref<16x96x2x56x56xf32, #tpu.memory_space<hbm>> -> memref<1x8x1x56x56xf32, #tpu.memory_space<hbm>>
    %dma_wait3A_984 = tpu.memref_squeeze %dma_wait3A_983 : memref<1x8x1x56x56xf32, #tpu.memory_space<hbm>> -> memref<8x56x56xf32, #tpu.memory_space<hbm>>
    tpu.wait_dma2 semaphore(%arg10 : memref<!tpu.dma_semaphore, #tpu.memory_space<semaphore_mem>>) src(%arg6 : memref<8x56x56xf32, #tpu.memory_space<vmem>>) dst(%dma_wait3A_984 : memref<8x56x56xf32, #tpu.memory_space<hbm>>)
    %mul3A_985 = arith.constant 6 : i32
    %mul3A_986 = arith.muli %add3A, %mul3A_985 : i32
    %add3A_987 = arith.constant 4 : i32
    %add3A_988 = arith.addi %mul3A_986, %add3A_987 : i32
    %jit3A_989 = arith.constant 12 : i32
    %div3A_990 = arith.divsi %add3A_988, %jit3A_989 : i32
    %sign3A_991 = arith.constant 0 : i32
    %sign3A_992 = arith.cmpi sgt, %add3A_988, %sign3A_991 : i32
    %sign3A_993 = arith.extui %sign3A_992 : i1 to i32
    %sign3A_994 = arith.constant 0 : i32
    %sign3A_995 = arith.cmpi slt, %add3A_988, %sign3A_994 : i32
    %sign3A_996 = arith.extui %sign3A_995 : i1 to i32
    %sign3A_997 = arith.subi %sign3A_993, %sign3A_996 : i32
    %sign3A_998 = arith.constant 0 : i32
    %sign3A_999 = arith.cmpi sgt, %jit3A_989, %sign3A_998 : i32
    %sign3A_1000 = arith.extui %sign3A_999 : i1 to i32
    %sign3A_1001 = arith.constant 0 : i32
    %sign3A_1002 = arith.cmpi slt, %jit3A_989, %sign3A_1001 : i32
    %sign3A_1003 = arith.extui %sign3A_1002 : i1 to i32
    %sign3A_1004 = arith.subi %sign3A_1000, %sign3A_1003 : i32
    %ne3A_1005 = arith.cmpi ne, %sign3A_997, %sign3A_1004 : i32
    %rem3A_1006 = arith.remsi %add3A_988, %jit3A_989 : i32
    %ne3A_1007 = arith.constant 0 : i32
    %ne3A_1008 = arith.cmpi ne, %rem3A_1006, %ne3A_1007 : i32
    %and3A_1009 = arith.andi %ne3A_1005, %ne3A_1008 : i1
    %sub3A_1010 = arith.constant 1 : i32
    %sub3A_1011 = arith.subi %div3A_990, %sub3A_1010 : i32
    %select_n3A_1012 = arith.select %and3A_1009, %sub3A_1011, %div3A_990 : i32
    %jit3A_1013 = arith.constant 12 : i32
    %eq3A_1014 = arith.constant 0 : i32
    %eq3A_1015 = arith.cmpi eq, %jit3A_1013, %eq3A_1014 : i32
    %jit3A_1016 = arith.constant 1 : i32
    %select_n3A_1017 = arith.select %eq3A_1015, %jit3A_1016, %jit3A_1013 : i32
    %rem3A_1018 = arith.remsi %add3A_988, %select_n3A_1017 : i32
    %ne3A_1019 = arith.constant 0 : i32
    %ne3A_1020 = arith.cmpi ne, %rem3A_1018, %ne3A_1019 : i32
    %lt3A_1021 = arith.constant 0 : i32
    %lt3A_1022 = arith.cmpi slt, %rem3A_1018, %lt3A_1021 : i32
    %lt3A_1023 = arith.constant 0 : i32
    %lt3A_1024 = arith.cmpi slt, %select_n3A_1017, %lt3A_1023 : i32
    %ne3A_1025 = arith.xori %lt3A_1022, %lt3A_1024 : i1
    %and3A_1026 = arith.andi %ne3A_1025, %ne3A_1020 : i1
    %add3A_1027 = arith.addi %rem3A_1018, %select_n3A_1017 : i32
    %select_n3A_1028 = arith.select %and3A_1026, %add3A_1027, %rem3A_1018 : i32
    %mul3A_1029 = arith.constant 8 : i32
    %mul3A_1030 = arith.muli %select_n3A_1028, %mul3A_1029 : i32
    %add3A_1031 = arith.constant 0 : i32
    %add3A_1032 = arith.addi %add3A_1031, %mul3A_1030 : i32
    %mul3A_1033 = arith.constant 8 : i32
    %mul3A_1034 = arith.muli %select_n3A_1028, %mul3A_1033 : i32
    %dma_start3A_1035 = arith.constant 0 : i32
    %dma_start3A_1036 = arith.constant 0 : i32
    %dma_start3A_1037 = tpu.memref_slice %arg2[%select_n3A_1012, %add3A_1032, %dma_start3A_1035, %dma_start3A_1036] : memref<16x192x56x56xf32, #tpu.memory_space<hbm>> -> memref<1x8x56x56xf32, #tpu.memory_space<hbm>>
    %dma_start3A_1038 = tpu.memref_squeeze %dma_start3A_1037 : memref<1x8x56x56xf32, #tpu.memory_space<hbm>> -> memref<8x56x56xf32, #tpu.memory_space<hbm>>
    %dma_start3A_1039 = arith.constant 0 : i32
    %dma_start3A_1040 = arith.constant 0 : i32
    %dma_start3A_1041 = tpu.memref_slice %arg2[%select_n3A_1012, %add3A_1032, %dma_start3A_1039, %dma_start3A_1040] : memref<16x192x56x56xf32, #tpu.memory_space<hbm>> -> memref<1x8x56x56xf32, #tpu.memory_space<hbm>>
    %dma_start3A_1042 = tpu.memref_squeeze %dma_start3A_1041 : memref<1x8x56x56xf32, #tpu.memory_space<hbm>> -> memref<8x56x56xf32, #tpu.memory_space<hbm>>
    tpu.enqueue_dma source(%dma_start3A_1042 : memref<8x56x56xf32, #tpu.memory_space<hbm>>) target(%arg6 : memref<8x56x56xf32, #tpu.memory_space<vmem>>) target_semaphore(%arg8 : memref<!tpu.dma_semaphore, #tpu.memory_space<semaphore_mem>>)
    %dma_wait3A_1043 = arith.constant 0 : i32
    %dma_wait3A_1044 = arith.constant 0 : i32
    %dma_wait3A_1045 = tpu.memref_slice %arg3[%select_n3A_878, %add3A_898, %dma_wait3A_1043, %dma_wait3A_1044] : memref<16x192x56x56xf32, #tpu.memory_space<hbm>> -> memref<1x8x56x56xf32, #tpu.memory_space<hbm>>
    %dma_wait3A_1046 = tpu.memref_squeeze %dma_wait3A_1045 : memref<1x8x56x56xf32, #tpu.memory_space<hbm>> -> memref<8x56x56xf32, #tpu.memory_space<hbm>>
    %dma_wait3A_1047 = arith.constant 0 : i32
    %dma_wait3A_1048 = arith.constant 0 : i32
    %dma_wait3A_1049 = tpu.memref_slice %arg3[%select_n3A_878, %add3A_898, %dma_wait3A_1047, %dma_wait3A_1048] : memref<16x192x56x56xf32, #tpu.memory_space<hbm>> -> memref<1x8x56x56xf32, #tpu.memory_space<hbm>>
    %dma_wait3A_1050 = tpu.memref_squeeze %dma_wait3A_1049 : memref<1x8x56x56xf32, #tpu.memory_space<hbm>> -> memref<8x56x56xf32, #tpu.memory_space<hbm>>
    tpu.wait_dma2 semaphore(%arg9 : memref<!tpu.dma_semaphore, #tpu.memory_space<semaphore_mem>>) src(%dma_wait3A_1050 : memref<8x56x56xf32, #tpu.memory_space<hbm>>) dst(%arg7 : memref<8x56x56xf32, #tpu.memory_space<vmem>>)
    %mul3A_1051 = arith.constant 6 : i32
    %mul3A_1052 = arith.muli %add3A, %mul3A_1051 : i32
    %add3A_1053 = arith.constant 3 : i32
    %add3A_1054 = arith.addi %mul3A_1052, %add3A_1053 : i32
    %jit3A_1055 = arith.constant 12 : i32
    %div3A_1056 = arith.divsi %add3A_1054, %jit3A_1055 : i32
    %sign3A_1057 = arith.constant 0 : i32
    %sign3A_1058 = arith.cmpi sgt, %add3A_1054, %sign3A_1057 : i32
    %sign3A_1059 = arith.extui %sign3A_1058 : i1 to i32
    %sign3A_1060 = arith.constant 0 : i32
    %sign3A_1061 = arith.cmpi slt, %add3A_1054, %sign3A_1060 : i32
    %sign3A_1062 = arith.extui %sign3A_1061 : i1 to i32
    %sign3A_1063 = arith.subi %sign3A_1059, %sign3A_1062 : i32
    %sign3A_1064 = arith.constant 0 : i32
    %sign3A_1065 = arith.cmpi sgt, %jit3A_1055, %sign3A_1064 : i32
    %sign3A_1066 = arith.extui %sign3A_1065 : i1 to i32
    %sign3A_1067 = arith.constant 0 : i32
    %sign3A_1068 = arith.cmpi slt, %jit3A_1055, %sign3A_1067 : i32
    %sign3A_1069 = arith.extui %sign3A_1068 : i1 to i32
    %sign3A_1070 = arith.subi %sign3A_1066, %sign3A_1069 : i32
    %ne3A_1071 = arith.cmpi ne, %sign3A_1063, %sign3A_1070 : i32
    %rem3A_1072 = arith.remsi %add3A_1054, %jit3A_1055 : i32
    %ne3A_1073 = arith.constant 0 : i32
    %ne3A_1074 = arith.cmpi ne, %rem3A_1072, %ne3A_1073 : i32
    %and3A_1075 = arith.andi %ne3A_1071, %ne3A_1074 : i1
    %sub3A_1076 = arith.constant 1 : i32
    %sub3A_1077 = arith.subi %div3A_1056, %sub3A_1076 : i32
    %select_n3A_1078 = arith.select %and3A_1075, %sub3A_1077, %div3A_1056 : i32
    %jit3A_1079 = arith.constant 12 : i32
    %eq3A_1080 = arith.constant 0 : i32
    %eq3A_1081 = arith.cmpi eq, %jit3A_1079, %eq3A_1080 : i32
    %jit3A_1082 = arith.constant 1 : i32
    %select_n3A_1083 = arith.select %eq3A_1081, %jit3A_1082, %jit3A_1079 : i32
    %rem3A_1084 = arith.remsi %add3A_1054, %select_n3A_1083 : i32
    %ne3A_1085 = arith.constant 0 : i32
    %ne3A_1086 = arith.cmpi ne, %rem3A_1084, %ne3A_1085 : i32
    %lt3A_1087 = arith.constant 0 : i32
    %lt3A_1088 = arith.cmpi slt, %rem3A_1084, %lt3A_1087 : i32
    %lt3A_1089 = arith.constant 0 : i32
    %lt3A_1090 = arith.cmpi slt, %select_n3A_1083, %lt3A_1089 : i32
    %ne3A_1091 = arith.xori %lt3A_1088, %lt3A_1090 : i1
    %and3A_1092 = arith.andi %ne3A_1091, %ne3A_1086 : i1
    %add3A_1093 = arith.addi %rem3A_1084, %select_n3A_1083 : i32
    %select_n3A_1094 = arith.select %and3A_1092, %add3A_1093, %rem3A_1084 : i32
    %mul3A_1095 = arith.constant 8 : i32
    %mul3A_1096 = arith.muli %select_n3A_1094, %mul3A_1095 : i32
    %add3A_1097 = arith.constant 0 : i32
    %add3A_1098 = arith.addi %add3A_1097, %mul3A_1096 : i32
    %mul3A_1099 = arith.constant 8 : i32
    %mul3A_1100 = arith.muli %select_n3A_1094, %mul3A_1099 : i32
    %dma_start3A_1101 = arith.constant 1 : i32
    %dma_start3A_1102 = arith.constant 0 : i32
    %dma_start3A_1103 = arith.constant 0 : i32
    %dma_start3A_1104 = tpu.memref_slice %arg4[%select_n3A_1078, %mul3A_1100, %dma_start3A_1101, %dma_start3A_1102, %dma_start3A_1103] : memref<16x96x2x56x56xf32, #tpu.memory_space<hbm>> -> memref<1x8x1x56x56xf32, #tpu.memory_space<hbm>>
    %dma_start3A_1105 = tpu.memref_squeeze %dma_start3A_1104 : memref<1x8x1x56x56xf32, #tpu.memory_space<hbm>> -> memref<8x56x56xf32, #tpu.memory_space<hbm>>
    %dma_start3A_1106 = arith.constant 0 : i32
    %dma_start3A_1107 = arith.constant 0 : i32
    %dma_start3A_1108 = tpu.memref_slice %arg4[%select_n3A_1078, %mul3A_1100, %dma_start3A_1101, %dma_start3A_1106, %dma_start3A_1107] : memref<16x96x2x56x56xf32, #tpu.memory_space<hbm>> -> memref<1x8x1x56x56xf32, #tpu.memory_space<hbm>>
    %dma_start3A_1109 = tpu.memref_squeeze %dma_start3A_1108 : memref<1x8x1x56x56xf32, #tpu.memory_space<hbm>> -> memref<8x56x56xf32, #tpu.memory_space<hbm>>
    tpu.enqueue_dma source(%arg7 : memref<8x56x56xf32, #tpu.memory_space<vmem>>) target(%dma_start3A_1109 : memref<8x56x56xf32, #tpu.memory_space<hbm>>) target_semaphore(%arg11 : memref<!tpu.dma_semaphore, #tpu.memory_space<semaphore_mem>>)
    %dma_wait3A_1110 = arith.constant 1 : i32
    %dma_wait3A_1111 = arith.constant 0 : i32
    %dma_wait3A_1112 = arith.constant 0 : i32
    %dma_wait3A_1113 = tpu.memref_slice %arg4[%select_n3A_1078, %mul3A_1100, %dma_wait3A_1110, %dma_wait3A_1111, %dma_wait3A_1112] : memref<16x96x2x56x56xf32, #tpu.memory_space<hbm>> -> memref<1x8x1x56x56xf32, #tpu.memory_space<hbm>>
    %dma_wait3A_1114 = tpu.memref_squeeze %dma_wait3A_1113 : memref<1x8x1x56x56xf32, #tpu.memory_space<hbm>> -> memref<8x56x56xf32, #tpu.memory_space<hbm>>
    %dma_wait3A_1115 = arith.constant 0 : i32
    %dma_wait3A_1116 = arith.constant 0 : i32
    %dma_wait3A_1117 = tpu.memref_slice %arg4[%select_n3A_1078, %mul3A_1100, %dma_wait3A_1110, %dma_wait3A_1115, %dma_wait3A_1116] : memref<16x96x2x56x56xf32, #tpu.memory_space<hbm>> -> memref<1x8x1x56x56xf32, #tpu.memory_space<hbm>>
    %dma_wait3A_1118 = tpu.memref_squeeze %dma_wait3A_1117 : memref<1x8x1x56x56xf32, #tpu.memory_space<hbm>> -> memref<8x56x56xf32, #tpu.memory_space<hbm>>
    tpu.wait_dma2 semaphore(%arg11 : memref<!tpu.dma_semaphore, #tpu.memory_space<semaphore_mem>>) src(%arg7 : memref<8x56x56xf32, #tpu.memory_space<vmem>>) dst(%dma_wait3A_1118 : memref<8x56x56xf32, #tpu.memory_space<hbm>>)
    %mul3A_1119 = arith.constant 6 : i32
    %mul3A_1120 = arith.muli %add3A, %mul3A_1119 : i32
    %add3A_1121 = arith.constant 4 : i32
    %add3A_1122 = arith.addi %mul3A_1120, %add3A_1121 : i32
    %jit3A_1123 = arith.constant 12 : i32
    %div3A_1124 = arith.divsi %add3A_1122, %jit3A_1123 : i32
    %sign3A_1125 = arith.constant 0 : i32
    %sign3A_1126 = arith.cmpi sgt, %add3A_1122, %sign3A_1125 : i32
    %sign3A_1127 = arith.extui %sign3A_1126 : i1 to i32
    %sign3A_1128 = arith.constant 0 : i32
    %sign3A_1129 = arith.cmpi slt, %add3A_1122, %sign3A_1128 : i32
    %sign3A_1130 = arith.extui %sign3A_1129 : i1 to i32
    %sign3A_1131 = arith.subi %sign3A_1127, %sign3A_1130 : i32
    %sign3A_1132 = arith.constant 0 : i32
    %sign3A_1133 = arith.cmpi sgt, %jit3A_1123, %sign3A_1132 : i32
    %sign3A_1134 = arith.extui %sign3A_1133 : i1 to i32
    %sign3A_1135 = arith.constant 0 : i32
    %sign3A_1136 = arith.cmpi slt, %jit3A_1123, %sign3A_1135 : i32
    %sign3A_1137 = arith.extui %sign3A_1136 : i1 to i32
    %sign3A_1138 = arith.subi %sign3A_1134, %sign3A_1137 : i32
    %ne3A_1139 = arith.cmpi ne, %sign3A_1131, %sign3A_1138 : i32
    %rem3A_1140 = arith.remsi %add3A_1122, %jit3A_1123 : i32
    %ne3A_1141 = arith.constant 0 : i32
    %ne3A_1142 = arith.cmpi ne, %rem3A_1140, %ne3A_1141 : i32
    %and3A_1143 = arith.andi %ne3A_1139, %ne3A_1142 : i1
    %sub3A_1144 = arith.constant 1 : i32
    %sub3A_1145 = arith.subi %div3A_1124, %sub3A_1144 : i32
    %select_n3A_1146 = arith.select %and3A_1143, %sub3A_1145, %div3A_1124 : i32
    %jit3A_1147 = arith.constant 12 : i32
    %eq3A_1148 = arith.constant 0 : i32
    %eq3A_1149 = arith.cmpi eq, %jit3A_1147, %eq3A_1148 : i32
    %jit3A_1150 = arith.constant 1 : i32
    %select_n3A_1151 = arith.select %eq3A_1149, %jit3A_1150, %jit3A_1147 : i32
    %rem3A_1152 = arith.remsi %add3A_1122, %select_n3A_1151 : i32
    %ne3A_1153 = arith.constant 0 : i32
    %ne3A_1154 = arith.cmpi ne, %rem3A_1152, %ne3A_1153 : i32
    %lt3A_1155 = arith.constant 0 : i32
    %lt3A_1156 = arith.cmpi slt, %rem3A_1152, %lt3A_1155 : i32
    %lt3A_1157 = arith.constant 0 : i32
    %lt3A_1158 = arith.cmpi slt, %select_n3A_1151, %lt3A_1157 : i32
    %ne3A_1159 = arith.xori %lt3A_1156, %lt3A_1158 : i1
    %and3A_1160 = arith.andi %ne3A_1159, %ne3A_1154 : i1
    %add3A_1161 = arith.addi %rem3A_1152, %select_n3A_1151 : i32
    %select_n3A_1162 = arith.select %and3A_1160, %add3A_1161, %rem3A_1152 : i32
    %mul3A_1163 = arith.constant 8 : i32
    %mul3A_1164 = arith.muli %select_n3A_1162, %mul3A_1163 : i32
    %add3A_1165 = arith.constant 0 : i32
    %add3A_1166 = arith.addi %add3A_1165, %mul3A_1164 : i32
    %mul3A_1167 = arith.constant 8 : i32
    %mul3A_1168 = arith.muli %select_n3A_1162, %mul3A_1167 : i32
    %dma_start3A_1169 = arith.constant 0 : i32
    %dma_start3A_1170 = arith.constant 0 : i32
    %dma_start3A_1171 = tpu.memref_slice %arg3[%select_n3A_1146, %add3A_1166, %dma_start3A_1169, %dma_start3A_1170] : memref<16x192x56x56xf32, #tpu.memory_space<hbm>> -> memref<1x8x56x56xf32, #tpu.memory_space<hbm>>
    %dma_start3A_1172 = tpu.memref_squeeze %dma_start3A_1171 : memref<1x8x56x56xf32, #tpu.memory_space<hbm>> -> memref<8x56x56xf32, #tpu.memory_space<hbm>>
    %dma_start3A_1173 = arith.constant 0 : i32
    %dma_start3A_1174 = arith.constant 0 : i32
    %dma_start3A_1175 = tpu.memref_slice %arg3[%select_n3A_1146, %add3A_1166, %dma_start3A_1173, %dma_start3A_1174] : memref<16x192x56x56xf32, #tpu.memory_space<hbm>> -> memref<1x8x56x56xf32, #tpu.memory_space<hbm>>
    %dma_start3A_1176 = tpu.memref_squeeze %dma_start3A_1175 : memref<1x8x56x56xf32, #tpu.memory_space<hbm>> -> memref<8x56x56xf32, #tpu.memory_space<hbm>>
    tpu.enqueue_dma source(%dma_start3A_1176 : memref<8x56x56xf32, #tpu.memory_space<hbm>>) target(%arg7 : memref<8x56x56xf32, #tpu.memory_space<vmem>>) target_semaphore(%arg9 : memref<!tpu.dma_semaphore, #tpu.memory_space<semaphore_mem>>)
    %dma_wait3A_1177 = arith.constant 0 : i32
    %dma_wait3A_1178 = arith.constant 0 : i32
    %dma_wait3A_1179 = tpu.memref_slice %arg2[%select_n3A_1012, %add3A_1032, %dma_wait3A_1177, %dma_wait3A_1178] : memref<16x192x56x56xf32, #tpu.memory_space<hbm>> -> memref<1x8x56x56xf32, #tpu.memory_space<hbm>>
    %dma_wait3A_1180 = tpu.memref_squeeze %dma_wait3A_1179 : memref<1x8x56x56xf32, #tpu.memory_space<hbm>> -> memref<8x56x56xf32, #tpu.memory_space<hbm>>
    %dma_wait3A_1181 = arith.constant 0 : i32
    %dma_wait3A_1182 = arith.constant 0 : i32
    %dma_wait3A_1183 = tpu.memref_slice %arg2[%select_n3A_1012, %add3A_1032, %dma_wait3A_1181, %dma_wait3A_1182] : memref<16x192x56x56xf32, #tpu.memory_space<hbm>> -> memref<1x8x56x56xf32, #tpu.memory_space<hbm>>
    %dma_wait3A_1184 = tpu.memref_squeeze %dma_wait3A_1183 : memref<1x8x56x56xf32, #tpu.memory_space<hbm>> -> memref<8x56x56xf32, #tpu.memory_space<hbm>>
    tpu.wait_dma2 semaphore(%arg8 : memref<!tpu.dma_semaphore, #tpu.memory_space<semaphore_mem>>) src(%dma_wait3A_1184 : memref<8x56x56xf32, #tpu.memory_space<hbm>>) dst(%arg6 : memref<8x56x56xf32, #tpu.memory_space<vmem>>)
    %mul3A_1185 = arith.constant 6 : i32
    %mul3A_1186 = arith.muli %add3A, %mul3A_1185 : i32
    %add3A_1187 = arith.constant 4 : i32
    %add3A_1188 = arith.addi %mul3A_1186, %add3A_1187 : i32
    %jit3A_1189 = arith.constant 12 : i32
    %div3A_1190 = arith.divsi %add3A_1188, %jit3A_1189 : i32
    %sign3A_1191 = arith.constant 0 : i32
    %sign3A_1192 = arith.cmpi sgt, %add3A_1188, %sign3A_1191 : i32
    %sign3A_1193 = arith.extui %sign3A_1192 : i1 to i32
    %sign3A_1194 = arith.constant 0 : i32
    %sign3A_1195 = arith.cmpi slt, %add3A_1188, %sign3A_1194 : i32
    %sign3A_1196 = arith.extui %sign3A_1195 : i1 to i32
    %sign3A_1197 = arith.subi %sign3A_1193, %sign3A_1196 : i32
    %sign3A_1198 = arith.constant 0 : i32
    %sign3A_1199 = arith.cmpi sgt, %jit3A_1189, %sign3A_1198 : i32
    %sign3A_1200 = arith.extui %sign3A_1199 : i1 to i32
    %sign3A_1201 = arith.constant 0 : i32
    %sign3A_1202 = arith.cmpi slt, %jit3A_1189, %sign3A_1201 : i32
    %sign3A_1203 = arith.extui %sign3A_1202 : i1 to i32
    %sign3A_1204 = arith.subi %sign3A_1200, %sign3A_1203 : i32
    %ne3A_1205 = arith.cmpi ne, %sign3A_1197, %sign3A_1204 : i32
    %rem3A_1206 = arith.remsi %add3A_1188, %jit3A_1189 : i32
    %ne3A_1207 = arith.constant 0 : i32
    %ne3A_1208 = arith.cmpi ne, %rem3A_1206, %ne3A_1207 : i32
    %and3A_1209 = arith.andi %ne3A_1205, %ne3A_1208 : i1
    %sub3A_1210 = arith.constant 1 : i32
    %sub3A_1211 = arith.subi %div3A_1190, %sub3A_1210 : i32
    %select_n3A_1212 = arith.select %and3A_1209, %sub3A_1211, %div3A_1190 : i32
    %jit3A_1213 = arith.constant 12 : i32
    %eq3A_1214 = arith.constant 0 : i32
    %eq3A_1215 = arith.cmpi eq, %jit3A_1213, %eq3A_1214 : i32
    %jit3A_1216 = arith.constant 1 : i32
    %select_n3A_1217 = arith.select %eq3A_1215, %jit3A_1216, %jit3A_1213 : i32
    %rem3A_1218 = arith.remsi %add3A_1188, %select_n3A_1217 : i32
    %ne3A_1219 = arith.constant 0 : i32
    %ne3A_1220 = arith.cmpi ne, %rem3A_1218, %ne3A_1219 : i32
    %lt3A_1221 = arith.constant 0 : i32
    %lt3A_1222 = arith.cmpi slt, %rem3A_1218, %lt3A_1221 : i32
    %lt3A_1223 = arith.constant 0 : i32
    %lt3A_1224 = arith.cmpi slt, %select_n3A_1217, %lt3A_1223 : i32
    %ne3A_1225 = arith.xori %lt3A_1222, %lt3A_1224 : i1
    %and3A_1226 = arith.andi %ne3A_1225, %ne3A_1220 : i1
    %add3A_1227 = arith.addi %rem3A_1218, %select_n3A_1217 : i32
    %select_n3A_1228 = arith.select %and3A_1226, %add3A_1227, %rem3A_1218 : i32
    %mul3A_1229 = arith.constant 8 : i32
    %mul3A_1230 = arith.muli %select_n3A_1228, %mul3A_1229 : i32
    %add3A_1231 = arith.constant 0 : i32
    %add3A_1232 = arith.addi %add3A_1231, %mul3A_1230 : i32
    %mul3A_1233 = arith.constant 8 : i32
    %mul3A_1234 = arith.muli %select_n3A_1228, %mul3A_1233 : i32
    %dma_start3A_1235 = arith.constant 0 : i32
    %dma_start3A_1236 = arith.constant 0 : i32
    %dma_start3A_1237 = arith.constant 0 : i32
    %dma_start3A_1238 = tpu.memref_slice %arg4[%select_n3A_1212, %mul3A_1234, %dma_start3A_1235, %dma_start3A_1236, %dma_start3A_1237] : memref<16x96x2x56x56xf32, #tpu.memory_space<hbm>> -> memref<1x8x1x56x56xf32, #tpu.memory_space<hbm>>
    %dma_start3A_1239 = tpu.memref_squeeze %dma_start3A_1238 : memref<1x8x1x56x56xf32, #tpu.memory_space<hbm>> -> memref<8x56x56xf32, #tpu.memory_space<hbm>>
    %dma_start3A_1240 = arith.constant 0 : i32
    %dma_start3A_1241 = arith.constant 0 : i32
    %dma_start3A_1242 = tpu.memref_slice %arg4[%select_n3A_1212, %mul3A_1234, %dma_start3A_1235, %dma_start3A_1240, %dma_start3A_1241] : memref<16x96x2x56x56xf32, #tpu.memory_space<hbm>> -> memref<1x8x1x56x56xf32, #tpu.memory_space<hbm>>
    %dma_start3A_1243 = tpu.memref_squeeze %dma_start3A_1242 : memref<1x8x1x56x56xf32, #tpu.memory_space<hbm>> -> memref<8x56x56xf32, #tpu.memory_space<hbm>>
    tpu.enqueue_dma source(%arg6 : memref<8x56x56xf32, #tpu.memory_space<vmem>>) target(%dma_start3A_1243 : memref<8x56x56xf32, #tpu.memory_space<hbm>>) target_semaphore(%arg10 : memref<!tpu.dma_semaphore, #tpu.memory_space<semaphore_mem>>)
    %dma_wait3A_1244 = arith.constant 0 : i32
    %dma_wait3A_1245 = arith.constant 0 : i32
    %dma_wait3A_1246 = arith.constant 0 : i32
    %dma_wait3A_1247 = tpu.memref_slice %arg4[%select_n3A_1212, %mul3A_1234, %dma_wait3A_1244, %dma_wait3A_1245, %dma_wait3A_1246] : memref<16x96x2x56x56xf32, #tpu.memory_space<hbm>> -> memref<1x8x1x56x56xf32, #tpu.memory_space<hbm>>
    %dma_wait3A_1248 = tpu.memref_squeeze %dma_wait3A_1247 : memref<1x8x1x56x56xf32, #tpu.memory_space<hbm>> -> memref<8x56x56xf32, #tpu.memory_space<hbm>>
    %dma_wait3A_1249 = arith.constant 0 : i32
    %dma_wait3A_1250 = arith.constant 0 : i32
    %dma_wait3A_1251 = tpu.memref_slice %arg4[%select_n3A_1212, %mul3A_1234, %dma_wait3A_1244, %dma_wait3A_1249, %dma_wait3A_1250] : memref<16x96x2x56x56xf32, #tpu.memory_space<hbm>> -> memref<1x8x1x56x56xf32, #tpu.memory_space<hbm>>
    %dma_wait3A_1252 = tpu.memref_squeeze %dma_wait3A_1251 : memref<1x8x1x56x56xf32, #tpu.memory_space<hbm>> -> memref<8x56x56xf32, #tpu.memory_space<hbm>>
    tpu.wait_dma2 semaphore(%arg10 : memref<!tpu.dma_semaphore, #tpu.memory_space<semaphore_mem>>) src(%arg6 : memref<8x56x56xf32, #tpu.memory_space<vmem>>) dst(%dma_wait3A_1252 : memref<8x56x56xf32, #tpu.memory_space<hbm>>)
    %mul3A_1253 = arith.constant 6 : i32
    %mul3A_1254 = arith.muli %add3A, %mul3A_1253 : i32
    %add3A_1255 = arith.constant 5 : i32
    %add3A_1256 = arith.addi %mul3A_1254, %add3A_1255 : i32
    %jit3A_1257 = arith.constant 12 : i32
    %div3A_1258 = arith.divsi %add3A_1256, %jit3A_1257 : i32
    %sign3A_1259 = arith.constant 0 : i32
    %sign3A_1260 = arith.cmpi sgt, %add3A_1256, %sign3A_1259 : i32
    %sign3A_1261 = arith.extui %sign3A_1260 : i1 to i32
    %sign3A_1262 = arith.constant 0 : i32
    %sign3A_1263 = arith.cmpi slt, %add3A_1256, %sign3A_1262 : i32
    %sign3A_1264 = arith.extui %sign3A_1263 : i1 to i32
    %sign3A_1265 = arith.subi %sign3A_1261, %sign3A_1264 : i32
    %sign3A_1266 = arith.constant 0 : i32
    %sign3A_1267 = arith.cmpi sgt, %jit3A_1257, %sign3A_1266 : i32
    %sign3A_1268 = arith.extui %sign3A_1267 : i1 to i32
    %sign3A_1269 = arith.constant 0 : i32
    %sign3A_1270 = arith.cmpi slt, %jit3A_1257, %sign3A_1269 : i32
    %sign3A_1271 = arith.extui %sign3A_1270 : i1 to i32
    %sign3A_1272 = arith.subi %sign3A_1268, %sign3A_1271 : i32
    %ne3A_1273 = arith.cmpi ne, %sign3A_1265, %sign3A_1272 : i32
    %rem3A_1274 = arith.remsi %add3A_1256, %jit3A_1257 : i32
    %ne3A_1275 = arith.constant 0 : i32
    %ne3A_1276 = arith.cmpi ne, %rem3A_1274, %ne3A_1275 : i32
    %and3A_1277 = arith.andi %ne3A_1273, %ne3A_1276 : i1
    %sub3A_1278 = arith.constant 1 : i32
    %sub3A_1279 = arith.subi %div3A_1258, %sub3A_1278 : i32
    %select_n3A_1280 = arith.select %and3A_1277, %sub3A_1279, %div3A_1258 : i32
    %jit3A_1281 = arith.constant 12 : i32
    %eq3A_1282 = arith.constant 0 : i32
    %eq3A_1283 = arith.cmpi eq, %jit3A_1281, %eq3A_1282 : i32
    %jit3A_1284 = arith.constant 1 : i32
    %select_n3A_1285 = arith.select %eq3A_1283, %jit3A_1284, %jit3A_1281 : i32
    %rem3A_1286 = arith.remsi %add3A_1256, %select_n3A_1285 : i32
    %ne3A_1287 = arith.constant 0 : i32
    %ne3A_1288 = arith.cmpi ne, %rem3A_1286, %ne3A_1287 : i32
    %lt3A_1289 = arith.constant 0 : i32
    %lt3A_1290 = arith.cmpi slt, %rem3A_1286, %lt3A_1289 : i32
    %lt3A_1291 = arith.constant 0 : i32
    %lt3A_1292 = arith.cmpi slt, %select_n3A_1285, %lt3A_1291 : i32
    %ne3A_1293 = arith.xori %lt3A_1290, %lt3A_1292 : i1
    %and3A_1294 = arith.andi %ne3A_1293, %ne3A_1288 : i1
    %add3A_1295 = arith.addi %rem3A_1286, %select_n3A_1285 : i32
    %select_n3A_1296 = arith.select %and3A_1294, %add3A_1295, %rem3A_1286 : i32
    %mul3A_1297 = arith.constant 8 : i32
    %mul3A_1298 = arith.muli %select_n3A_1296, %mul3A_1297 : i32
    %add3A_1299 = arith.constant 0 : i32
    %add3A_1300 = arith.addi %add3A_1299, %mul3A_1298 : i32
    %mul3A_1301 = arith.constant 8 : i32
    %mul3A_1302 = arith.muli %select_n3A_1296, %mul3A_1301 : i32
    %dma_start3A_1303 = arith.constant 0 : i32
    %dma_start3A_1304 = arith.constant 0 : i32
    %dma_start3A_1305 = tpu.memref_slice %arg2[%select_n3A_1280, %add3A_1300, %dma_start3A_1303, %dma_start3A_1304] : memref<16x192x56x56xf32, #tpu.memory_space<hbm>> -> memref<1x8x56x56xf32, #tpu.memory_space<hbm>>
    %dma_start3A_1306 = tpu.memref_squeeze %dma_start3A_1305 : memref<1x8x56x56xf32, #tpu.memory_space<hbm>> -> memref<8x56x56xf32, #tpu.memory_space<hbm>>
    %dma_start3A_1307 = arith.constant 0 : i32
    %dma_start3A_1308 = arith.constant 0 : i32
    %dma_start3A_1309 = tpu.memref_slice %arg2[%select_n3A_1280, %add3A_1300, %dma_start3A_1307, %dma_start3A_1308] : memref<16x192x56x56xf32, #tpu.memory_space<hbm>> -> memref<1x8x56x56xf32, #tpu.memory_space<hbm>>
    %dma_start3A_1310 = tpu.memref_squeeze %dma_start3A_1309 : memref<1x8x56x56xf32, #tpu.memory_space<hbm>> -> memref<8x56x56xf32, #tpu.memory_space<hbm>>
    tpu.enqueue_dma source(%dma_start3A_1310 : memref<8x56x56xf32, #tpu.memory_space<hbm>>) target(%arg6 : memref<8x56x56xf32, #tpu.memory_space<vmem>>) target_semaphore(%arg8 : memref<!tpu.dma_semaphore, #tpu.memory_space<semaphore_mem>>)
    %dma_wait3A_1311 = arith.constant 0 : i32
    %dma_wait3A_1312 = arith.constant 0 : i32
    %dma_wait3A_1313 = tpu.memref_slice %arg3[%select_n3A_1146, %add3A_1166, %dma_wait3A_1311, %dma_wait3A_1312] : memref<16x192x56x56xf32, #tpu.memory_space<hbm>> -> memref<1x8x56x56xf32, #tpu.memory_space<hbm>>
    %dma_wait3A_1314 = tpu.memref_squeeze %dma_wait3A_1313 : memref<1x8x56x56xf32, #tpu.memory_space<hbm>> -> memref<8x56x56xf32, #tpu.memory_space<hbm>>
    %dma_wait3A_1315 = arith.constant 0 : i32
    %dma_wait3A_1316 = arith.constant 0 : i32
    %dma_wait3A_1317 = tpu.memref_slice %arg3[%select_n3A_1146, %add3A_1166, %dma_wait3A_1315, %dma_wait3A_1316] : memref<16x192x56x56xf32, #tpu.memory_space<hbm>> -> memref<1x8x56x56xf32, #tpu.memory_space<hbm>>
    %dma_wait3A_1318 = tpu.memref_squeeze %dma_wait3A_1317 : memref<1x8x56x56xf32, #tpu.memory_space<hbm>> -> memref<8x56x56xf32, #tpu.memory_space<hbm>>
    tpu.wait_dma2 semaphore(%arg9 : memref<!tpu.dma_semaphore, #tpu.memory_space<semaphore_mem>>) src(%dma_wait3A_1318 : memref<8x56x56xf32, #tpu.memory_space<hbm>>) dst(%arg7 : memref<8x56x56xf32, #tpu.memory_space<vmem>>)
    %mul3A_1319 = arith.constant 6 : i32
    %mul3A_1320 = arith.muli %add3A, %mul3A_1319 : i32
    %add3A_1321 = arith.constant 4 : i32
    %add3A_1322 = arith.addi %mul3A_1320, %add3A_1321 : i32
    %jit3A_1323 = arith.constant 12 : i32
    %div3A_1324 = arith.divsi %add3A_1322, %jit3A_1323 : i32
    %sign3A_1325 = arith.constant 0 : i32
    %sign3A_1326 = arith.cmpi sgt, %add3A_1322, %sign3A_1325 : i32
    %sign3A_1327 = arith.extui %sign3A_1326 : i1 to i32
    %sign3A_1328 = arith.constant 0 : i32
    %sign3A_1329 = arith.cmpi slt, %add3A_1322, %sign3A_1328 : i32
    %sign3A_1330 = arith.extui %sign3A_1329 : i1 to i32
    %sign3A_1331 = arith.subi %sign3A_1327, %sign3A_1330 : i32
    %sign3A_1332 = arith.constant 0 : i32
    %sign3A_1333 = arith.cmpi sgt, %jit3A_1323, %sign3A_1332 : i32
    %sign3A_1334 = arith.extui %sign3A_1333 : i1 to i32
    %sign3A_1335 = arith.constant 0 : i32
    %sign3A_1336 = arith.cmpi slt, %jit3A_1323, %sign3A_1335 : i32
    %sign3A_1337 = arith.extui %sign3A_1336 : i1 to i32
    %sign3A_1338 = arith.subi %sign3A_1334, %sign3A_1337 : i32
    %ne3A_1339 = arith.cmpi ne, %sign3A_1331, %sign3A_1338 : i32
    %rem3A_1340 = arith.remsi %add3A_1322, %jit3A_1323 : i32
    %ne3A_1341 = arith.constant 0 : i32
    %ne3A_1342 = arith.cmpi ne, %rem3A_1340, %ne3A_1341 : i32
    %and3A_1343 = arith.andi %ne3A_1339, %ne3A_1342 : i1
    %sub3A_1344 = arith.constant 1 : i32
    %sub3A_1345 = arith.subi %div3A_1324, %sub3A_1344 : i32
    %select_n3A_1346 = arith.select %and3A_1343, %sub3A_1345, %div3A_1324 : i32
    %jit3A_1347 = arith.constant 12 : i32
    %eq3A_1348 = arith.constant 0 : i32
    %eq3A_1349 = arith.cmpi eq, %jit3A_1347, %eq3A_1348 : i32
    %jit3A_1350 = arith.constant 1 : i32
    %select_n3A_1351 = arith.select %eq3A_1349, %jit3A_1350, %jit3A_1347 : i32
    %rem3A_1352 = arith.remsi %add3A_1322, %select_n3A_1351 : i32
    %ne3A_1353 = arith.constant 0 : i32
    %ne3A_1354 = arith.cmpi ne, %rem3A_1352, %ne3A_1353 : i32
    %lt3A_1355 = arith.constant 0 : i32
    %lt3A_1356 = arith.cmpi slt, %rem3A_1352, %lt3A_1355 : i32
    %lt3A_1357 = arith.constant 0 : i32
    %lt3A_1358 = arith.cmpi slt, %select_n3A_1351, %lt3A_1357 : i32
    %ne3A_1359 = arith.xori %lt3A_1356, %lt3A_1358 : i1
    %and3A_1360 = arith.andi %ne3A_1359, %ne3A_1354 : i1
    %add3A_1361 = arith.addi %rem3A_1352, %select_n3A_1351 : i32
    %select_n3A_1362 = arith.select %and3A_1360, %add3A_1361, %rem3A_1352 : i32
    %mul3A_1363 = arith.constant 8 : i32
    %mul3A_1364 = arith.muli %select_n3A_1362, %mul3A_1363 : i32
    %add3A_1365 = arith.constant 0 : i32
    %add3A_1366 = arith.addi %add3A_1365, %mul3A_1364 : i32
    %mul3A_1367 = arith.constant 8 : i32
    %mul3A_1368 = arith.muli %select_n3A_1362, %mul3A_1367 : i32
    %dma_start3A_1369 = arith.constant 1 : i32
    %dma_start3A_1370 = arith.constant 0 : i32
    %dma_start3A_1371 = arith.constant 0 : i32
    %dma_start3A_1372 = tpu.memref_slice %arg4[%select_n3A_1346, %mul3A_1368, %dma_start3A_1369, %dma_start3A_1370, %dma_start3A_1371] : memref<16x96x2x56x56xf32, #tpu.memory_space<hbm>> -> memref<1x8x1x56x56xf32, #tpu.memory_space<hbm>>
    %dma_start3A_1373 = tpu.memref_squeeze %dma_start3A_1372 : memref<1x8x1x56x56xf32, #tpu.memory_space<hbm>> -> memref<8x56x56xf32, #tpu.memory_space<hbm>>
    %dma_start3A_1374 = arith.constant 0 : i32
    %dma_start3A_1375 = arith.constant 0 : i32
    %dma_start3A_1376 = tpu.memref_slice %arg4[%select_n3A_1346, %mul3A_1368, %dma_start3A_1369, %dma_start3A_1374, %dma_start3A_1375] : memref<16x96x2x56x56xf32, #tpu.memory_space<hbm>> -> memref<1x8x1x56x56xf32, #tpu.memory_space<hbm>>
    %dma_start3A_1377 = tpu.memref_squeeze %dma_start3A_1376 : memref<1x8x1x56x56xf32, #tpu.memory_space<hbm>> -> memref<8x56x56xf32, #tpu.memory_space<hbm>>
    tpu.enqueue_dma source(%arg7 : memref<8x56x56xf32, #tpu.memory_space<vmem>>) target(%dma_start3A_1377 : memref<8x56x56xf32, #tpu.memory_space<hbm>>) target_semaphore(%arg11 : memref<!tpu.dma_semaphore, #tpu.memory_space<semaphore_mem>>)
    %dma_wait3A_1378 = arith.constant 1 : i32
    %dma_wait3A_1379 = arith.constant 0 : i32
    %dma_wait3A_1380 = arith.constant 0 : i32
    %dma_wait3A_1381 = tpu.memref_slice %arg4[%select_n3A_1346, %mul3A_1368, %dma_wait3A_1378, %dma_wait3A_1379, %dma_wait3A_1380] : memref<16x96x2x56x56xf32, #tpu.memory_space<hbm>> -> memref<1x8x1x56x56xf32, #tpu.memory_space<hbm>>
    %dma_wait3A_1382 = tpu.memref_squeeze %dma_wait3A_1381 : memref<1x8x1x56x56xf32, #tpu.memory_space<hbm>> -> memref<8x56x56xf32, #tpu.memory_space<hbm>>
    %dma_wait3A_1383 = arith.constant 0 : i32
    %dma_wait3A_1384 = arith.constant 0 : i32
    %dma_wait3A_1385 = tpu.memref_slice %arg4[%select_n3A_1346, %mul3A_1368, %dma_wait3A_1378, %dma_wait3A_1383, %dma_wait3A_1384] : memref<16x96x2x56x56xf32, #tpu.memory_space<hbm>> -> memref<1x8x1x56x56xf32, #tpu.memory_space<hbm>>
    %dma_wait3A_1386 = tpu.memref_squeeze %dma_wait3A_1385 : memref<1x8x1x56x56xf32, #tpu.memory_space<hbm>> -> memref<8x56x56xf32, #tpu.memory_space<hbm>>
    tpu.wait_dma2 semaphore(%arg11 : memref<!tpu.dma_semaphore, #tpu.memory_space<semaphore_mem>>) src(%arg7 : memref<8x56x56xf32, #tpu.memory_space<vmem>>) dst(%dma_wait3A_1386 : memref<8x56x56xf32, #tpu.memory_space<hbm>>)
    %mul3A_1387 = arith.constant 6 : i32
    %mul3A_1388 = arith.muli %add3A, %mul3A_1387 : i32
    %add3A_1389 = arith.constant 5 : i32
    %add3A_1390 = arith.addi %mul3A_1388, %add3A_1389 : i32
    %jit3A_1391 = arith.constant 12 : i32
    %div3A_1392 = arith.divsi %add3A_1390, %jit3A_1391 : i32
    %sign3A_1393 = arith.constant 0 : i32
    %sign3A_1394 = arith.cmpi sgt, %add3A_1390, %sign3A_1393 : i32
    %sign3A_1395 = arith.extui %sign3A_1394 : i1 to i32
    %sign3A_1396 = arith.constant 0 : i32
    %sign3A_1397 = arith.cmpi slt, %add3A_1390, %sign3A_1396 : i32
    %sign3A_1398 = arith.extui %sign3A_1397 : i1 to i32
    %sign3A_1399 = arith.subi %sign3A_1395, %sign3A_1398 : i32
    %sign3A_1400 = arith.constant 0 : i32
    %sign3A_1401 = arith.cmpi sgt, %jit3A_1391, %sign3A_1400 : i32
    %sign3A_1402 = arith.extui %sign3A_1401 : i1 to i32
    %sign3A_1403 = arith.constant 0 : i32
    %sign3A_1404 = arith.cmpi slt, %jit3A_1391, %sign3A_1403 : i32
    %sign3A_1405 = arith.extui %sign3A_1404 : i1 to i32
    %sign3A_1406 = arith.subi %sign3A_1402, %sign3A_1405 : i32
    %ne3A_1407 = arith.cmpi ne, %sign3A_1399, %sign3A_1406 : i32
    %rem3A_1408 = arith.remsi %add3A_1390, %jit3A_1391 : i32
    %ne3A_1409 = arith.constant 0 : i32
    %ne3A_1410 = arith.cmpi ne, %rem3A_1408, %ne3A_1409 : i32
    %and3A_1411 = arith.andi %ne3A_1407, %ne3A_1410 : i1
    %sub3A_1412 = arith.constant 1 : i32
    %sub3A_1413 = arith.subi %div3A_1392, %sub3A_1412 : i32
    %select_n3A_1414 = arith.select %and3A_1411, %sub3A_1413, %div3A_1392 : i32
    %jit3A_1415 = arith.constant 12 : i32
    %eq3A_1416 = arith.constant 0 : i32
    %eq3A_1417 = arith.cmpi eq, %jit3A_1415, %eq3A_1416 : i32
    %jit3A_1418 = arith.constant 1 : i32
    %select_n3A_1419 = arith.select %eq3A_1417, %jit3A_1418, %jit3A_1415 : i32
    %rem3A_1420 = arith.remsi %add3A_1390, %select_n3A_1419 : i32
    %ne3A_1421 = arith.constant 0 : i32
    %ne3A_1422 = arith.cmpi ne, %rem3A_1420, %ne3A_1421 : i32
    %lt3A_1423 = arith.constant 0 : i32
    %lt3A_1424 = arith.cmpi slt, %rem3A_1420, %lt3A_1423 : i32
    %lt3A_1425 = arith.constant 0 : i32
    %lt3A_1426 = arith.cmpi slt, %select_n3A_1419, %lt3A_1425 : i32
    %ne3A_1427 = arith.xori %lt3A_1424, %lt3A_1426 : i1
    %and3A_1428 = arith.andi %ne3A_1427, %ne3A_1422 : i1
    %add3A_1429 = arith.addi %rem3A_1420, %select_n3A_1419 : i32
    %select_n3A_1430 = arith.select %and3A_1428, %add3A_1429, %rem3A_1420 : i32
    %mul3A_1431 = arith.constant 8 : i32
    %mul3A_1432 = arith.muli %select_n3A_1430, %mul3A_1431 : i32
    %add3A_1433 = arith.constant 0 : i32
    %add3A_1434 = arith.addi %add3A_1433, %mul3A_1432 : i32
    %mul3A_1435 = arith.constant 8 : i32
    %mul3A_1436 = arith.muli %select_n3A_1430, %mul3A_1435 : i32
    %dma_start3A_1437 = arith.constant 0 : i32
    %dma_start3A_1438 = arith.constant 0 : i32
    %dma_start3A_1439 = tpu.memref_slice %arg3[%select_n3A_1414, %add3A_1434, %dma_start3A_1437, %dma_start3A_1438] : memref<16x192x56x56xf32, #tpu.memory_space<hbm>> -> memref<1x8x56x56xf32, #tpu.memory_space<hbm>>
    %dma_start3A_1440 = tpu.memref_squeeze %dma_start3A_1439 : memref<1x8x56x56xf32, #tpu.memory_space<hbm>> -> memref<8x56x56xf32, #tpu.memory_space<hbm>>
    %dma_start3A_1441 = arith.constant 0 : i32
    %dma_start3A_1442 = arith.constant 0 : i32
    %dma_start3A_1443 = tpu.memref_slice %arg3[%select_n3A_1414, %add3A_1434, %dma_start3A_1441, %dma_start3A_1442] : memref<16x192x56x56xf32, #tpu.memory_space<hbm>> -> memref<1x8x56x56xf32, #tpu.memory_space<hbm>>
    %dma_start3A_1444 = tpu.memref_squeeze %dma_start3A_1443 : memref<1x8x56x56xf32, #tpu.memory_space<hbm>> -> memref<8x56x56xf32, #tpu.memory_space<hbm>>
    tpu.enqueue_dma source(%dma_start3A_1444 : memref<8x56x56xf32, #tpu.memory_space<hbm>>) target(%arg7 : memref<8x56x56xf32, #tpu.memory_space<vmem>>) target_semaphore(%arg9 : memref<!tpu.dma_semaphore, #tpu.memory_space<semaphore_mem>>)
    %dma_wait3A_1445 = arith.constant 0 : i32
    %dma_wait3A_1446 = arith.constant 0 : i32
    %dma_wait3A_1447 = tpu.memref_slice %arg2[%select_n3A_1280, %add3A_1300, %dma_wait3A_1445, %dma_wait3A_1446] : memref<16x192x56x56xf32, #tpu.memory_space<hbm>> -> memref<1x8x56x56xf32, #tpu.memory_space<hbm>>
    %dma_wait3A_1448 = tpu.memref_squeeze %dma_wait3A_1447 : memref<1x8x56x56xf32, #tpu.memory_space<hbm>> -> memref<8x56x56xf32, #tpu.memory_space<hbm>>
    %dma_wait3A_1449 = arith.constant 0 : i32
    %dma_wait3A_1450 = arith.constant 0 : i32
    %dma_wait3A_1451 = tpu.memref_slice %arg2[%select_n3A_1280, %add3A_1300, %dma_wait3A_1449, %dma_wait3A_1450] : memref<16x192x56x56xf32, #tpu.memory_space<hbm>> -> memref<1x8x56x56xf32, #tpu.memory_space<hbm>>
    %dma_wait3A_1452 = tpu.memref_squeeze %dma_wait3A_1451 : memref<1x8x56x56xf32, #tpu.memory_space<hbm>> -> memref<8x56x56xf32, #tpu.memory_space<hbm>>
    tpu.wait_dma2 semaphore(%arg8 : memref<!tpu.dma_semaphore, #tpu.memory_space<semaphore_mem>>) src(%dma_wait3A_1452 : memref<8x56x56xf32, #tpu.memory_space<hbm>>) dst(%arg6 : memref<8x56x56xf32, #tpu.memory_space<vmem>>)
    %mul3A_1453 = arith.constant 6 : i32
    %mul3A_1454 = arith.muli %add3A, %mul3A_1453 : i32
    %add3A_1455 = arith.constant 5 : i32
    %add3A_1456 = arith.addi %mul3A_1454, %add3A_1455 : i32
    %jit3A_1457 = arith.constant 12 : i32
    %div3A_1458 = arith.divsi %add3A_1456, %jit3A_1457 : i32
    %sign3A_1459 = arith.constant 0 : i32
    %sign3A_1460 = arith.cmpi sgt, %add3A_1456, %sign3A_1459 : i32
    %sign3A_1461 = arith.extui %sign3A_1460 : i1 to i32
    %sign3A_1462 = arith.constant 0 : i32
    %sign3A_1463 = arith.cmpi slt, %add3A_1456, %sign3A_1462 : i32
    %sign3A_1464 = arith.extui %sign3A_1463 : i1 to i32
    %sign3A_1465 = arith.subi %sign3A_1461, %sign3A_1464 : i32
    %sign3A_1466 = arith.constant 0 : i32
    %sign3A_1467 = arith.cmpi sgt, %jit3A_1457, %sign3A_1466 : i32
    %sign3A_1468 = arith.extui %sign3A_1467 : i1 to i32
    %sign3A_1469 = arith.constant 0 : i32
    %sign3A_1470 = arith.cmpi slt, %jit3A_1457, %sign3A_1469 : i32
    %sign3A_1471 = arith.extui %sign3A_1470 : i1 to i32
    %sign3A_1472 = arith.subi %sign3A_1468, %sign3A_1471 : i32
    %ne3A_1473 = arith.cmpi ne, %sign3A_1465, %sign3A_1472 : i32
    %rem3A_1474 = arith.remsi %add3A_1456, %jit3A_1457 : i32
    %ne3A_1475 = arith.constant 0 : i32
    %ne3A_1476 = arith.cmpi ne, %rem3A_1474, %ne3A_1475 : i32
    %and3A_1477 = arith.andi %ne3A_1473, %ne3A_1476 : i1
    %sub3A_1478 = arith.constant 1 : i32
    %sub3A_1479 = arith.subi %div3A_1458, %sub3A_1478 : i32
    %select_n3A_1480 = arith.select %and3A_1477, %sub3A_1479, %div3A_1458 : i32
    %jit3A_1481 = arith.constant 12 : i32
    %eq3A_1482 = arith.constant 0 : i32
    %eq3A_1483 = arith.cmpi eq, %jit3A_1481, %eq3A_1482 : i32
    %jit3A_1484 = arith.constant 1 : i32
    %select_n3A_1485 = arith.select %eq3A_1483, %jit3A_1484, %jit3A_1481 : i32
    %rem3A_1486 = arith.remsi %add3A_1456, %select_n3A_1485 : i32
    %ne3A_1487 = arith.constant 0 : i32
    %ne3A_1488 = arith.cmpi ne, %rem3A_1486, %ne3A_1487 : i32
    %lt3A_1489 = arith.constant 0 : i32
    %lt3A_1490 = arith.cmpi slt, %rem3A_1486, %lt3A_1489 : i32
    %lt3A_1491 = arith.constant 0 : i32
    %lt3A_1492 = arith.cmpi slt, %select_n3A_1485, %lt3A_1491 : i32
    %ne3A_1493 = arith.xori %lt3A_1490, %lt3A_1492 : i1
    %and3A_1494 = arith.andi %ne3A_1493, %ne3A_1488 : i1
    %add3A_1495 = arith.addi %rem3A_1486, %select_n3A_1485 : i32
    %select_n3A_1496 = arith.select %and3A_1494, %add3A_1495, %rem3A_1486 : i32
    %mul3A_1497 = arith.constant 8 : i32
    %mul3A_1498 = arith.muli %select_n3A_1496, %mul3A_1497 : i32
    %add3A_1499 = arith.constant 0 : i32
    %add3A_1500 = arith.addi %add3A_1499, %mul3A_1498 : i32
    %mul3A_1501 = arith.constant 8 : i32
    %mul3A_1502 = arith.muli %select_n3A_1496, %mul3A_1501 : i32
    %dma_start3A_1503 = arith.constant 0 : i32
    %dma_start3A_1504 = arith.constant 0 : i32
    %dma_start3A_1505 = arith.constant 0 : i32
    %dma_start3A_1506 = tpu.memref_slice %arg4[%select_n3A_1480, %mul3A_1502, %dma_start3A_1503, %dma_start3A_1504, %dma_start3A_1505] : memref<16x96x2x56x56xf32, #tpu.memory_space<hbm>> -> memref<1x8x1x56x56xf32, #tpu.memory_space<hbm>>
    %dma_start3A_1507 = tpu.memref_squeeze %dma_start3A_1506 : memref<1x8x1x56x56xf32, #tpu.memory_space<hbm>> -> memref<8x56x56xf32, #tpu.memory_space<hbm>>
    %dma_start3A_1508 = arith.constant 0 : i32
    %dma_start3A_1509 = arith.constant 0 : i32
    %dma_start3A_1510 = tpu.memref_slice %arg4[%select_n3A_1480, %mul3A_1502, %dma_start3A_1503, %dma_start3A_1508, %dma_start3A_1509] : memref<16x96x2x56x56xf32, #tpu.memory_space<hbm>> -> memref<1x8x1x56x56xf32, #tpu.memory_space<hbm>>
    %dma_start3A_1511 = tpu.memref_squeeze %dma_start3A_1510 : memref<1x8x1x56x56xf32, #tpu.memory_space<hbm>> -> memref<8x56x56xf32, #tpu.memory_space<hbm>>
    tpu.enqueue_dma source(%arg6 : memref<8x56x56xf32, #tpu.memory_space<vmem>>) target(%dma_start3A_1511 : memref<8x56x56xf32, #tpu.memory_space<hbm>>) target_semaphore(%arg10 : memref<!tpu.dma_semaphore, #tpu.memory_space<semaphore_mem>>)
    %dma_wait3A_1512 = arith.constant 0 : i32
    %dma_wait3A_1513 = arith.constant 0 : i32
    %dma_wait3A_1514 = arith.constant 0 : i32
    %dma_wait3A_1515 = tpu.memref_slice %arg4[%select_n3A_1480, %mul3A_1502, %dma_wait3A_1512, %dma_wait3A_1513, %dma_wait3A_1514] : memref<16x96x2x56x56xf32, #tpu.memory_space<hbm>> -> memref<1x8x1x56x56xf32, #tpu.memory_space<hbm>>
    %dma_wait3A_1516 = tpu.memref_squeeze %dma_wait3A_1515 : memref<1x8x1x56x56xf32, #tpu.memory_space<hbm>> -> memref<8x56x56xf32, #tpu.memory_space<hbm>>
    %dma_wait3A_1517 = arith.constant 0 : i32
    %dma_wait3A_1518 = arith.constant 0 : i32
    %dma_wait3A_1519 = tpu.memref_slice %arg4[%select_n3A_1480, %mul3A_1502, %dma_wait3A_1512, %dma_wait3A_1517, %dma_wait3A_1518] : memref<16x96x2x56x56xf32, #tpu.memory_space<hbm>> -> memref<1x8x1x56x56xf32, #tpu.memory_space<hbm>>
    %dma_wait3A_1520 = tpu.memref_squeeze %dma_wait3A_1519 : memref<1x8x1x56x56xf32, #tpu.memory_space<hbm>> -> memref<8x56x56xf32, #tpu.memory_space<hbm>>
    tpu.wait_dma2 semaphore(%arg10 : memref<!tpu.dma_semaphore, #tpu.memory_space<semaphore_mem>>) src(%arg6 : memref<8x56x56xf32, #tpu.memory_space<vmem>>) dst(%dma_wait3A_1520 : memref<8x56x56xf32, #tpu.memory_space<hbm>>)
    %mul3A_1521 = arith.constant 6 : i32
    %mul3A_1522 = arith.muli %add3A, %mul3A_1521 : i32
    %add3A_1523 = arith.constant 0 : i32
    %add3A_1524 = arith.addi %mul3A_1522, %add3A_1523 : i32
    %jit3A_1525 = arith.constant 12 : i32
    %div3A_1526 = arith.divsi %add3A_1524, %jit3A_1525 : i32
    %sign3A_1527 = arith.constant 0 : i32
    %sign3A_1528 = arith.cmpi sgt, %add3A_1524, %sign3A_1527 : i32
    %sign3A_1529 = arith.extui %sign3A_1528 : i1 to i32
    %sign3A_1530 = arith.constant 0 : i32
    %sign3A_1531 = arith.cmpi slt, %add3A_1524, %sign3A_1530 : i32
    %sign3A_1532 = arith.extui %sign3A_1531 : i1 to i32
    %sign3A_1533 = arith.subi %sign3A_1529, %sign3A_1532 : i32
    %sign3A_1534 = arith.constant 0 : i32
    %sign3A_1535 = arith.cmpi sgt, %jit3A_1525, %sign3A_1534 : i32
    %sign3A_1536 = arith.extui %sign3A_1535 : i1 to i32
    %sign3A_1537 = arith.constant 0 : i32
    %sign3A_1538 = arith.cmpi slt, %jit3A_1525, %sign3A_1537 : i32
    %sign3A_1539 = arith.extui %sign3A_1538 : i1 to i32
    %sign3A_1540 = arith.subi %sign3A_1536, %sign3A_1539 : i32
    %ne3A_1541 = arith.cmpi ne, %sign3A_1533, %sign3A_1540 : i32
    %rem3A_1542 = arith.remsi %add3A_1524, %jit3A_1525 : i32
    %ne3A_1543 = arith.constant 0 : i32
    %ne3A_1544 = arith.cmpi ne, %rem3A_1542, %ne3A_1543 : i32
    %and3A_1545 = arith.andi %ne3A_1541, %ne3A_1544 : i1
    %sub3A_1546 = arith.constant 1 : i32
    %sub3A_1547 = arith.subi %div3A_1526, %sub3A_1546 : i32
    %select_n3A_1548 = arith.select %and3A_1545, %sub3A_1547, %div3A_1526 : i32
    %jit3A_1549 = arith.constant 12 : i32
    %eq3A_1550 = arith.constant 0 : i32
    %eq3A_1551 = arith.cmpi eq, %jit3A_1549, %eq3A_1550 : i32
    %jit3A_1552 = arith.constant 1 : i32
    %select_n3A_1553 = arith.select %eq3A_1551, %jit3A_1552, %jit3A_1549 : i32
    %rem3A_1554 = arith.remsi %add3A_1524, %select_n3A_1553 : i32
    %ne3A_1555 = arith.constant 0 : i32
    %ne3A_1556 = arith.cmpi ne, %rem3A_1554, %ne3A_1555 : i32
    %lt3A_1557 = arith.constant 0 : i32
    %lt3A_1558 = arith.cmpi slt, %rem3A_1554, %lt3A_1557 : i32
    %lt3A_1559 = arith.constant 0 : i32
    %lt3A_1560 = arith.cmpi slt, %select_n3A_1553, %lt3A_1559 : i32
    %ne3A_1561 = arith.xori %lt3A_1558, %lt3A_1560 : i1
    %and3A_1562 = arith.andi %ne3A_1561, %ne3A_1556 : i1
    %add3A_1563 = arith.addi %rem3A_1554, %select_n3A_1553 : i32
    %select_n3A_1564 = arith.select %and3A_1562, %add3A_1563, %rem3A_1554 : i32
    %mul3A_1565 = arith.constant 8 : i32
    %mul3A_1566 = arith.muli %select_n3A_1564, %mul3A_1565 : i32
    %add3A_1567 = arith.constant 96 : i32
    %add3A_1568 = arith.addi %add3A_1567, %mul3A_1566 : i32
    %mul3A_1569 = arith.constant 8 : i32
    %mul3A_1570 = arith.muli %select_n3A_1564, %mul3A_1569 : i32
    %dma_start3A_1571 = arith.constant 0 : i32
    %dma_start3A_1572 = arith.constant 0 : i32
    %dma_start3A_1573 = tpu.memref_slice %arg2[%select_n3A_1548, %add3A_1568, %dma_start3A_1571, %dma_start3A_1572] : memref<16x192x56x56xf32, #tpu.memory_space<hbm>> -> memref<1x8x56x56xf32, #tpu.memory_space<hbm>>
    %dma_start3A_1574 = tpu.memref_squeeze %dma_start3A_1573 : memref<1x8x56x56xf32, #tpu.memory_space<hbm>> -> memref<8x56x56xf32, #tpu.memory_space<hbm>>
    %dma_start3A_1575 = arith.constant 0 : i32
    %dma_start3A_1576 = arith.constant 0 : i32
    %dma_start3A_1577 = tpu.memref_slice %arg2[%select_n3A_1548, %add3A_1568, %dma_start3A_1575, %dma_start3A_1576] : memref<16x192x56x56xf32, #tpu.memory_space<hbm>> -> memref<1x8x56x56xf32, #tpu.memory_space<hbm>>
    %dma_start3A_1578 = tpu.memref_squeeze %dma_start3A_1577 : memref<1x8x56x56xf32, #tpu.memory_space<hbm>> -> memref<8x56x56xf32, #tpu.memory_space<hbm>>
    tpu.enqueue_dma source(%dma_start3A_1578 : memref<8x56x56xf32, #tpu.memory_space<hbm>>) target(%arg6 : memref<8x56x56xf32, #tpu.memory_space<vmem>>) target_semaphore(%arg8 : memref<!tpu.dma_semaphore, #tpu.memory_space<semaphore_mem>>)
    %dma_wait3A_1579 = arith.constant 0 : i32
    %dma_wait3A_1580 = arith.constant 0 : i32
    %dma_wait3A_1581 = tpu.memref_slice %arg3[%select_n3A_1414, %add3A_1434, %dma_wait3A_1579, %dma_wait3A_1580] : memref<16x192x56x56xf32, #tpu.memory_space<hbm>> -> memref<1x8x56x56xf32, #tpu.memory_space<hbm>>
    %dma_wait3A_1582 = tpu.memref_squeeze %dma_wait3A_1581 : memref<1x8x56x56xf32, #tpu.memory_space<hbm>> -> memref<8x56x56xf32, #tpu.memory_space<hbm>>
    %dma_wait3A_1583 = arith.constant 0 : i32
    %dma_wait3A_1584 = arith.constant 0 : i32
    %dma_wait3A_1585 = tpu.memref_slice %arg3[%select_n3A_1414, %add3A_1434, %dma_wait3A_1583, %dma_wait3A_1584] : memref<16x192x56x56xf32, #tpu.memory_space<hbm>> -> memref<1x8x56x56xf32, #tpu.memory_space<hbm>>
    %dma_wait3A_1586 = tpu.memref_squeeze %dma_wait3A_1585 : memref<1x8x56x56xf32, #tpu.memory_space<hbm>> -> memref<8x56x56xf32, #tpu.memory_space<hbm>>
    tpu.wait_dma2 semaphore(%arg9 : memref<!tpu.dma_semaphore, #tpu.memory_space<semaphore_mem>>) src(%dma_wait3A_1586 : memref<8x56x56xf32, #tpu.memory_space<hbm>>) dst(%arg7 : memref<8x56x56xf32, #tpu.memory_space<vmem>>)
    %mul3A_1587 = arith.constant 6 : i32
    %mul3A_1588 = arith.muli %add3A, %mul3A_1587 : i32
    %add3A_1589 = arith.constant 5 : i32
    %add3A_1590 = arith.addi %mul3A_1588, %add3A_1589 : i32
    %jit3A_1591 = arith.constant 12 : i32
    %div3A_1592 = arith.divsi %add3A_1590, %jit3A_1591 : i32
    %sign3A_1593 = arith.constant 0 : i32
    %sign3A_1594 = arith.cmpi sgt, %add3A_1590, %sign3A_1593 : i32
    %sign3A_1595 = arith.extui %sign3A_1594 : i1 to i32
    %sign3A_1596 = arith.constant 0 : i32
    %sign3A_1597 = arith.cmpi slt, %add3A_1590, %sign3A_1596 : i32
    %sign3A_1598 = arith.extui %sign3A_1597 : i1 to i32
    %sign3A_1599 = arith.subi %sign3A_1595, %sign3A_1598 : i32
    %sign3A_1600 = arith.constant 0 : i32
    %sign3A_1601 = arith.cmpi sgt, %jit3A_1591, %sign3A_1600 : i32
    %sign3A_1602 = arith.extui %sign3A_1601 : i1 to i32
    %sign3A_1603 = arith.constant 0 : i32
    %sign3A_1604 = arith.cmpi slt, %jit3A_1591, %sign3A_1603 : i32
    %sign3A_1605 = arith.extui %sign3A_1604 : i1 to i32
    %sign3A_1606 = arith.subi %sign3A_1602, %sign3A_1605 : i32
    %ne3A_1607 = arith.cmpi ne, %sign3A_1599, %sign3A_1606 : i32
    %rem3A_1608 = arith.remsi %add3A_1590, %jit3A_1591 : i32
    %ne3A_1609 = arith.constant 0 : i32
    %ne3A_1610 = arith.cmpi ne, %rem3A_1608, %ne3A_1609 : i32
    %and3A_1611 = arith.andi %ne3A_1607, %ne3A_1610 : i1
    %sub3A_1612 = arith.constant 1 : i32
    %sub3A_1613 = arith.subi %div3A_1592, %sub3A_1612 : i32
    %select_n3A_1614 = arith.select %and3A_1611, %sub3A_1613, %div3A_1592 : i32
    %jit3A_1615 = arith.constant 12 : i32
    %eq3A_1616 = arith.constant 0 : i32
    %eq3A_1617 = arith.cmpi eq, %jit3A_1615, %eq3A_1616 : i32
    %jit3A_1618 = arith.constant 1 : i32
    %select_n3A_1619 = arith.select %eq3A_1617, %jit3A_1618, %jit3A_1615 : i32
    %rem3A_1620 = arith.remsi %add3A_1590, %select_n3A_1619 : i32
    %ne3A_1621 = arith.constant 0 : i32
    %ne3A_1622 = arith.cmpi ne, %rem3A_1620, %ne3A_1621 : i32
    %lt3A_1623 = arith.constant 0 : i32
    %lt3A_1624 = arith.cmpi slt, %rem3A_1620, %lt3A_1623 : i32
    %lt3A_1625 = arith.constant 0 : i32
    %lt3A_1626 = arith.cmpi slt, %select_n3A_1619, %lt3A_1625 : i32
    %ne3A_1627 = arith.xori %lt3A_1624, %lt3A_1626 : i1
    %and3A_1628 = arith.andi %ne3A_1627, %ne3A_1622 : i1
    %add3A_1629 = arith.addi %rem3A_1620, %select_n3A_1619 : i32
    %select_n3A_1630 = arith.select %and3A_1628, %add3A_1629, %rem3A_1620 : i32
    %mul3A_1631 = arith.constant 8 : i32
    %mul3A_1632 = arith.muli %select_n3A_1630, %mul3A_1631 : i32
    %add3A_1633 = arith.constant 0 : i32
    %add3A_1634 = arith.addi %add3A_1633, %mul3A_1632 : i32
    %mul3A_1635 = arith.constant 8 : i32
    %mul3A_1636 = arith.muli %select_n3A_1630, %mul3A_1635 : i32
    %dma_start3A_1637 = arith.constant 1 : i32
    %dma_start3A_1638 = arith.constant 0 : i32
    %dma_start3A_1639 = arith.constant 0 : i32
    %dma_start3A_1640 = tpu.memref_slice %arg4[%select_n3A_1614, %mul3A_1636, %dma_start3A_1637, %dma_start3A_1638, %dma_start3A_1639] : memref<16x96x2x56x56xf32, #tpu.memory_space<hbm>> -> memref<1x8x1x56x56xf32, #tpu.memory_space<hbm>>
    %dma_start3A_1641 = tpu.memref_squeeze %dma_start3A_1640 : memref<1x8x1x56x56xf32, #tpu.memory_space<hbm>> -> memref<8x56x56xf32, #tpu.memory_space<hbm>>
    %dma_start3A_1642 = arith.constant 0 : i32
    %dma_start3A_1643 = arith.constant 0 : i32
    %dma_start3A_1644 = tpu.memref_slice %arg4[%select_n3A_1614, %mul3A_1636, %dma_start3A_1637, %dma_start3A_1642, %dma_start3A_1643] : memref<16x96x2x56x56xf32, #tpu.memory_space<hbm>> -> memref<1x8x1x56x56xf32, #tpu.memory_space<hbm>>
    %dma_start3A_1645 = tpu.memref_squeeze %dma_start3A_1644 : memref<1x8x1x56x56xf32, #tpu.memory_space<hbm>> -> memref<8x56x56xf32, #tpu.memory_space<hbm>>
    tpu.enqueue_dma source(%arg7 : memref<8x56x56xf32, #tpu.memory_space<vmem>>) target(%dma_start3A_1645 : memref<8x56x56xf32, #tpu.memory_space<hbm>>) target_semaphore(%arg11 : memref<!tpu.dma_semaphore, #tpu.memory_space<semaphore_mem>>)
    %dma_wait3A_1646 = arith.constant 1 : i32
    %dma_wait3A_1647 = arith.constant 0 : i32
    %dma_wait3A_1648 = arith.constant 0 : i32
    %dma_wait3A_1649 = tpu.memref_slice %arg4[%select_n3A_1614, %mul3A_1636, %dma_wait3A_1646, %dma_wait3A_1647, %dma_wait3A_1648] : memref<16x96x2x56x56xf32, #tpu.memory_space<hbm>> -> memref<1x8x1x56x56xf32, #tpu.memory_space<hbm>>
    %dma_wait3A_1650 = tpu.memref_squeeze %dma_wait3A_1649 : memref<1x8x1x56x56xf32, #tpu.memory_space<hbm>> -> memref<8x56x56xf32, #tpu.memory_space<hbm>>
    %dma_wait3A_1651 = arith.constant 0 : i32
    %dma_wait3A_1652 = arith.constant 0 : i32
    %dma_wait3A_1653 = tpu.memref_slice %arg4[%select_n3A_1614, %mul3A_1636, %dma_wait3A_1646, %dma_wait3A_1651, %dma_wait3A_1652] : memref<16x96x2x56x56xf32, #tpu.memory_space<hbm>> -> memref<1x8x1x56x56xf32, #tpu.memory_space<hbm>>
    %dma_wait3A_1654 = tpu.memref_squeeze %dma_wait3A_1653 : memref<1x8x1x56x56xf32, #tpu.memory_space<hbm>> -> memref<8x56x56xf32, #tpu.memory_space<hbm>>
    tpu.wait_dma2 semaphore(%arg11 : memref<!tpu.dma_semaphore, #tpu.memory_space<semaphore_mem>>) src(%arg7 : memref<8x56x56xf32, #tpu.memory_space<vmem>>) dst(%dma_wait3A_1654 : memref<8x56x56xf32, #tpu.memory_space<hbm>>)
    %mul3A_1655 = arith.constant 6 : i32
    %mul3A_1656 = arith.muli %add3A, %mul3A_1655 : i32
    %add3A_1657 = arith.constant 0 : i32
    %add3A_1658 = arith.addi %mul3A_1656, %add3A_1657 : i32
    %jit3A_1659 = arith.constant 12 : i32
    %div3A_1660 = arith.divsi %add3A_1658, %jit3A_1659 : i32
    %sign3A_1661 = arith.constant 0 : i32
    %sign3A_1662 = arith.cmpi sgt, %add3A_1658, %sign3A_1661 : i32
    %sign3A_1663 = arith.extui %sign3A_1662 : i1 to i32
    %sign3A_1664 = arith.constant 0 : i32
    %sign3A_1665 = arith.cmpi slt, %add3A_1658, %sign3A_1664 : i32
    %sign3A_1666 = arith.extui %sign3A_1665 : i1 to i32
    %sign3A_1667 = arith.subi %sign3A_1663, %sign3A_1666 : i32
    %sign3A_1668 = arith.constant 0 : i32
    %sign3A_1669 = arith.cmpi sgt, %jit3A_1659, %sign3A_1668 : i32
    %sign3A_1670 = arith.extui %sign3A_1669 : i1 to i32
    %sign3A_1671 = arith.constant 0 : i32
    %sign3A_1672 = arith.cmpi slt, %jit3A_1659, %sign3A_1671 : i32
    %sign3A_1673 = arith.extui %sign3A_1672 : i1 to i32
    %sign3A_1674 = arith.subi %sign3A_1670, %sign3A_1673 : i32
    %ne3A_1675 = arith.cmpi ne, %sign3A_1667, %sign3A_1674 : i32
    %rem3A_1676 = arith.remsi %add3A_1658, %jit3A_1659 : i32
    %ne3A_1677 = arith.constant 0 : i32
    %ne3A_1678 = arith.cmpi ne, %rem3A_1676, %ne3A_1677 : i32
    %and3A_1679 = arith.andi %ne3A_1675, %ne3A_1678 : i1
    %sub3A_1680 = arith.constant 1 : i32
    %sub3A_1681 = arith.subi %div3A_1660, %sub3A_1680 : i32
    %select_n3A_1682 = arith.select %and3A_1679, %sub3A_1681, %div3A_1660 : i32
    %jit3A_1683 = arith.constant 12 : i32
    %eq3A_1684 = arith.constant 0 : i32
    %eq3A_1685 = arith.cmpi eq, %jit3A_1683, %eq3A_1684 : i32
    %jit3A_1686 = arith.constant 1 : i32
    %select_n3A_1687 = arith.select %eq3A_1685, %jit3A_1686, %jit3A_1683 : i32
    %rem3A_1688 = arith.remsi %add3A_1658, %select_n3A_1687 : i32
    %ne3A_1689 = arith.constant 0 : i32
    %ne3A_1690 = arith.cmpi ne, %rem3A_1688, %ne3A_1689 : i32
    %lt3A_1691 = arith.constant 0 : i32
    %lt3A_1692 = arith.cmpi slt, %rem3A_1688, %lt3A_1691 : i32
    %lt3A_1693 = arith.constant 0 : i32
    %lt3A_1694 = arith.cmpi slt, %select_n3A_1687, %lt3A_1693 : i32
    %ne3A_1695 = arith.xori %lt3A_1692, %lt3A_1694 : i1
    %and3A_1696 = arith.andi %ne3A_1695, %ne3A_1690 : i1
    %add3A_1697 = arith.addi %rem3A_1688, %select_n3A_1687 : i32
    %select_n3A_1698 = arith.select %and3A_1696, %add3A_1697, %rem3A_1688 : i32
    %mul3A_1699 = arith.constant 8 : i32
    %mul3A_1700 = arith.muli %select_n3A_1698, %mul3A_1699 : i32
    %add3A_1701 = arith.constant 96 : i32
    %add3A_1702 = arith.addi %add3A_1701, %mul3A_1700 : i32
    %mul3A_1703 = arith.constant 8 : i32
    %mul3A_1704 = arith.muli %select_n3A_1698, %mul3A_1703 : i32
    %dma_start3A_1705 = arith.constant 0 : i32
    %dma_start3A_1706 = arith.constant 0 : i32
    %dma_start3A_1707 = tpu.memref_slice %arg3[%select_n3A_1682, %add3A_1702, %dma_start3A_1705, %dma_start3A_1706] : memref<16x192x56x56xf32, #tpu.memory_space<hbm>> -> memref<1x8x56x56xf32, #tpu.memory_space<hbm>>
    %dma_start3A_1708 = tpu.memref_squeeze %dma_start3A_1707 : memref<1x8x56x56xf32, #tpu.memory_space<hbm>> -> memref<8x56x56xf32, #tpu.memory_space<hbm>>
    %dma_start3A_1709 = arith.constant 0 : i32
    %dma_start3A_1710 = arith.constant 0 : i32
    %dma_start3A_1711 = tpu.memref_slice %arg3[%select_n3A_1682, %add3A_1702, %dma_start3A_1709, %dma_start3A_1710] : memref<16x192x56x56xf32, #tpu.memory_space<hbm>> -> memref<1x8x56x56xf32, #tpu.memory_space<hbm>>
    %dma_start3A_1712 = tpu.memref_squeeze %dma_start3A_1711 : memref<1x8x56x56xf32, #tpu.memory_space<hbm>> -> memref<8x56x56xf32, #tpu.memory_space<hbm>>
    tpu.enqueue_dma source(%dma_start3A_1712 : memref<8x56x56xf32, #tpu.memory_space<hbm>>) target(%arg7 : memref<8x56x56xf32, #tpu.memory_space<vmem>>) target_semaphore(%arg9 : memref<!tpu.dma_semaphore, #tpu.memory_space<semaphore_mem>>)
    %dma_wait3A_1713 = arith.constant 0 : i32
    %dma_wait3A_1714 = arith.constant 0 : i32
    %dma_wait3A_1715 = tpu.memref_slice %arg2[%select_n3A_1548, %add3A_1568, %dma_wait3A_1713, %dma_wait3A_1714] : memref<16x192x56x56xf32, #tpu.memory_space<hbm>> -> memref<1x8x56x56xf32, #tpu.memory_space<hbm>>
    %dma_wait3A_1716 = tpu.memref_squeeze %dma_wait3A_1715 : memref<1x8x56x56xf32, #tpu.memory_space<hbm>> -> memref<8x56x56xf32, #tpu.memory_space<hbm>>
    %dma_wait3A_1717 = arith.constant 0 : i32
    %dma_wait3A_1718 = arith.constant 0 : i32
    %dma_wait3A_1719 = tpu.memref_slice %arg2[%select_n3A_1548, %add3A_1568, %dma_wait3A_1717, %dma_wait3A_1718] : memref<16x192x56x56xf32, #tpu.memory_space<hbm>> -> memref<1x8x56x56xf32, #tpu.memory_space<hbm>>
    %dma_wait3A_1720 = tpu.memref_squeeze %dma_wait3A_1719 : memref<1x8x56x56xf32, #tpu.memory_space<hbm>> -> memref<8x56x56xf32, #tpu.memory_space<hbm>>
    tpu.wait_dma2 semaphore(%arg8 : memref<!tpu.dma_semaphore, #tpu.memory_space<semaphore_mem>>) src(%dma_wait3A_1720 : memref<8x56x56xf32, #tpu.memory_space<hbm>>) dst(%arg6 : memref<8x56x56xf32, #tpu.memory_space<vmem>>)
    %mul3A_1721 = arith.constant 6 : i32
    %mul3A_1722 = arith.muli %add3A, %mul3A_1721 : i32
    %add3A_1723 = arith.constant 0 : i32
    %add3A_1724 = arith.addi %mul3A_1722, %add3A_1723 : i32
    %jit3A_1725 = arith.constant 12 : i32
    %div3A_1726 = arith.divsi %add3A_1724, %jit3A_1725 : i32
    %sign3A_1727 = arith.constant 0 : i32
    %sign3A_1728 = arith.cmpi sgt, %add3A_1724, %sign3A_1727 : i32
    %sign3A_1729 = arith.extui %sign3A_1728 : i1 to i32
    %sign3A_1730 = arith.constant 0 : i32
    %sign3A_1731 = arith.cmpi slt, %add3A_1724, %sign3A_1730 : i32
    %sign3A_1732 = arith.extui %sign3A_1731 : i1 to i32
    %sign3A_1733 = arith.subi %sign3A_1729, %sign3A_1732 : i32
    %sign3A_1734 = arith.constant 0 : i32
    %sign3A_1735 = arith.cmpi sgt, %jit3A_1725, %sign3A_1734 : i32
    %sign3A_1736 = arith.extui %sign3A_1735 : i1 to i32
    %sign3A_1737 = arith.constant 0 : i32
    %sign3A_1738 = arith.cmpi slt, %jit3A_1725, %sign3A_1737 : i32
    %sign3A_1739 = arith.extui %sign3A_1738 : i1 to i32
    %sign3A_1740 = arith.subi %sign3A_1736, %sign3A_1739 : i32
    %ne3A_1741 = arith.cmpi ne, %sign3A_1733, %sign3A_1740 : i32
    %rem3A_1742 = arith.remsi %add3A_1724, %jit3A_1725 : i32
    %ne3A_1743 = arith.constant 0 : i32
    %ne3A_1744 = arith.cmpi ne, %rem3A_1742, %ne3A_1743 : i32
    %and3A_1745 = arith.andi %ne3A_1741, %ne3A_1744 : i1
    %sub3A_1746 = arith.constant 1 : i32
    %sub3A_1747 = arith.subi %div3A_1726, %sub3A_1746 : i32
    %select_n3A_1748 = arith.select %and3A_1745, %sub3A_1747, %div3A_1726 : i32
    %jit3A_1749 = arith.constant 12 : i32
    %eq3A_1750 = arith.constant 0 : i32
    %eq3A_1751 = arith.cmpi eq, %jit3A_1749, %eq3A_1750 : i32
    %jit3A_1752 = arith.constant 1 : i32
    %select_n3A_1753 = arith.select %eq3A_1751, %jit3A_1752, %jit3A_1749 : i32
    %rem3A_1754 = arith.remsi %add3A_1724, %select_n3A_1753 : i32
    %ne3A_1755 = arith.constant 0 : i32
    %ne3A_1756 = arith.cmpi ne, %rem3A_1754, %ne3A_1755 : i32
    %lt3A_1757 = arith.constant 0 : i32
    %lt3A_1758 = arith.cmpi slt, %rem3A_1754, %lt3A_1757 : i32
    %lt3A_1759 = arith.constant 0 : i32
    %lt3A_1760 = arith.cmpi slt, %select_n3A_1753, %lt3A_1759 : i32
    %ne3A_1761 = arith.xori %lt3A_1758, %lt3A_1760 : i1
    %and3A_1762 = arith.andi %ne3A_1761, %ne3A_1756 : i1
    %add3A_1763 = arith.addi %rem3A_1754, %select_n3A_1753 : i32
    %select_n3A_1764 = arith.select %and3A_1762, %add3A_1763, %rem3A_1754 : i32
    %mul3A_1765 = arith.constant 8 : i32
    %mul3A_1766 = arith.muli %select_n3A_1764, %mul3A_1765 : i32
    %add3A_1767 = arith.constant 96 : i32
    %add3A_1768 = arith.addi %add3A_1767, %mul3A_1766 : i32
    %mul3A_1769 = arith.constant 8 : i32
    %mul3A_1770 = arith.muli %select_n3A_1764, %mul3A_1769 : i32
    %dma_start3A_1771 = arith.constant 0 : i32
    %dma_start3A_1772 = arith.constant 0 : i32
    %dma_start3A_1773 = arith.constant 0 : i32
    %dma_start3A_1774 = tpu.memref_slice %arg5[%select_n3A_1748, %mul3A_1770, %dma_start3A_1771, %dma_start3A_1772, %dma_start3A_1773] : memref<16x96x2x56x56xf32, #tpu.memory_space<hbm>> -> memref<1x8x1x56x56xf32, #tpu.memory_space<hbm>>
    %dma_start3A_1775 = tpu.memref_squeeze %dma_start3A_1774 : memref<1x8x1x56x56xf32, #tpu.memory_space<hbm>> -> memref<8x56x56xf32, #tpu.memory_space<hbm>>
    %dma_start3A_1776 = arith.constant 0 : i32
    %dma_start3A_1777 = arith.constant 0 : i32
    %dma_start3A_1778 = tpu.memref_slice %arg5[%select_n3A_1748, %mul3A_1770, %dma_start3A_1771, %dma_start3A_1776, %dma_start3A_1777] : memref<16x96x2x56x56xf32, #tpu.memory_space<hbm>> -> memref<1x8x1x56x56xf32, #tpu.memory_space<hbm>>
    %dma_start3A_1779 = tpu.memref_squeeze %dma_start3A_1778 : memref<1x8x1x56x56xf32, #tpu.memory_space<hbm>> -> memref<8x56x56xf32, #tpu.memory_space<hbm>>
    tpu.enqueue_dma source(%arg6 : memref<8x56x56xf32, #tpu.memory_space<vmem>>) target(%dma_start3A_1779 : memref<8x56x56xf32, #tpu.memory_space<hbm>>) target_semaphore(%arg10 : memref<!tpu.dma_semaphore, #tpu.memory_space<semaphore_mem>>)
    %dma_wait3A_1780 = arith.constant 0 : i32
    %dma_wait3A_1781 = arith.constant 0 : i32
    %dma_wait3A_1782 = arith.constant 0 : i32
    %dma_wait3A_1783 = tpu.memref_slice %arg5[%select_n3A_1748, %mul3A_1770, %dma_wait3A_1780, %dma_wait3A_1781, %dma_wait3A_1782] : memref<16x96x2x56x56xf32, #tpu.memory_space<hbm>> -> memref<1x8x1x56x56xf32, #tpu.memory_space<hbm>>
    %dma_wait3A_1784 = tpu.memref_squeeze %dma_wait3A_1783 : memref<1x8x1x56x56xf32, #tpu.memory_space<hbm>> -> memref<8x56x56xf32, #tpu.memory_space<hbm>>
    %dma_wait3A_1785 = arith.constant 0 : i32
    %dma_wait3A_1786 = arith.constant 0 : i32
    %dma_wait3A_1787 = tpu.memref_slice %arg5[%select_n3A_1748, %mul3A_1770, %dma_wait3A_1780, %dma_wait3A_1785, %dma_wait3A_1786] : memref<16x96x2x56x56xf32, #tpu.memory_space<hbm>> -> memref<1x8x1x56x56xf32, #tpu.memory_space<hbm>>
    %dma_wait3A_1788 = tpu.memref_squeeze %dma_wait3A_1787 : memref<1x8x1x56x56xf32, #tpu.memory_space<hbm>> -> memref<8x56x56xf32, #tpu.memory_space<hbm>>
    tpu.wait_dma2 semaphore(%arg10 : memref<!tpu.dma_semaphore, #tpu.memory_space<semaphore_mem>>) src(%arg6 : memref<8x56x56xf32, #tpu.memory_space<vmem>>) dst(%dma_wait3A_1788 : memref<8x56x56xf32, #tpu.memory_space<hbm>>)
    %mul3A_1789 = arith.constant 6 : i32
    %mul3A_1790 = arith.muli %add3A, %mul3A_1789 : i32
    %add3A_1791 = arith.constant 1 : i32
    %add3A_1792 = arith.addi %mul3A_1790, %add3A_1791 : i32
    %jit3A_1793 = arith.constant 12 : i32
    %div3A_1794 = arith.divsi %add3A_1792, %jit3A_1793 : i32
    %sign3A_1795 = arith.constant 0 : i32
    %sign3A_1796 = arith.cmpi sgt, %add3A_1792, %sign3A_1795 : i32
    %sign3A_1797 = arith.extui %sign3A_1796 : i1 to i32
    %sign3A_1798 = arith.constant 0 : i32
    %sign3A_1799 = arith.cmpi slt, %add3A_1792, %sign3A_1798 : i32
    %sign3A_1800 = arith.extui %sign3A_1799 : i1 to i32
    %sign3A_1801 = arith.subi %sign3A_1797, %sign3A_1800 : i32
    %sign3A_1802 = arith.constant 0 : i32
    %sign3A_1803 = arith.cmpi sgt, %jit3A_1793, %sign3A_1802 : i32
    %sign3A_1804 = arith.extui %sign3A_1803 : i1 to i32
    %sign3A_1805 = arith.constant 0 : i32
    %sign3A_1806 = arith.cmpi slt, %jit3A_1793, %sign3A_1805 : i32
    %sign3A_1807 = arith.extui %sign3A_1806 : i1 to i32
    %sign3A_1808 = arith.subi %sign3A_1804, %sign3A_1807 : i32
    %ne3A_1809 = arith.cmpi ne, %sign3A_1801, %sign3A_1808 : i32
    %rem3A_1810 = arith.remsi %add3A_1792, %jit3A_1793 : i32
    %ne3A_1811 = arith.constant 0 : i32
    %ne3A_1812 = arith.cmpi ne, %rem3A_1810, %ne3A_1811 : i32
    %and3A_1813 = arith.andi %ne3A_1809, %ne3A_1812 : i1
    %sub3A_1814 = arith.constant 1 : i32
    %sub3A_1815 = arith.subi %div3A_1794, %sub3A_1814 : i32
    %select_n3A_1816 = arith.select %and3A_1813, %sub3A_1815, %div3A_1794 : i32
    %jit3A_1817 = arith.constant 12 : i32
    %eq3A_1818 = arith.constant 0 : i32
    %eq3A_1819 = arith.cmpi eq, %jit3A_1817, %eq3A_1818 : i32
    %jit3A_1820 = arith.constant 1 : i32
    %select_n3A_1821 = arith.select %eq3A_1819, %jit3A_1820, %jit3A_1817 : i32
    %rem3A_1822 = arith.remsi %add3A_1792, %select_n3A_1821 : i32
    %ne3A_1823 = arith.constant 0 : i32
    %ne3A_1824 = arith.cmpi ne, %rem3A_1822, %ne3A_1823 : i32
    %lt3A_1825 = arith.constant 0 : i32
    %lt3A_1826 = arith.cmpi slt, %rem3A_1822, %lt3A_1825 : i32
    %lt3A_1827 = arith.constant 0 : i32
    %lt3A_1828 = arith.cmpi slt, %select_n3A_1821, %lt3A_1827 : i32
    %ne3A_1829 = arith.xori %lt3A_1826, %lt3A_1828 : i1
    %and3A_1830 = arith.andi %ne3A_1829, %ne3A_1824 : i1
    %add3A_1831 = arith.addi %rem3A_1822, %select_n3A_1821 : i32
    %select_n3A_1832 = arith.select %and3A_1830, %add3A_1831, %rem3A_1822 : i32
    %mul3A_1833 = arith.constant 8 : i32
    %mul3A_1834 = arith.muli %select_n3A_1832, %mul3A_1833 : i32
    %add3A_1835 = arith.constant 96 : i32
    %add3A_1836 = arith.addi %add3A_1835, %mul3A_1834 : i32
    %mul3A_1837 = arith.constant 8 : i32
    %mul3A_1838 = arith.muli %select_n3A_1832, %mul3A_1837 : i32
    %dma_start3A_1839 = arith.constant 0 : i32
    %dma_start3A_1840 = arith.constant 0 : i32
    %dma_start3A_1841 = tpu.memref_slice %arg2[%select_n3A_1816, %add3A_1836, %dma_start3A_1839, %dma_start3A_1840] : memref<16x192x56x56xf32, #tpu.memory_space<hbm>> -> memref<1x8x56x56xf32, #tpu.memory_space<hbm>>
    %dma_start3A_1842 = tpu.memref_squeeze %dma_start3A_1841 : memref<1x8x56x56xf32, #tpu.memory_space<hbm>> -> memref<8x56x56xf32, #tpu.memory_space<hbm>>
    %dma_start3A_1843 = arith.constant 0 : i32
    %dma_start3A_1844 = arith.constant 0 : i32
    %dma_start3A_1845 = tpu.memref_slice %arg2[%select_n3A_1816, %add3A_1836, %dma_start3A_1843, %dma_start3A_1844] : memref<16x192x56x56xf32, #tpu.memory_space<hbm>> -> memref<1x8x56x56xf32, #tpu.memory_space<hbm>>
    %dma_start3A_1846 = tpu.memref_squeeze %dma_start3A_1845 : memref<1x8x56x56xf32, #tpu.memory_space<hbm>> -> memref<8x56x56xf32, #tpu.memory_space<hbm>>
    tpu.enqueue_dma source(%dma_start3A_1846 : memref<8x56x56xf32, #tpu.memory_space<hbm>>) target(%arg6 : memref<8x56x56xf32, #tpu.memory_space<vmem>>) target_semaphore(%arg8 : memref<!tpu.dma_semaphore, #tpu.memory_space<semaphore_mem>>)
    %dma_wait3A_1847 = arith.constant 0 : i32
    %dma_wait3A_1848 = arith.constant 0 : i32
    %dma_wait3A_1849 = tpu.memref_slice %arg3[%select_n3A_1682, %add3A_1702, %dma_wait3A_1847, %dma_wait3A_1848] : memref<16x192x56x56xf32, #tpu.memory_space<hbm>> -> memref<1x8x56x56xf32, #tpu.memory_space<hbm>>
    %dma_wait3A_1850 = tpu.memref_squeeze %dma_wait3A_1849 : memref<1x8x56x56xf32, #tpu.memory_space<hbm>> -> memref<8x56x56xf32, #tpu.memory_space<hbm>>
    %dma_wait3A_1851 = arith.constant 0 : i32
    %dma_wait3A_1852 = arith.constant 0 : i32
    %dma_wait3A_1853 = tpu.memref_slice %arg3[%select_n3A_1682, %add3A_1702, %dma_wait3A_1851, %dma_wait3A_1852] : memref<16x192x56x56xf32, #tpu.memory_space<hbm>> -> memref<1x8x56x56xf32, #tpu.memory_space<hbm>>
    %dma_wait3A_1854 = tpu.memref_squeeze %dma_wait3A_1853 : memref<1x8x56x56xf32, #tpu.memory_space<hbm>> -> memref<8x56x56xf32, #tpu.memory_space<hbm>>
    tpu.wait_dma2 semaphore(%arg9 : memref<!tpu.dma_semaphore, #tpu.memory_space<semaphore_mem>>) src(%dma_wait3A_1854 : memref<8x56x56xf32, #tpu.memory_space<hbm>>) dst(%arg7 : memref<8x56x56xf32, #tpu.memory_space<vmem>>)
    %mul3A_1855 = arith.constant 6 : i32
    %mul3A_1856 = arith.muli %add3A, %mul3A_1855 : i32
    %add3A_1857 = arith.constant 0 : i32
    %add3A_1858 = arith.addi %mul3A_1856, %add3A_1857 : i32
    %jit3A_1859 = arith.constant 12 : i32
    %div3A_1860 = arith.divsi %add3A_1858, %jit3A_1859 : i32
    %sign3A_1861 = arith.constant 0 : i32
    %sign3A_1862 = arith.cmpi sgt, %add3A_1858, %sign3A_1861 : i32
    %sign3A_1863 = arith.extui %sign3A_1862 : i1 to i32
    %sign3A_1864 = arith.constant 0 : i32
    %sign3A_1865 = arith.cmpi slt, %add3A_1858, %sign3A_1864 : i32
    %sign3A_1866 = arith.extui %sign3A_1865 : i1 to i32
    %sign3A_1867 = arith.subi %sign3A_1863, %sign3A_1866 : i32
    %sign3A_1868 = arith.constant 0 : i32
    %sign3A_1869 = arith.cmpi sgt, %jit3A_1859, %sign3A_1868 : i32
    %sign3A_1870 = arith.extui %sign3A_1869 : i1 to i32
    %sign3A_1871 = arith.constant 0 : i32
    %sign3A_1872 = arith.cmpi slt, %jit3A_1859, %sign3A_1871 : i32
    %sign3A_1873 = arith.extui %sign3A_1872 : i1 to i32
    %sign3A_1874 = arith.subi %sign3A_1870, %sign3A_1873 : i32
    %ne3A_1875 = arith.cmpi ne, %sign3A_1867, %sign3A_1874 : i32
    %rem3A_1876 = arith.remsi %add3A_1858, %jit3A_1859 : i32
    %ne3A_1877 = arith.constant 0 : i32
    %ne3A_1878 = arith.cmpi ne, %rem3A_1876, %ne3A_1877 : i32
    %and3A_1879 = arith.andi %ne3A_1875, %ne3A_1878 : i1
    %sub3A_1880 = arith.constant 1 : i32
    %sub3A_1881 = arith.subi %div3A_1860, %sub3A_1880 : i32
    %select_n3A_1882 = arith.select %and3A_1879, %sub3A_1881, %div3A_1860 : i32
    %jit3A_1883 = arith.constant 12 : i32
    %eq3A_1884 = arith.constant 0 : i32
    %eq3A_1885 = arith.cmpi eq, %jit3A_1883, %eq3A_1884 : i32
    %jit3A_1886 = arith.constant 1 : i32
    %select_n3A_1887 = arith.select %eq3A_1885, %jit3A_1886, %jit3A_1883 : i32
    %rem3A_1888 = arith.remsi %add3A_1858, %select_n3A_1887 : i32
    %ne3A_1889 = arith.constant 0 : i32
    %ne3A_1890 = arith.cmpi ne, %rem3A_1888, %ne3A_1889 : i32
    %lt3A_1891 = arith.constant 0 : i32
    %lt3A_1892 = arith.cmpi slt, %rem3A_1888, %lt3A_1891 : i32
    %lt3A_1893 = arith.constant 0 : i32
    %lt3A_1894 = arith.cmpi slt, %select_n3A_1887, %lt3A_1893 : i32
    %ne3A_1895 = arith.xori %lt3A_1892, %lt3A_1894 : i1
    %and3A_1896 = arith.andi %ne3A_1895, %ne3A_1890 : i1
    %add3A_1897 = arith.addi %rem3A_1888, %select_n3A_1887 : i32
    %select_n3A_1898 = arith.select %and3A_1896, %add3A_1897, %rem3A_1888 : i32
    %mul3A_1899 = arith.constant 8 : i32
    %mul3A_1900 = arith.muli %select_n3A_1898, %mul3A_1899 : i32
    %add3A_1901 = arith.constant 96 : i32
    %add3A_1902 = arith.addi %add3A_1901, %mul3A_1900 : i32
    %mul3A_1903 = arith.constant 8 : i32
    %mul3A_1904 = arith.muli %select_n3A_1898, %mul3A_1903 : i32
    %dma_start3A_1905 = arith.constant 1 : i32
    %dma_start3A_1906 = arith.constant 0 : i32
    %dma_start3A_1907 = arith.constant 0 : i32
    %dma_start3A_1908 = tpu.memref_slice %arg5[%select_n3A_1882, %mul3A_1904, %dma_start3A_1905, %dma_start3A_1906, %dma_start3A_1907] : memref<16x96x2x56x56xf32, #tpu.memory_space<hbm>> -> memref<1x8x1x56x56xf32, #tpu.memory_space<hbm>>
    %dma_start3A_1909 = tpu.memref_squeeze %dma_start3A_1908 : memref<1x8x1x56x56xf32, #tpu.memory_space<hbm>> -> memref<8x56x56xf32, #tpu.memory_space<hbm>>
    %dma_start3A_1910 = arith.constant 0 : i32
    %dma_start3A_1911 = arith.constant 0 : i32
    %dma_start3A_1912 = tpu.memref_slice %arg5[%select_n3A_1882, %mul3A_1904, %dma_start3A_1905, %dma_start3A_1910, %dma_start3A_1911] : memref<16x96x2x56x56xf32, #tpu.memory_space<hbm>> -> memref<1x8x1x56x56xf32, #tpu.memory_space<hbm>>
    %dma_start3A_1913 = tpu.memref_squeeze %dma_start3A_1912 : memref<1x8x1x56x56xf32, #tpu.memory_space<hbm>> -> memref<8x56x56xf32, #tpu.memory_space<hbm>>
    tpu.enqueue_dma source(%arg7 : memref<8x56x56xf32, #tpu.memory_space<vmem>>) target(%dma_start3A_1913 : memref<8x56x56xf32, #tpu.memory_space<hbm>>) target_semaphore(%arg11 : memref<!tpu.dma_semaphore, #tpu.memory_space<semaphore_mem>>)
    %dma_wait3A_1914 = arith.constant 1 : i32
    %dma_wait3A_1915 = arith.constant 0 : i32
    %dma_wait3A_1916 = arith.constant 0 : i32
    %dma_wait3A_1917 = tpu.memref_slice %arg5[%select_n3A_1882, %mul3A_1904, %dma_wait3A_1914, %dma_wait3A_1915, %dma_wait3A_1916] : memref<16x96x2x56x56xf32, #tpu.memory_space<hbm>> -> memref<1x8x1x56x56xf32, #tpu.memory_space<hbm>>
    %dma_wait3A_1918 = tpu.memref_squeeze %dma_wait3A_1917 : memref<1x8x1x56x56xf32, #tpu.memory_space<hbm>> -> memref<8x56x56xf32, #tpu.memory_space<hbm>>
    %dma_wait3A_1919 = arith.constant 0 : i32
    %dma_wait3A_1920 = arith.constant 0 : i32
    %dma_wait3A_1921 = tpu.memref_slice %arg5[%select_n3A_1882, %mul3A_1904, %dma_wait3A_1914, %dma_wait3A_1919, %dma_wait3A_1920] : memref<16x96x2x56x56xf32, #tpu.memory_space<hbm>> -> memref<1x8x1x56x56xf32, #tpu.memory_space<hbm>>
    %dma_wait3A_1922 = tpu.memref_squeeze %dma_wait3A_1921 : memref<1x8x1x56x56xf32, #tpu.memory_space<hbm>> -> memref<8x56x56xf32, #tpu.memory_space<hbm>>
    tpu.wait_dma2 semaphore(%arg11 : memref<!tpu.dma_semaphore, #tpu.memory_space<semaphore_mem>>) src(%arg7 : memref<8x56x56xf32, #tpu.memory_space<vmem>>) dst(%dma_wait3A_1922 : memref<8x56x56xf32, #tpu.memory_space<hbm>>)
    %mul3A_1923 = arith.constant 6 : i32
    %mul3A_1924 = arith.muli %add3A, %mul3A_1923 : i32
    %add3A_1925 = arith.constant 1 : i32
    %add3A_1926 = arith.addi %mul3A_1924, %add3A_1925 : i32
    %jit3A_1927 = arith.constant 12 : i32
    %div3A_1928 = arith.divsi %add3A_1926, %jit3A_1927 : i32
    %sign3A_1929 = arith.constant 0 : i32
    %sign3A_1930 = arith.cmpi sgt, %add3A_1926, %sign3A_1929 : i32
    %sign3A_1931 = arith.extui %sign3A_1930 : i1 to i32
    %sign3A_1932 = arith.constant 0 : i32
    %sign3A_1933 = arith.cmpi slt, %add3A_1926, %sign3A_1932 : i32
    %sign3A_1934 = arith.extui %sign3A_1933 : i1 to i32
    %sign3A_1935 = arith.subi %sign3A_1931, %sign3A_1934 : i32
    %sign3A_1936 = arith.constant 0 : i32
    %sign3A_1937 = arith.cmpi sgt, %jit3A_1927, %sign3A_1936 : i32
    %sign3A_1938 = arith.extui %sign3A_1937 : i1 to i32
    %sign3A_1939 = arith.constant 0 : i32
    %sign3A_1940 = arith.cmpi slt, %jit3A_1927, %sign3A_1939 : i32
    %sign3A_1941 = arith.extui %sign3A_1940 : i1 to i32
    %sign3A_1942 = arith.subi %sign3A_1938, %sign3A_1941 : i32
    %ne3A_1943 = arith.cmpi ne, %sign3A_1935, %sign3A_1942 : i32
    %rem3A_1944 = arith.remsi %add3A_1926, %jit3A_1927 : i32
    %ne3A_1945 = arith.constant 0 : i32
    %ne3A_1946 = arith.cmpi ne, %rem3A_1944, %ne3A_1945 : i32
    %and3A_1947 = arith.andi %ne3A_1943, %ne3A_1946 : i1
    %sub3A_1948 = arith.constant 1 : i32
    %sub3A_1949 = arith.subi %div3A_1928, %sub3A_1948 : i32
    %select_n3A_1950 = arith.select %and3A_1947, %sub3A_1949, %div3A_1928 : i32
    %jit3A_1951 = arith.constant 12 : i32
    %eq3A_1952 = arith.constant 0 : i32
    %eq3A_1953 = arith.cmpi eq, %jit3A_1951, %eq3A_1952 : i32
    %jit3A_1954 = arith.constant 1 : i32
    %select_n3A_1955 = arith.select %eq3A_1953, %jit3A_1954, %jit3A_1951 : i32
    %rem3A_1956 = arith.remsi %add3A_1926, %select_n3A_1955 : i32
    %ne3A_1957 = arith.constant 0 : i32
    %ne3A_1958 = arith.cmpi ne, %rem3A_1956, %ne3A_1957 : i32
    %lt3A_1959 = arith.constant 0 : i32
    %lt3A_1960 = arith.cmpi slt, %rem3A_1956, %lt3A_1959 : i32
    %lt3A_1961 = arith.constant 0 : i32
    %lt3A_1962 = arith.cmpi slt, %select_n3A_1955, %lt3A_1961 : i32
    %ne3A_1963 = arith.xori %lt3A_1960, %lt3A_1962 : i1
    %and3A_1964 = arith.andi %ne3A_1963, %ne3A_1958 : i1
    %add3A_1965 = arith.addi %rem3A_1956, %select_n3A_1955 : i32
    %select_n3A_1966 = arith.select %and3A_1964, %add3A_1965, %rem3A_1956 : i32
    %mul3A_1967 = arith.constant 8 : i32
    %mul3A_1968 = arith.muli %select_n3A_1966, %mul3A_1967 : i32
    %add3A_1969 = arith.constant 96 : i32
    %add3A_1970 = arith.addi %add3A_1969, %mul3A_1968 : i32
    %mul3A_1971 = arith.constant 8 : i32
    %mul3A_1972 = arith.muli %select_n3A_1966, %mul3A_1971 : i32
    %dma_start3A_1973 = arith.constant 0 : i32
    %dma_start3A_1974 = arith.constant 0 : i32
    %dma_start3A_1975 = tpu.memref_slice %arg3[%select_n3A_1950, %add3A_1970, %dma_start3A_1973, %dma_start3A_1974] : memref<16x192x56x56xf32, #tpu.memory_space<hbm>> -> memref<1x8x56x56xf32, #tpu.memory_space<hbm>>
    %dma_start3A_1976 = tpu.memref_squeeze %dma_start3A_1975 : memref<1x8x56x56xf32, #tpu.memory_space<hbm>> -> memref<8x56x56xf32, #tpu.memory_space<hbm>>
    %dma_start3A_1977 = arith.constant 0 : i32
    %dma_start3A_1978 = arith.constant 0 : i32
    %dma_start3A_1979 = tpu.memref_slice %arg3[%select_n3A_1950, %add3A_1970, %dma_start3A_1977, %dma_start3A_1978] : memref<16x192x56x56xf32, #tpu.memory_space<hbm>> -> memref<1x8x56x56xf32, #tpu.memory_space<hbm>>
    %dma_start3A_1980 = tpu.memref_squeeze %dma_start3A_1979 : memref<1x8x56x56xf32, #tpu.memory_space<hbm>> -> memref<8x56x56xf32, #tpu.memory_space<hbm>>
    tpu.enqueue_dma source(%dma_start3A_1980 : memref<8x56x56xf32, #tpu.memory_space<hbm>>) target(%arg7 : memref<8x56x56xf32, #tpu.memory_space<vmem>>) target_semaphore(%arg9 : memref<!tpu.dma_semaphore, #tpu.memory_space<semaphore_mem>>)
    %dma_wait3A_1981 = arith.constant 0 : i32
    %dma_wait3A_1982 = arith.constant 0 : i32
    %dma_wait3A_1983 = tpu.memref_slice %arg2[%select_n3A_1816, %add3A_1836, %dma_wait3A_1981, %dma_wait3A_1982] : memref<16x192x56x56xf32, #tpu.memory_space<hbm>> -> memref<1x8x56x56xf32, #tpu.memory_space<hbm>>
    %dma_wait3A_1984 = tpu.memref_squeeze %dma_wait3A_1983 : memref<1x8x56x56xf32, #tpu.memory_space<hbm>> -> memref<8x56x56xf32, #tpu.memory_space<hbm>>
    %dma_wait3A_1985 = arith.constant 0 : i32
    %dma_wait3A_1986 = arith.constant 0 : i32
    %dma_wait3A_1987 = tpu.memref_slice %arg2[%select_n3A_1816, %add3A_1836, %dma_wait3A_1985, %dma_wait3A_1986] : memref<16x192x56x56xf32, #tpu.memory_space<hbm>> -> memref<1x8x56x56xf32, #tpu.memory_space<hbm>>
    %dma_wait3A_1988 = tpu.memref_squeeze %dma_wait3A_1987 : memref<1x8x56x56xf32, #tpu.memory_space<hbm>> -> memref<8x56x56xf32, #tpu.memory_space<hbm>>
    tpu.wait_dma2 semaphore(%arg8 : memref<!tpu.dma_semaphore, #tpu.memory_space<semaphore_mem>>) src(%dma_wait3A_1988 : memref<8x56x56xf32, #tpu.memory_space<hbm>>) dst(%arg6 : memref<8x56x56xf32, #tpu.memory_space<vmem>>)
    %mul3A_1989 = arith.constant 6 : i32
    %mul3A_1990 = arith.muli %add3A, %mul3A_1989 : i32
    %add3A_1991 = arith.constant 1 : i32
    %add3A_1992 = arith.addi %mul3A_1990, %add3A_1991 : i32
    %jit3A_1993 = arith.constant 12 : i32
    %div3A_1994 = arith.divsi %add3A_1992, %jit3A_1993 : i32
    %sign3A_1995 = arith.constant 0 : i32
    %sign3A_1996 = arith.cmpi sgt, %add3A_1992, %sign3A_1995 : i32
    %sign3A_1997 = arith.extui %sign3A_1996 : i1 to i32
    %sign3A_1998 = arith.constant 0 : i32
    %sign3A_1999 = arith.cmpi slt, %add3A_1992, %sign3A_1998 : i32
    %sign3A_2000 = arith.extui %sign3A_1999 : i1 to i32
    %sign3A_2001 = arith.subi %sign3A_1997, %sign3A_2000 : i32
    %sign3A_2002 = arith.constant 0 : i32
    %sign3A_2003 = arith.cmpi sgt, %jit3A_1993, %sign3A_2002 : i32
    %sign3A_2004 = arith.extui %sign3A_2003 : i1 to i32
    %sign3A_2005 = arith.constant 0 : i32
    %sign3A_2006 = arith.cmpi slt, %jit3A_1993, %sign3A_2005 : i32
    %sign3A_2007 = arith.extui %sign3A_2006 : i1 to i32
    %sign3A_2008 = arith.subi %sign3A_2004, %sign3A_2007 : i32
    %ne3A_2009 = arith.cmpi ne, %sign3A_2001, %sign3A_2008 : i32
    %rem3A_2010 = arith.remsi %add3A_1992, %jit3A_1993 : i32
    %ne3A_2011 = arith.constant 0 : i32
    %ne3A_2012 = arith.cmpi ne, %rem3A_2010, %ne3A_2011 : i32
    %and3A_2013 = arith.andi %ne3A_2009, %ne3A_2012 : i1
    %sub3A_2014 = arith.constant 1 : i32
    %sub3A_2015 = arith.subi %div3A_1994, %sub3A_2014 : i32
    %select_n3A_2016 = arith.select %and3A_2013, %sub3A_2015, %div3A_1994 : i32
    %jit3A_2017 = arith.constant 12 : i32
    %eq3A_2018 = arith.constant 0 : i32
    %eq3A_2019 = arith.cmpi eq, %jit3A_2017, %eq3A_2018 : i32
    %jit3A_2020 = arith.constant 1 : i32
    %select_n3A_2021 = arith.select %eq3A_2019, %jit3A_2020, %jit3A_2017 : i32
    %rem3A_2022 = arith.remsi %add3A_1992, %select_n3A_2021 : i32
    %ne3A_2023 = arith.constant 0 : i32
    %ne3A_2024 = arith.cmpi ne, %rem3A_2022, %ne3A_2023 : i32
    %lt3A_2025 = arith.constant 0 : i32
    %lt3A_2026 = arith.cmpi slt, %rem3A_2022, %lt3A_2025 : i32
    %lt3A_2027 = arith.constant 0 : i32
    %lt3A_2028 = arith.cmpi slt, %select_n3A_2021, %lt3A_2027 : i32
    %ne3A_2029 = arith.xori %lt3A_2026, %lt3A_2028 : i1
    %and3A_2030 = arith.andi %ne3A_2029, %ne3A_2024 : i1
    %add3A_2031 = arith.addi %rem3A_2022, %select_n3A_2021 : i32
    %select_n3A_2032 = arith.select %and3A_2030, %add3A_2031, %rem3A_2022 : i32
    %mul3A_2033 = arith.constant 8 : i32
    %mul3A_2034 = arith.muli %select_n3A_2032, %mul3A_2033 : i32
    %add3A_2035 = arith.constant 96 : i32
    %add3A_2036 = arith.addi %add3A_2035, %mul3A_2034 : i32
    %mul3A_2037 = arith.constant 8 : i32
    %mul3A_2038 = arith.muli %select_n3A_2032, %mul3A_2037 : i32
    %dma_start3A_2039 = arith.constant 0 : i32
    %dma_start3A_2040 = arith.constant 0 : i32
    %dma_start3A_2041 = arith.constant 0 : i32
    %dma_start3A_2042 = tpu.memref_slice %arg5[%select_n3A_2016, %mul3A_2038, %dma_start3A_2039, %dma_start3A_2040, %dma_start3A_2041] : memref<16x96x2x56x56xf32, #tpu.memory_space<hbm>> -> memref<1x8x1x56x56xf32, #tpu.memory_space<hbm>>
    %dma_start3A_2043 = tpu.memref_squeeze %dma_start3A_2042 : memref<1x8x1x56x56xf32, #tpu.memory_space<hbm>> -> memref<8x56x56xf32, #tpu.memory_space<hbm>>
    %dma_start3A_2044 = arith.constant 0 : i32
    %dma_start3A_2045 = arith.constant 0 : i32
    %dma_start3A_2046 = tpu.memref_slice %arg5[%select_n3A_2016, %mul3A_2038, %dma_start3A_2039, %dma_start3A_2044, %dma_start3A_2045] : memref<16x96x2x56x56xf32, #tpu.memory_space<hbm>> -> memref<1x8x1x56x56xf32, #tpu.memory_space<hbm>>
    %dma_start3A_2047 = tpu.memref_squeeze %dma_start3A_2046 : memref<1x8x1x56x56xf32, #tpu.memory_space<hbm>> -> memref<8x56x56xf32, #tpu.memory_space<hbm>>
    tpu.enqueue_dma source(%arg6 : memref<8x56x56xf32, #tpu.memory_space<vmem>>) target(%dma_start3A_2047 : memref<8x56x56xf32, #tpu.memory_space<hbm>>) target_semaphore(%arg10 : memref<!tpu.dma_semaphore, #tpu.memory_space<semaphore_mem>>)
    %dma_wait3A_2048 = arith.constant 0 : i32
    %dma_wait3A_2049 = arith.constant 0 : i32
    %dma_wait3A_2050 = arith.constant 0 : i32
    %dma_wait3A_2051 = tpu.memref_slice %arg5[%select_n3A_2016, %mul3A_2038, %dma_wait3A_2048, %dma_wait3A_2049, %dma_wait3A_2050] : memref<16x96x2x56x56xf32, #tpu.memory_space<hbm>> -> memref<1x8x1x56x56xf32, #tpu.memory_space<hbm>>
    %dma_wait3A_2052 = tpu.memref_squeeze %dma_wait3A_2051 : memref<1x8x1x56x56xf32, #tpu.memory_space<hbm>> -> memref<8x56x56xf32, #tpu.memory_space<hbm>>
    %dma_wait3A_2053 = arith.constant 0 : i32
    %dma_wait3A_2054 = arith.constant 0 : i32
    %dma_wait3A_2055 = tpu.memref_slice %arg5[%select_n3A_2016, %mul3A_2038, %dma_wait3A_2048, %dma_wait3A_2053, %dma_wait3A_2054] : memref<16x96x2x56x56xf32, #tpu.memory_space<hbm>> -> memref<1x8x1x56x56xf32, #tpu.memory_space<hbm>>
    %dma_wait3A_2056 = tpu.memref_squeeze %dma_wait3A_2055 : memref<1x8x1x56x56xf32, #tpu.memory_space<hbm>> -> memref<8x56x56xf32, #tpu.memory_space<hbm>>
    tpu.wait_dma2 semaphore(%arg10 : memref<!tpu.dma_semaphore, #tpu.memory_space<semaphore_mem>>) src(%arg6 : memref<8x56x56xf32, #tpu.memory_space<vmem>>) dst(%dma_wait3A_2056 : memref<8x56x56xf32, #tpu.memory_space<hbm>>)
    %mul3A_2057 = arith.constant 6 : i32
    %mul3A_2058 = arith.muli %add3A, %mul3A_2057 : i32
    %add3A_2059 = arith.constant 2 : i32
    %add3A_2060 = arith.addi %mul3A_2058, %add3A_2059 : i32
    %jit3A_2061 = arith.constant 12 : i32
    %div3A_2062 = arith.divsi %add3A_2060, %jit3A_2061 : i32
    %sign3A_2063 = arith.constant 0 : i32
    %sign3A_2064 = arith.cmpi sgt, %add3A_2060, %sign3A_2063 : i32
    %sign3A_2065 = arith.extui %sign3A_2064 : i1 to i32
    %sign3A_2066 = arith.constant 0 : i32
    %sign3A_2067 = arith.cmpi slt, %add3A_2060, %sign3A_2066 : i32
    %sign3A_2068 = arith.extui %sign3A_2067 : i1 to i32
    %sign3A_2069 = arith.subi %sign3A_2065, %sign3A_2068 : i32
    %sign3A_2070 = arith.constant 0 : i32
    %sign3A_2071 = arith.cmpi sgt, %jit3A_2061, %sign3A_2070 : i32
    %sign3A_2072 = arith.extui %sign3A_2071 : i1 to i32
    %sign3A_2073 = arith.constant 0 : i32
    %sign3A_2074 = arith.cmpi slt, %jit3A_2061, %sign3A_2073 : i32
    %sign3A_2075 = arith.extui %sign3A_2074 : i1 to i32
    %sign3A_2076 = arith.subi %sign3A_2072, %sign3A_2075 : i32
    %ne3A_2077 = arith.cmpi ne, %sign3A_2069, %sign3A_2076 : i32
    %rem3A_2078 = arith.remsi %add3A_2060, %jit3A_2061 : i32
    %ne3A_2079 = arith.constant 0 : i32
    %ne3A_2080 = arith.cmpi ne, %rem3A_2078, %ne3A_2079 : i32
    %and3A_2081 = arith.andi %ne3A_2077, %ne3A_2080 : i1
    %sub3A_2082 = arith.constant 1 : i32
    %sub3A_2083 = arith.subi %div3A_2062, %sub3A_2082 : i32
    %select_n3A_2084 = arith.select %and3A_2081, %sub3A_2083, %div3A_2062 : i32
    %jit3A_2085 = arith.constant 12 : i32
    %eq3A_2086 = arith.constant 0 : i32
    %eq3A_2087 = arith.cmpi eq, %jit3A_2085, %eq3A_2086 : i32
    %jit3A_2088 = arith.constant 1 : i32
    %select_n3A_2089 = arith.select %eq3A_2087, %jit3A_2088, %jit3A_2085 : i32
    %rem3A_2090 = arith.remsi %add3A_2060, %select_n3A_2089 : i32
    %ne3A_2091 = arith.constant 0 : i32
    %ne3A_2092 = arith.cmpi ne, %rem3A_2090, %ne3A_2091 : i32
    %lt3A_2093 = arith.constant 0 : i32
    %lt3A_2094 = arith.cmpi slt, %rem3A_2090, %lt3A_2093 : i32
    %lt3A_2095 = arith.constant 0 : i32
    %lt3A_2096 = arith.cmpi slt, %select_n3A_2089, %lt3A_2095 : i32
    %ne3A_2097 = arith.xori %lt3A_2094, %lt3A_2096 : i1
    %and3A_2098 = arith.andi %ne3A_2097, %ne3A_2092 : i1
    %add3A_2099 = arith.addi %rem3A_2090, %select_n3A_2089 : i32
    %select_n3A_2100 = arith.select %and3A_2098, %add3A_2099, %rem3A_2090 : i32
    %mul3A_2101 = arith.constant 8 : i32
    %mul3A_2102 = arith.muli %select_n3A_2100, %mul3A_2101 : i32
    %add3A_2103 = arith.constant 96 : i32
    %add3A_2104 = arith.addi %add3A_2103, %mul3A_2102 : i32
    %mul3A_2105 = arith.constant 8 : i32
    %mul3A_2106 = arith.muli %select_n3A_2100, %mul3A_2105 : i32
    %dma_start3A_2107 = arith.constant 0 : i32
    %dma_start3A_2108 = arith.constant 0 : i32
    %dma_start3A_2109 = tpu.memref_slice %arg2[%select_n3A_2084, %add3A_2104, %dma_start3A_2107, %dma_start3A_2108] : memref<16x192x56x56xf32, #tpu.memory_space<hbm>> -> memref<1x8x56x56xf32, #tpu.memory_space<hbm>>
    %dma_start3A_2110 = tpu.memref_squeeze %dma_start3A_2109 : memref<1x8x56x56xf32, #tpu.memory_space<hbm>> -> memref<8x56x56xf32, #tpu.memory_space<hbm>>
    %dma_start3A_2111 = arith.constant 0 : i32
    %dma_start3A_2112 = arith.constant 0 : i32
    %dma_start3A_2113 = tpu.memref_slice %arg2[%select_n3A_2084, %add3A_2104, %dma_start3A_2111, %dma_start3A_2112] : memref<16x192x56x56xf32, #tpu.memory_space<hbm>> -> memref<1x8x56x56xf32, #tpu.memory_space<hbm>>
    %dma_start3A_2114 = tpu.memref_squeeze %dma_start3A_2113 : memref<1x8x56x56xf32, #tpu.memory_space<hbm>> -> memref<8x56x56xf32, #tpu.memory_space<hbm>>
    tpu.enqueue_dma source(%dma_start3A_2114 : memref<8x56x56xf32, #tpu.memory_space<hbm>>) target(%arg6 : memref<8x56x56xf32, #tpu.memory_space<vmem>>) target_semaphore(%arg8 : memref<!tpu.dma_semaphore, #tpu.memory_space<semaphore_mem>>)
    %dma_wait3A_2115 = arith.constant 0 : i32
    %dma_wait3A_2116 = arith.constant 0 : i32
    %dma_wait3A_2117 = tpu.memref_slice %arg3[%select_n3A_1950, %add3A_1970, %dma_wait3A_2115, %dma_wait3A_2116] : memref<16x192x56x56xf32, #tpu.memory_space<hbm>> -> memref<1x8x56x56xf32, #tpu.memory_space<hbm>>
    %dma_wait3A_2118 = tpu.memref_squeeze %dma_wait3A_2117 : memref<1x8x56x56xf32, #tpu.memory_space<hbm>> -> memref<8x56x56xf32, #tpu.memory_space<hbm>>
    %dma_wait3A_2119 = arith.constant 0 : i32
    %dma_wait3A_2120 = arith.constant 0 : i32
    %dma_wait3A_2121 = tpu.memref_slice %arg3[%select_n3A_1950, %add3A_1970, %dma_wait3A_2119, %dma_wait3A_2120] : memref<16x192x56x56xf32, #tpu.memory_space<hbm>> -> memref<1x8x56x56xf32, #tpu.memory_space<hbm>>
    %dma_wait3A_2122 = tpu.memref_squeeze %dma_wait3A_2121 : memref<1x8x56x56xf32, #tpu.memory_space<hbm>> -> memref<8x56x56xf32, #tpu.memory_space<hbm>>
    tpu.wait_dma2 semaphore(%arg9 : memref<!tpu.dma_semaphore, #tpu.memory_space<semaphore_mem>>) src(%dma_wait3A_2122 : memref<8x56x56xf32, #tpu.memory_space<hbm>>) dst(%arg7 : memref<8x56x56xf32, #tpu.memory_space<vmem>>)
    %mul3A_2123 = arith.constant 6 : i32
    %mul3A_2124 = arith.muli %add3A, %mul3A_2123 : i32
    %add3A_2125 = arith.constant 1 : i32
    %add3A_2126 = arith.addi %mul3A_2124, %add3A_2125 : i32
    %jit3A_2127 = arith.constant 12 : i32
    %div3A_2128 = arith.divsi %add3A_2126, %jit3A_2127 : i32
    %sign3A_2129 = arith.constant 0 : i32
    %sign3A_2130 = arith.cmpi sgt, %add3A_2126, %sign3A_2129 : i32
    %sign3A_2131 = arith.extui %sign3A_2130 : i1 to i32
    %sign3A_2132 = arith.constant 0 : i32
    %sign3A_2133 = arith.cmpi slt, %add3A_2126, %sign3A_2132 : i32
    %sign3A_2134 = arith.extui %sign3A_2133 : i1 to i32
    %sign3A_2135 = arith.subi %sign3A_2131, %sign3A_2134 : i32
    %sign3A_2136 = arith.constant 0 : i32
    %sign3A_2137 = arith.cmpi sgt, %jit3A_2127, %sign3A_2136 : i32
    %sign3A_2138 = arith.extui %sign3A_2137 : i1 to i32
    %sign3A_2139 = arith.constant 0 : i32
    %sign3A_2140 = arith.cmpi slt, %jit3A_2127, %sign3A_2139 : i32
    %sign3A_2141 = arith.extui %sign3A_2140 : i1 to i32
    %sign3A_2142 = arith.subi %sign3A_2138, %sign3A_2141 : i32
    %ne3A_2143 = arith.cmpi ne, %sign3A_2135, %sign3A_2142 : i32
    %rem3A_2144 = arith.remsi %add3A_2126, %jit3A_2127 : i32
    %ne3A_2145 = arith.constant 0 : i32
    %ne3A_2146 = arith.cmpi ne, %rem3A_2144, %ne3A_2145 : i32
    %and3A_2147 = arith.andi %ne3A_2143, %ne3A_2146 : i1
    %sub3A_2148 = arith.constant 1 : i32
    %sub3A_2149 = arith.subi %div3A_2128, %sub3A_2148 : i32
    %select_n3A_2150 = arith.select %and3A_2147, %sub3A_2149, %div3A_2128 : i32
    %jit3A_2151 = arith.constant 12 : i32
    %eq3A_2152 = arith.constant 0 : i32
    %eq3A_2153 = arith.cmpi eq, %jit3A_2151, %eq3A_2152 : i32
    %jit3A_2154 = arith.constant 1 : i32
    %select_n3A_2155 = arith.select %eq3A_2153, %jit3A_2154, %jit3A_2151 : i32
    %rem3A_2156 = arith.remsi %add3A_2126, %select_n3A_2155 : i32
    %ne3A_2157 = arith.constant 0 : i32
    %ne3A_2158 = arith.cmpi ne, %rem3A_2156, %ne3A_2157 : i32
    %lt3A_2159 = arith.constant 0 : i32
    %lt3A_2160 = arith.cmpi slt, %rem3A_2156, %lt3A_2159 : i32
    %lt3A_2161 = arith.constant 0 : i32
    %lt3A_2162 = arith.cmpi slt, %select_n3A_2155, %lt3A_2161 : i32
    %ne3A_2163 = arith.xori %lt3A_2160, %lt3A_2162 : i1
    %and3A_2164 = arith.andi %ne3A_2163, %ne3A_2158 : i1
    %add3A_2165 = arith.addi %rem3A_2156, %select_n3A_2155 : i32
    %select_n3A_2166 = arith.select %and3A_2164, %add3A_2165, %rem3A_2156 : i32
    %mul3A_2167 = arith.constant 8 : i32
    %mul3A_2168 = arith.muli %select_n3A_2166, %mul3A_2167 : i32
    %add3A_2169 = arith.constant 96 : i32
    %add3A_2170 = arith.addi %add3A_2169, %mul3A_2168 : i32
    %mul3A_2171 = arith.constant 8 : i32
    %mul3A_2172 = arith.muli %select_n3A_2166, %mul3A_2171 : i32
    %dma_start3A_2173 = arith.constant 1 : i32
    %dma_start3A_2174 = arith.constant 0 : i32
    %dma_start3A_2175 = arith.constant 0 : i32
    %dma_start3A_2176 = tpu.memref_slice %arg5[%select_n3A_2150, %mul3A_2172, %dma_start3A_2173, %dma_start3A_2174, %dma_start3A_2175] : memref<16x96x2x56x56xf32, #tpu.memory_space<hbm>> -> memref<1x8x1x56x56xf32, #tpu.memory_space<hbm>>
    %dma_start3A_2177 = tpu.memref_squeeze %dma_start3A_2176 : memref<1x8x1x56x56xf32, #tpu.memory_space<hbm>> -> memref<8x56x56xf32, #tpu.memory_space<hbm>>
    %dma_start3A_2178 = arith.constant 0 : i32
    %dma_start3A_2179 = arith.constant 0 : i32
    %dma_start3A_2180 = tpu.memref_slice %arg5[%select_n3A_2150, %mul3A_2172, %dma_start3A_2173, %dma_start3A_2178, %dma_start3A_2179] : memref<16x96x2x56x56xf32, #tpu.memory_space<hbm>> -> memref<1x8x1x56x56xf32, #tpu.memory_space<hbm>>
    %dma_start3A_2181 = tpu.memref_squeeze %dma_start3A_2180 : memref<1x8x1x56x56xf32, #tpu.memory_space<hbm>> -> memref<8x56x56xf32, #tpu.memory_space<hbm>>
    tpu.enqueue_dma source(%arg7 : memref<8x56x56xf32, #tpu.memory_space<vmem>>) target(%dma_start3A_2181 : memref<8x56x56xf32, #tpu.memory_space<hbm>>) target_semaphore(%arg11 : memref<!tpu.dma_semaphore, #tpu.memory_space<semaphore_mem>>)
    %dma_wait3A_2182 = arith.constant 1 : i32
    %dma_wait3A_2183 = arith.constant 0 : i32
    %dma_wait3A_2184 = arith.constant 0 : i32
    %dma_wait3A_2185 = tpu.memref_slice %arg5[%select_n3A_2150, %mul3A_2172, %dma_wait3A_2182, %dma_wait3A_2183, %dma_wait3A_2184] : memref<16x96x2x56x56xf32, #tpu.memory_space<hbm>> -> memref<1x8x1x56x56xf32, #tpu.memory_space<hbm>>
    %dma_wait3A_2186 = tpu.memref_squeeze %dma_wait3A_2185 : memref<1x8x1x56x56xf32, #tpu.memory_space<hbm>> -> memref<8x56x56xf32, #tpu.memory_space<hbm>>
    %dma_wait3A_2187 = arith.constant 0 : i32
    %dma_wait3A_2188 = arith.constant 0 : i32
    %dma_wait3A_2189 = tpu.memref_slice %arg5[%select_n3A_2150, %mul3A_2172, %dma_wait3A_2182, %dma_wait3A_2187, %dma_wait3A_2188] : memref<16x96x2x56x56xf32, #tpu.memory_space<hbm>> -> memref<1x8x1x56x56xf32, #tpu.memory_space<hbm>>
    %dma_wait3A_2190 = tpu.memref_squeeze %dma_wait3A_2189 : memref<1x8x1x56x56xf32, #tpu.memory_space<hbm>> -> memref<8x56x56xf32, #tpu.memory_space<hbm>>
    tpu.wait_dma2 semaphore(%arg11 : memref<!tpu.dma_semaphore, #tpu.memory_space<semaphore_mem>>) src(%arg7 : memref<8x56x56xf32, #tpu.memory_space<vmem>>) dst(%dma_wait3A_2190 : memref<8x56x56xf32, #tpu.memory_space<hbm>>)
    %mul3A_2191 = arith.constant 6 : i32
    %mul3A_2192 = arith.muli %add3A, %mul3A_2191 : i32
    %add3A_2193 = arith.constant 2 : i32
    %add3A_2194 = arith.addi %mul3A_2192, %add3A_2193 : i32
    %jit3A_2195 = arith.constant 12 : i32
    %div3A_2196 = arith.divsi %add3A_2194, %jit3A_2195 : i32
    %sign3A_2197 = arith.constant 0 : i32
    %sign3A_2198 = arith.cmpi sgt, %add3A_2194, %sign3A_2197 : i32
    %sign3A_2199 = arith.extui %sign3A_2198 : i1 to i32
    %sign3A_2200 = arith.constant 0 : i32
    %sign3A_2201 = arith.cmpi slt, %add3A_2194, %sign3A_2200 : i32
    %sign3A_2202 = arith.extui %sign3A_2201 : i1 to i32
    %sign3A_2203 = arith.subi %sign3A_2199, %sign3A_2202 : i32
    %sign3A_2204 = arith.constant 0 : i32
    %sign3A_2205 = arith.cmpi sgt, %jit3A_2195, %sign3A_2204 : i32
    %sign3A_2206 = arith.extui %sign3A_2205 : i1 to i32
    %sign3A_2207 = arith.constant 0 : i32
    %sign3A_2208 = arith.cmpi slt, %jit3A_2195, %sign3A_2207 : i32
    %sign3A_2209 = arith.extui %sign3A_2208 : i1 to i32
    %sign3A_2210 = arith.subi %sign3A_2206, %sign3A_2209 : i32
    %ne3A_2211 = arith.cmpi ne, %sign3A_2203, %sign3A_2210 : i32
    %rem3A_2212 = arith.remsi %add3A_2194, %jit3A_2195 : i32
    %ne3A_2213 = arith.constant 0 : i32
    %ne3A_2214 = arith.cmpi ne, %rem3A_2212, %ne3A_2213 : i32
    %and3A_2215 = arith.andi %ne3A_2211, %ne3A_2214 : i1
    %sub3A_2216 = arith.constant 1 : i32
    %sub3A_2217 = arith.subi %div3A_2196, %sub3A_2216 : i32
    %select_n3A_2218 = arith.select %and3A_2215, %sub3A_2217, %div3A_2196 : i32
    %jit3A_2219 = arith.constant 12 : i32
    %eq3A_2220 = arith.constant 0 : i32
    %eq3A_2221 = arith.cmpi eq, %jit3A_2219, %eq3A_2220 : i32
    %jit3A_2222 = arith.constant 1 : i32
    %select_n3A_2223 = arith.select %eq3A_2221, %jit3A_2222, %jit3A_2219 : i32
    %rem3A_2224 = arith.remsi %add3A_2194, %select_n3A_2223 : i32
    %ne3A_2225 = arith.constant 0 : i32
    %ne3A_2226 = arith.cmpi ne, %rem3A_2224, %ne3A_2225 : i32
    %lt3A_2227 = arith.constant 0 : i32
    %lt3A_2228 = arith.cmpi slt, %rem3A_2224, %lt3A_2227 : i32
    %lt3A_2229 = arith.constant 0 : i32
    %lt3A_2230 = arith.cmpi slt, %select_n3A_2223, %lt3A_2229 : i32
    %ne3A_2231 = arith.xori %lt3A_2228, %lt3A_2230 : i1
    %and3A_2232 = arith.andi %ne3A_2231, %ne3A_2226 : i1
    %add3A_2233 = arith.addi %rem3A_2224, %select_n3A_2223 : i32
    %select_n3A_2234 = arith.select %and3A_2232, %add3A_2233, %rem3A_2224 : i32
    %mul3A_2235 = arith.constant 8 : i32
    %mul3A_2236 = arith.muli %select_n3A_2234, %mul3A_2235 : i32
    %add3A_2237 = arith.constant 96 : i32
    %add3A_2238 = arith.addi %add3A_2237, %mul3A_2236 : i32
    %mul3A_2239 = arith.constant 8 : i32
    %mul3A_2240 = arith.muli %select_n3A_2234, %mul3A_2239 : i32
    %dma_start3A_2241 = arith.constant 0 : i32
    %dma_start3A_2242 = arith.constant 0 : i32
    %dma_start3A_2243 = tpu.memref_slice %arg3[%select_n3A_2218, %add3A_2238, %dma_start3A_2241, %dma_start3A_2242] : memref<16x192x56x56xf32, #tpu.memory_space<hbm>> -> memref<1x8x56x56xf32, #tpu.memory_space<hbm>>
    %dma_start3A_2244 = tpu.memref_squeeze %dma_start3A_2243 : memref<1x8x56x56xf32, #tpu.memory_space<hbm>> -> memref<8x56x56xf32, #tpu.memory_space<hbm>>
    %dma_start3A_2245 = arith.constant 0 : i32
    %dma_start3A_2246 = arith.constant 0 : i32
    %dma_start3A_2247 = tpu.memref_slice %arg3[%select_n3A_2218, %add3A_2238, %dma_start3A_2245, %dma_start3A_2246] : memref<16x192x56x56xf32, #tpu.memory_space<hbm>> -> memref<1x8x56x56xf32, #tpu.memory_space<hbm>>
    %dma_start3A_2248 = tpu.memref_squeeze %dma_start3A_2247 : memref<1x8x56x56xf32, #tpu.memory_space<hbm>> -> memref<8x56x56xf32, #tpu.memory_space<hbm>>
    tpu.enqueue_dma source(%dma_start3A_2248 : memref<8x56x56xf32, #tpu.memory_space<hbm>>) target(%arg7 : memref<8x56x56xf32, #tpu.memory_space<vmem>>) target_semaphore(%arg9 : memref<!tpu.dma_semaphore, #tpu.memory_space<semaphore_mem>>)
    %dma_wait3A_2249 = arith.constant 0 : i32
    %dma_wait3A_2250 = arith.constant 0 : i32
    %dma_wait3A_2251 = tpu.memref_slice %arg2[%select_n3A_2084, %add3A_2104, %dma_wait3A_2249, %dma_wait3A_2250] : memref<16x192x56x56xf32, #tpu.memory_space<hbm>> -> memref<1x8x56x56xf32, #tpu.memory_space<hbm>>
    %dma_wait3A_2252 = tpu.memref_squeeze %dma_wait3A_2251 : memref<1x8x56x56xf32, #tpu.memory_space<hbm>> -> memref<8x56x56xf32, #tpu.memory_space<hbm>>
    %dma_wait3A_2253 = arith.constant 0 : i32
    %dma_wait3A_2254 = arith.constant 0 : i32
    %dma_wait3A_2255 = tpu.memref_slice %arg2[%select_n3A_2084, %add3A_2104, %dma_wait3A_2253, %dma_wait3A_2254] : memref<16x192x56x56xf32, #tpu.memory_space<hbm>> -> memref<1x8x56x56xf32, #tpu.memory_space<hbm>>
    %dma_wait3A_2256 = tpu.memref_squeeze %dma_wait3A_2255 : memref<1x8x56x56xf32, #tpu.memory_space<hbm>> -> memref<8x56x56xf32, #tpu.memory_space<hbm>>
    tpu.wait_dma2 semaphore(%arg8 : memref<!tpu.dma_semaphore, #tpu.memory_space<semaphore_mem>>) src(%dma_wait3A_2256 : memref<8x56x56xf32, #tpu.memory_space<hbm>>) dst(%arg6 : memref<8x56x56xf32, #tpu.memory_space<vmem>>)
    %mul3A_2257 = arith.constant 6 : i32
    %mul3A_2258 = arith.muli %add3A, %mul3A_2257 : i32
    %add3A_2259 = arith.constant 2 : i32
    %add3A_2260 = arith.addi %mul3A_2258, %add3A_2259 : i32
    %jit3A_2261 = arith.constant 12 : i32
    %div3A_2262 = arith.divsi %add3A_2260, %jit3A_2261 : i32
    %sign3A_2263 = arith.constant 0 : i32
    %sign3A_2264 = arith.cmpi sgt, %add3A_2260, %sign3A_2263 : i32
    %sign3A_2265 = arith.extui %sign3A_2264 : i1 to i32
    %sign3A_2266 = arith.constant 0 : i32
    %sign3A_2267 = arith.cmpi slt, %add3A_2260, %sign3A_2266 : i32
    %sign3A_2268 = arith.extui %sign3A_2267 : i1 to i32
    %sign3A_2269 = arith.subi %sign3A_2265, %sign3A_2268 : i32
    %sign3A_2270 = arith.constant 0 : i32
    %sign3A_2271 = arith.cmpi sgt, %jit3A_2261, %sign3A_2270 : i32
    %sign3A_2272 = arith.extui %sign3A_2271 : i1 to i32
    %sign3A_2273 = arith.constant 0 : i32
    %sign3A_2274 = arith.cmpi slt, %jit3A_2261, %sign3A_2273 : i32
    %sign3A_2275 = arith.extui %sign3A_2274 : i1 to i32
    %sign3A_2276 = arith.subi %sign3A_2272, %sign3A_2275 : i32
    %ne3A_2277 = arith.cmpi ne, %sign3A_2269, %sign3A_2276 : i32
    %rem3A_2278 = arith.remsi %add3A_2260, %jit3A_2261 : i32
    %ne3A_2279 = arith.constant 0 : i32
    %ne3A_2280 = arith.cmpi ne, %rem3A_2278, %ne3A_2279 : i32
    %and3A_2281 = arith.andi %ne3A_2277, %ne3A_2280 : i1
    %sub3A_2282 = arith.constant 1 : i32
    %sub3A_2283 = arith.subi %div3A_2262, %sub3A_2282 : i32
    %select_n3A_2284 = arith.select %and3A_2281, %sub3A_2283, %div3A_2262 : i32
    %jit3A_2285 = arith.constant 12 : i32
    %eq3A_2286 = arith.constant 0 : i32
    %eq3A_2287 = arith.cmpi eq, %jit3A_2285, %eq3A_2286 : i32
    %jit3A_2288 = arith.constant 1 : i32
    %select_n3A_2289 = arith.select %eq3A_2287, %jit3A_2288, %jit3A_2285 : i32
    %rem3A_2290 = arith.remsi %add3A_2260, %select_n3A_2289 : i32
    %ne3A_2291 = arith.constant 0 : i32
    %ne3A_2292 = arith.cmpi ne, %rem3A_2290, %ne3A_2291 : i32
    %lt3A_2293 = arith.constant 0 : i32
    %lt3A_2294 = arith.cmpi slt, %rem3A_2290, %lt3A_2293 : i32
    %lt3A_2295 = arith.constant 0 : i32
    %lt3A_2296 = arith.cmpi slt, %select_n3A_2289, %lt3A_2295 : i32
    %ne3A_2297 = arith.xori %lt3A_2294, %lt3A_2296 : i1
    %and3A_2298 = arith.andi %ne3A_2297, %ne3A_2292 : i1
    %add3A_2299 = arith.addi %rem3A_2290, %select_n3A_2289 : i32
    %select_n3A_2300 = arith.select %and3A_2298, %add3A_2299, %rem3A_2290 : i32
    %mul3A_2301 = arith.constant 8 : i32
    %mul3A_2302 = arith.muli %select_n3A_2300, %mul3A_2301 : i32
    %add3A_2303 = arith.constant 96 : i32
    %add3A_2304 = arith.addi %add3A_2303, %mul3A_2302 : i32
    %mul3A_2305 = arith.constant 8 : i32
    %mul3A_2306 = arith.muli %select_n3A_2300, %mul3A_2305 : i32
    %dma_start3A_2307 = arith.constant 0 : i32
    %dma_start3A_2308 = arith.constant 0 : i32
    %dma_start3A_2309 = arith.constant 0 : i32
    %dma_start3A_2310 = tpu.memref_slice %arg5[%select_n3A_2284, %mul3A_2306, %dma_start3A_2307, %dma_start3A_2308, %dma_start3A_2309] : memref<16x96x2x56x56xf32, #tpu.memory_space<hbm>> -> memref<1x8x1x56x56xf32, #tpu.memory_space<hbm>>
    %dma_start3A_2311 = tpu.memref_squeeze %dma_start3A_2310 : memref<1x8x1x56x56xf32, #tpu.memory_space<hbm>> -> memref<8x56x56xf32, #tpu.memory_space<hbm>>
    %dma_start3A_2312 = arith.constant 0 : i32
    %dma_start3A_2313 = arith.constant 0 : i32
    %dma_start3A_2314 = tpu.memref_slice %arg5[%select_n3A_2284, %mul3A_2306, %dma_start3A_2307, %dma_start3A_2312, %dma_start3A_2313] : memref<16x96x2x56x56xf32, #tpu.memory_space<hbm>> -> memref<1x8x1x56x56xf32, #tpu.memory_space<hbm>>
    %dma_start3A_2315 = tpu.memref_squeeze %dma_start3A_2314 : memref<1x8x1x56x56xf32, #tpu.memory_space<hbm>> -> memref<8x56x56xf32, #tpu.memory_space<hbm>>
    tpu.enqueue_dma source(%arg6 : memref<8x56x56xf32, #tpu.memory_space<vmem>>) target(%dma_start3A_2315 : memref<8x56x56xf32, #tpu.memory_space<hbm>>) target_semaphore(%arg10 : memref<!tpu.dma_semaphore, #tpu.memory_space<semaphore_mem>>)
    %dma_wait3A_2316 = arith.constant 0 : i32
    %dma_wait3A_2317 = arith.constant 0 : i32
    %dma_wait3A_2318 = arith.constant 0 : i32
    %dma_wait3A_2319 = tpu.memref_slice %arg5[%select_n3A_2284, %mul3A_2306, %dma_wait3A_2316, %dma_wait3A_2317, %dma_wait3A_2318] : memref<16x96x2x56x56xf32, #tpu.memory_space<hbm>> -> memref<1x8x1x56x56xf32, #tpu.memory_space<hbm>>
    %dma_wait3A_2320 = tpu.memref_squeeze %dma_wait3A_2319 : memref<1x8x1x56x56xf32, #tpu.memory_space<hbm>> -> memref<8x56x56xf32, #tpu.memory_space<hbm>>
    %dma_wait3A_2321 = arith.constant 0 : i32
    %dma_wait3A_2322 = arith.constant 0 : i32
    %dma_wait3A_2323 = tpu.memref_slice %arg5[%select_n3A_2284, %mul3A_2306, %dma_wait3A_2316, %dma_wait3A_2321, %dma_wait3A_2322] : memref<16x96x2x56x56xf32, #tpu.memory_space<hbm>> -> memref<1x8x1x56x56xf32, #tpu.memory_space<hbm>>
    %dma_wait3A_2324 = tpu.memref_squeeze %dma_wait3A_2323 : memref<1x8x1x56x56xf32, #tpu.memory_space<hbm>> -> memref<8x56x56xf32, #tpu.memory_space<hbm>>
    tpu.wait_dma2 semaphore(%arg10 : memref<!tpu.dma_semaphore, #tpu.memory_space<semaphore_mem>>) src(%arg6 : memref<8x56x56xf32, #tpu.memory_space<vmem>>) dst(%dma_wait3A_2324 : memref<8x56x56xf32, #tpu.memory_space<hbm>>)
    %mul3A_2325 = arith.constant 6 : i32
    %mul3A_2326 = arith.muli %add3A, %mul3A_2325 : i32
    %add3A_2327 = arith.constant 3 : i32
    %add3A_2328 = arith.addi %mul3A_2326, %add3A_2327 : i32
    %jit3A_2329 = arith.constant 12 : i32
    %div3A_2330 = arith.divsi %add3A_2328, %jit3A_2329 : i32
    %sign3A_2331 = arith.constant 0 : i32
    %sign3A_2332 = arith.cmpi sgt, %add3A_2328, %sign3A_2331 : i32
    %sign3A_2333 = arith.extui %sign3A_2332 : i1 to i32
    %sign3A_2334 = arith.constant 0 : i32
    %sign3A_2335 = arith.cmpi slt, %add3A_2328, %sign3A_2334 : i32
    %sign3A_2336 = arith.extui %sign3A_2335 : i1 to i32
    %sign3A_2337 = arith.subi %sign3A_2333, %sign3A_2336 : i32
    %sign3A_2338 = arith.constant 0 : i32
    %sign3A_2339 = arith.cmpi sgt, %jit3A_2329, %sign3A_2338 : i32
    %sign3A_2340 = arith.extui %sign3A_2339 : i1 to i32
    %sign3A_2341 = arith.constant 0 : i32
    %sign3A_2342 = arith.cmpi slt, %jit3A_2329, %sign3A_2341 : i32
    %sign3A_2343 = arith.extui %sign3A_2342 : i1 to i32
    %sign3A_2344 = arith.subi %sign3A_2340, %sign3A_2343 : i32
    %ne3A_2345 = arith.cmpi ne, %sign3A_2337, %sign3A_2344 : i32
    %rem3A_2346 = arith.remsi %add3A_2328, %jit3A_2329 : i32
    %ne3A_2347 = arith.constant 0 : i32
    %ne3A_2348 = arith.cmpi ne, %rem3A_2346, %ne3A_2347 : i32
    %and3A_2349 = arith.andi %ne3A_2345, %ne3A_2348 : i1
    %sub3A_2350 = arith.constant 1 : i32
    %sub3A_2351 = arith.subi %div3A_2330, %sub3A_2350 : i32
    %select_n3A_2352 = arith.select %and3A_2349, %sub3A_2351, %div3A_2330 : i32
    %jit3A_2353 = arith.constant 12 : i32
    %eq3A_2354 = arith.constant 0 : i32
    %eq3A_2355 = arith.cmpi eq, %jit3A_2353, %eq3A_2354 : i32
    %jit3A_2356 = arith.constant 1 : i32
    %select_n3A_2357 = arith.select %eq3A_2355, %jit3A_2356, %jit3A_2353 : i32
    %rem3A_2358 = arith.remsi %add3A_2328, %select_n3A_2357 : i32
    %ne3A_2359 = arith.constant 0 : i32
    %ne3A_2360 = arith.cmpi ne, %rem3A_2358, %ne3A_2359 : i32
    %lt3A_2361 = arith.constant 0 : i32
    %lt3A_2362 = arith.cmpi slt, %rem3A_2358, %lt3A_2361 : i32
    %lt3A_2363 = arith.constant 0 : i32
    %lt3A_2364 = arith.cmpi slt, %select_n3A_2357, %lt3A_2363 : i32
    %ne3A_2365 = arith.xori %lt3A_2362, %lt3A_2364 : i1
    %and3A_2366 = arith.andi %ne3A_2365, %ne3A_2360 : i1
    %add3A_2367 = arith.addi %rem3A_2358, %select_n3A_2357 : i32
    %select_n3A_2368 = arith.select %and3A_2366, %add3A_2367, %rem3A_2358 : i32
    %mul3A_2369 = arith.constant 8 : i32
    %mul3A_2370 = arith.muli %select_n3A_2368, %mul3A_2369 : i32
    %add3A_2371 = arith.constant 96 : i32
    %add3A_2372 = arith.addi %add3A_2371, %mul3A_2370 : i32
    %mul3A_2373 = arith.constant 8 : i32
    %mul3A_2374 = arith.muli %select_n3A_2368, %mul3A_2373 : i32
    %dma_start3A_2375 = arith.constant 0 : i32
    %dma_start3A_2376 = arith.constant 0 : i32
    %dma_start3A_2377 = tpu.memref_slice %arg2[%select_n3A_2352, %add3A_2372, %dma_start3A_2375, %dma_start3A_2376] : memref<16x192x56x56xf32, #tpu.memory_space<hbm>> -> memref<1x8x56x56xf32, #tpu.memory_space<hbm>>
    %dma_start3A_2378 = tpu.memref_squeeze %dma_start3A_2377 : memref<1x8x56x56xf32, #tpu.memory_space<hbm>> -> memref<8x56x56xf32, #tpu.memory_space<hbm>>
    %dma_start3A_2379 = arith.constant 0 : i32
    %dma_start3A_2380 = arith.constant 0 : i32
    %dma_start3A_2381 = tpu.memref_slice %arg2[%select_n3A_2352, %add3A_2372, %dma_start3A_2379, %dma_start3A_2380] : memref<16x192x56x56xf32, #tpu.memory_space<hbm>> -> memref<1x8x56x56xf32, #tpu.memory_space<hbm>>
    %dma_start3A_2382 = tpu.memref_squeeze %dma_start3A_2381 : memref<1x8x56x56xf32, #tpu.memory_space<hbm>> -> memref<8x56x56xf32, #tpu.memory_space<hbm>>
    tpu.enqueue_dma source(%dma_start3A_2382 : memref<8x56x56xf32, #tpu.memory_space<hbm>>) target(%arg6 : memref<8x56x56xf32, #tpu.memory_space<vmem>>) target_semaphore(%arg8 : memref<!tpu.dma_semaphore, #tpu.memory_space<semaphore_mem>>)
    %dma_wait3A_2383 = arith.constant 0 : i32
    %dma_wait3A_2384 = arith.constant 0 : i32
    %dma_wait3A_2385 = tpu.memref_slice %arg3[%select_n3A_2218, %add3A_2238, %dma_wait3A_2383, %dma_wait3A_2384] : memref<16x192x56x56xf32, #tpu.memory_space<hbm>> -> memref<1x8x56x56xf32, #tpu.memory_space<hbm>>
    %dma_wait3A_2386 = tpu.memref_squeeze %dma_wait3A_2385 : memref<1x8x56x56xf32, #tpu.memory_space<hbm>> -> memref<8x56x56xf32, #tpu.memory_space<hbm>>
    %dma_wait3A_2387 = arith.constant 0 : i32
    %dma_wait3A_2388 = arith.constant 0 : i32
    %dma_wait3A_2389 = tpu.memref_slice %arg3[%select_n3A_2218, %add3A_2238, %dma_wait3A_2387, %dma_wait3A_2388] : memref<16x192x56x56xf32, #tpu.memory_space<hbm>> -> memref<1x8x56x56xf32, #tpu.memory_space<hbm>>
    %dma_wait3A_2390 = tpu.memref_squeeze %dma_wait3A_2389 : memref<1x8x56x56xf32, #tpu.memory_space<hbm>> -> memref<8x56x56xf32, #tpu.memory_space<hbm>>
    tpu.wait_dma2 semaphore(%arg9 : memref<!tpu.dma_semaphore, #tpu.memory_space<semaphore_mem>>) src(%dma_wait3A_2390 : memref<8x56x56xf32, #tpu.memory_space<hbm>>) dst(%arg7 : memref<8x56x56xf32, #tpu.memory_space<vmem>>)
    %mul3A_2391 = arith.constant 6 : i32
    %mul3A_2392 = arith.muli %add3A, %mul3A_2391 : i32
    %add3A_2393 = arith.constant 2 : i32
    %add3A_2394 = arith.addi %mul3A_2392, %add3A_2393 : i32
    %jit3A_2395 = arith.constant 12 : i32
    %div3A_2396 = arith.divsi %add3A_2394, %jit3A_2395 : i32
    %sign3A_2397 = arith.constant 0 : i32
    %sign3A_2398 = arith.cmpi sgt, %add3A_2394, %sign3A_2397 : i32
    %sign3A_2399 = arith.extui %sign3A_2398 : i1 to i32
    %sign3A_2400 = arith.constant 0 : i32
    %sign3A_2401 = arith.cmpi slt, %add3A_2394, %sign3A_2400 : i32
    %sign3A_2402 = arith.extui %sign3A_2401 : i1 to i32
    %sign3A_2403 = arith.subi %sign3A_2399, %sign3A_2402 : i32
    %sign3A_2404 = arith.constant 0 : i32
    %sign3A_2405 = arith.cmpi sgt, %jit3A_2395, %sign3A_2404 : i32
    %sign3A_2406 = arith.extui %sign3A_2405 : i1 to i32
    %sign3A_2407 = arith.constant 0 : i32
    %sign3A_2408 = arith.cmpi slt, %jit3A_2395, %sign3A_2407 : i32
    %sign3A_2409 = arith.extui %sign3A_2408 : i1 to i32
    %sign3A_2410 = arith.subi %sign3A_2406, %sign3A_2409 : i32
    %ne3A_2411 = arith.cmpi ne, %sign3A_2403, %sign3A_2410 : i32
    %rem3A_2412 = arith.remsi %add3A_2394, %jit3A_2395 : i32
    %ne3A_2413 = arith.constant 0 : i32
    %ne3A_2414 = arith.cmpi ne, %rem3A_2412, %ne3A_2413 : i32
    %and3A_2415 = arith.andi %ne3A_2411, %ne3A_2414 : i1
    %sub3A_2416 = arith.constant 1 : i32
    %sub3A_2417 = arith.subi %div3A_2396, %sub3A_2416 : i32
    %select_n3A_2418 = arith.select %and3A_2415, %sub3A_2417, %div3A_2396 : i32
    %jit3A_2419 = arith.constant 12 : i32
    %eq3A_2420 = arith.constant 0 : i32
    %eq3A_2421 = arith.cmpi eq, %jit3A_2419, %eq3A_2420 : i32
    %jit3A_2422 = arith.constant 1 : i32
    %select_n3A_2423 = arith.select %eq3A_2421, %jit3A_2422, %jit3A_2419 : i32
    %rem3A_2424 = arith.remsi %add3A_2394, %select_n3A_2423 : i32
    %ne3A_2425 = arith.constant 0 : i32
    %ne3A_2426 = arith.cmpi ne, %rem3A_2424, %ne3A_2425 : i32
    %lt3A_2427 = arith.constant 0 : i32
    %lt3A_2428 = arith.cmpi slt, %rem3A_2424, %lt3A_2427 : i32
    %lt3A_2429 = arith.constant 0 : i32
    %lt3A_2430 = arith.cmpi slt, %select_n3A_2423, %lt3A_2429 : i32
    %ne3A_2431 = arith.xori %lt3A_2428, %lt3A_2430 : i1
    %and3A_2432 = arith.andi %ne3A_2431, %ne3A_2426 : i1
    %add3A_2433 = arith.addi %rem3A_2424, %select_n3A_2423 : i32
    %select_n3A_2434 = arith.select %and3A_2432, %add3A_2433, %rem3A_2424 : i32
    %mul3A_2435 = arith.constant 8 : i32
    %mul3A_2436 = arith.muli %select_n3A_2434, %mul3A_2435 : i32
    %add3A_2437 = arith.constant 96 : i32
    %add3A_2438 = arith.addi %add3A_2437, %mul3A_2436 : i32
    %mul3A_2439 = arith.constant 8 : i32
    %mul3A_2440 = arith.muli %select_n3A_2434, %mul3A_2439 : i32
    %dma_start3A_2441 = arith.constant 1 : i32
    %dma_start3A_2442 = arith.constant 0 : i32
    %dma_start3A_2443 = arith.constant 0 : i32
    %dma_start3A_2444 = tpu.memref_slice %arg5[%select_n3A_2418, %mul3A_2440, %dma_start3A_2441, %dma_start3A_2442, %dma_start3A_2443] : memref<16x96x2x56x56xf32, #tpu.memory_space<hbm>> -> memref<1x8x1x56x56xf32, #tpu.memory_space<hbm>>
    %dma_start3A_2445 = tpu.memref_squeeze %dma_start3A_2444 : memref<1x8x1x56x56xf32, #tpu.memory_space<hbm>> -> memref<8x56x56xf32, #tpu.memory_space<hbm>>
    %dma_start3A_2446 = arith.constant 0 : i32
    %dma_start3A_2447 = arith.constant 0 : i32
    %dma_start3A_2448 = tpu.memref_slice %arg5[%select_n3A_2418, %mul3A_2440, %dma_start3A_2441, %dma_start3A_2446, %dma_start3A_2447] : memref<16x96x2x56x56xf32, #tpu.memory_space<hbm>> -> memref<1x8x1x56x56xf32, #tpu.memory_space<hbm>>
    %dma_start3A_2449 = tpu.memref_squeeze %dma_start3A_2448 : memref<1x8x1x56x56xf32, #tpu.memory_space<hbm>> -> memref<8x56x56xf32, #tpu.memory_space<hbm>>
    tpu.enqueue_dma source(%arg7 : memref<8x56x56xf32, #tpu.memory_space<vmem>>) target(%dma_start3A_2449 : memref<8x56x56xf32, #tpu.memory_space<hbm>>) target_semaphore(%arg11 : memref<!tpu.dma_semaphore, #tpu.memory_space<semaphore_mem>>)
    %dma_wait3A_2450 = arith.constant 1 : i32
    %dma_wait3A_2451 = arith.constant 0 : i32
    %dma_wait3A_2452 = arith.constant 0 : i32
    %dma_wait3A_2453 = tpu.memref_slice %arg5[%select_n3A_2418, %mul3A_2440, %dma_wait3A_2450, %dma_wait3A_2451, %dma_wait3A_2452] : memref<16x96x2x56x56xf32, #tpu.memory_space<hbm>> -> memref<1x8x1x56x56xf32, #tpu.memory_space<hbm>>
    %dma_wait3A_2454 = tpu.memref_squeeze %dma_wait3A_2453 : memref<1x8x1x56x56xf32, #tpu.memory_space<hbm>> -> memref<8x56x56xf32, #tpu.memory_space<hbm>>
    %dma_wait3A_2455 = arith.constant 0 : i32
    %dma_wait3A_2456 = arith.constant 0 : i32
    %dma_wait3A_2457 = tpu.memref_slice %arg5[%select_n3A_2418, %mul3A_2440, %dma_wait3A_2450, %dma_wait3A_2455, %dma_wait3A_2456] : memref<16x96x2x56x56xf32, #tpu.memory_space<hbm>> -> memref<1x8x1x56x56xf32, #tpu.memory_space<hbm>>
    %dma_wait3A_2458 = tpu.memref_squeeze %dma_wait3A_2457 : memref<1x8x1x56x56xf32, #tpu.memory_space<hbm>> -> memref<8x56x56xf32, #tpu.memory_space<hbm>>
    tpu.wait_dma2 semaphore(%arg11 : memref<!tpu.dma_semaphore, #tpu.memory_space<semaphore_mem>>) src(%arg7 : memref<8x56x56xf32, #tpu.memory_space<vmem>>) dst(%dma_wait3A_2458 : memref<8x56x56xf32, #tpu.memory_space<hbm>>)
    %mul3A_2459 = arith.constant 6 : i32
    %mul3A_2460 = arith.muli %add3A, %mul3A_2459 : i32
    %add3A_2461 = arith.constant 3 : i32
    %add3A_2462 = arith.addi %mul3A_2460, %add3A_2461 : i32
    %jit3A_2463 = arith.constant 12 : i32
    %div3A_2464 = arith.divsi %add3A_2462, %jit3A_2463 : i32
    %sign3A_2465 = arith.constant 0 : i32
    %sign3A_2466 = arith.cmpi sgt, %add3A_2462, %sign3A_2465 : i32
    %sign3A_2467 = arith.extui %sign3A_2466 : i1 to i32
    %sign3A_2468 = arith.constant 0 : i32
    %sign3A_2469 = arith.cmpi slt, %add3A_2462, %sign3A_2468 : i32
    %sign3A_2470 = arith.extui %sign3A_2469 : i1 to i32
    %sign3A_2471 = arith.subi %sign3A_2467, %sign3A_2470 : i32
    %sign3A_2472 = arith.constant 0 : i32
    %sign3A_2473 = arith.cmpi sgt, %jit3A_2463, %sign3A_2472 : i32
    %sign3A_2474 = arith.extui %sign3A_2473 : i1 to i32
    %sign3A_2475 = arith.constant 0 : i32
    %sign3A_2476 = arith.cmpi slt, %jit3A_2463, %sign3A_2475 : i32
    %sign3A_2477 = arith.extui %sign3A_2476 : i1 to i32
    %sign3A_2478 = arith.subi %sign3A_2474, %sign3A_2477 : i32
    %ne3A_2479 = arith.cmpi ne, %sign3A_2471, %sign3A_2478 : i32
    %rem3A_2480 = arith.remsi %add3A_2462, %jit3A_2463 : i32
    %ne3A_2481 = arith.constant 0 : i32
    %ne3A_2482 = arith.cmpi ne, %rem3A_2480, %ne3A_2481 : i32
    %and3A_2483 = arith.andi %ne3A_2479, %ne3A_2482 : i1
    %sub3A_2484 = arith.constant 1 : i32
    %sub3A_2485 = arith.subi %div3A_2464, %sub3A_2484 : i32
    %select_n3A_2486 = arith.select %and3A_2483, %sub3A_2485, %div3A_2464 : i32
    %jit3A_2487 = arith.constant 12 : i32
    %eq3A_2488 = arith.constant 0 : i32
    %eq3A_2489 = arith.cmpi eq, %jit3A_2487, %eq3A_2488 : i32
    %jit3A_2490 = arith.constant 1 : i32
    %select_n3A_2491 = arith.select %eq3A_2489, %jit3A_2490, %jit3A_2487 : i32
    %rem3A_2492 = arith.remsi %add3A_2462, %select_n3A_2491 : i32
    %ne3A_2493 = arith.constant 0 : i32
    %ne3A_2494 = arith.cmpi ne, %rem3A_2492, %ne3A_2493 : i32
    %lt3A_2495 = arith.constant 0 : i32
    %lt3A_2496 = arith.cmpi slt, %rem3A_2492, %lt3A_2495 : i32
    %lt3A_2497 = arith.constant 0 : i32
    %lt3A_2498 = arith.cmpi slt, %select_n3A_2491, %lt3A_2497 : i32
    %ne3A_2499 = arith.xori %lt3A_2496, %lt3A_2498 : i1
    %and3A_2500 = arith.andi %ne3A_2499, %ne3A_2494 : i1
    %add3A_2501 = arith.addi %rem3A_2492, %select_n3A_2491 : i32
    %select_n3A_2502 = arith.select %and3A_2500, %add3A_2501, %rem3A_2492 : i32
    %mul3A_2503 = arith.constant 8 : i32
    %mul3A_2504 = arith.muli %select_n3A_2502, %mul3A_2503 : i32
    %add3A_2505 = arith.constant 96 : i32
    %add3A_2506 = arith.addi %add3A_2505, %mul3A_2504 : i32
    %mul3A_2507 = arith.constant 8 : i32
    %mul3A_2508 = arith.muli %select_n3A_2502, %mul3A_2507 : i32
    %dma_start3A_2509 = arith.constant 0 : i32
    %dma_start3A_2510 = arith.constant 0 : i32
    %dma_start3A_2511 = tpu.memref_slice %arg3[%select_n3A_2486, %add3A_2506, %dma_start3A_2509, %dma_start3A_2510] : memref<16x192x56x56xf32, #tpu.memory_space<hbm>> -> memref<1x8x56x56xf32, #tpu.memory_space<hbm>>
    %dma_start3A_2512 = tpu.memref_squeeze %dma_start3A_2511 : memref<1x8x56x56xf32, #tpu.memory_space<hbm>> -> memref<8x56x56xf32, #tpu.memory_space<hbm>>
    %dma_start3A_2513 = arith.constant 0 : i32
    %dma_start3A_2514 = arith.constant 0 : i32
    %dma_start3A_2515 = tpu.memref_slice %arg3[%select_n3A_2486, %add3A_2506, %dma_start3A_2513, %dma_start3A_2514] : memref<16x192x56x56xf32, #tpu.memory_space<hbm>> -> memref<1x8x56x56xf32, #tpu.memory_space<hbm>>
    %dma_start3A_2516 = tpu.memref_squeeze %dma_start3A_2515 : memref<1x8x56x56xf32, #tpu.memory_space<hbm>> -> memref<8x56x56xf32, #tpu.memory_space<hbm>>
    tpu.enqueue_dma source(%dma_start3A_2516 : memref<8x56x56xf32, #tpu.memory_space<hbm>>) target(%arg7 : memref<8x56x56xf32, #tpu.memory_space<vmem>>) target_semaphore(%arg9 : memref<!tpu.dma_semaphore, #tpu.memory_space<semaphore_mem>>)
    %dma_wait3A_2517 = arith.constant 0 : i32
    %dma_wait3A_2518 = arith.constant 0 : i32
    %dma_wait3A_2519 = tpu.memref_slice %arg2[%select_n3A_2352, %add3A_2372, %dma_wait3A_2517, %dma_wait3A_2518] : memref<16x192x56x56xf32, #tpu.memory_space<hbm>> -> memref<1x8x56x56xf32, #tpu.memory_space<hbm>>
    %dma_wait3A_2520 = tpu.memref_squeeze %dma_wait3A_2519 : memref<1x8x56x56xf32, #tpu.memory_space<hbm>> -> memref<8x56x56xf32, #tpu.memory_space<hbm>>
    %dma_wait3A_2521 = arith.constant 0 : i32
    %dma_wait3A_2522 = arith.constant 0 : i32
    %dma_wait3A_2523 = tpu.memref_slice %arg2[%select_n3A_2352, %add3A_2372, %dma_wait3A_2521, %dma_wait3A_2522] : memref<16x192x56x56xf32, #tpu.memory_space<hbm>> -> memref<1x8x56x56xf32, #tpu.memory_space<hbm>>
    %dma_wait3A_2524 = tpu.memref_squeeze %dma_wait3A_2523 : memref<1x8x56x56xf32, #tpu.memory_space<hbm>> -> memref<8x56x56xf32, #tpu.memory_space<hbm>>
    tpu.wait_dma2 semaphore(%arg8 : memref<!tpu.dma_semaphore, #tpu.memory_space<semaphore_mem>>) src(%dma_wait3A_2524 : memref<8x56x56xf32, #tpu.memory_space<hbm>>) dst(%arg6 : memref<8x56x56xf32, #tpu.memory_space<vmem>>)
    %mul3A_2525 = arith.constant 6 : i32
    %mul3A_2526 = arith.muli %add3A, %mul3A_2525 : i32
    %add3A_2527 = arith.constant 3 : i32
    %add3A_2528 = arith.addi %mul3A_2526, %add3A_2527 : i32
    %jit3A_2529 = arith.constant 12 : i32
    %div3A_2530 = arith.divsi %add3A_2528, %jit3A_2529 : i32
    %sign3A_2531 = arith.constant 0 : i32
    %sign3A_2532 = arith.cmpi sgt, %add3A_2528, %sign3A_2531 : i32
    %sign3A_2533 = arith.extui %sign3A_2532 : i1 to i32
    %sign3A_2534 = arith.constant 0 : i32
    %sign3A_2535 = arith.cmpi slt, %add3A_2528, %sign3A_2534 : i32
    %sign3A_2536 = arith.extui %sign3A_2535 : i1 to i32
    %sign3A_2537 = arith.subi %sign3A_2533, %sign3A_2536 : i32
    %sign3A_2538 = arith.constant 0 : i32
    %sign3A_2539 = arith.cmpi sgt, %jit3A_2529, %sign3A_2538 : i32
    %sign3A_2540 = arith.extui %sign3A_2539 : i1 to i32
    %sign3A_2541 = arith.constant 0 : i32
    %sign3A_2542 = arith.cmpi slt, %jit3A_2529, %sign3A_2541 : i32
    %sign3A_2543 = arith.extui %sign3A_2542 : i1 to i32
    %sign3A_2544 = arith.subi %sign3A_2540, %sign3A_2543 : i32
    %ne3A_2545 = arith.cmpi ne, %sign3A_2537, %sign3A_2544 : i32
    %rem3A_2546 = arith.remsi %add3A_2528, %jit3A_2529 : i32
    %ne3A_2547 = arith.constant 0 : i32
    %ne3A_2548 = arith.cmpi ne, %rem3A_2546, %ne3A_2547 : i32
    %and3A_2549 = arith.andi %ne3A_2545, %ne3A_2548 : i1
    %sub3A_2550 = arith.constant 1 : i32
    %sub3A_2551 = arith.subi %div3A_2530, %sub3A_2550 : i32
    %select_n3A_2552 = arith.select %and3A_2549, %sub3A_2551, %div3A_2530 : i32
    %jit3A_2553 = arith.constant 12 : i32
    %eq3A_2554 = arith.constant 0 : i32
    %eq3A_2555 = arith.cmpi eq, %jit3A_2553, %eq3A_2554 : i32
    %jit3A_2556 = arith.constant 1 : i32
    %select_n3A_2557 = arith.select %eq3A_2555, %jit3A_2556, %jit3A_2553 : i32
    %rem3A_2558 = arith.remsi %add3A_2528, %select_n3A_2557 : i32
    %ne3A_2559 = arith.constant 0 : i32
    %ne3A_2560 = arith.cmpi ne, %rem3A_2558, %ne3A_2559 : i32
    %lt3A_2561 = arith.constant 0 : i32
    %lt3A_2562 = arith.cmpi slt, %rem3A_2558, %lt3A_2561 : i32
    %lt3A_2563 = arith.constant 0 : i32
    %lt3A_2564 = arith.cmpi slt, %select_n3A_2557, %lt3A_2563 : i32
    %ne3A_2565 = arith.xori %lt3A_2562, %lt3A_2564 : i1
    %and3A_2566 = arith.andi %ne3A_2565, %ne3A_2560 : i1
    %add3A_2567 = arith.addi %rem3A_2558, %select_n3A_2557 : i32
    %select_n3A_2568 = arith.select %and3A_2566, %add3A_2567, %rem3A_2558 : i32
    %mul3A_2569 = arith.constant 8 : i32
    %mul3A_2570 = arith.muli %select_n3A_2568, %mul3A_2569 : i32
    %add3A_2571 = arith.constant 96 : i32
    %add3A_2572 = arith.addi %add3A_2571, %mul3A_2570 : i32
    %mul3A_2573 = arith.constant 8 : i32
    %mul3A_2574 = arith.muli %select_n3A_2568, %mul3A_2573 : i32
    %dma_start3A_2575 = arith.constant 0 : i32
    %dma_start3A_2576 = arith.constant 0 : i32
    %dma_start3A_2577 = arith.constant 0 : i32
    %dma_start3A_2578 = tpu.memref_slice %arg5[%select_n3A_2552, %mul3A_2574, %dma_start3A_2575, %dma_start3A_2576, %dma_start3A_2577] : memref<16x96x2x56x56xf32, #tpu.memory_space<hbm>> -> memref<1x8x1x56x56xf32, #tpu.memory_space<hbm>>
    %dma_start3A_2579 = tpu.memref_squeeze %dma_start3A_2578 : memref<1x8x1x56x56xf32, #tpu.memory_space<hbm>> -> memref<8x56x56xf32, #tpu.memory_space<hbm>>
    %dma_start3A_2580 = arith.constant 0 : i32
    %dma_start3A_2581 = arith.constant 0 : i32
    %dma_start3A_2582 = tpu.memref_slice %arg5[%select_n3A_2552, %mul3A_2574, %dma_start3A_2575, %dma_start3A_2580, %dma_start3A_2581] : memref<16x96x2x56x56xf32, #tpu.memory_space<hbm>> -> memref<1x8x1x56x56xf32, #tpu.memory_space<hbm>>
    %dma_start3A_2583 = tpu.memref_squeeze %dma_start3A_2582 : memref<1x8x1x56x56xf32, #tpu.memory_space<hbm>> -> memref<8x56x56xf32, #tpu.memory_space<hbm>>
    tpu.enqueue_dma source(%arg6 : memref<8x56x56xf32, #tpu.memory_space<vmem>>) target(%dma_start3A_2583 : memref<8x56x56xf32, #tpu.memory_space<hbm>>) target_semaphore(%arg10 : memref<!tpu.dma_semaphore, #tpu.memory_space<semaphore_mem>>)
    %dma_wait3A_2584 = arith.constant 0 : i32
    %dma_wait3A_2585 = arith.constant 0 : i32
    %dma_wait3A_2586 = arith.constant 0 : i32
    %dma_wait3A_2587 = tpu.memref_slice %arg5[%select_n3A_2552, %mul3A_2574, %dma_wait3A_2584, %dma_wait3A_2585, %dma_wait3A_2586] : memref<16x96x2x56x56xf32, #tpu.memory_space<hbm>> -> memref<1x8x1x56x56xf32, #tpu.memory_space<hbm>>
    %dma_wait3A_2588 = tpu.memref_squeeze %dma_wait3A_2587 : memref<1x8x1x56x56xf32, #tpu.memory_space<hbm>> -> memref<8x56x56xf32, #tpu.memory_space<hbm>>
    %dma_wait3A_2589 = arith.constant 0 : i32
    %dma_wait3A_2590 = arith.constant 0 : i32
    %dma_wait3A_2591 = tpu.memref_slice %arg5[%select_n3A_2552, %mul3A_2574, %dma_wait3A_2584, %dma_wait3A_2589, %dma_wait3A_2590] : memref<16x96x2x56x56xf32, #tpu.memory_space<hbm>> -> memref<1x8x1x56x56xf32, #tpu.memory_space<hbm>>
    %dma_wait3A_2592 = tpu.memref_squeeze %dma_wait3A_2591 : memref<1x8x1x56x56xf32, #tpu.memory_space<hbm>> -> memref<8x56x56xf32, #tpu.memory_space<hbm>>
    tpu.wait_dma2 semaphore(%arg10 : memref<!tpu.dma_semaphore, #tpu.memory_space<semaphore_mem>>) src(%arg6 : memref<8x56x56xf32, #tpu.memory_space<vmem>>) dst(%dma_wait3A_2592 : memref<8x56x56xf32, #tpu.memory_space<hbm>>)
    %mul3A_2593 = arith.constant 6 : i32
    %mul3A_2594 = arith.muli %add3A, %mul3A_2593 : i32
    %add3A_2595 = arith.constant 4 : i32
    %add3A_2596 = arith.addi %mul3A_2594, %add3A_2595 : i32
    %jit3A_2597 = arith.constant 12 : i32
    %div3A_2598 = arith.divsi %add3A_2596, %jit3A_2597 : i32
    %sign3A_2599 = arith.constant 0 : i32
    %sign3A_2600 = arith.cmpi sgt, %add3A_2596, %sign3A_2599 : i32
    %sign3A_2601 = arith.extui %sign3A_2600 : i1 to i32
    %sign3A_2602 = arith.constant 0 : i32
    %sign3A_2603 = arith.cmpi slt, %add3A_2596, %sign3A_2602 : i32
    %sign3A_2604 = arith.extui %sign3A_2603 : i1 to i32
    %sign3A_2605 = arith.subi %sign3A_2601, %sign3A_2604 : i32
    %sign3A_2606 = arith.constant 0 : i32
    %sign3A_2607 = arith.cmpi sgt, %jit3A_2597, %sign3A_2606 : i32
    %sign3A_2608 = arith.extui %sign3A_2607 : i1 to i32
    %sign3A_2609 = arith.constant 0 : i32
    %sign3A_2610 = arith.cmpi slt, %jit3A_2597, %sign3A_2609 : i32
    %sign3A_2611 = arith.extui %sign3A_2610 : i1 to i32
    %sign3A_2612 = arith.subi %sign3A_2608, %sign3A_2611 : i32
    %ne3A_2613 = arith.cmpi ne, %sign3A_2605, %sign3A_2612 : i32
    %rem3A_2614 = arith.remsi %add3A_2596, %jit3A_2597 : i32
    %ne3A_2615 = arith.constant 0 : i32
    %ne3A_2616 = arith.cmpi ne, %rem3A_2614, %ne3A_2615 : i32
    %and3A_2617 = arith.andi %ne3A_2613, %ne3A_2616 : i1
    %sub3A_2618 = arith.constant 1 : i32
    %sub3A_2619 = arith.subi %div3A_2598, %sub3A_2618 : i32
    %select_n3A_2620 = arith.select %and3A_2617, %sub3A_2619, %div3A_2598 : i32
    %jit3A_2621 = arith.constant 12 : i32
    %eq3A_2622 = arith.constant 0 : i32
    %eq3A_2623 = arith.cmpi eq, %jit3A_2621, %eq3A_2622 : i32
    %jit3A_2624 = arith.constant 1 : i32
    %select_n3A_2625 = arith.select %eq3A_2623, %jit3A_2624, %jit3A_2621 : i32
    %rem3A_2626 = arith.remsi %add3A_2596, %select_n3A_2625 : i32
    %ne3A_2627 = arith.constant 0 : i32
    %ne3A_2628 = arith.cmpi ne, %rem3A_2626, %ne3A_2627 : i32
    %lt3A_2629 = arith.constant 0 : i32
    %lt3A_2630 = arith.cmpi slt, %rem3A_2626, %lt3A_2629 : i32
    %lt3A_2631 = arith.constant 0 : i32
    %lt3A_2632 = arith.cmpi slt, %select_n3A_2625, %lt3A_2631 : i32
    %ne3A_2633 = arith.xori %lt3A_2630, %lt3A_2632 : i1
    %and3A_2634 = arith.andi %ne3A_2633, %ne3A_2628 : i1
    %add3A_2635 = arith.addi %rem3A_2626, %select_n3A_2625 : i32
    %select_n3A_2636 = arith.select %and3A_2634, %add3A_2635, %rem3A_2626 : i32
    %mul3A_2637 = arith.constant 8 : i32
    %mul3A_2638 = arith.muli %select_n3A_2636, %mul3A_2637 : i32
    %add3A_2639 = arith.constant 96 : i32
    %add3A_2640 = arith.addi %add3A_2639, %mul3A_2638 : i32
    %mul3A_2641 = arith.constant 8 : i32
    %mul3A_2642 = arith.muli %select_n3A_2636, %mul3A_2641 : i32
    %dma_start3A_2643 = arith.constant 0 : i32
    %dma_start3A_2644 = arith.constant 0 : i32
    %dma_start3A_2645 = tpu.memref_slice %arg2[%select_n3A_2620, %add3A_2640, %dma_start3A_2643, %dma_start3A_2644] : memref<16x192x56x56xf32, #tpu.memory_space<hbm>> -> memref<1x8x56x56xf32, #tpu.memory_space<hbm>>
    %dma_start3A_2646 = tpu.memref_squeeze %dma_start3A_2645 : memref<1x8x56x56xf32, #tpu.memory_space<hbm>> -> memref<8x56x56xf32, #tpu.memory_space<hbm>>
    %dma_start3A_2647 = arith.constant 0 : i32
    %dma_start3A_2648 = arith.constant 0 : i32
    %dma_start3A_2649 = tpu.memref_slice %arg2[%select_n3A_2620, %add3A_2640, %dma_start3A_2647, %dma_start3A_2648] : memref<16x192x56x56xf32, #tpu.memory_space<hbm>> -> memref<1x8x56x56xf32, #tpu.memory_space<hbm>>
    %dma_start3A_2650 = tpu.memref_squeeze %dma_start3A_2649 : memref<1x8x56x56xf32, #tpu.memory_space<hbm>> -> memref<8x56x56xf32, #tpu.memory_space<hbm>>
    tpu.enqueue_dma source(%dma_start3A_2650 : memref<8x56x56xf32, #tpu.memory_space<hbm>>) target(%arg6 : memref<8x56x56xf32, #tpu.memory_space<vmem>>) target_semaphore(%arg8 : memref<!tpu.dma_semaphore, #tpu.memory_space<semaphore_mem>>)
    %dma_wait3A_2651 = arith.constant 0 : i32
    %dma_wait3A_2652 = arith.constant 0 : i32
    %dma_wait3A_2653 = tpu.memref_slice %arg3[%select_n3A_2486, %add3A_2506, %dma_wait3A_2651, %dma_wait3A_2652] : memref<16x192x56x56xf32, #tpu.memory_space<hbm>> -> memref<1x8x56x56xf32, #tpu.memory_space<hbm>>
    %dma_wait3A_2654 = tpu.memref_squeeze %dma_wait3A_2653 : memref<1x8x56x56xf32, #tpu.memory_space<hbm>> -> memref<8x56x56xf32, #tpu.memory_space<hbm>>
    %dma_wait3A_2655 = arith.constant 0 : i32
    %dma_wait3A_2656 = arith.constant 0 : i32
    %dma_wait3A_2657 = tpu.memref_slice %arg3[%select_n3A_2486, %add3A_2506, %dma_wait3A_2655, %dma_wait3A_2656] : memref<16x192x56x56xf32, #tpu.memory_space<hbm>> -> memref<1x8x56x56xf32, #tpu.memory_space<hbm>>
    %dma_wait3A_2658 = tpu.memref_squeeze %dma_wait3A_2657 : memref<1x8x56x56xf32, #tpu.memory_space<hbm>> -> memref<8x56x56xf32, #tpu.memory_space<hbm>>
    tpu.wait_dma2 semaphore(%arg9 : memref<!tpu.dma_semaphore, #tpu.memory_space<semaphore_mem>>) src(%dma_wait3A_2658 : memref<8x56x56xf32, #tpu.memory_space<hbm>>) dst(%arg7 : memref<8x56x56xf32, #tpu.memory_space<vmem>>)
    %mul3A_2659 = arith.constant 6 : i32
    %mul3A_2660 = arith.muli %add3A, %mul3A_2659 : i32
    %add3A_2661 = arith.constant 3 : i32
    %add3A_2662 = arith.addi %mul3A_2660, %add3A_2661 : i32
    %jit3A_2663 = arith.constant 12 : i32
    %div3A_2664 = arith.divsi %add3A_2662, %jit3A_2663 : i32
    %sign3A_2665 = arith.constant 0 : i32
    %sign3A_2666 = arith.cmpi sgt, %add3A_2662, %sign3A_2665 : i32
    %sign3A_2667 = arith.extui %sign3A_2666 : i1 to i32
    %sign3A_2668 = arith.constant 0 : i32
    %sign3A_2669 = arith.cmpi slt, %add3A_2662, %sign3A_2668 : i32
    %sign3A_2670 = arith.extui %sign3A_2669 : i1 to i32
    %sign3A_2671 = arith.subi %sign3A_2667, %sign3A_2670 : i32
    %sign3A_2672 = arith.constant 0 : i32
    %sign3A_2673 = arith.cmpi sgt, %jit3A_2663, %sign3A_2672 : i32
    %sign3A_2674 = arith.extui %sign3A_2673 : i1 to i32
    %sign3A_2675 = arith.constant 0 : i32
    %sign3A_2676 = arith.cmpi slt, %jit3A_2663, %sign3A_2675 : i32
    %sign3A_2677 = arith.extui %sign3A_2676 : i1 to i32
    %sign3A_2678 = arith.subi %sign3A_2674, %sign3A_2677 : i32
    %ne3A_2679 = arith.cmpi ne, %sign3A_2671, %sign3A_2678 : i32
    %rem3A_2680 = arith.remsi %add3A_2662, %jit3A_2663 : i32
    %ne3A_2681 = arith.constant 0 : i32
    %ne3A_2682 = arith.cmpi ne, %rem3A_2680, %ne3A_2681 : i32
    %and3A_2683 = arith.andi %ne3A_2679, %ne3A_2682 : i1
    %sub3A_2684 = arith.constant 1 : i32
    %sub3A_2685 = arith.subi %div3A_2664, %sub3A_2684 : i32
    %select_n3A_2686 = arith.select %and3A_2683, %sub3A_2685, %div3A_2664 : i32
    %jit3A_2687 = arith.constant 12 : i32
    %eq3A_2688 = arith.constant 0 : i32
    %eq3A_2689 = arith.cmpi eq, %jit3A_2687, %eq3A_2688 : i32
    %jit3A_2690 = arith.constant 1 : i32
    %select_n3A_2691 = arith.select %eq3A_2689, %jit3A_2690, %jit3A_2687 : i32
    %rem3A_2692 = arith.remsi %add3A_2662, %select_n3A_2691 : i32
    %ne3A_2693 = arith.constant 0 : i32
    %ne3A_2694 = arith.cmpi ne, %rem3A_2692, %ne3A_2693 : i32
    %lt3A_2695 = arith.constant 0 : i32
    %lt3A_2696 = arith.cmpi slt, %rem3A_2692, %lt3A_2695 : i32
    %lt3A_2697 = arith.constant 0 : i32
    %lt3A_2698 = arith.cmpi slt, %select_n3A_2691, %lt3A_2697 : i32
    %ne3A_2699 = arith.xori %lt3A_2696, %lt3A_2698 : i1
    %and3A_2700 = arith.andi %ne3A_2699, %ne3A_2694 : i1
    %add3A_2701 = arith.addi %rem3A_2692, %select_n3A_2691 : i32
    %select_n3A_2702 = arith.select %and3A_2700, %add3A_2701, %rem3A_2692 : i32
    %mul3A_2703 = arith.constant 8 : i32
    %mul3A_2704 = arith.muli %select_n3A_2702, %mul3A_2703 : i32
    %add3A_2705 = arith.constant 96 : i32
    %add3A_2706 = arith.addi %add3A_2705, %mul3A_2704 : i32
    %mul3A_2707 = arith.constant 8 : i32
    %mul3A_2708 = arith.muli %select_n3A_2702, %mul3A_2707 : i32
    %dma_start3A_2709 = arith.constant 1 : i32
    %dma_start3A_2710 = arith.constant 0 : i32
    %dma_start3A_2711 = arith.constant 0 : i32
    %dma_start3A_2712 = tpu.memref_slice %arg5[%select_n3A_2686, %mul3A_2708, %dma_start3A_2709, %dma_start3A_2710, %dma_start3A_2711] : memref<16x96x2x56x56xf32, #tpu.memory_space<hbm>> -> memref<1x8x1x56x56xf32, #tpu.memory_space<hbm>>
    %dma_start3A_2713 = tpu.memref_squeeze %dma_start3A_2712 : memref<1x8x1x56x56xf32, #tpu.memory_space<hbm>> -> memref<8x56x56xf32, #tpu.memory_space<hbm>>
    %dma_start3A_2714 = arith.constant 0 : i32
    %dma_start3A_2715 = arith.constant 0 : i32
    %dma_start3A_2716 = tpu.memref_slice %arg5[%select_n3A_2686, %mul3A_2708, %dma_start3A_2709, %dma_start3A_2714, %dma_start3A_2715] : memref<16x96x2x56x56xf32, #tpu.memory_space<hbm>> -> memref<1x8x1x56x56xf32, #tpu.memory_space<hbm>>
    %dma_start3A_2717 = tpu.memref_squeeze %dma_start3A_2716 : memref<1x8x1x56x56xf32, #tpu.memory_space<hbm>> -> memref<8x56x56xf32, #tpu.memory_space<hbm>>
    tpu.enqueue_dma source(%arg7 : memref<8x56x56xf32, #tpu.memory_space<vmem>>) target(%dma_start3A_2717 : memref<8x56x56xf32, #tpu.memory_space<hbm>>) target_semaphore(%arg11 : memref<!tpu.dma_semaphore, #tpu.memory_space<semaphore_mem>>)
    %dma_wait3A_2718 = arith.constant 1 : i32
    %dma_wait3A_2719 = arith.constant 0 : i32
    %dma_wait3A_2720 = arith.constant 0 : i32
    %dma_wait3A_2721 = tpu.memref_slice %arg5[%select_n3A_2686, %mul3A_2708, %dma_wait3A_2718, %dma_wait3A_2719, %dma_wait3A_2720] : memref<16x96x2x56x56xf32, #tpu.memory_space<hbm>> -> memref<1x8x1x56x56xf32, #tpu.memory_space<hbm>>
    %dma_wait3A_2722 = tpu.memref_squeeze %dma_wait3A_2721 : memref<1x8x1x56x56xf32, #tpu.memory_space<hbm>> -> memref<8x56x56xf32, #tpu.memory_space<hbm>>
    %dma_wait3A_2723 = arith.constant 0 : i32
    %dma_wait3A_2724 = arith.constant 0 : i32
    %dma_wait3A_2725 = tpu.memref_slice %arg5[%select_n3A_2686, %mul3A_2708, %dma_wait3A_2718, %dma_wait3A_2723, %dma_wait3A_2724] : memref<16x96x2x56x56xf32, #tpu.memory_space<hbm>> -> memref<1x8x1x56x56xf32, #tpu.memory_space<hbm>>
    %dma_wait3A_2726 = tpu.memref_squeeze %dma_wait3A_2725 : memref<1x8x1x56x56xf32, #tpu.memory_space<hbm>> -> memref<8x56x56xf32, #tpu.memory_space<hbm>>
    tpu.wait_dma2 semaphore(%arg11 : memref<!tpu.dma_semaphore, #tpu.memory_space<semaphore_mem>>) src(%arg7 : memref<8x56x56xf32, #tpu.memory_space<vmem>>) dst(%dma_wait3A_2726 : memref<8x56x56xf32, #tpu.memory_space<hbm>>)
    %mul3A_2727 = arith.constant 6 : i32
    %mul3A_2728 = arith.muli %add3A, %mul3A_2727 : i32
    %add3A_2729 = arith.constant 4 : i32
    %add3A_2730 = arith.addi %mul3A_2728, %add3A_2729 : i32
    %jit3A_2731 = arith.constant 12 : i32
    %div3A_2732 = arith.divsi %add3A_2730, %jit3A_2731 : i32
    %sign3A_2733 = arith.constant 0 : i32
    %sign3A_2734 = arith.cmpi sgt, %add3A_2730, %sign3A_2733 : i32
    %sign3A_2735 = arith.extui %sign3A_2734 : i1 to i32
    %sign3A_2736 = arith.constant 0 : i32
    %sign3A_2737 = arith.cmpi slt, %add3A_2730, %sign3A_2736 : i32
    %sign3A_2738 = arith.extui %sign3A_2737 : i1 to i32
    %sign3A_2739 = arith.subi %sign3A_2735, %sign3A_2738 : i32
    %sign3A_2740 = arith.constant 0 : i32
    %sign3A_2741 = arith.cmpi sgt, %jit3A_2731, %sign3A_2740 : i32
    %sign3A_2742 = arith.extui %sign3A_2741 : i1 to i32
    %sign3A_2743 = arith.constant 0 : i32
    %sign3A_2744 = arith.cmpi slt, %jit3A_2731, %sign3A_2743 : i32
    %sign3A_2745 = arith.extui %sign3A_2744 : i1 to i32
    %sign3A_2746 = arith.subi %sign3A_2742, %sign3A_2745 : i32
    %ne3A_2747 = arith.cmpi ne, %sign3A_2739, %sign3A_2746 : i32
    %rem3A_2748 = arith.remsi %add3A_2730, %jit3A_2731 : i32
    %ne3A_2749 = arith.constant 0 : i32
    %ne3A_2750 = arith.cmpi ne, %rem3A_2748, %ne3A_2749 : i32
    %and3A_2751 = arith.andi %ne3A_2747, %ne3A_2750 : i1
    %sub3A_2752 = arith.constant 1 : i32
    %sub3A_2753 = arith.subi %div3A_2732, %sub3A_2752 : i32
    %select_n3A_2754 = arith.select %and3A_2751, %sub3A_2753, %div3A_2732 : i32
    %jit3A_2755 = arith.constant 12 : i32
    %eq3A_2756 = arith.constant 0 : i32
    %eq3A_2757 = arith.cmpi eq, %jit3A_2755, %eq3A_2756 : i32
    %jit3A_2758 = arith.constant 1 : i32
    %select_n3A_2759 = arith.select %eq3A_2757, %jit3A_2758, %jit3A_2755 : i32
    %rem3A_2760 = arith.remsi %add3A_2730, %select_n3A_2759 : i32
    %ne3A_2761 = arith.constant 0 : i32
    %ne3A_2762 = arith.cmpi ne, %rem3A_2760, %ne3A_2761 : i32
    %lt3A_2763 = arith.constant 0 : i32
    %lt3A_2764 = arith.cmpi slt, %rem3A_2760, %lt3A_2763 : i32
    %lt3A_2765 = arith.constant 0 : i32
    %lt3A_2766 = arith.cmpi slt, %select_n3A_2759, %lt3A_2765 : i32
    %ne3A_2767 = arith.xori %lt3A_2764, %lt3A_2766 : i1
    %and3A_2768 = arith.andi %ne3A_2767, %ne3A_2762 : i1
    %add3A_2769 = arith.addi %rem3A_2760, %select_n3A_2759 : i32
    %select_n3A_2770 = arith.select %and3A_2768, %add3A_2769, %rem3A_2760 : i32
    %mul3A_2771 = arith.constant 8 : i32
    %mul3A_2772 = arith.muli %select_n3A_2770, %mul3A_2771 : i32
    %add3A_2773 = arith.constant 96 : i32
    %add3A_2774 = arith.addi %add3A_2773, %mul3A_2772 : i32
    %mul3A_2775 = arith.constant 8 : i32
    %mul3A_2776 = arith.muli %select_n3A_2770, %mul3A_2775 : i32
    %dma_start3A_2777 = arith.constant 0 : i32
    %dma_start3A_2778 = arith.constant 0 : i32
    %dma_start3A_2779 = tpu.memref_slice %arg3[%select_n3A_2754, %add3A_2774, %dma_start3A_2777, %dma_start3A_2778] : memref<16x192x56x56xf32, #tpu.memory_space<hbm>> -> memref<1x8x56x56xf32, #tpu.memory_space<hbm>>
    %dma_start3A_2780 = tpu.memref_squeeze %dma_start3A_2779 : memref<1x8x56x56xf32, #tpu.memory_space<hbm>> -> memref<8x56x56xf32, #tpu.memory_space<hbm>>
    %dma_start3A_2781 = arith.constant 0 : i32
    %dma_start3A_2782 = arith.constant 0 : i32
    %dma_start3A_2783 = tpu.memref_slice %arg3[%select_n3A_2754, %add3A_2774, %dma_start3A_2781, %dma_start3A_2782] : memref<16x192x56x56xf32, #tpu.memory_space<hbm>> -> memref<1x8x56x56xf32, #tpu.memory_space<hbm>>
    %dma_start3A_2784 = tpu.memref_squeeze %dma_start3A_2783 : memref<1x8x56x56xf32, #tpu.memory_space<hbm>> -> memref<8x56x56xf32, #tpu.memory_space<hbm>>
    tpu.enqueue_dma source(%dma_start3A_2784 : memref<8x56x56xf32, #tpu.memory_space<hbm>>) target(%arg7 : memref<8x56x56xf32, #tpu.memory_space<vmem>>) target_semaphore(%arg9 : memref<!tpu.dma_semaphore, #tpu.memory_space<semaphore_mem>>)
    %dma_wait3A_2785 = arith.constant 0 : i32
    %dma_wait3A_2786 = arith.constant 0 : i32
    %dma_wait3A_2787 = tpu.memref_slice %arg2[%select_n3A_2620, %add3A_2640, %dma_wait3A_2785, %dma_wait3A_2786] : memref<16x192x56x56xf32, #tpu.memory_space<hbm>> -> memref<1x8x56x56xf32, #tpu.memory_space<hbm>>
    %dma_wait3A_2788 = tpu.memref_squeeze %dma_wait3A_2787 : memref<1x8x56x56xf32, #tpu.memory_space<hbm>> -> memref<8x56x56xf32, #tpu.memory_space<hbm>>
    %dma_wait3A_2789 = arith.constant 0 : i32
    %dma_wait3A_2790 = arith.constant 0 : i32
    %dma_wait3A_2791 = tpu.memref_slice %arg2[%select_n3A_2620, %add3A_2640, %dma_wait3A_2789, %dma_wait3A_2790] : memref<16x192x56x56xf32, #tpu.memory_space<hbm>> -> memref<1x8x56x56xf32, #tpu.memory_space<hbm>>
    %dma_wait3A_2792 = tpu.memref_squeeze %dma_wait3A_2791 : memref<1x8x56x56xf32, #tpu.memory_space<hbm>> -> memref<8x56x56xf32, #tpu.memory_space<hbm>>
    tpu.wait_dma2 semaphore(%arg8 : memref<!tpu.dma_semaphore, #tpu.memory_space<semaphore_mem>>) src(%dma_wait3A_2792 : memref<8x56x56xf32, #tpu.memory_space<hbm>>) dst(%arg6 : memref<8x56x56xf32, #tpu.memory_space<vmem>>)
    %mul3A_2793 = arith.constant 6 : i32
    %mul3A_2794 = arith.muli %add3A, %mul3A_2793 : i32
    %add3A_2795 = arith.constant 4 : i32
    %add3A_2796 = arith.addi %mul3A_2794, %add3A_2795 : i32
    %jit3A_2797 = arith.constant 12 : i32
    %div3A_2798 = arith.divsi %add3A_2796, %jit3A_2797 : i32
    %sign3A_2799 = arith.constant 0 : i32
    %sign3A_2800 = arith.cmpi sgt, %add3A_2796, %sign3A_2799 : i32
    %sign3A_2801 = arith.extui %sign3A_2800 : i1 to i32
    %sign3A_2802 = arith.constant 0 : i32
    %sign3A_2803 = arith.cmpi slt, %add3A_2796, %sign3A_2802 : i32
    %sign3A_2804 = arith.extui %sign3A_2803 : i1 to i32
    %sign3A_2805 = arith.subi %sign3A_2801, %sign3A_2804 : i32
    %sign3A_2806 = arith.constant 0 : i32
    %sign3A_2807 = arith.cmpi sgt, %jit3A_2797, %sign3A_2806 : i32
    %sign3A_2808 = arith.extui %sign3A_2807 : i1 to i32
    %sign3A_2809 = arith.constant 0 : i32
    %sign3A_2810 = arith.cmpi slt, %jit3A_2797, %sign3A_2809 : i32
    %sign3A_2811 = arith.extui %sign3A_2810 : i1 to i32
    %sign3A_2812 = arith.subi %sign3A_2808, %sign3A_2811 : i32
    %ne3A_2813 = arith.cmpi ne, %sign3A_2805, %sign3A_2812 : i32
    %rem3A_2814 = arith.remsi %add3A_2796, %jit3A_2797 : i32
    %ne3A_2815 = arith.constant 0 : i32
    %ne3A_2816 = arith.cmpi ne, %rem3A_2814, %ne3A_2815 : i32
    %and3A_2817 = arith.andi %ne3A_2813, %ne3A_2816 : i1
    %sub3A_2818 = arith.constant 1 : i32
    %sub3A_2819 = arith.subi %div3A_2798, %sub3A_2818 : i32
    %select_n3A_2820 = arith.select %and3A_2817, %sub3A_2819, %div3A_2798 : i32
    %jit3A_2821 = arith.constant 12 : i32
    %eq3A_2822 = arith.constant 0 : i32
    %eq3A_2823 = arith.cmpi eq, %jit3A_2821, %eq3A_2822 : i32
    %jit3A_2824 = arith.constant 1 : i32
    %select_n3A_2825 = arith.select %eq3A_2823, %jit3A_2824, %jit3A_2821 : i32
    %rem3A_2826 = arith.remsi %add3A_2796, %select_n3A_2825 : i32
    %ne3A_2827 = arith.constant 0 : i32
    %ne3A_2828 = arith.cmpi ne, %rem3A_2826, %ne3A_2827 : i32
    %lt3A_2829 = arith.constant 0 : i32
    %lt3A_2830 = arith.cmpi slt, %rem3A_2826, %lt3A_2829 : i32
    %lt3A_2831 = arith.constant 0 : i32
    %lt3A_2832 = arith.cmpi slt, %select_n3A_2825, %lt3A_2831 : i32
    %ne3A_2833 = arith.xori %lt3A_2830, %lt3A_2832 : i1
    %and3A_2834 = arith.andi %ne3A_2833, %ne3A_2828 : i1
    %add3A_2835 = arith.addi %rem3A_2826, %select_n3A_2825 : i32
    %select_n3A_2836 = arith.select %and3A_2834, %add3A_2835, %rem3A_2826 : i32
    %mul3A_2837 = arith.constant 8 : i32
    %mul3A_2838 = arith.muli %select_n3A_2836, %mul3A_2837 : i32
    %add3A_2839 = arith.constant 96 : i32
    %add3A_2840 = arith.addi %add3A_2839, %mul3A_2838 : i32
    %mul3A_2841 = arith.constant 8 : i32
    %mul3A_2842 = arith.muli %select_n3A_2836, %mul3A_2841 : i32
    %dma_start3A_2843 = arith.constant 0 : i32
    %dma_start3A_2844 = arith.constant 0 : i32
    %dma_start3A_2845 = arith.constant 0 : i32
    %dma_start3A_2846 = tpu.memref_slice %arg5[%select_n3A_2820, %mul3A_2842, %dma_start3A_2843, %dma_start3A_2844, %dma_start3A_2845] : memref<16x96x2x56x56xf32, #tpu.memory_space<hbm>> -> memref<1x8x1x56x56xf32, #tpu.memory_space<hbm>>
    %dma_start3A_2847 = tpu.memref_squeeze %dma_start3A_2846 : memref<1x8x1x56x56xf32, #tpu.memory_space<hbm>> -> memref<8x56x56xf32, #tpu.memory_space<hbm>>
    %dma_start3A_2848 = arith.constant 0 : i32
    %dma_start3A_2849 = arith.constant 0 : i32
    %dma_start3A_2850 = tpu.memref_slice %arg5[%select_n3A_2820, %mul3A_2842, %dma_start3A_2843, %dma_start3A_2848, %dma_start3A_2849] : memref<16x96x2x56x56xf32, #tpu.memory_space<hbm>> -> memref<1x8x1x56x56xf32, #tpu.memory_space<hbm>>
    %dma_start3A_2851 = tpu.memref_squeeze %dma_start3A_2850 : memref<1x8x1x56x56xf32, #tpu.memory_space<hbm>> -> memref<8x56x56xf32, #tpu.memory_space<hbm>>
    tpu.enqueue_dma source(%arg6 : memref<8x56x56xf32, #tpu.memory_space<vmem>>) target(%dma_start3A_2851 : memref<8x56x56xf32, #tpu.memory_space<hbm>>) target_semaphore(%arg10 : memref<!tpu.dma_semaphore, #tpu.memory_space<semaphore_mem>>)
    %dma_wait3A_2852 = arith.constant 0 : i32
    %dma_wait3A_2853 = arith.constant 0 : i32
    %dma_wait3A_2854 = arith.constant 0 : i32
    %dma_wait3A_2855 = tpu.memref_slice %arg5[%select_n3A_2820, %mul3A_2842, %dma_wait3A_2852, %dma_wait3A_2853, %dma_wait3A_2854] : memref<16x96x2x56x56xf32, #tpu.memory_space<hbm>> -> memref<1x8x1x56x56xf32, #tpu.memory_space<hbm>>
    %dma_wait3A_2856 = tpu.memref_squeeze %dma_wait3A_2855 : memref<1x8x1x56x56xf32, #tpu.memory_space<hbm>> -> memref<8x56x56xf32, #tpu.memory_space<hbm>>
    %dma_wait3A_2857 = arith.constant 0 : i32
    %dma_wait3A_2858 = arith.constant 0 : i32
    %dma_wait3A_2859 = tpu.memref_slice %arg5[%select_n3A_2820, %mul3A_2842, %dma_wait3A_2852, %dma_wait3A_2857, %dma_wait3A_2858] : memref<16x96x2x56x56xf32, #tpu.memory_space<hbm>> -> memref<1x8x1x56x56xf32, #tpu.memory_space<hbm>>
    %dma_wait3A_2860 = tpu.memref_squeeze %dma_wait3A_2859 : memref<1x8x1x56x56xf32, #tpu.memory_space<hbm>> -> memref<8x56x56xf32, #tpu.memory_space<hbm>>
    tpu.wait_dma2 semaphore(%arg10 : memref<!tpu.dma_semaphore, #tpu.memory_space<semaphore_mem>>) src(%arg6 : memref<8x56x56xf32, #tpu.memory_space<vmem>>) dst(%dma_wait3A_2860 : memref<8x56x56xf32, #tpu.memory_space<hbm>>)
    %mul3A_2861 = arith.constant 6 : i32
    %mul3A_2862 = arith.muli %add3A, %mul3A_2861 : i32
    %add3A_2863 = arith.constant 5 : i32
    %add3A_2864 = arith.addi %mul3A_2862, %add3A_2863 : i32
    %jit3A_2865 = arith.constant 12 : i32
    %div3A_2866 = arith.divsi %add3A_2864, %jit3A_2865 : i32
    %sign3A_2867 = arith.constant 0 : i32
    %sign3A_2868 = arith.cmpi sgt, %add3A_2864, %sign3A_2867 : i32
    %sign3A_2869 = arith.extui %sign3A_2868 : i1 to i32
    %sign3A_2870 = arith.constant 0 : i32
    %sign3A_2871 = arith.cmpi slt, %add3A_2864, %sign3A_2870 : i32
    %sign3A_2872 = arith.extui %sign3A_2871 : i1 to i32
    %sign3A_2873 = arith.subi %sign3A_2869, %sign3A_2872 : i32
    %sign3A_2874 = arith.constant 0 : i32
    %sign3A_2875 = arith.cmpi sgt, %jit3A_2865, %sign3A_2874 : i32
    %sign3A_2876 = arith.extui %sign3A_2875 : i1 to i32
    %sign3A_2877 = arith.constant 0 : i32
    %sign3A_2878 = arith.cmpi slt, %jit3A_2865, %sign3A_2877 : i32
    %sign3A_2879 = arith.extui %sign3A_2878 : i1 to i32
    %sign3A_2880 = arith.subi %sign3A_2876, %sign3A_2879 : i32
    %ne3A_2881 = arith.cmpi ne, %sign3A_2873, %sign3A_2880 : i32
    %rem3A_2882 = arith.remsi %add3A_2864, %jit3A_2865 : i32
    %ne3A_2883 = arith.constant 0 : i32
    %ne3A_2884 = arith.cmpi ne, %rem3A_2882, %ne3A_2883 : i32
    %and3A_2885 = arith.andi %ne3A_2881, %ne3A_2884 : i1
    %sub3A_2886 = arith.constant 1 : i32
    %sub3A_2887 = arith.subi %div3A_2866, %sub3A_2886 : i32
    %select_n3A_2888 = arith.select %and3A_2885, %sub3A_2887, %div3A_2866 : i32
    %jit3A_2889 = arith.constant 12 : i32
    %eq3A_2890 = arith.constant 0 : i32
    %eq3A_2891 = arith.cmpi eq, %jit3A_2889, %eq3A_2890 : i32
    %jit3A_2892 = arith.constant 1 : i32
    %select_n3A_2893 = arith.select %eq3A_2891, %jit3A_2892, %jit3A_2889 : i32
    %rem3A_2894 = arith.remsi %add3A_2864, %select_n3A_2893 : i32
    %ne3A_2895 = arith.constant 0 : i32
    %ne3A_2896 = arith.cmpi ne, %rem3A_2894, %ne3A_2895 : i32
    %lt3A_2897 = arith.constant 0 : i32
    %lt3A_2898 = arith.cmpi slt, %rem3A_2894, %lt3A_2897 : i32
    %lt3A_2899 = arith.constant 0 : i32
    %lt3A_2900 = arith.cmpi slt, %select_n3A_2893, %lt3A_2899 : i32
    %ne3A_2901 = arith.xori %lt3A_2898, %lt3A_2900 : i1
    %and3A_2902 = arith.andi %ne3A_2901, %ne3A_2896 : i1
    %add3A_2903 = arith.addi %rem3A_2894, %select_n3A_2893 : i32
    %select_n3A_2904 = arith.select %and3A_2902, %add3A_2903, %rem3A_2894 : i32
    %mul3A_2905 = arith.constant 8 : i32
    %mul3A_2906 = arith.muli %select_n3A_2904, %mul3A_2905 : i32
    %add3A_2907 = arith.constant 96 : i32
    %add3A_2908 = arith.addi %add3A_2907, %mul3A_2906 : i32
    %mul3A_2909 = arith.constant 8 : i32
    %mul3A_2910 = arith.muli %select_n3A_2904, %mul3A_2909 : i32
    %dma_start3A_2911 = arith.constant 0 : i32
    %dma_start3A_2912 = arith.constant 0 : i32
    %dma_start3A_2913 = tpu.memref_slice %arg2[%select_n3A_2888, %add3A_2908, %dma_start3A_2911, %dma_start3A_2912] : memref<16x192x56x56xf32, #tpu.memory_space<hbm>> -> memref<1x8x56x56xf32, #tpu.memory_space<hbm>>
    %dma_start3A_2914 = tpu.memref_squeeze %dma_start3A_2913 : memref<1x8x56x56xf32, #tpu.memory_space<hbm>> -> memref<8x56x56xf32, #tpu.memory_space<hbm>>
    %dma_start3A_2915 = arith.constant 0 : i32
    %dma_start3A_2916 = arith.constant 0 : i32
    %dma_start3A_2917 = tpu.memref_slice %arg2[%select_n3A_2888, %add3A_2908, %dma_start3A_2915, %dma_start3A_2916] : memref<16x192x56x56xf32, #tpu.memory_space<hbm>> -> memref<1x8x56x56xf32, #tpu.memory_space<hbm>>
    %dma_start3A_2918 = tpu.memref_squeeze %dma_start3A_2917 : memref<1x8x56x56xf32, #tpu.memory_space<hbm>> -> memref<8x56x56xf32, #tpu.memory_space<hbm>>
    tpu.enqueue_dma source(%dma_start3A_2918 : memref<8x56x56xf32, #tpu.memory_space<hbm>>) target(%arg6 : memref<8x56x56xf32, #tpu.memory_space<vmem>>) target_semaphore(%arg8 : memref<!tpu.dma_semaphore, #tpu.memory_space<semaphore_mem>>)
    %dma_wait3A_2919 = arith.constant 0 : i32
    %dma_wait3A_2920 = arith.constant 0 : i32
    %dma_wait3A_2921 = tpu.memref_slice %arg3[%select_n3A_2754, %add3A_2774, %dma_wait3A_2919, %dma_wait3A_2920] : memref<16x192x56x56xf32, #tpu.memory_space<hbm>> -> memref<1x8x56x56xf32, #tpu.memory_space<hbm>>
    %dma_wait3A_2922 = tpu.memref_squeeze %dma_wait3A_2921 : memref<1x8x56x56xf32, #tpu.memory_space<hbm>> -> memref<8x56x56xf32, #tpu.memory_space<hbm>>
    %dma_wait3A_2923 = arith.constant 0 : i32
    %dma_wait3A_2924 = arith.constant 0 : i32
    %dma_wait3A_2925 = tpu.memref_slice %arg3[%select_n3A_2754, %add3A_2774, %dma_wait3A_2923, %dma_wait3A_2924] : memref<16x192x56x56xf32, #tpu.memory_space<hbm>> -> memref<1x8x56x56xf32, #tpu.memory_space<hbm>>
    %dma_wait3A_2926 = tpu.memref_squeeze %dma_wait3A_2925 : memref<1x8x56x56xf32, #tpu.memory_space<hbm>> -> memref<8x56x56xf32, #tpu.memory_space<hbm>>
    tpu.wait_dma2 semaphore(%arg9 : memref<!tpu.dma_semaphore, #tpu.memory_space<semaphore_mem>>) src(%dma_wait3A_2926 : memref<8x56x56xf32, #tpu.memory_space<hbm>>) dst(%arg7 : memref<8x56x56xf32, #tpu.memory_space<vmem>>)
    %mul3A_2927 = arith.constant 6 : i32
    %mul3A_2928 = arith.muli %add3A, %mul3A_2927 : i32
    %add3A_2929 = arith.constant 4 : i32
    %add3A_2930 = arith.addi %mul3A_2928, %add3A_2929 : i32
    %jit3A_2931 = arith.constant 12 : i32
    %div3A_2932 = arith.divsi %add3A_2930, %jit3A_2931 : i32
    %sign3A_2933 = arith.constant 0 : i32
    %sign3A_2934 = arith.cmpi sgt, %add3A_2930, %sign3A_2933 : i32
    %sign3A_2935 = arith.extui %sign3A_2934 : i1 to i32
    %sign3A_2936 = arith.constant 0 : i32
    %sign3A_2937 = arith.cmpi slt, %add3A_2930, %sign3A_2936 : i32
    %sign3A_2938 = arith.extui %sign3A_2937 : i1 to i32
    %sign3A_2939 = arith.subi %sign3A_2935, %sign3A_2938 : i32
    %sign3A_2940 = arith.constant 0 : i32
    %sign3A_2941 = arith.cmpi sgt, %jit3A_2931, %sign3A_2940 : i32
    %sign3A_2942 = arith.extui %sign3A_2941 : i1 to i32
    %sign3A_2943 = arith.constant 0 : i32
    %sign3A_2944 = arith.cmpi slt, %jit3A_2931, %sign3A_2943 : i32
    %sign3A_2945 = arith.extui %sign3A_2944 : i1 to i32
    %sign3A_2946 = arith.subi %sign3A_2942, %sign3A_2945 : i32
    %ne3A_2947 = arith.cmpi ne, %sign3A_2939, %sign3A_2946 : i32
    %rem3A_2948 = arith.remsi %add3A_2930, %jit3A_2931 : i32
    %ne3A_2949 = arith.constant 0 : i32
    %ne3A_2950 = arith.cmpi ne, %rem3A_2948, %ne3A_2949 : i32
    %and3A_2951 = arith.andi %ne3A_2947, %ne3A_2950 : i1
    %sub3A_2952 = arith.constant 1 : i32
    %sub3A_2953 = arith.subi %div3A_2932, %sub3A_2952 : i32
    %select_n3A_2954 = arith.select %and3A_2951, %sub3A_2953, %div3A_2932 : i32
    %jit3A_2955 = arith.constant 12 : i32
    %eq3A_2956 = arith.constant 0 : i32
    %eq3A_2957 = arith.cmpi eq, %jit3A_2955, %eq3A_2956 : i32
    %jit3A_2958 = arith.constant 1 : i32
    %select_n3A_2959 = arith.select %eq3A_2957, %jit3A_2958, %jit3A_2955 : i32
    %rem3A_2960 = arith.remsi %add3A_2930, %select_n3A_2959 : i32
    %ne3A_2961 = arith.constant 0 : i32
    %ne3A_2962 = arith.cmpi ne, %rem3A_2960, %ne3A_2961 : i32
    %lt3A_2963 = arith.constant 0 : i32
    %lt3A_2964 = arith.cmpi slt, %rem3A_2960, %lt3A_2963 : i32
    %lt3A_2965 = arith.constant 0 : i32
    %lt3A_2966 = arith.cmpi slt, %select_n3A_2959, %lt3A_2965 : i32
    %ne3A_2967 = arith.xori %lt3A_2964, %lt3A_2966 : i1
    %and3A_2968 = arith.andi %ne3A_2967, %ne3A_2962 : i1
    %add3A_2969 = arith.addi %rem3A_2960, %select_n3A_2959 : i32
    %select_n3A_2970 = arith.select %and3A_2968, %add3A_2969, %rem3A_2960 : i32
    %mul3A_2971 = arith.constant 8 : i32
    %mul3A_2972 = arith.muli %select_n3A_2970, %mul3A_2971 : i32
    %add3A_2973 = arith.constant 96 : i32
    %add3A_2974 = arith.addi %add3A_2973, %mul3A_2972 : i32
    %mul3A_2975 = arith.constant 8 : i32
    %mul3A_2976 = arith.muli %select_n3A_2970, %mul3A_2975 : i32
    %dma_start3A_2977 = arith.constant 1 : i32
    %dma_start3A_2978 = arith.constant 0 : i32
    %dma_start3A_2979 = arith.constant 0 : i32
    %dma_start3A_2980 = tpu.memref_slice %arg5[%select_n3A_2954, %mul3A_2976, %dma_start3A_2977, %dma_start3A_2978, %dma_start3A_2979] : memref<16x96x2x56x56xf32, #tpu.memory_space<hbm>> -> memref<1x8x1x56x56xf32, #tpu.memory_space<hbm>>
    %dma_start3A_2981 = tpu.memref_squeeze %dma_start3A_2980 : memref<1x8x1x56x56xf32, #tpu.memory_space<hbm>> -> memref<8x56x56xf32, #tpu.memory_space<hbm>>
    %dma_start3A_2982 = arith.constant 0 : i32
    %dma_start3A_2983 = arith.constant 0 : i32
    %dma_start3A_2984 = tpu.memref_slice %arg5[%select_n3A_2954, %mul3A_2976, %dma_start3A_2977, %dma_start3A_2982, %dma_start3A_2983] : memref<16x96x2x56x56xf32, #tpu.memory_space<hbm>> -> memref<1x8x1x56x56xf32, #tpu.memory_space<hbm>>
    %dma_start3A_2985 = tpu.memref_squeeze %dma_start3A_2984 : memref<1x8x1x56x56xf32, #tpu.memory_space<hbm>> -> memref<8x56x56xf32, #tpu.memory_space<hbm>>
    tpu.enqueue_dma source(%arg7 : memref<8x56x56xf32, #tpu.memory_space<vmem>>) target(%dma_start3A_2985 : memref<8x56x56xf32, #tpu.memory_space<hbm>>) target_semaphore(%arg11 : memref<!tpu.dma_semaphore, #tpu.memory_space<semaphore_mem>>)
    %dma_wait3A_2986 = arith.constant 1 : i32
    %dma_wait3A_2987 = arith.constant 0 : i32
    %dma_wait3A_2988 = arith.constant 0 : i32
    %dma_wait3A_2989 = tpu.memref_slice %arg5[%select_n3A_2954, %mul3A_2976, %dma_wait3A_2986, %dma_wait3A_2987, %dma_wait3A_2988] : memref<16x96x2x56x56xf32, #tpu.memory_space<hbm>> -> memref<1x8x1x56x56xf32, #tpu.memory_space<hbm>>
    %dma_wait3A_2990 = tpu.memref_squeeze %dma_wait3A_2989 : memref<1x8x1x56x56xf32, #tpu.memory_space<hbm>> -> memref<8x56x56xf32, #tpu.memory_space<hbm>>
    %dma_wait3A_2991 = arith.constant 0 : i32
    %dma_wait3A_2992 = arith.constant 0 : i32
    %dma_wait3A_2993 = tpu.memref_slice %arg5[%select_n3A_2954, %mul3A_2976, %dma_wait3A_2986, %dma_wait3A_2991, %dma_wait3A_2992] : memref<16x96x2x56x56xf32, #tpu.memory_space<hbm>> -> memref<1x8x1x56x56xf32, #tpu.memory_space<hbm>>
    %dma_wait3A_2994 = tpu.memref_squeeze %dma_wait3A_2993 : memref<1x8x1x56x56xf32, #tpu.memory_space<hbm>> -> memref<8x56x56xf32, #tpu.memory_space<hbm>>
    tpu.wait_dma2 semaphore(%arg11 : memref<!tpu.dma_semaphore, #tpu.memory_space<semaphore_mem>>) src(%arg7 : memref<8x56x56xf32, #tpu.memory_space<vmem>>) dst(%dma_wait3A_2994 : memref<8x56x56xf32, #tpu.memory_space<hbm>>)
    %mul3A_2995 = arith.constant 6 : i32
    %mul3A_2996 = arith.muli %add3A, %mul3A_2995 : i32
    %add3A_2997 = arith.constant 5 : i32
    %add3A_2998 = arith.addi %mul3A_2996, %add3A_2997 : i32
    %jit3A_2999 = arith.constant 12 : i32
    %div3A_3000 = arith.divsi %add3A_2998, %jit3A_2999 : i32
    %sign3A_3001 = arith.constant 0 : i32
    %sign3A_3002 = arith.cmpi sgt, %add3A_2998, %sign3A_3001 : i32
    %sign3A_3003 = arith.extui %sign3A_3002 : i1 to i32
    %sign3A_3004 = arith.constant 0 : i32
    %sign3A_3005 = arith.cmpi slt, %add3A_2998, %sign3A_3004 : i32
    %sign3A_3006 = arith.extui %sign3A_3005 : i1 to i32
    %sign3A_3007 = arith.subi %sign3A_3003, %sign3A_3006 : i32
    %sign3A_3008 = arith.constant 0 : i32
    %sign3A_3009 = arith.cmpi sgt, %jit3A_2999, %sign3A_3008 : i32
    %sign3A_3010 = arith.extui %sign3A_3009 : i1 to i32
    %sign3A_3011 = arith.constant 0 : i32
    %sign3A_3012 = arith.cmpi slt, %jit3A_2999, %sign3A_3011 : i32
    %sign3A_3013 = arith.extui %sign3A_3012 : i1 to i32
    %sign3A_3014 = arith.subi %sign3A_3010, %sign3A_3013 : i32
    %ne3A_3015 = arith.cmpi ne, %sign3A_3007, %sign3A_3014 : i32
    %rem3A_3016 = arith.remsi %add3A_2998, %jit3A_2999 : i32
    %ne3A_3017 = arith.constant 0 : i32
    %ne3A_3018 = arith.cmpi ne, %rem3A_3016, %ne3A_3017 : i32
    %and3A_3019 = arith.andi %ne3A_3015, %ne3A_3018 : i1
    %sub3A_3020 = arith.constant 1 : i32
    %sub3A_3021 = arith.subi %div3A_3000, %sub3A_3020 : i32
    %select_n3A_3022 = arith.select %and3A_3019, %sub3A_3021, %div3A_3000 : i32
    %jit3A_3023 = arith.constant 12 : i32
    %eq3A_3024 = arith.constant 0 : i32
    %eq3A_3025 = arith.cmpi eq, %jit3A_3023, %eq3A_3024 : i32
    %jit3A_3026 = arith.constant 1 : i32
    %select_n3A_3027 = arith.select %eq3A_3025, %jit3A_3026, %jit3A_3023 : i32
    %rem3A_3028 = arith.remsi %add3A_2998, %select_n3A_3027 : i32
    %ne3A_3029 = arith.constant 0 : i32
    %ne3A_3030 = arith.cmpi ne, %rem3A_3028, %ne3A_3029 : i32
    %lt3A_3031 = arith.constant 0 : i32
    %lt3A_3032 = arith.cmpi slt, %rem3A_3028, %lt3A_3031 : i32
    %lt3A_3033 = arith.constant 0 : i32
    %lt3A_3034 = arith.cmpi slt, %select_n3A_3027, %lt3A_3033 : i32
    %ne3A_3035 = arith.xori %lt3A_3032, %lt3A_3034 : i1
    %and3A_3036 = arith.andi %ne3A_3035, %ne3A_3030 : i1
    %add3A_3037 = arith.addi %rem3A_3028, %select_n3A_3027 : i32
    %select_n3A_3038 = arith.select %and3A_3036, %add3A_3037, %rem3A_3028 : i32
    %mul3A_3039 = arith.constant 8 : i32
    %mul3A_3040 = arith.muli %select_n3A_3038, %mul3A_3039 : i32
    %add3A_3041 = arith.constant 96 : i32
    %add3A_3042 = arith.addi %add3A_3041, %mul3A_3040 : i32
    %mul3A_3043 = arith.constant 8 : i32
    %mul3A_3044 = arith.muli %select_n3A_3038, %mul3A_3043 : i32
    %dma_start3A_3045 = arith.constant 0 : i32
    %dma_start3A_3046 = arith.constant 0 : i32
    %dma_start3A_3047 = tpu.memref_slice %arg3[%select_n3A_3022, %add3A_3042, %dma_start3A_3045, %dma_start3A_3046] : memref<16x192x56x56xf32, #tpu.memory_space<hbm>> -> memref<1x8x56x56xf32, #tpu.memory_space<hbm>>
    %dma_start3A_3048 = tpu.memref_squeeze %dma_start3A_3047 : memref<1x8x56x56xf32, #tpu.memory_space<hbm>> -> memref<8x56x56xf32, #tpu.memory_space<hbm>>
    %dma_start3A_3049 = arith.constant 0 : i32
    %dma_start3A_3050 = arith.constant 0 : i32
    %dma_start3A_3051 = tpu.memref_slice %arg3[%select_n3A_3022, %add3A_3042, %dma_start3A_3049, %dma_start3A_3050] : memref<16x192x56x56xf32, #tpu.memory_space<hbm>> -> memref<1x8x56x56xf32, #tpu.memory_space<hbm>>
    %dma_start3A_3052 = tpu.memref_squeeze %dma_start3A_3051 : memref<1x8x56x56xf32, #tpu.memory_space<hbm>> -> memref<8x56x56xf32, #tpu.memory_space<hbm>>
    tpu.enqueue_dma source(%dma_start3A_3052 : memref<8x56x56xf32, #tpu.memory_space<hbm>>) target(%arg7 : memref<8x56x56xf32, #tpu.memory_space<vmem>>) target_semaphore(%arg9 : memref<!tpu.dma_semaphore, #tpu.memory_space<semaphore_mem>>)
    %dma_wait3A_3053 = arith.constant 0 : i32
    %dma_wait3A_3054 = arith.constant 0 : i32
    %dma_wait3A_3055 = tpu.memref_slice %arg2[%select_n3A_2888, %add3A_2908, %dma_wait3A_3053, %dma_wait3A_3054] : memref<16x192x56x56xf32, #tpu.memory_space<hbm>> -> memref<1x8x56x56xf32, #tpu.memory_space<hbm>>
    %dma_wait3A_3056 = tpu.memref_squeeze %dma_wait3A_3055 : memref<1x8x56x56xf32, #tpu.memory_space<hbm>> -> memref<8x56x56xf32, #tpu.memory_space<hbm>>
    %dma_wait3A_3057 = arith.constant 0 : i32
    %dma_wait3A_3058 = arith.constant 0 : i32
    %dma_wait3A_3059 = tpu.memref_slice %arg2[%select_n3A_2888, %add3A_2908, %dma_wait3A_3057, %dma_wait3A_3058] : memref<16x192x56x56xf32, #tpu.memory_space<hbm>> -> memref<1x8x56x56xf32, #tpu.memory_space<hbm>>
    %dma_wait3A_3060 = tpu.memref_squeeze %dma_wait3A_3059 : memref<1x8x56x56xf32, #tpu.memory_space<hbm>> -> memref<8x56x56xf32, #tpu.memory_space<hbm>>
    tpu.wait_dma2 semaphore(%arg8 : memref<!tpu.dma_semaphore, #tpu.memory_space<semaphore_mem>>) src(%dma_wait3A_3060 : memref<8x56x56xf32, #tpu.memory_space<hbm>>) dst(%arg6 : memref<8x56x56xf32, #tpu.memory_space<vmem>>)
    %mul3A_3061 = arith.constant 6 : i32
    %mul3A_3062 = arith.muli %add3A, %mul3A_3061 : i32
    %add3A_3063 = arith.constant 5 : i32
    %add3A_3064 = arith.addi %mul3A_3062, %add3A_3063 : i32
    %jit3A_3065 = arith.constant 12 : i32
    %div3A_3066 = arith.divsi %add3A_3064, %jit3A_3065 : i32
    %sign3A_3067 = arith.constant 0 : i32
    %sign3A_3068 = arith.cmpi sgt, %add3A_3064, %sign3A_3067 : i32
    %sign3A_3069 = arith.extui %sign3A_3068 : i1 to i32
    %sign3A_3070 = arith.constant 0 : i32
    %sign3A_3071 = arith.cmpi slt, %add3A_3064, %sign3A_3070 : i32
    %sign3A_3072 = arith.extui %sign3A_3071 : i1 to i32
    %sign3A_3073 = arith.subi %sign3A_3069, %sign3A_3072 : i32
    %sign3A_3074 = arith.constant 0 : i32
    %sign3A_3075 = arith.cmpi sgt, %jit3A_3065, %sign3A_3074 : i32
    %sign3A_3076 = arith.extui %sign3A_3075 : i1 to i32
    %sign3A_3077 = arith.constant 0 : i32
    %sign3A_3078 = arith.cmpi slt, %jit3A_3065, %sign3A_3077 : i32
    %sign3A_3079 = arith.extui %sign3A_3078 : i1 to i32
    %sign3A_3080 = arith.subi %sign3A_3076, %sign3A_3079 : i32
    %ne3A_3081 = arith.cmpi ne, %sign3A_3073, %sign3A_3080 : i32
    %rem3A_3082 = arith.remsi %add3A_3064, %jit3A_3065 : i32
    %ne3A_3083 = arith.constant 0 : i32
    %ne3A_3084 = arith.cmpi ne, %rem3A_3082, %ne3A_3083 : i32
    %and3A_3085 = arith.andi %ne3A_3081, %ne3A_3084 : i1
    %sub3A_3086 = arith.constant 1 : i32
    %sub3A_3087 = arith.subi %div3A_3066, %sub3A_3086 : i32
    %select_n3A_3088 = arith.select %and3A_3085, %sub3A_3087, %div3A_3066 : i32
    %jit3A_3089 = arith.constant 12 : i32
    %eq3A_3090 = arith.constant 0 : i32
    %eq3A_3091 = arith.cmpi eq, %jit3A_3089, %eq3A_3090 : i32
    %jit3A_3092 = arith.constant 1 : i32
    %select_n3A_3093 = arith.select %eq3A_3091, %jit3A_3092, %jit3A_3089 : i32
    %rem3A_3094 = arith.remsi %add3A_3064, %select_n3A_3093 : i32
    %ne3A_3095 = arith.constant 0 : i32
    %ne3A_3096 = arith.cmpi ne, %rem3A_3094, %ne3A_3095 : i32
    %lt3A_3097 = arith.constant 0 : i32
    %lt3A_3098 = arith.cmpi slt, %rem3A_3094, %lt3A_3097 : i32
    %lt3A_3099 = arith.constant 0 : i32
    %lt3A_3100 = arith.cmpi slt, %select_n3A_3093, %lt3A_3099 : i32
    %ne3A_3101 = arith.xori %lt3A_3098, %lt3A_3100 : i1
    %and3A_3102 = arith.andi %ne3A_3101, %ne3A_3096 : i1
    %add3A_3103 = arith.addi %rem3A_3094, %select_n3A_3093 : i32
    %select_n3A_3104 = arith.select %and3A_3102, %add3A_3103, %rem3A_3094 : i32
    %mul3A_3105 = arith.constant 8 : i32
    %mul3A_3106 = arith.muli %select_n3A_3104, %mul3A_3105 : i32
    %add3A_3107 = arith.constant 96 : i32
    %add3A_3108 = arith.addi %add3A_3107, %mul3A_3106 : i32
    %mul3A_3109 = arith.constant 8 : i32
    %mul3A_3110 = arith.muli %select_n3A_3104, %mul3A_3109 : i32
    %dma_start3A_3111 = arith.constant 0 : i32
    %dma_start3A_3112 = arith.constant 0 : i32
    %dma_start3A_3113 = arith.constant 0 : i32
    %dma_start3A_3114 = tpu.memref_slice %arg5[%select_n3A_3088, %mul3A_3110, %dma_start3A_3111, %dma_start3A_3112, %dma_start3A_3113] : memref<16x96x2x56x56xf32, #tpu.memory_space<hbm>> -> memref<1x8x1x56x56xf32, #tpu.memory_space<hbm>>
    %dma_start3A_3115 = tpu.memref_squeeze %dma_start3A_3114 : memref<1x8x1x56x56xf32, #tpu.memory_space<hbm>> -> memref<8x56x56xf32, #tpu.memory_space<hbm>>
    %dma_start3A_3116 = arith.constant 0 : i32
    %dma_start3A_3117 = arith.constant 0 : i32
    %dma_start3A_3118 = tpu.memref_slice %arg5[%select_n3A_3088, %mul3A_3110, %dma_start3A_3111, %dma_start3A_3116, %dma_start3A_3117] : memref<16x96x2x56x56xf32, #tpu.memory_space<hbm>> -> memref<1x8x1x56x56xf32, #tpu.memory_space<hbm>>
    %dma_start3A_3119 = tpu.memref_squeeze %dma_start3A_3118 : memref<1x8x1x56x56xf32, #tpu.memory_space<hbm>> -> memref<8x56x56xf32, #tpu.memory_space<hbm>>
    tpu.enqueue_dma source(%arg6 : memref<8x56x56xf32, #tpu.memory_space<vmem>>) target(%dma_start3A_3119 : memref<8x56x56xf32, #tpu.memory_space<hbm>>) target_semaphore(%arg10 : memref<!tpu.dma_semaphore, #tpu.memory_space<semaphore_mem>>)
    %dma_wait3A_3120 = arith.constant 0 : i32
    %dma_wait3A_3121 = arith.constant 0 : i32
    %dma_wait3A_3122 = tpu.memref_slice %arg3[%select_n3A_3022, %add3A_3042, %dma_wait3A_3120, %dma_wait3A_3121] : memref<16x192x56x56xf32, #tpu.memory_space<hbm>> -> memref<1x8x56x56xf32, #tpu.memory_space<hbm>>
    %dma_wait3A_3123 = tpu.memref_squeeze %dma_wait3A_3122 : memref<1x8x56x56xf32, #tpu.memory_space<hbm>> -> memref<8x56x56xf32, #tpu.memory_space<hbm>>
    %dma_wait3A_3124 = arith.constant 0 : i32
    %dma_wait3A_3125 = arith.constant 0 : i32
    %dma_wait3A_3126 = tpu.memref_slice %arg3[%select_n3A_3022, %add3A_3042, %dma_wait3A_3124, %dma_wait3A_3125] : memref<16x192x56x56xf32, #tpu.memory_space<hbm>> -> memref<1x8x56x56xf32, #tpu.memory_space<hbm>>
    %dma_wait3A_3127 = tpu.memref_squeeze %dma_wait3A_3126 : memref<1x8x56x56xf32, #tpu.memory_space<hbm>> -> memref<8x56x56xf32, #tpu.memory_space<hbm>>
    tpu.wait_dma2 semaphore(%arg9 : memref<!tpu.dma_semaphore, #tpu.memory_space<semaphore_mem>>) src(%dma_wait3A_3127 : memref<8x56x56xf32, #tpu.memory_space<hbm>>) dst(%arg7 : memref<8x56x56xf32, #tpu.memory_space<vmem>>)
    %mul3A_3128 = arith.constant 6 : i32
    %mul3A_3129 = arith.muli %add3A, %mul3A_3128 : i32
    %add3A_3130 = arith.constant 5 : i32
    %add3A_3131 = arith.addi %mul3A_3129, %add3A_3130 : i32
    %jit3A_3132 = arith.constant 12 : i32
    %div3A_3133 = arith.divsi %add3A_3131, %jit3A_3132 : i32
    %sign3A_3134 = arith.constant 0 : i32
    %sign3A_3135 = arith.cmpi sgt, %add3A_3131, %sign3A_3134 : i32
    %sign3A_3136 = arith.extui %sign3A_3135 : i1 to i32
    %sign3A_3137 = arith.constant 0 : i32
    %sign3A_3138 = arith.cmpi slt, %add3A_3131, %sign3A_3137 : i32
    %sign3A_3139 = arith.extui %sign3A_3138 : i1 to i32
    %sign3A_3140 = arith.subi %sign3A_3136, %sign3A_3139 : i32
    %sign3A_3141 = arith.constant 0 : i32
    %sign3A_3142 = arith.cmpi sgt, %jit3A_3132, %sign3A_3141 : i32
    %sign3A_3143 = arith.extui %sign3A_3142 : i1 to i32
    %sign3A_3144 = arith.constant 0 : i32
    %sign3A_3145 = arith.cmpi slt, %jit3A_3132, %sign3A_3144 : i32
    %sign3A_3146 = arith.extui %sign3A_3145 : i1 to i32
    %sign3A_3147 = arith.subi %sign3A_3143, %sign3A_3146 : i32
    %ne3A_3148 = arith.cmpi ne, %sign3A_3140, %sign3A_3147 : i32
    %rem3A_3149 = arith.remsi %add3A_3131, %jit3A_3132 : i32
    %ne3A_3150 = arith.constant 0 : i32
    %ne3A_3151 = arith.cmpi ne, %rem3A_3149, %ne3A_3150 : i32
    %and3A_3152 = arith.andi %ne3A_3148, %ne3A_3151 : i1
    %sub3A_3153 = arith.constant 1 : i32
    %sub3A_3154 = arith.subi %div3A_3133, %sub3A_3153 : i32
    %select_n3A_3155 = arith.select %and3A_3152, %sub3A_3154, %div3A_3133 : i32
    %jit3A_3156 = arith.constant 12 : i32
    %eq3A_3157 = arith.constant 0 : i32
    %eq3A_3158 = arith.cmpi eq, %jit3A_3156, %eq3A_3157 : i32
    %jit3A_3159 = arith.constant 1 : i32
    %select_n3A_3160 = arith.select %eq3A_3158, %jit3A_3159, %jit3A_3156 : i32
    %rem3A_3161 = arith.remsi %add3A_3131, %select_n3A_3160 : i32
    %ne3A_3162 = arith.constant 0 : i32
    %ne3A_3163 = arith.cmpi ne, %rem3A_3161, %ne3A_3162 : i32
    %lt3A_3164 = arith.constant 0 : i32
    %lt3A_3165 = arith.cmpi slt, %rem3A_3161, %lt3A_3164 : i32
    %lt3A_3166 = arith.constant 0 : i32
    %lt3A_3167 = arith.cmpi slt, %select_n3A_3160, %lt3A_3166 : i32
    %ne3A_3168 = arith.xori %lt3A_3165, %lt3A_3167 : i1
    %and3A_3169 = arith.andi %ne3A_3168, %ne3A_3163 : i1
    %add3A_3170 = arith.addi %rem3A_3161, %select_n3A_3160 : i32
    %select_n3A_3171 = arith.select %and3A_3169, %add3A_3170, %rem3A_3161 : i32
    %mul3A_3172 = arith.constant 8 : i32
    %mul3A_3173 = arith.muli %select_n3A_3171, %mul3A_3172 : i32
    %add3A_3174 = arith.constant 96 : i32
    %add3A_3175 = arith.addi %add3A_3174, %mul3A_3173 : i32
    %mul3A_3176 = arith.constant 8 : i32
    %mul3A_3177 = arith.muli %select_n3A_3171, %mul3A_3176 : i32
    %dma_start3A_3178 = arith.constant 1 : i32
    %dma_start3A_3179 = arith.constant 0 : i32
    %dma_start3A_3180 = arith.constant 0 : i32
    %dma_start3A_3181 = tpu.memref_slice %arg5[%select_n3A_3155, %mul3A_3177, %dma_start3A_3178, %dma_start3A_3179, %dma_start3A_3180] : memref<16x96x2x56x56xf32, #tpu.memory_space<hbm>> -> memref<1x8x1x56x56xf32, #tpu.memory_space<hbm>>
    %dma_start3A_3182 = tpu.memref_squeeze %dma_start3A_3181 : memref<1x8x1x56x56xf32, #tpu.memory_space<hbm>> -> memref<8x56x56xf32, #tpu.memory_space<hbm>>
    %dma_start3A_3183 = arith.constant 0 : i32
    %dma_start3A_3184 = arith.constant 0 : i32
    %dma_start3A_3185 = tpu.memref_slice %arg5[%select_n3A_3155, %mul3A_3177, %dma_start3A_3178, %dma_start3A_3183, %dma_start3A_3184] : memref<16x96x2x56x56xf32, #tpu.memory_space<hbm>> -> memref<1x8x1x56x56xf32, #tpu.memory_space<hbm>>
    %dma_start3A_3186 = tpu.memref_squeeze %dma_start3A_3185 : memref<1x8x1x56x56xf32, #tpu.memory_space<hbm>> -> memref<8x56x56xf32, #tpu.memory_space<hbm>>
    tpu.enqueue_dma source(%arg7 : memref<8x56x56xf32, #tpu.memory_space<vmem>>) target(%dma_start3A_3186 : memref<8x56x56xf32, #tpu.memory_space<hbm>>) target_semaphore(%arg11 : memref<!tpu.dma_semaphore, #tpu.memory_space<semaphore_mem>>)
    %dma_wait3A_3187 = arith.constant 0 : i32
    %dma_wait3A_3188 = arith.constant 0 : i32
    %dma_wait3A_3189 = arith.constant 0 : i32
    %dma_wait3A_3190 = tpu.memref_slice %arg5[%select_n3A_3088, %mul3A_3110, %dma_wait3A_3187, %dma_wait3A_3188, %dma_wait3A_3189] : memref<16x96x2x56x56xf32, #tpu.memory_space<hbm>> -> memref<1x8x1x56x56xf32, #tpu.memory_space<hbm>>
    %dma_wait3A_3191 = tpu.memref_squeeze %dma_wait3A_3190 : memref<1x8x1x56x56xf32, #tpu.memory_space<hbm>> -> memref<8x56x56xf32, #tpu.memory_space<hbm>>
    %dma_wait3A_3192 = arith.constant 0 : i32
    %dma_wait3A_3193 = arith.constant 0 : i32
    %dma_wait3A_3194 = tpu.memref_slice %arg5[%select_n3A_3088, %mul3A_3110, %dma_wait3A_3187, %dma_wait3A_3192, %dma_wait3A_3193] : memref<16x96x2x56x56xf32, #tpu.memory_space<hbm>> -> memref<1x8x1x56x56xf32, #tpu.memory_space<hbm>>
    %dma_wait3A_3195 = tpu.memref_squeeze %dma_wait3A_3194 : memref<1x8x1x56x56xf32, #tpu.memory_space<hbm>> -> memref<8x56x56xf32, #tpu.memory_space<hbm>>
    tpu.wait_dma2 semaphore(%arg10 : memref<!tpu.dma_semaphore, #tpu.memory_space<semaphore_mem>>) src(%arg6 : memref<8x56x56xf32, #tpu.memory_space<vmem>>) dst(%dma_wait3A_3195 : memref<8x56x56xf32, #tpu.memory_space<hbm>>)
    %dma_wait3A_3196 = arith.constant 1 : i32
    %dma_wait3A_3197 = arith.constant 0 : i32
    %dma_wait3A_3198 = arith.constant 0 : i32
    %dma_wait3A_3199 = tpu.memref_slice %arg5[%select_n3A_3155, %mul3A_3177, %dma_wait3A_3196, %dma_wait3A_3197, %dma_wait3A_3198] : memref<16x96x2x56x56xf32, #tpu.memory_space<hbm>> -> memref<1x8x1x56x56xf32, #tpu.memory_space<hbm>>
    %dma_wait3A_3200 = tpu.memref_squeeze %dma_wait3A_3199 : memref<1x8x1x56x56xf32, #tpu.memory_space<hbm>> -> memref<8x56x56xf32, #tpu.memory_space<hbm>>
    %dma_wait3A_3201 = arith.constant 0 : i32
    %dma_wait3A_3202 = arith.constant 0 : i32
    %dma_wait3A_3203 = tpu.memref_slice %arg5[%select_n3A_3155, %mul3A_3177, %dma_wait3A_3196, %dma_wait3A_3201, %dma_wait3A_3202] : memref<16x96x2x56x56xf32, #tpu.memory_space<hbm>> -> memref<1x8x1x56x56xf32, #tpu.memory_space<hbm>>
    %dma_wait3A_3204 = tpu.memref_squeeze %dma_wait3A_3203 : memref<1x8x1x56x56xf32, #tpu.memory_space<hbm>> -> memref<8x56x56xf32, #tpu.memory_space<hbm>>
    tpu.wait_dma2 semaphore(%arg11 : memref<!tpu.dma_semaphore, #tpu.memory_space<semaphore_mem>>) src(%arg7 : memref<8x56x56xf32, #tpu.memory_space<vmem>>) dst(%dma_wait3A_3204 : memref<8x56x56xf32, #tpu.memory_space<hbm>>)
    return
  }
}

</mosaic_0001>

<sc_bundles>
// kernel: kernel.3.cloned.1.call-start
scs
__scs_entry_jumppad:
0x0: {  	(pc) =	sbr.rel $0x88, $3  }
0x1: {  	(tag) =	ssettag $0x0;
	lr =	simm.s32 $0x1  }
0x2: {  	[smem:$0x3F9F] =	sst lr;
	_ =	strace $0xD0000000  }
0x3: {  	_ = 	snop  }
0x4: {  	_ = 	snop  }
0x5: {  	_ = 	snop  }
0x6: {  	_ = 	snop  }
0x7: {  	_ = 	snop  }
__scs_overlays_trampoline_lowered:
0x8: {  	[smem:$0x3FAE] =	sst s0  }
0x9: {  	[smem:$0x3FAF] =	sst s1  }
0xa: {  	[smem:$0x3FB0] =	sst s2  }
0xb: {  	[smem:$0x3FB1] =	sst s3  }
0xc: {  	[smem:$0x3FB2] =	sst s4  }
0xd: {  	[smem:$0x3FB3] =	sst s5  }
0xe: {  	[smem:$0x3FB4] =	sst s6  }
0xf: {  	[smem:$0x3FB5] =	sst s7  }
0x10: {  	[smem:$0x3FB6] =	sst s8  }
0x11: {  	[smem:$0x3FB7] =	sst s9;
	s0 =	simm.s32 @!p0 $0x0  }
0x12: {  	s1 =	sld [smem:$0x3F9D];
	s0 =	simm.s32 @p0 $0x1  }
0x13: {  	[smem:$0x3FB8] =	sst s0;
	s0 =	simm.s32 @!p1 $0x0  }
0x14: {  	s2 =	sld [smem:$0x3F9C];
	s0 =	simm.s32 @p1 $0x1  }
0x15: {  	[smem:$0x3FB9] =	sst s0;
	s0 =	simm.s32 @!p2 $0x0  }
0x16: {  	s3 =	sld [smem:$0x3FDB];
	s0 =	simm.s32 @p2 $0x1  }
0x17: {  	s4 =	simm.s32 $0x1BF5;
	[smem:$0x3FBB] =	sst s0  }
0x18: {  	s0 =	sld [smem:$0x3F9E];
	_ =	swait.ge [sflag:s4], $0x0  }
0x19: {  	s7 =	sld [smem:$0x3F9F]  }
0x1a: {  	s8 =	sadd.s32 $0xFFFFE003, lr  }
0x1b: {  	s9 =	sadd.s32 $0xFFFFFEF7, lr;
	s5 =	simm.s32 $0xFFFFFFFF;
	p2 =	slt.u32 s8, $0xFFFFF086  }
0x1c: {  	p1 =	slt.u32 s9, $0xF7A;
	s5 =	simm.s32 @!p2 $0x0  }
0x1d: {  	s5 =	simm.s32 @p1 $0x1;
	p0 =	seq.s32 s7, s2  }
0x1e: {  	s7 =	smul.u32 @!p0 $0xF7A, s2;
	p2 =	seq.s32 @!p0 s5, $0x0  }
0x1f: {  	s9 =	smul.u32 $0xF7A, s1;
	s8 =	simm.s32 @!p0 $0x1BF5;
	p2 =	por !p2, p0  }
0x20: {  	[sflag:s8] =	ssyncset.s32 @!p0 $0xFFFFF086;
	s6 =	sadd.s32 @!p0 s3, s7;
	s7 =	simm.s32 @!p0 $0x108  }
0x21: {  	s3 =	sadd.s32 s3, s9;
	s6 =	sadd.s32 @!p0 $0x88, s6;
	s7 =	simm.s32 @p2 $0x1082  }
0x22: {  	[simem:s7], [sflag:s8] =	dma.local @!p0 [hbm:s6], $0xF7A  }
0x23: {  	s9 =	sor.u32 $0xD0000000, s2;
	s6 =	simm.s32 $0x108;
	_ =	swait.ge @!p0 [sflag:s8], $0x0  }
0x24: {  	s3 =	sadd.s32 $0x88, s3;
	s6 =	simm.s32 @!p1 $0x1082;
	[sflag:s4] =	ssyncset.s32 $0xFFFFF086  }
0x25: {  	[simem:s6], [sflag:s4] =	dma.local [hbm:s3], $0xF7A  }
0x26: {  	[smem:$0x3F9F] =	sst s1;
	(tag) =	ssettag s2;
	_ =	strace s9  }
0x27: {  	s1 =	sld [smem:$0x3FAF]  }
0x28: {  	s2 =	sld [smem:$0x3FB0]  }
0x29: {  	s4 =	sld [smem:$0x3FB2]  }
0x2a: {  	p0 =	seq.s32 s5, $0x0;
	s5 =	sld [smem:$0x3FB3]  }
0x2b: {  	s6 =	sld [smem:$0x3FB4]  }
0x2c: {  	s7 =	sld [smem:$0x3FB5]  }
0x2d: {  	s3 =	simm.s32 $0x108;
	s8 =	sld [smem:$0x3FB6]  }
0x2e: {  	s3 =	simm.s32 @!p0 $0x1082;
	s9 =	sld [smem:$0x3FB7]  }
0x2f: {  	lr =	sadd.s32 s0, s3;
	s0 =	sld [smem:$0x3FAE]  }
0x30: {  	s3 =	sld [smem:$0x3FB1]  }
0x31: {  	[smem:$0x3FBA] =	sst s10  }
0x32: {  	s10 =	sld [smem:$0x3FB8];
	_ =	sdelay $0x3  }
0x33: {  	p0 =	seq.s32 s10, $0x1;
	s10 =	sld [smem:$0x3FBA];
	_ =	sdelay $0x3  }
0x34: {  	[smem:$0x3FBA] =	sst s10  }
0x35: {  	s10 =	sld [smem:$0x3FB9];
	_ =	sdelay $0x3  }
0x36: {  	p1 =	seq.s32 s10, $0x1;
	s10 =	sld [smem:$0x3FBA];
	_ =	sdelay $0x3  }
0x37: {  	[smem:$0x3FBA] =	sst s10  }
0x38: {  	s10 =	sld [smem:$0x3FBB]  }
0x39: {  	_ = 	snop;
	(pc) =	sbr.ind lr, $3  }
0x3a: {  	_ = 	snop  }
0x3b: {  	_ = 	snop  }
0x3c: {  	p2 =	seq.s32 s10, $0x1;
	s10 =	sld [smem:$0x3FBA]  }
0x3d: {  	_ =	shalt  }
0x3e: {  	_ =	shalt  }
0x3f: {  	_ =	shalt  }
0x40: {  	_ =	shalt  }
0x41: {  	_ =	shalt  }
0x42: {  	_ =	shalt  }
0x43: {  	_ =	shalt  }
0x44: {  	_ =	shalt  }
0x45: {  	_ =	shalt  }
0x46: {  	_ =	shalt  }
0x47: {  	_ =	shalt  }
0x48: {  	_ =	shalt  }
0x49: {  	_ =	shalt  }
0x4a: {  	_ =	shalt  }
0x4b: {  	_ =	shalt  }
0x4c: {  	_ =	shalt  }
0x4d: {  	_ =	shalt  }
0x4e: {  	_ =	shalt  }
0x4f: {  	_ =	shalt  }
0x50: {  	_ =	shalt  }
0x51: {  	_ =	shalt  }
0x52: {  	_ =	shalt  }
0x53: {  	_ =	shalt  }
0x54: {  	_ =	shalt  }
0x55: {  	_ =	shalt  }
0x56: {  	_ =	shalt  }
0x57: {  	_ =	shalt  }
0x58: {  	_ =	shalt  }
0x59: {  	_ =	shalt  }
0x5a: {  	_ =	shalt  }
0x5b: {  	_ =	shalt  }
0x5c: {  	_ =	shalt  }
0x5d: {  	_ =	shalt  }
0x5e: {  	_ =	shalt  }
0x5f: {  	_ =	shalt  }
0x60: {  	_ =	shalt  }
0x61: {  	_ =	shalt  }
0x62: {  	_ =	shalt  }
0x63: {  	_ =	shalt  }
0x64: {  	_ =	shalt  }
0x65: {  	_ =	shalt  }
0x66: {  	_ =	shalt  }
0x67: {  	_ =	shalt  }
0x68: {  	_ =	shalt  }
0x69: {  	_ =	shalt  }
0x6a: {  	_ =	shalt  }
0x6b: {  	_ =	shalt  }
0x6c: {  	_ =	shalt  }
0x6d: {  	_ =	shalt  }
0x6e: {  	_ =	shalt  }
0x6f: {  	_ =	shalt  }
0x70: {  	_ =	shalt  }
0x71: {  	_ =	shalt  }
0x72: {  	_ =	shalt  }
0x73: {  	_ =	shalt  }
0x74: {  	_ =	shalt  }
0x75: {  	_ =	shalt  }
0x76: {  	_ =	shalt  }
0x77: {  	_ =	shalt  }
0x78: {  	_ =	shalt  }
0x79: {  	_ =	shalt  }
0x7a: {  	_ =	shalt  }
0x7b: {  	_ =	shalt  }
0x7c: {  	_ =	shalt  }
0x7d: {  	_ =	shalt  }
0x7e: {  	_ =	shalt  }
0x7f: {  	_ =	shalt  }
0x80: {  	_ =	shalt  }
0x81: {  	_ =	shalt  }
0x82: {  	_ =	shalt  }
0x83: {  	_ =	shalt  }
0x84: {  	_ =	shalt  }
0x85: {  	_ =	shalt  }
0x86: {  	_ =	shalt  }
0x87: {  	_ =	shalt  }
.Lfunc_end0:
.L_simem_size_0:
called_computation.2_lowered:
.L_overlay_start_0:
0x88: {  	s2 =	sld [smem:$0x3FD9]  }
0x89: {  	s3 =	sld [smem:$0x3FFE];
	_ =	sdelay $0x1  }
0x8a: {  	s1 =	srdreg.scid  }
0x8b: {  	s0 =	sand.u32 $0x1, s1  }
0x8c: {  	s16 =	sshll.u32 s0, $0xA;
	s2 =	sadd.s32 s3, s2  }
0x8d: {  	s2 =	sadd.s32 s2, s16  }
0x8e: {  	[smem:$0x3FC6] =	sst s2  }
0x8f: {  	_ = 	snop  }
0x90: {  	(tm) =	ssettm $0x1  }
0x91: {  	s17 =	sld [smem:$0x3FFB];
	_ =	sdelay $0x3  }
0x92: {  	_ =	strace s17  }
0x93: {  	s2 =	sld [smem:$0x3FFC];
	_ =	sdelay $0x3  }
0x94: {  	_ =	strace s2  }
0x95: {  	s2 =	sld [smem:$0x3FFD];
	_ =	sdelay $0x3  }
0x96: {  	_ =	strace s2  }
0x97: {  	_ =	strace $0x8FFFFFFF  }
0x98: {  	s18 =	sld [smem:$0x3FDB];
	_ =	sdelay $0x1  }
0x99: {  	s19 =	simm.s32 $_scs_section_size  }
0x9a: {  	s4 =	simm.s32 $_size__tile_overlayer_lowered;
	s5 =	simm.s32 $_tile_overlayer_lowered  }
0x9b: {  	s22 =	simm.s32 $0x1BFF;
	s21 =	sshll.u32 s5, $0x1;
	s2 =	sadd.s32 s19, s18  }
0x9c: {  	s6 =	simm.s32 $0x0;
	s20 =	sshll.u32 s4, $0x1;
	s4 =	sadd.s32 s21, s2  }
0x9d: {  	[timem:s6], [sflag:s22] =	dma.local [hbm:s4], s20  }
0x9e: {  	_ =	swait.ge [sflag:s22], s20  }
0x9f: {  	s3 =	ssub.s32 $0x0, s20;
	[sflag:s22] =	ssyncset.done $0x0  }
0xa0: {  	[sflag:s22] =	ssyncadd.s32 s3;
	_ =	sdelay $0x1  }
0xa1: {  	s23 =	simm.s32 $0x1B8B  }
0xa2: {  	_ =	swait.ge [sflag:s23], $0x1  }
0xa3: {  	[sflag:s23] =	ssyncset.done $0x0  }
0xa4: {  	s25 =	simm.s32 $0x1B8E;
	s24 =	sld [smem:$0x3FFE];
	[sflag:s23] =	ssyncadd.s32 $0xFFFFFFFF  }
0xa5: {  	s26 =	simm.s32 $execute0_lowered;
	[smem:$0x3FD2] =	sst s25  }
0xa6: {  	s4 =	sshll.u32 s26, $0x1;
	_ =	strace $0x80000046;
	[dreg:$0x1] =	wrdreg $0xFFFFFFFF  }
0xa7: {  	s28 =	simm.s32 $_size_execute0_lowered;
	s2 =	sadd.s32 s2, s4;
	[dreg:$0x0] =	wrdreg $0x0  }
0xa8: {  	s4 =	sshll.u32 s28, $0x1;
	[dreg:$0x2] =	wrdreg s2  }
0xa9: {  	[dreg:$0x3] =	wrdreg s4  }
0xaa: {  	[dreg:$0x4] =	wrdreg $0xC0  }
0xab: {  	_ =	task [dreg:s6], $0x5FFFF  }
0xac: {  	[dreg:$0x1] =	wrdreg $0xFFFFFFFF  }
0xad: {  	[dreg:$0x0] =	wrdreg $0x60  }
0xae: {  	[dreg:$0x2] =	wrdreg s24  }
0xaf: {  	[dreg:$0x3] =	wrdreg $0x9  }
0xb0: {  	_ =	task.clear_ibuf [dreg:s6], $0x4FFFF;
	_ =	strace $0x90000046  }
0xb1: {  	s29 =	simm.s32 $0x9;
	_ =	strace $0x80000048  }
0xb2: {  	_ =	swait.ge [sflag:s29], $0x1  }
0xb3: {  	[sflag:s29] =	ssyncadd.s32 $0xFFFFFFFF  }
0xb4: {  	_ =	strace $0x90000048  }
0xb5: {  	_ =	sfence  }
0xb6: {  	s30 =	sld [smem:$0x0];
	_ =	sdelay $0x2  }
0xb7: {  	s31 =	sshll.u32 s1, $0xD;
	s1 =	sshrl.u32 s1, $0x2  }
0xb8: {  	s3 =	sand.u32 $0x4000, s31;
	s1 =	sadd.s32 s1, s30  }
0xb9: {  	s0 =	sor.u32 s3, s0;
	s1 =	sshll.u32 s1, $0x11  }
0xba: {  	s0 =	sor.u32 s1, s0  }
0xbb: {  	s0 =	sadd.s32 $0x8F2B, s0  }
0xbc: {  	[sflag:s0] =	ssyncadd.remote.s32 $0x1  }
0xbd: {  	_ =	sfence.sel $0xFFFF  }
0xbe: {  	[dreg:$0x0] =	wrdreg $0xFFFFFFFF;
	(pc) =	sbr.abs _section_cstart, $3  }
0xbf: {  	[dreg:$0x1] =	wrdreg $0xFFFFFFFF  }
0xc0: {  	_ =	task.clear_ibuf [dreg:s6], $0x2FFFF;
	_ =	strace $0x9FFFFFFF  }
0xc1: {  	(tm) =	ssettm $0x7FFFFFFF  }
tec
execute0_lowered:
.L_overlay_start_1:
0x0: {  	(tag) =	ssettag $0x1  }
0x1: {  	s0 =	srdreg.scid;
	s2 =	stileid.u32  }
0x2: {  	s26 =	sand.u32 $0x1, s0;
	s9 =	sshll.u32 s2, $0x1  }
0x3: {  	s0 =	sor.u32 s26, s9  }
0x4: {  	s1 =	smul.u32 $0x402, s0  }
0x5: {  	s16 =	smul.u32 $0x6, s0  }
0x6: {  	s10 =	sshrl.u32 s1, $0xB  }
0x7: {  	s8 =	sor.u32 $0x1, s16;
	s0 =	smul.u32 $0xC, s10  }
0x8: {  	s11 =	smul.u32 $0xAB, s8  }
0x9: {  	s4 =	rddreg [dreg:$0x0]  }
0xa: {  	s6 =	smul.u32 $0x150000, s2;
	s0 =	ssub.s32 s16, s0;
	s1 =	sshrl.u32 s11, $0xB  }
0xb: {  	s2 =	simm.s32 $0x0;
	s0 =	sand.u32 $0xFE, s0;
	s10 =	smul.u32 $0xC, s1  }
0xc: {  	p0 =	por $0x0, $0x0;
	[smem:$0x7FF] =	sst s2;
	s9 =	smul.u32 $0xE000, s0  }
0xd: {  	s3 =	sadd.s32 $0x2A1000, s4;
	_ =	strace $0x80000047;
	s0 =	smul.u32 $0x1C000, s0  }
0xe: {  	s14 =	sadd.s32 $0x2, s16;
	s1 =	sadd.s32 $0x1000, s4;
	s8 =	ssub.s32 s8, s10  }
0xf: {  	s7 =	sadd.s32 s6, s9;
	s13 =	sand.u32 $0xFF, s8;
	s0 =	sadd.s32 s6, s0  }
0x10: {  	s11 =	sshrl.u32 s7, $0x3;
	s7 =	sadd.s32 $0x7E1000, s4;
	s29 =	smul.u32 $0xE000, s13  }
0x11: {  	s31 =	sshrl.u32 s0, $0x3;
	s13 =	smul.u32 $0x1C000, s13;
	s12 =	sadd.s32 s1, s11  }
0x12: {  	s11 =	sadd.s32 s3, s11;
	s17 =	sadd.s32 s7, s31;
	[dreg:$0x2] =	wrdreg s12  }
0x13: {  	s30 =	sor.u32 $0x380, s31;
	s12 =	sand.u32 $0xFE, s14;
	[dreg:$0x3] =	wrdreg s11  }
0x14: {  	s15 =	sadd.s32 s6, s29;
	[dreg:$0x4] =	wrdreg s17;
	s8 =	smul.u32 $0xAB, s12  }
0x15: {  	s17 =	sadd.s32 s7, s30;
	s13 =	sadd.s32 s6, s13;
	s6 =	sadd.s32 $0xA8000, s6  }
0x16: {  	s0 =	sshrl.u32 s15, $0x3;
	[dreg:$0x6] =	wrdreg s17;
	s15 =	sshrl.u32 s8, $0xB  }
0x17: {  	s28 =	sshrl.u32 s13, $0x3;
	s9 =	sadd.s32 s9, s6;
	s19 =	smul.u32 $0xC, s15  }
0x18: {  	s6 =	sadd.s32 s29, s6;
	s18 =	sadd.s32 s1, s0;
	s0 =	sadd.s32 s3, s0  }
0x19: {  	s24 =	sadd.s32 s7, s28;
	[dreg:$0x5] =	wrdreg s18;
	s12 =	ssub.s32 s14, s19  }
0x1a: {  	s15 =	smul.u32 $0x150000, s15;
	s19 =	sadd.s32 $0x3, s16;
	s18 =	sand.u32 $0xFE, s12  }
0x1b: {  	s9 =	sshrl.u32 s9, $0x3;
	s21 =	sand.u32 $0xFF, s19;
	s20 =	smul.u32 $0xE000, s18  }
0x1c: {  	s6 =	sshrl.u32 s6, $0x3;
	[dreg:$0x7] =	wrdreg s0;
	s22 =	smul.u32 $0xAB, s21  }
0x1d: {  	[dreg:$0x8] =	wrdreg s24;
	s18 =	smul.u32 $0x1C000, s18;
	s21 =	sadd.s32 $0x4, s16  }
0x1e: {  	s14 =	sor.u32 $0x380, s28;
	s10 =	sand.u32 $0xFE, s21;
	s23 =	sadd.s32 s20, s15  }
0x1f: {  	s25 =	sshrl.u32 s22, $0xB;
	s15 =	sadd.s32 s18, s15;
	s18 =	smul.u32 $0xAB, s10  }
0x20: {  	s29 =	sadd.s32 s1, s6;
	s5 =	sadd.s32 s7, s14;
	s17 =	smul.u32 $0xC, s25  }
0x21: {  	[dreg:$0xa] =	wrdreg s5;
	s13 =	sshrl.u32 s23, $0x3;
	s0 =	smul.u32 $0x150000, s25  }
0x22: {  	s15 =	sshrl.u32 s15, $0x3;
	s23 =	sadd.s32 $0x5, s16;
	s4 =	sadd.s32 s1, s13  }
0x23: {  	s8 =	sadd.s32 s3, s13;
	s11 =	sadd.s32 s7, s15;
	s18 =	sshrl.u32 s18, $0xB  }
0x24: {  	[dreg:$0x9] =	wrdreg s4;
	s17 =	ssub.s32 s19, s17;
	s22 =	smul.u32 $0xC, s18  }
0x25: {  	[dreg:$0xb] =	wrdreg s8;
	s18 =	smul.u32 $0x150000, s18;
	s20 =	sand.u32 $0xFF, s17  }
0x26: {  	[dreg:$0xc] =	wrdreg s11;
	s19 =	sor.u32 $0x380, s15;
	s17 =	smul.u32 $0xE000, s20  }
0x27: {  	s20 =	smul.u32 $0x1C000, s20;
	s21 =	ssub.s32 s21, s22;
	s22 =	sand.u32 $0xFF, s23  }
0x28: {  	s25 =	sadd.s32 s7, s19;
	s24 =	sand.u32 $0xFE, s21;
	s21 =	smul.u32 $0xAB, s22  }
0x29: {  	s13 =	sadd.s32 $0x15000, s13;
	[dreg:$0xe] =	wrdreg s25;
	s5 =	smul.u32 $0xE000, s24  }
0x2a: {  	s17 =	sadd.s32 s17, s0;
	s0 =	sadd.s32 s20, s0;
	s24 =	smul.u32 $0x1C000, s24  }
0x2b: {  	s17 =	sshrl.u32 s17, $0x3;
	s16 =	sshrl.u32 s0, $0x3;
	s10 =	sshrl.u32 s21, $0xB  }
0x2c: {  	s12 =	sadd.s32 s1, s17;
	s4 =	sadd.s32 s3, s17;
	s8 =	sadd.s32 s5, s18  }
0x2d: {  	s11 =	sadd.s32 s7, s16;
	s20 =	smul.u32 $0x150000, s10;
	[dreg:$0xd] =	wrdreg s12  }
0x2e: {  	[dreg:$0xf] =	wrdreg s4;
	s25 =	sshrl.u32 s8, $0x3;
	s12 =	smul.u32 $0xC, s10  }
0x2f: {  	[dreg:$0x10] =	wrdreg s11;
	s22 =	sadd.s32 s1, s25;
	s10 =	sadd.s32 s3, s25  }
0x30: {  	[dreg:$0x11] =	wrdreg s22;
	s4 =	ssub.s32 s23, s12;
	s12 =	sor.u32 $0x380, s16  }
0x31: {  	[dreg:$0x13] =	wrdreg s10;
	s22 =	sand.u32 $0xFF, s4;
	s5 =	sadd.s32 s7, s12  }
0x32: {  	s18 =	sadd.s32 s24, s18;
	s8 =	smul.u32 $0xE000, s22;
	[dreg:$0x12] =	wrdreg s5  }
0x33: {  	s5 =	sshrl.u32 s18, $0x3;
	s24 =	smul.u32 $0x1C000, s22;
	s22 =	rddreg [dreg:$0x0]  }
0x34: {  	s23 =	sadd.s32 s7, s5;
	s4 =	sor.u32 $0x380, s5;
	s11 =	sadd.s32 s8, s20  }
0x35: {  	[dreg:$0x14] =	wrdreg s23;
	s8 =	sadd.s32 s7, s4;
	s18 =	sadd.s32 s24, s20  }
0x36: {  	s20 =	sadd.s32 s1, s9;
	s23 =	ssub.s32 $0x2, s26;
	[dreg:$0x16] =	wrdreg s8  }
0x37: {  	s9 =	sadd.s32 s3, s9;
	s21 =	sshrl.u32 s11, $0x3;
	[dreg:$0x19] =	wrdreg s20  }
0x38: {  	s8 =	sshrl.u32 s18, $0x3;
	s24 =	sshrl.u32 s23, $0x1;
	[dreg:$0x1b] =	wrdreg s9  }
0x39: {  	s18 =	sadd.s32 $0x15000, s17;
	s9 =	simm.s32 $0x3;
	s0 =	sadd.s32 s1, s21  }
0x3a: {  	s10 =	sadd.s32 s3, s21;
	s11 =	sadd.s32 s7, s8;
	[dreg:$0x15] =	wrdreg s0  }
0x3b: {  	s20 =	sadd.s32 s1, s18;
	s18 =	sadd.s32 s3, s18;
	[dreg:$0x17] =	wrdreg s10  }
0x3c: {  	[dreg:$0x18] =	wrdreg s11;
	s10 =	sor.u32 $0x380, s8;
	s11 =	sadd.s32 $0x541000, s22  }
0x3d: {  	s0 =	ssub.s32 s23, s24;
	s24 =	sadd.s32 s1, s13;
	s22 =	sadd.s32 s3, s13  }
0x3e: {  	s23 =	sadd.s32 $0x15000, s25;
	s25 =	sadd.s32 $0x15000, s21;
	s7 =	sadd.s32 s7, s10  }
0x3f: {  	s26 =	sadd.s32 s11, s31;
	s17 =	sadd.s32 s1, s23;
	s13 =	sadd.s32 s3, s23  }
0x40: {  	s31 =	sadd.s32 s11, s30;
	s30 =	sadd.s32 s11, s28;
	s28 =	sadd.s32 s11, s14  }
0x41: {  	s23 =	sadd.s32 s11, s19;
	s21 =	sadd.s32 s11, s16;
	s19 =	sadd.s32 s11, s12  }
0x42: {  	s16 =	sadd.s32 s11, s5;
	s12 =	sadd.s32 s11, s4;
	s0 =	smax.u32 s0, $0x1  }
0x43: {  	s4 =	sadd.s32 s11, s10;
	s5 =	simm.s32 $0xE000;
	p1 =	sne.s32 s0, $0x1  }
.Ltmp0:
0x44: {  	s14 =	simm.s32 $0x1;
	[dreg:$0x1a] =	wrdreg s7;
	(pc) =	sbr.rel @!p1 .LBB2_3-.Ltmp0, $4  }
0x45: {  	s10 =	simm.s32 $0x1C00;
	[dreg:$0x1c] =	wrdreg s26;
	s26 =	sadd.s32 s3, s6  }
0x46: {  	s7 =	sadd.s32 s1, s25;
	s3 =	sadd.s32 s3, s25;
	s25 =	sadd.s32 s11, s15  }
0x47: {  	s6 =	sadd.s32 s11, s8;
	s1 =	sadd.s32 $0xFFFFFFFF, s0;
	s11 =	simm.s32 $0x3800  }
0x48: {  	s15 =	simm.s32 $0x2;
	s8 =	simm.s32 $0x4;
	s0 =	rddreg [dreg:$0x2]  }
0x49: {  	[dreg:$0x1d] =	wrdreg s1  }
0x4a: {  	[tilespmem:s2], [sflag:$0x1] =	stream.linear.gather [hbm4b:s0+s2], $0xE000, $0x38;
	[tilespmem:$0x1C000] =	vst v63  }
0x4b: {  	s1 =	rddreg [dreg:$0x3]  }
0x4c: {  	[tilespmem:s5], [sflag:$0x2] =	stream.linear.gather [hbm4b:s1+s2], $0xE000, $0x38;
	[tilespmem:$0x1C000] =	vst v63  }
0x4d: {  	_ =	swait.ge [sflag:s14], $0xE000  }
0x4e: {  	[sflag:s14] =	ssyncset.done $0x0  }
0x4f: {  	s1 =	rddreg [dreg:$0x4];
	[sflag:s14] =	ssyncadd.s32 $0xFFFF2000  }
0x50: {  	[hbm4b:s1+s10] =	stream.strided.scatter [tilespmem:s2], [sflag:$0x3], $0xE000, s11, s10, $0x38;
	[tilespmem:$0x1C000] =	vst v63  }
0x51: {  	_ =	swait.ge [sflag:s9], $0xE000  }
0x52: {  	[sflag:s9] =	ssyncset.done $0x0  }
0x53: {  	s1 =	rddreg [dreg:$0x5];
	[sflag:s9] =	ssyncadd.s32 $0xFFFF2000  }
0x54: {  	[tilespmem:s2], [sflag:$0x1] =	stream.linear.gather [hbm4b:s1+s2], $0xE000, $0x38;
	[tilespmem:$0x1C000] =	vst v63  }
0x55: {  	_ =	swait.ge [sflag:s15], $0xE000  }
0x56: {  	[sflag:s15] =	ssyncset.done $0x0  }
0x57: {  	s1 =	rddreg [dreg:$0x6];
	[sflag:s15] =	ssyncadd.s32 $0xFFFF2000  }
0x58: {  	[hbm4b:s1+s10] =	stream.strided.scatter [tilespmem:s5], [sflag:$0x4], $0xE000, s11, s10, $0x38;
	[tilespmem:$0x1C000] =	vst v63  }
0x59: {  	_ =	swait.ge [sflag:s8], $0xE000  }
0x5a: {  	[sflag:s8] =	ssyncset.done $0x0  }
0x5b: {  	s1 =	rddreg [dreg:$0x7];
	[sflag:s8] =	ssyncadd.s32 $0xFFFF2000  }
0x5c: {  	[tilespmem:s5], [sflag:$0x2] =	stream.linear.gather [hbm4b:s1+s2], $0xE000, $0x38;
	[tilespmem:$0x1C000] =	vst v63  }
0x5d: {  	_ =	swait.ge [sflag:s14], $0xE000  }
0x5e: {  	[sflag:s14] =	ssyncset.done $0x0  }
0x5f: {  	s1 =	rddreg [dreg:$0x8];
	[sflag:s14] =	ssyncadd.s32 $0xFFFF2000  }
0x60: {  	[hbm4b:s1+s10] =	stream.strided.scatter [tilespmem:s2], [sflag:$0x3], $0xE000, s11, s10, $0x38;
	[tilespmem:$0x1C000] =	vst v63  }
0x61: {  	_ =	swait.ge [sflag:s9], $0xE000  }
0x62: {  	[sflag:s9] =	ssyncset.done $0x0  }
0x63: {  	s1 =	rddreg [dreg:$0x9];
	[sflag:s9] =	ssyncadd.s32 $0xFFFF2000  }
0x64: {  	[tilespmem:s2], [sflag:$0x1] =	stream.linear.gather [hbm4b:s1+s2], $0xE000, $0x38;
	[tilespmem:$0x1C000] =	vst v63  }
0x65: {  	_ =	swait.ge [sflag:s15], $0xE000  }
0x66: {  	[sflag:s15] =	ssyncset.done $0x0  }
0x67: {  	s1 =	rddreg [dreg:$0xa];
	[sflag:s15] =	ssyncadd.s32 $0xFFFF2000  }
0x68: {  	[hbm4b:s1+s10] =	stream.strided.scatter [tilespmem:s5], [sflag:$0x4], $0xE000, s11, s10, $0x38;
	[tilespmem:$0x1C000] =	vst v63  }
0x69: {  	_ =	swait.ge [sflag:s8], $0xE000  }
0x6a: {  	[sflag:s8] =	ssyncset.done $0x0  }
0x6b: {  	s1 =	rddreg [dreg:$0xb];
	[sflag:s8] =	ssyncadd.s32 $0xFFFF2000  }
0x6c: {  	[tilespmem:s5], [sflag:$0x2] =	stream.linear.gather [hbm4b:s1+s2], $0xE000, $0x38;
	[tilespmem:$0x1C000] =	vst v63  }
0x6d: {  	_ =	swait.ge [sflag:s14], $0xE000  }
0x6e: {  	[sflag:s14] =	ssyncset.done $0x0  }
0x6f: {  	s1 =	rddreg [dreg:$0xc];
	[sflag:s14] =	ssyncadd.s32 $0xFFFF2000  }
0x70: {  	[hbm4b:s1+s10] =	stream.strided.scatter [tilespmem:s2], [sflag:$0x3], $0xE000, s11, s10, $0x38;
	[tilespmem:$0x1C000] =	vst v63  }
0x71: {  	_ =	swait.ge [sflag:s9], $0xE000  }
0x72: {  	[sflag:s9] =	ssyncset.done $0x0  }
0x73: {  	s1 =	rddreg [dreg:$0xd];
	[sflag:s9] =	ssyncadd.s32 $0xFFFF2000  }
0x74: {  	[tilespmem:s2], [sflag:$0x1] =	stream.linear.gather [hbm4b:s1+s2], $0xE000, $0x38;
	[tilespmem:$0x1C000] =	vst v63  }
0x75: {  	_ =	swait.ge [sflag:s15], $0xE000  }
0x76: {  	[sflag:s15] =	ssyncset.done $0x0  }
0x77: {  	s1 =	rddreg [dreg:$0xe];
	[sflag:s15] =	ssyncadd.s32 $0xFFFF2000  }
0x78: {  	[hbm4b:s1+s10] =	stream.strided.scatter [tilespmem:s5], [sflag:$0x4], $0xE000, s11, s10, $0x38;
	[tilespmem:$0x1C000] =	vst v63  }
0x79: {  	_ =	swait.ge [sflag:s8], $0xE000  }
0x7a: {  	[sflag:s8] =	ssyncset.done $0x0  }
0x7b: {  	s1 =	rddreg [dreg:$0xf];
	[sflag:s8] =	ssyncadd.s32 $0xFFFF2000  }
0x7c: {  	[tilespmem:s5], [sflag:$0x2] =	stream.linear.gather [hbm4b:s1+s2], $0xE000, $0x38;
	[tilespmem:$0x1C000] =	vst v63  }
0x7d: {  	_ =	swait.ge [sflag:s14], $0xE000  }
0x7e: {  	[sflag:s14] =	ssyncset.done $0x0  }
0x7f: {  	s1 =	rddreg [dreg:$0x10];
	[sflag:s14] =	ssyncadd.s32 $0xFFFF2000  }
0x80: {  	[hbm4b:s1+s10] =	stream.strided.scatter [tilespmem:s2], [sflag:$0x3], $0xE000, s11, s10, $0x38;
	[tilespmem:$0x1C000] =	vst v63  }
0x81: {  	_ =	swait.ge [sflag:s9], $0xE000  }
0x82: {  	[sflag:s9] =	ssyncset.done $0x0  }
0x83: {  	s1 =	rddreg [dreg:$0x11];
	[sflag:s9] =	ssyncadd.s32 $0xFFFF2000  }
0x84: {  	[tilespmem:s2], [sflag:$0x1] =	stream.linear.gather [hbm4b:s1+s2], $0xE000, $0x38;
	[tilespmem:$0x1C000] =	vst v63  }
0x85: {  	_ =	swait.ge [sflag:s15], $0xE000  }
0x86: {  	[sflag:s15] =	ssyncset.done $0x0  }
0x87: {  	s1 =	rddreg [dreg:$0x12];
	[sflag:s15] =	ssyncadd.s32 $0xFFFF2000  }
0x88: {  	[hbm4b:s1+s10] =	stream.strided.scatter [tilespmem:s5], [sflag:$0x4], $0xE000, s11, s10, $0x38;
	[tilespmem:$0x1C000] =	vst v63  }
0x89: {  	_ =	swait.ge [sflag:s8], $0xE000  }
0x8a: {  	[sflag:s8] =	ssyncset.done $0x0  }
0x8b: {  	s1 =	rddreg [dreg:$0x13];
	[sflag:s8] =	ssyncadd.s32 $0xFFFF2000  }
0x8c: {  	[tilespmem:s5], [sflag:$0x2] =	stream.linear.gather [hbm4b:s1+s2], $0xE000, $0x38;
	[tilespmem:$0x1C000] =	vst v63  }
0x8d: {  	_ =	swait.ge [sflag:s14], $0xE000  }
0x8e: {  	[sflag:s14] =	ssyncset.done $0x0  }
0x8f: {  	s1 =	rddreg [dreg:$0x14];
	[sflag:s14] =	ssyncadd.s32 $0xFFFF2000  }
0x90: {  	[hbm4b:s1+s10] =	stream.strided.scatter [tilespmem:s2], [sflag:$0x3], $0xE000, s11, s10, $0x38;
	[tilespmem:$0x1C000] =	vst v63  }
0x91: {  	_ =	swait.ge [sflag:s9], $0xE000  }
0x92: {  	[sflag:s9] =	ssyncset.done $0x0  }
0x93: {  	s1 =	rddreg [dreg:$0x15];
	[sflag:s9] =	ssyncadd.s32 $0xFFFF2000  }
0x94: {  	[tilespmem:s2], [sflag:$0x1] =	stream.linear.gather [hbm4b:s1+s2], $0xE000, $0x38;
	[tilespmem:$0x1C000] =	vst v63  }
0x95: {  	_ =	swait.ge [sflag:s15], $0xE000  }
0x96: {  	[sflag:s15] =	ssyncset.done $0x0  }
0x97: {  	s1 =	rddreg [dreg:$0x16];
	[sflag:s15] =	ssyncadd.s32 $0xFFFF2000  }
0x98: {  	[hbm4b:s1+s10] =	stream.strided.scatter [tilespmem:s5], [sflag:$0x4], $0xE000, s11, s10, $0x38;
	[tilespmem:$0x1C000] =	vst v63  }
0x99: {  	_ =	swait.ge [sflag:s8], $0xE000  }
0x9a: {  	[sflag:s8] =	ssyncset.done $0x0  }
0x9b: {  	s1 =	rddreg [dreg:$0x17];
	[sflag:s8] =	ssyncadd.s32 $0xFFFF2000  }
0x9c: {  	[tilespmem:s5], [sflag:$0x2] =	stream.linear.gather [hbm4b:s1+s2], $0xE000, $0x38;
	[tilespmem:$0x1C000] =	vst v63  }
0x9d: {  	_ =	swait.ge [sflag:s14], $0xE000  }
0x9e: {  	[sflag:s14] =	ssyncset.done $0x0  }
0x9f: {  	s1 =	rddreg [dreg:$0x18];
	[sflag:s14] =	ssyncadd.s32 $0xFFFF2000  }
0xa0: {  	[hbm4b:s1+s10] =	stream.strided.scatter [tilespmem:s2], [sflag:$0x3], $0xE000, s11, s10, $0x38;
	[tilespmem:$0x1C000] =	vst v63  }
0xa1: {  	_ =	swait.ge [sflag:s9], $0xE000  }
0xa2: {  	[sflag:s9] =	ssyncset.done $0x0  }
0xa3: {  	s1 =	rddreg [dreg:$0x19];
	[sflag:s9] =	ssyncadd.s32 $0xFFFF2000  }
0xa4: {  	[tilespmem:s2], [sflag:$0x1] =	stream.linear.gather [hbm4b:s1+s2], $0xE000, $0x38;
	[tilespmem:$0x1C000] =	vst v63  }
0xa5: {  	_ =	swait.ge [sflag:s15], $0xE000  }
0xa6: {  	[sflag:s15] =	ssyncset.done $0x0  }
0xa7: {  	s1 =	rddreg [dreg:$0x1a];
	[sflag:s15] =	ssyncadd.s32 $0xFFFF2000  }
0xa8: {  	[hbm4b:s1+s10] =	stream.strided.scatter [tilespmem:s5], [sflag:$0x4], $0xE000, s11, s10, $0x38;
	[tilespmem:$0x1C000] =	vst v63  }
0xa9: {  	_ =	swait.ge [sflag:s8], $0xE000  }
0xaa: {  	[sflag:s8] =	ssyncset.done $0x0  }
0xab: {  	s1 =	rddreg [dreg:$0x1b];
	[sflag:s8] =	ssyncadd.s32 $0xFFFF2000  }
0xac: {  	[tilespmem:s5], [sflag:$0x2] =	stream.linear.gather [hbm4b:s1+s2], $0xE000, $0x38;
	[tilespmem:$0x1C000] =	vst v63  }
0xad: {  	_ =	swait.ge [sflag:s14], $0xE000  }
0xae: {  	[sflag:s14] =	ssyncset.done $0x0  }
0xaf: {  	s1 =	rddreg [dreg:$0x1c];
	[sflag:s14] =	ssyncadd.s32 $0xFFFF2000  }
0xb0: {  	[hbm4b:s1+s10] =	stream.strided.scatter [tilespmem:s2], [sflag:$0x3], $0xE000, s11, s10, $0x38;
	[tilespmem:$0x1C000] =	vst v63  }
0xb1: {  	_ =	swait.ge [sflag:s9], $0xE000  }
0xb2: {  	[sflag:s9] =	ssyncset.done $0x0  }
0xb3: {  	[sflag:s9] =	ssyncadd.s32 $0xFFFF2000  }
0xb4: {  	[tilespmem:s2], [sflag:$0x1] =	stream.linear.gather [hbm4b:s29+s2], $0xE000, $0x38;
	[tilespmem:$0x1C000] =	vst v63  }
0xb5: {  	_ =	swait.ge [sflag:s15], $0xE000  }
0xb6: {  	[sflag:s15] =	ssyncset.done $0x0  }
0xb7: {  	[sflag:s15] =	ssyncadd.s32 $0xFFFF2000  }
0xb8: {  	[hbm4b:s31+s10] =	stream.strided.scatter [tilespmem:s5], [sflag:$0x4], $0xE000, s11, s10, $0x38;
	[tilespmem:$0x1C000] =	vst v63  }
0xb9: {  	_ =	swait.ge [sflag:s8], $0xE000  }
0xba: {  	[sflag:s8] =	ssyncset.done $0x0  }
0xbb: {  	[sflag:s8] =	ssyncadd.s32 $0xFFFF2000  }
0xbc: {  	[tilespmem:s5], [sflag:$0x2] =	stream.linear.gather [hbm4b:s26+s2], $0xE000, $0x38;
	[tilespmem:$0x1C000] =	vst v63  }
0xbd: {  	_ =	swait.ge [sflag:s14], $0xE000  }
0xbe: {  	[sflag:s14] =	ssyncset.done $0x0  }
0xbf: {  	[sflag:s14] =	ssyncadd.s32 $0xFFFF2000  }
0xc0: {  	[hbm4b:s30+s10] =	stream.strided.scatter [tilespmem:s2], [sflag:$0x3], $0xE000, s11, s10, $0x38;
	[tilespmem:$0x1C000] =	vst v63  }
0xc1: {  	_ =	swait.ge [sflag:s9], $0xE000  }
0xc2: {  	[sflag:s9] =	ssyncset.done $0x0  }
0xc3: {  	[sflag:s9] =	ssyncadd.s32 $0xFFFF2000  }
0xc4: {  	[tilespmem:s2], [sflag:$0x1] =	stream.linear.gather [hbm4b:s24+s2], $0xE000, $0x38;
	[tilespmem:$0x1C000] =	vst v63  }
0xc5: {  	_ =	swait.ge [sflag:s15], $0xE000  }
0xc6: {  	[sflag:s15] =	ssyncset.done $0x0  }
0xc7: {  	[sflag:s15] =	ssyncadd.s32 $0xFFFF2000  }
0xc8: {  	[hbm4b:s28+s10] =	stream.strided.scatter [tilespmem:s5], [sflag:$0x4], $0xE000, s11, s10, $0x38;
	[tilespmem:$0x1C000] =	vst v63  }
0xc9: {  	_ =	swait.ge [sflag:s8], $0xE000  }
0xca: {  	[sflag:s8] =	ssyncset.done $0x0  }
0xcb: {  	[sflag:s8] =	ssyncadd.s32 $0xFFFF2000  }
0xcc: {  	[tilespmem:s5], [sflag:$0x2] =	stream.linear.gather [hbm4b:s22+s2], $0xE000, $0x38;
	[tilespmem:$0x1C000] =	vst v63  }
0xcd: {  	_ =	swait.ge [sflag:s14], $0xE000  }
0xce: {  	[sflag:s14] =	ssyncset.done $0x0  }
0xcf: {  	[sflag:s14] =	ssyncadd.s32 $0xFFFF2000  }
0xd0: {  	[hbm4b:s25+s10] =	stream.strided.scatter [tilespmem:s2], [sflag:$0x3], $0xE000, s11, s10, $0x38;
	[tilespmem:$0x1C000] =	vst v63  }
0xd1: {  	_ =	swait.ge [sflag:s9], $0xE000  }
0xd2: {  	[sflag:s9] =	ssyncset.done $0x0  }
0xd3: {  	[sflag:s9] =	ssyncadd.s32 $0xFFFF2000  }
0xd4: {  	[tilespmem:s2], [sflag:$0x1] =	stream.linear.gather [hbm4b:s20+s2], $0xE000, $0x38;
	[tilespmem:$0x1C000] =	vst v63  }
0xd5: {  	_ =	swait.ge [sflag:s15], $0xE000  }
0xd6: {  	[sflag:s15] =	ssyncset.done $0x0  }
0xd7: {  	[sflag:s15] =	ssyncadd.s32 $0xFFFF2000  }
0xd8: {  	[hbm4b:s23+s10] =	stream.strided.scatter [tilespmem:s5], [sflag:$0x4], $0xE000, s11, s10, $0x38;
	[tilespmem:$0x1C000] =	vst v63  }
0xd9: {  	_ =	swait.ge [sflag:s8], $0xE000  }
0xda: {  	[sflag:s8] =	ssyncset.done $0x0  }
0xdb: {  	[sflag:s8] =	ssyncadd.s32 $0xFFFF2000  }
0xdc: {  	[tilespmem:s5], [sflag:$0x2] =	stream.linear.gather [hbm4b:s18+s2], $0xE000, $0x38;
	[tilespmem:$0x1C000] =	vst v63  }
0xdd: {  	_ =	swait.ge [sflag:s14], $0xE000  }
0xde: {  	[sflag:s14] =	ssyncset.done $0x0  }
0xdf: {  	[sflag:s14] =	ssyncadd.s32 $0xFFFF2000  }
0xe0: {  	[hbm4b:s21+s10] =	stream.strided.scatter [tilespmem:s2], [sflag:$0x3], $0xE000, s11, s10, $0x38;
	[tilespmem:$0x1C000] =	vst v63  }
0xe1: {  	_ =	swait.ge [sflag:s9], $0xE000  }
0xe2: {  	[sflag:s9] =	ssyncset.done $0x0  }
0xe3: {  	[sflag:s9] =	ssyncadd.s32 $0xFFFF2000  }
0xe4: {  	[tilespmem:s2], [sflag:$0x1] =	stream.linear.gather [hbm4b:s17+s2], $0xE000, $0x38;
	[tilespmem:$0x1C000] =	vst v63  }
0xe5: {  	_ =	swait.ge [sflag:s15], $0xE000  }
0xe6: {  	[sflag:s15] =	ssyncset.done $0x0  }
0xe7: {  	[sflag:s15] =	ssyncadd.s32 $0xFFFF2000  }
0xe8: {  	[hbm4b:s19+s10] =	stream.strided.scatter [tilespmem:s5], [sflag:$0x4], $0xE000, s11, s10, $0x38;
	[tilespmem:$0x1C000] =	vst v63  }
0xe9: {  	_ =	swait.ge [sflag:s8], $0xE000  }
0xea: {  	[sflag:s8] =	ssyncset.done $0x0  }
0xeb: {  	[sflag:s8] =	ssyncadd.s32 $0xFFFF2000  }
0xec: {  	[tilespmem:s5], [sflag:$0x2] =	stream.linear.gather [hbm4b:s13+s2], $0xE000, $0x38;
	[tilespmem:$0x1C000] =	vst v63  }
0xed: {  	_ =	swait.ge [sflag:s14], $0xE000  }
0xee: {  	[sflag:s14] =	ssyncset.done $0x0  }
0xef: {  	[sflag:s14] =	ssyncadd.s32 $0xFFFF2000  }
0xf0: {  	[hbm4b:s16+s10] =	stream.strided.scatter [tilespmem:s2], [sflag:$0x3], $0xE000, s11, s10, $0x38;
	[tilespmem:$0x1C000] =	vst v63  }
0xf1: {  	_ =	swait.ge [sflag:s9], $0xE000  }
0xf2: {  	[sflag:s9] =	ssyncset.done $0x0  }
0xf3: {  	[sflag:s9] =	ssyncadd.s32 $0xFFFF2000  }
0xf4: {  	[tilespmem:s2], [sflag:$0x1] =	stream.linear.gather [hbm4b:s7+s2], $0xE000, $0x38;
	[tilespmem:$0x1C000] =	vst v63  }
0xf5: {  	_ =	swait.ge [sflag:s15], $0xE000  }
0xf6: {  	[sflag:s15] =	ssyncset.done $0x0  }
0xf7: {  	[sflag:s15] =	ssyncadd.s32 $0xFFFF2000  }
0xf8: {  	[hbm4b:s12+s10] =	stream.strided.scatter [tilespmem:s5], [sflag:$0x4], $0xE000, s11, s10, $0x38;
	[tilespmem:$0x1C000] =	vst v63  }
0xf9: {  	_ =	swait.ge [sflag:s8], $0xE000  }
0xfa: {  	[sflag:s8] =	ssyncset.done $0x0  }
0xfb: {  	[sflag:s8] =	ssyncadd.s32 $0xFFFF2000  }
0xfc: {  	[tilespmem:s5], [sflag:$0x2] =	stream.linear.gather [hbm4b:s3+s2], $0xE000, $0x38;
	[tilespmem:$0x1C000] =	vst v63  }
0xfd: {  	_ =	swait.ge [sflag:s14], $0xE000  }
0xfe: {  	[sflag:s14] =	ssyncset.done $0x0  }
0xff: {  	[sflag:s14] =	ssyncadd.s32 $0xFFFF2000  }
0x100: {  	[hbm4b:s6+s10] =	stream.strided.scatter [tilespmem:s2], [sflag:$0x3], $0xE000, s11, s10, $0x38;
	[tilespmem:$0x1C000] =	vst v63  }
0x101: {  	_ =	swait.ge [sflag:s15], $0xE000  }
0x102: {  	[sflag:s15] =	ssyncset.done $0x0  }
0x103: {  	[sflag:s15] =	ssyncadd.s32 $0xFFFF2000  }
0x104: {  	[hbm4b:s4+s10] =	stream.strided.scatter [tilespmem:s5], [sflag:$0x4], $0xE000, s11, s10, $0x38;
	[tilespmem:$0x1C000] =	vst v63  }
0x105: {  	_ =	swait.ge [sflag:s9], $0xE000  }
0x106: {  	s1 =	rddreg [dreg:$0x1d]  }
0x107: {  	p1 =	sne.s32 s1, $0x1  }
.Ltmp1:
0x108: {  	_ = 	snop;
	(pc) =	sbr.rel @!p1 .LBB2_3-.Ltmp1, $4  }
0x109: {  	[sflag:s9] =	ssyncset.done $0x0  }
0x10a: {  	[sflag:s9] =	ssyncadd.s32 $0xFFFF2000  }
0x10b: {  	p0 =	por $0x1, $0x1;
	_ =	swait.ge [sflag:s8], $0xE000  }
0x10c: {  	s1 =	sadd.s32 $0xFFFFFFFF, s1;
	s0 =	rddreg [dreg:$0x2];
	[sflag:s8] =	ssyncset.done $0x0  }
.LBB2_2:
0x10d: {  	[sflag:s8] =	ssyncadd.s32 $0xFFFF2000;
	s10 =	simm.s32 $0xE000;
	s5 =	smov.u32 s31  }
0x10e: {  	s31 =	smov.u32 s30;
	s30 =	smov.u32 s29;
	s29 =	smov.u32 s28  }
0x10f: {  	s28 =	smov.u32 s26;
	s26 =	smov.u32 s25;
	s25 =	smov.u32 s24  }
0x110: {  	s24 =	smov.u32 s23;
	s23 =	smov.u32 s22;
	s22 =	smov.u32 s21  }
0x111: {  	s21 =	smov.u32 s20;
	s20 =	smov.u32 s19;
	s19 =	smov.u32 s18  }
0x112: {  	s18 =	smov.u32 s17;
	s17 =	smov.u32 s16;
	s16 =	smov.u32 s13  }
0x113: {  	s13 =	smov.u32 s12;
	s12 =	smov.u32 s7;
	s7 =	smov.u32 s6  }
0x114: {  	[tilespmem:s2], [sflag:$0x1] =	stream.linear.gather [hbm4b:s0+s2], $0xE000, $0x38;
	[tilespmem:$0x1C000] =	vst v63  }
0x115: {  	s6 =	smov.u32 s4;
	s4 =	smov.u32 s3;
	s3 =	rddreg [dreg:$0x3]  }
0x116: {  	[tilespmem:s10], [sflag:$0x2] =	stream.linear.gather [hbm4b:s3+s2], $0xE000, $0x38;
	[tilespmem:$0x1C000] =	vst v63  }
0x117: {  	s10 =	simm.s32 $0x1C00;
	s3 =	smov.u32 s4  }
0x118: {  	s4 =	smov.u32 s6;
	s6 =	smov.u32 s7;
	s7 =	smov.u32 s12  }
0x119: {  	s12 =	smov.u32 s13;
	s13 =	smov.u32 s16;
	s16 =	smov.u32 s17  }
0x11a: {  	s17 =	smov.u32 s18;
	s18 =	smov.u32 s19;
	_ =	swait.ge [sflag:s14], $0xE000  }
0x11b: {  	s19 =	smov.u32 s20;
	s20 =	smov.u32 s21;
	[sflag:s14] =	ssyncset.done $0x0  }
0x11c: {  	s21 =	smov.u32 s22;
	s0 =	rddreg [dreg:$0x4];
	[sflag:s14] =	ssyncadd.s32 $0xFFFF2000  }
0x11d: {  	[hbm4b:s0+s10] =	stream.strided.scatter [tilespmem:s2], [sflag:$0x3], $0xE000, s11, s10, $0x38;
	[tilespmem:$0x1C000] =	vst v63  }
0x11e: {  	s22 =	smov.u32 s23;
	s23 =	smov.u32 s24;
	_ =	swait.ge [sflag:s9], $0xE000  }
0x11f: {  	s24 =	smov.u32 s25;
	s25 =	smov.u32 s26;
	[sflag:s9] =	ssyncset.done $0x0  }
0x120: {  	s26 =	smov.u32 s28;
	s0 =	rddreg [dreg:$0x5];
	[sflag:s9] =	ssyncadd.s32 $0xFFFF2000  }
0x121: {  	[tilespmem:s2], [sflag:$0x1] =	stream.linear.gather [hbm4b:s0+s2], $0xE000, $0x38;
	[tilespmem:$0x1C000] =	vst v63  }
0x122: {  	s28 =	smov.u32 s29;
	s29 =	smov.u32 s30;
	_ =	swait.ge [sflag:s15], $0xE000  }
0x123: {  	s30 =	smov.u32 s31;
	s31 =	smov.u32 s5;
	[sflag:s15] =	ssyncset.done $0x0  }
0x124: {  	s5 =	simm.s32 $0xE000;
	s0 =	rddreg [dreg:$0x6];
	[sflag:s15] =	ssyncadd.s32 $0xFFFF2000  }
0x125: {  	[hbm4b:s0+s10] =	stream.strided.scatter [tilespmem:s5], [sflag:$0x4], $0xE000, s11, s10, $0x38;
	[tilespmem:$0x1C000] =	vst v63  }
0x126: {  	_ =	swait.ge [sflag:s8], $0xE000  }
0x127: {  	[sflag:s8] =	ssyncset.done $0x0  }
0x128: {  	s0 =	rddreg [dreg:$0x7];
	[sflag:s8] =	ssyncadd.s32 $0xFFFF2000  }
0x129: {  	[tilespmem:s5], [sflag:$0x2] =	stream.linear.gather [hbm4b:s0+s2], $0xE000, $0x38;
	[tilespmem:$0x1C000] =	vst v63  }
0x12a: {  	_ =	swait.ge [sflag:s14], $0xE000  }
0x12b: {  	[sflag:s14] =	ssyncset.done $0x0  }
0x12c: {  	s0 =	rddreg [dreg:$0x8];
	[sflag:s14] =	ssyncadd.s32 $0xFFFF2000  }
0x12d: {  	[hbm4b:s0+s10] =	stream.strided.scatter [tilespmem:s2], [sflag:$0x3], $0xE000, s11, s10, $0x38;
	[tilespmem:$0x1C000] =	vst v63  }
0x12e: {  	_ =	swait.ge [sflag:s9], $0xE000  }
0x12f: {  	[sflag:s9] =	ssyncset.done $0x0  }
0x130: {  	s0 =	rddreg [dreg:$0x9];
	[sflag:s9] =	ssyncadd.s32 $0xFFFF2000  }
0x131: {  	[tilespmem:s2], [sflag:$0x1] =	stream.linear.gather [hbm4b:s0+s2], $0xE000, $0x38;
	[tilespmem:$0x1C000] =	vst v63  }
0x132: {  	_ =	swait.ge [sflag:s15], $0xE000  }
0x133: {  	[sflag:s15] =	ssyncset.done $0x0  }
0x134: {  	s0 =	rddreg [dreg:$0xa];
	[sflag:s15] =	ssyncadd.s32 $0xFFFF2000  }
0x135: {  	[hbm4b:s0+s10] =	stream.strided.scatter [tilespmem:s5], [sflag:$0x4], $0xE000, s11, s10, $0x38;
	[tilespmem:$0x1C000] =	vst v63  }
0x136: {  	_ =	swait.ge [sflag:s8], $0xE000  }
0x137: {  	[sflag:s8] =	ssyncset.done $0x0  }
0x138: {  	s0 =	rddreg [dreg:$0xb];
	[sflag:s8] =	ssyncadd.s32 $0xFFFF2000  }
0x139: {  	[tilespmem:s5], [sflag:$0x2] =	stream.linear.gather [hbm4b:s0+s2], $0xE000, $0x38;
	[tilespmem:$0x1C000] =	vst v63  }
0x13a: {  	_ =	swait.ge [sflag:s14], $0xE000  }
0x13b: {  	[sflag:s14] =	ssyncset.done $0x0  }
0x13c: {  	s0 =	rddreg [dreg:$0xc];
	[sflag:s14] =	ssyncadd.s32 $0xFFFF2000  }
0x13d: {  	[hbm4b:s0+s10] =	stream.strided.scatter [tilespmem:s2], [sflag:$0x3], $0xE000, s11, s10, $0x38;
	[tilespmem:$0x1C000] =	vst v63  }
0x13e: {  	_ =	swait.ge [sflag:s9], $0xE000  }
0x13f: {  	[sflag:s9] =	ssyncset.done $0x0  }
0x140: {  	s0 =	rddreg [dreg:$0xd];
	[sflag:s9] =	ssyncadd.s32 $0xFFFF2000  }
0x141: {  	[tilespmem:s2], [sflag:$0x1] =	stream.linear.gather [hbm4b:s0+s2], $0xE000, $0x38;
	[tilespmem:$0x1C000] =	vst v63  }
0x142: {  	_ =	swait.ge [sflag:s15], $0xE000  }
0x143: {  	[sflag:s15] =	ssyncset.done $0x0  }
0x144: {  	s0 =	rddreg [dreg:$0xe];
	[sflag:s15] =	ssyncadd.s32 $0xFFFF2000  }
0x145: {  	[hbm4b:s0+s10] =	stream.strided.scatter [tilespmem:s5], [sflag:$0x4], $0xE000, s11, s10, $0x38;
	[tilespmem:$0x1C000] =	vst v63  }
0x146: {  	_ =	swait.ge [sflag:s8], $0xE000  }
0x147: {  	[sflag:s8] =	ssyncset.done $0x0  }
0x148: {  	s0 =	rddreg [dreg:$0xf];
	[sflag:s8] =	ssyncadd.s32 $0xFFFF2000  }
0x149: {  	[tilespmem:s5], [sflag:$0x2] =	stream.linear.gather [hbm4b:s0+s2], $0xE000, $0x38;
	[tilespmem:$0x1C000] =	vst v63  }
0x14a: {  	_ =	swait.ge [sflag:s14], $0xE000  }
0x14b: {  	[sflag:s14] =	ssyncset.done $0x0  }
0x14c: {  	s0 =	rddreg [dreg:$0x10];
	[sflag:s14] =	ssyncadd.s32 $0xFFFF2000  }
0x14d: {  	[hbm4b:s0+s10] =	stream.strided.scatter [tilespmem:s2], [sflag:$0x3], $0xE000, s11, s10, $0x38;
	[tilespmem:$0x1C000] =	vst v63  }
0x14e: {  	_ =	swait.ge [sflag:s9], $0xE000  }
0x14f: {  	[sflag:s9] =	ssyncset.done $0x0  }
0x150: {  	s0 =	rddreg [dreg:$0x11];
	[sflag:s9] =	ssyncadd.s32 $0xFFFF2000  }
0x151: {  	[tilespmem:s2], [sflag:$0x1] =	stream.linear.gather [hbm4b:s0+s2], $0xE000, $0x38;
	[tilespmem:$0x1C000] =	vst v63  }
0x152: {  	_ =	swait.ge [sflag:s15], $0xE000  }
0x153: {  	[sflag:s15] =	ssyncset.done $0x0  }
0x154: {  	s0 =	rddreg [dreg:$0x12];
	[sflag:s15] =	ssyncadd.s32 $0xFFFF2000  }
0x155: {  	[hbm4b:s0+s10] =	stream.strided.scatter [tilespmem:s5], [sflag:$0x4], $0xE000, s11, s10, $0x38;
	[tilespmem:$0x1C000] =	vst v63  }
0x156: {  	_ =	swait.ge [sflag:s8], $0xE000  }
0x157: {  	[sflag:s8] =	ssyncset.done $0x0  }
0x158: {  	s0 =	rddreg [dreg:$0x13];
	[sflag:s8] =	ssyncadd.s32 $0xFFFF2000  }
0x159: {  	[tilespmem:s5], [sflag:$0x2] =	stream.linear.gather [hbm4b:s0+s2], $0xE000, $0x38;
	[tilespmem:$0x1C000] =	vst v63  }
0x15a: {  	_ =	swait.ge [sflag:s14], $0xE000  }
0x15b: {  	[sflag:s14] =	ssyncset.done $0x0  }
0x15c: {  	s0 =	rddreg [dreg:$0x14];
	[sflag:s14] =	ssyncadd.s32 $0xFFFF2000  }
0x15d: {  	[hbm4b:s0+s10] =	stream.strided.scatter [tilespmem:s2], [sflag:$0x3], $0xE000, s11, s10, $0x38;
	[tilespmem:$0x1C000] =	vst v63  }
0x15e: {  	_ =	swait.ge [sflag:s9], $0xE000  }
0x15f: {  	[sflag:s9] =	ssyncset.done $0x0  }
0x160: {  	s0 =	rddreg [dreg:$0x15];
	[sflag:s9] =	ssyncadd.s32 $0xFFFF2000  }
0x161: {  	[tilespmem:s2], [sflag:$0x1] =	stream.linear.gather [hbm4b:s0+s2], $0xE000, $0x38;
	[tilespmem:$0x1C000] =	vst v63  }
0x162: {  	_ =	swait.ge [sflag:s15], $0xE000  }
0x163: {  	[sflag:s15] =	ssyncset.done $0x0  }
0x164: {  	s0 =	rddreg [dreg:$0x16];
	[sflag:s15] =	ssyncadd.s32 $0xFFFF2000  }
0x165: {  	[hbm4b:s0+s10] =	stream.strided.scatter [tilespmem:s5], [sflag:$0x4], $0xE000, s11, s10, $0x38;
	[tilespmem:$0x1C000] =	vst v63  }
0x166: {  	_ =	swait.ge [sflag:s8], $0xE000  }
0x167: {  	[sflag:s8] =	ssyncset.done $0x0  }
0x168: {  	s0 =	rddreg [dreg:$0x17];
	[sflag:s8] =	ssyncadd.s32 $0xFFFF2000  }
0x169: {  	[tilespmem:s5], [sflag:$0x2] =	stream.linear.gather [hbm4b:s0+s2], $0xE000, $0x38;
	[tilespmem:$0x1C000] =	vst v63  }
0x16a: {  	_ =	swait.ge [sflag:s14], $0xE000  }
0x16b: {  	[sflag:s14] =	ssyncset.done $0x0  }
0x16c: {  	s0 =	rddreg [dreg:$0x18];
	[sflag:s14] =	ssyncadd.s32 $0xFFFF2000  }
0x16d: {  	[hbm4b:s0+s10] =	stream.strided.scatter [tilespmem:s2], [sflag:$0x3], $0xE000, s11, s10, $0x38;
	[tilespmem:$0x1C000] =	vst v63  }
0x16e: {  	_ =	swait.ge [sflag:s9], $0xE000  }
0x16f: {  	[sflag:s9] =	ssyncset.done $0x0  }
0x170: {  	s0 =	rddreg [dreg:$0x19];
	[sflag:s9] =	ssyncadd.s32 $0xFFFF2000  }
0x171: {  	[tilespmem:s2], [sflag:$0x1] =	stream.linear.gather [hbm4b:s0+s2], $0xE000, $0x38;
	[tilespmem:$0x1C000] =	vst v63  }
0x172: {  	_ =	swait.ge [sflag:s15], $0xE000  }
0x173: {  	[sflag:s15] =	ssyncset.done $0x0  }
0x174: {  	s0 =	rddreg [dreg:$0x1a];
	[sflag:s15] =	ssyncadd.s32 $0xFFFF2000  }
0x175: {  	[hbm4b:s0+s10] =	stream.strided.scatter [tilespmem:s5], [sflag:$0x4], $0xE000, s11, s10, $0x38;
	[tilespmem:$0x1C000] =	vst v63  }
0x176: {  	_ =	swait.ge [sflag:s8], $0xE000  }
0x177: {  	[sflag:s8] =	ssyncset.done $0x0  }
0x178: {  	s0 =	rddreg [dreg:$0x1b];
	[sflag:s8] =	ssyncadd.s32 $0xFFFF2000  }
0x179: {  	[tilespmem:s5], [sflag:$0x2] =	stream.linear.gather [hbm4b:s0+s2], $0xE000, $0x38;
	[tilespmem:$0x1C000] =	vst v63  }
0x17a: {  	_ =	swait.ge [sflag:s14], $0xE000  }
0x17b: {  	[sflag:s14] =	ssyncset.done $0x0  }
0x17c: {  	s0 =	rddreg [dreg:$0x1c];
	[sflag:s14] =	ssyncadd.s32 $0xFFFF2000  }
0x17d: {  	[hbm4b:s0+s10] =	stream.strided.scatter [tilespmem:s2], [sflag:$0x3], $0xE000, s11, s10, $0x38;
	[tilespmem:$0x1C000] =	vst v63  }
0x17e: {  	_ =	swait.ge [sflag:s9], $0xE000  }
0x17f: {  	[sflag:s9] =	ssyncset.done $0x0  }
0x180: {  	[sflag:s9] =	ssyncadd.s32 $0xFFFF2000  }
0x181: {  	[tilespmem:s2], [sflag:$0x1] =	stream.linear.gather [hbm4b:s29+s2], $0xE000, $0x38;
	[tilespmem:$0x1C000] =	vst v63  }
0x182: {  	_ =	swait.ge [sflag:s15], $0xE000  }
0x183: {  	[sflag:s15] =	ssyncset.done $0x0  }
0x184: {  	[sflag:s15] =	ssyncadd.s32 $0xFFFF2000  }
0x185: {  	[hbm4b:s31+s10] =	stream.strided.scatter [tilespmem:s5], [sflag:$0x4], $0xE000, s11, s10, $0x38;
	[tilespmem:$0x1C000] =	vst v63  }
0x186: {  	_ =	swait.ge [sflag:s8], $0xE000  }
0x187: {  	[sflag:s8] =	ssyncset.done $0x0  }
0x188: {  	[sflag:s8] =	ssyncadd.s32 $0xFFFF2000  }
0x189: {  	[tilespmem:s5], [sflag:$0x2] =	stream.linear.gather [hbm4b:s26+s2], $0xE000, $0x38;
	[tilespmem:$0x1C000] =	vst v63  }
0x18a: {  	_ =	swait.ge [sflag:s14], $0xE000  }
0x18b: {  	[sflag:s14] =	ssyncset.done $0x0  }
0x18c: {  	[sflag:s14] =	ssyncadd.s32 $0xFFFF2000  }
0x18d: {  	[hbm4b:s30+s10] =	stream.strided.scatter [tilespmem:s2], [sflag:$0x3], $0xE000, s11, s10, $0x38;
	[tilespmem:$0x1C000] =	vst v63  }
0x18e: {  	_ =	swait.ge [sflag:s9], $0xE000  }
0x18f: {  	[sflag:s9] =	ssyncset.done $0x0  }
0x190: {  	[sflag:s9] =	ssyncadd.s32 $0xFFFF2000  }
0x191: {  	[tilespmem:s2], [sflag:$0x1] =	stream.linear.gather [hbm4b:s24+s2], $0xE000, $0x38;
	[tilespmem:$0x1C000] =	vst v63  }
0x192: {  	_ =	swait.ge [sflag:s15], $0xE000  }
0x193: {  	[sflag:s15] =	ssyncset.done $0x0  }
0x194: {  	[sflag:s15] =	ssyncadd.s32 $0xFFFF2000  }
0x195: {  	[hbm4b:s28+s10] =	stream.strided.scatter [tilespmem:s5], [sflag:$0x4], $0xE000, s11, s10, $0x38;
	[tilespmem:$0x1C000] =	vst v63  }
0x196: {  	_ =	swait.ge [sflag:s8], $0xE000  }
0x197: {  	[sflag:s8] =	ssyncset.done $0x0  }
0x198: {  	[sflag:s8] =	ssyncadd.s32 $0xFFFF2000  }
0x199: {  	[tilespmem:s5], [sflag:$0x2] =	stream.linear.gather [hbm4b:s22+s2], $0xE000, $0x38;
	[tilespmem:$0x1C000] =	vst v63  }
0x19a: {  	_ =	swait.ge [sflag:s14], $0xE000  }
0x19b: {  	[sflag:s14] =	ssyncset.done $0x0  }
0x19c: {  	[sflag:s14] =	ssyncadd.s32 $0xFFFF2000  }
0x19d: {  	[hbm4b:s25+s10] =	stream.strided.scatter [tilespmem:s2], [sflag:$0x3], $0xE000, s11, s10, $0x38;
	[tilespmem:$0x1C000] =	vst v63  }
0x19e: {  	_ =	swait.ge [sflag:s9], $0xE000  }
0x19f: {  	[sflag:s9] =	ssyncset.done $0x0  }
0x1a0: {  	[sflag:s9] =	ssyncadd.s32 $0xFFFF2000  }
0x1a1: {  	[tilespmem:s2], [sflag:$0x1] =	stream.linear.gather [hbm4b:s20+s2], $0xE000, $0x38;
	[tilespmem:$0x1C000] =	vst v63  }
0x1a2: {  	_ =	swait.ge [sflag:s15], $0xE000  }
0x1a3: {  	[sflag:s15] =	ssyncset.done $0x0  }
0x1a4: {  	[sflag:s15] =	ssyncadd.s32 $0xFFFF2000  }
0x1a5: {  	[hbm4b:s23+s10] =	stream.strided.scatter [tilespmem:s5], [sflag:$0x4], $0xE000, s11, s10, $0x38;
	[tilespmem:$0x1C000] =	vst v63  }
0x1a6: {  	_ =	swait.ge [sflag:s8], $0xE000  }
0x1a7: {  	[sflag:s8] =	ssyncset.done $0x0  }
0x1a8: {  	[sflag:s8] =	ssyncadd.s32 $0xFFFF2000  }
0x1a9: {  	[tilespmem:s5], [sflag:$0x2] =	stream.linear.gather [hbm4b:s18+s2], $0xE000, $0x38;
	[tilespmem:$0x1C000] =	vst v63  }
0x1aa: {  	_ =	swait.ge [sflag:s14], $0xE000  }
0x1ab: {  	[sflag:s14] =	ssyncset.done $0x0  }
0x1ac: {  	[sflag:s14] =	ssyncadd.s32 $0xFFFF2000  }
0x1ad: {  	[hbm4b:s21+s10] =	stream.strided.scatter [tilespmem:s2], [sflag:$0x3], $0xE000, s11, s10, $0x38;
	[tilespmem:$0x1C000] =	vst v63  }
0x1ae: {  	_ =	swait.ge [sflag:s9], $0xE000  }
0x1af: {  	[sflag:s9] =	ssyncset.done $0x0  }
0x1b0: {  	[sflag:s9] =	ssyncadd.s32 $0xFFFF2000  }
0x1b1: {  	[tilespmem:s2], [sflag:$0x1] =	stream.linear.gather [hbm4b:s17+s2], $0xE000, $0x38;
	[tilespmem:$0x1C000] =	vst v63  }
0x1b2: {  	_ =	swait.ge [sflag:s15], $0xE000  }
0x1b3: {  	[sflag:s15] =	ssyncset.done $0x0  }
0x1b4: {  	[sflag:s15] =	ssyncadd.s32 $0xFFFF2000  }
0x1b5: {  	[hbm4b:s19+s10] =	stream.strided.scatter [tilespmem:s5], [sflag:$0x4], $0xE000, s11, s10, $0x38;
	[tilespmem:$0x1C000] =	vst v63  }
0x1b6: {  	_ =	swait.ge [sflag:s8], $0xE000  }
0x1b7: {  	[sflag:s8] =	ssyncset.done $0x0  }
0x1b8: {  	[sflag:s8] =	ssyncadd.s32 $0xFFFF2000  }
0x1b9: {  	[tilespmem:s5], [sflag:$0x2] =	stream.linear.gather [hbm4b:s13+s2], $0xE000, $0x38;
	[tilespmem:$0x1C000] =	vst v63  }
0x1ba: {  	_ =	swait.ge [sflag:s14], $0xE000  }
0x1bb: {  	[sflag:s14] =	ssyncset.done $0x0  }
0x1bc: {  	[sflag:s14] =	ssyncadd.s32 $0xFFFF2000  }
0x1bd: {  	[hbm4b:s16+s10] =	stream.strided.scatter [tilespmem:s2], [sflag:$0x3], $0xE000, s11, s10, $0x38;
	[tilespmem:$0x1C000] =	vst v63  }
0x1be: {  	_ =	swait.ge [sflag:s9], $0xE000  }
0x1bf: {  	[sflag:s9] =	ssyncset.done $0x0  }
0x1c0: {  	[sflag:s9] =	ssyncadd.s32 $0xFFFF2000  }
0x1c1: {  	[tilespmem:s2], [sflag:$0x1] =	stream.linear.gather [hbm4b:s7+s2], $0xE000, $0x38;
	[tilespmem:$0x1C000] =	vst v63  }
0x1c2: {  	_ =	swait.ge [sflag:s15], $0xE000  }
0x1c3: {  	[sflag:s15] =	ssyncset.done $0x0  }
0x1c4: {  	[sflag:s15] =	ssyncadd.s32 $0xFFFF2000  }
0x1c5: {  	[hbm4b:s12+s10] =	stream.strided.scatter [tilespmem:s5], [sflag:$0x4], $0xE000, s11, s10, $0x38;
	[tilespmem:$0x1C000] =	vst v63  }
0x1c6: {  	_ =	swait.ge [sflag:s8], $0xE000  }
0x1c7: {  	[sflag:s8] =	ssyncset.done $0x0  }
0x1c8: {  	[sflag:s8] =	ssyncadd.s32 $0xFFFF2000  }
0x1c9: {  	[tilespmem:s5], [sflag:$0x2] =	stream.linear.gather [hbm4b:s3+s2], $0xE000, $0x38;
	[tilespmem:$0x1C000] =	vst v63  }
0x1ca: {  	_ =	swait.ge [sflag:s14], $0xE000  }
0x1cb: {  	[sflag:s14] =	ssyncset.done $0x0  }
0x1cc: {  	[sflag:s14] =	ssyncadd.s32 $0xFFFF2000  }
0x1cd: {  	[hbm4b:s6+s10] =	stream.strided.scatter [tilespmem:s2], [sflag:$0x3], $0xE000, s11, s10, $0x38;
	[tilespmem:$0x1C000] =	vst v63  }
0x1ce: {  	_ =	swait.ge [sflag:s15], $0xE000  }
0x1cf: {  	[sflag:s15] =	ssyncset.done $0x0  }
0x1d0: {  	p1 =	sne.s32 s1, $0x1;
	[sflag:s15] =	ssyncadd.s32 $0xFFFF2000  }
0x1d1: {  	[hbm4b:s4+s10] =	stream.strided.scatter [tilespmem:s5], [sflag:$0x4], $0xE000, s11, s10, $0x38;
	[tilespmem:$0x1C000] =	vst v63  }
.Ltmp2:
0x1d2: {  	_ =	swait.ge [sflag:s9], $0xE000;
	(pc) =	sbr.rel @p1 .LBB2_2-.Ltmp2, $4  }
0x1d3: {  	[sflag:s9] =	ssyncset.done $0x0  }
0x1d4: {  	[sflag:s9] =	ssyncadd.s32 $0xFFFF2000  }
0x1d5: {  	_ =	swait.ge [sflag:s8], $0xE000  }
0x1d6: {  	s1 =	sadd.s32 $0xFFFFFFFF, s1;
	s0 =	rddreg [dreg:$0x2];
	[sflag:s8] =	ssyncset.done $0x0  }
.LBB2_3:
0x1d7: {  	[sflag:s8] =	ssyncadd.s32 @p0 $0xFFFF2000  }
0x1d8: {  	[tilespmem:s2], [sflag:$0x1] =	stream.linear.gather [hbm4b:s0+s2], $0xE000, $0x38;
	[tilespmem:$0x1C000] =	vst v63  }
0x1d9: {  	s1 =	rddreg [dreg:$0x3]  }
0x1da: {  	[tilespmem:s5], [sflag:$0x2] =	stream.linear.gather [hbm4b:s1+s2], $0xE000, $0x38;
	[tilespmem:$0x1C000] =	vst v63  }
0x1db: {  	_ =	swait.ge [sflag:s14], $0xE000  }
0x1dc: {  	[sflag:s14] =	ssyncset.done $0x0  }
0x1dd: {  	s1 =	rddreg [dreg:$0x4];
	[sflag:s14] =	ssyncadd.s32 $0xFFFF2000  }
0x1de: {  	[hbm4b:s1+s10] =	stream.strided.scatter [tilespmem:s2], [sflag:$0x3], $0xE000, s11, s10, $0x38;
	[tilespmem:$0x1C000] =	vst v63  }
0x1df: {  	_ =	swait.ge [sflag:s9], $0xE000  }
0x1e0: {  	[sflag:s9] =	ssyncset.done $0x0  }
0x1e1: {  	s1 =	rddreg [dreg:$0x5];
	[sflag:s9] =	ssyncadd.s32 $0xFFFF2000  }
0x1e2: {  	[tilespmem:s2], [sflag:$0x1] =	stream.linear.gather [hbm4b:s1+s2], $0xE000, $0x38;
	[tilespmem:$0x1C000] =	vst v63  }
0x1e3: {  	_ =	swait.ge [sflag:s15], $0xE000  }
0x1e4: {  	[sflag:s15] =	ssyncset.done $0x0  }
0x1e5: {  	s1 =	rddreg [dreg:$0x6];
	[sflag:s15] =	ssyncadd.s32 $0xFFFF2000  }
0x1e6: {  	[hbm4b:s1+s10] =	stream.strided.scatter [tilespmem:s5], [sflag:$0x4], $0xE000, s11, s10, $0x38;
	[tilespmem:$0x1C000] =	vst v63  }
0x1e7: {  	_ =	swait.ge [sflag:s8], $0xE000  }
0x1e8: {  	[sflag:s8] =	ssyncset.done $0x0  }
0x1e9: {  	s1 =	rddreg [dreg:$0x7];
	[sflag:s8] =	ssyncadd.s32 $0xFFFF2000  }
0x1ea: {  	[tilespmem:s5], [sflag:$0x2] =	stream.linear.gather [hbm4b:s1+s2], $0xE000, $0x38;
	[tilespmem:$0x1C000] =	vst v63  }
0x1eb: {  	_ =	swait.ge [sflag:s14], $0xE000  }
0x1ec: {  	[sflag:s14] =	ssyncset.done $0x0  }
0x1ed: {  	s1 =	rddreg [dreg:$0x8];
	[sflag:s14] =	ssyncadd.s32 $0xFFFF2000  }
0x1ee: {  	[hbm4b:s1+s10] =	stream.strided.scatter [tilespmem:s2], [sflag:$0x3], $0xE000, s11, s10, $0x38;
	[tilespmem:$0x1C000] =	vst v63  }
0x1ef: {  	_ =	swait.ge [sflag:s9], $0xE000  }
0x1f0: {  	[sflag:s9] =	ssyncset.done $0x0  }
0x1f1: {  	s1 =	rddreg [dreg:$0x9];
	[sflag:s9] =	ssyncadd.s32 $0xFFFF2000  }
0x1f2: {  	[tilespmem:s2], [sflag:$0x1] =	stream.linear.gather [hbm4b:s1+s2], $0xE000, $0x38;
	[tilespmem:$0x1C000] =	vst v63  }
0x1f3: {  	_ =	swait.ge [sflag:s15], $0xE000  }
0x1f4: {  	[sflag:s15] =	ssyncset.done $0x0  }
0x1f5: {  	s1 =	rddreg [dreg:$0xa];
	[sflag:s15] =	ssyncadd.s32 $0xFFFF2000  }
0x1f6: {  	[hbm4b:s1+s10] =	stream.strided.scatter [tilespmem:s5], [sflag:$0x4], $0xE000, s11, s10, $0x38;
	[tilespmem:$0x1C000] =	vst v63  }
0x1f7: {  	_ =	swait.ge [sflag:s8], $0xE000  }
0x1f8: {  	[sflag:s8] =	ssyncset.done $0x0  }
0x1f9: {  	s1 =	rddreg [dreg:$0xb];
	[sflag:s8] =	ssyncadd.s32 $0xFFFF2000  }
0x1fa: {  	[tilespmem:s5], [sflag:$0x2] =	stream.linear.gather [hbm4b:s1+s2], $0xE000, $0x38;
	[tilespmem:$0x1C000] =	vst v63  }
0x1fb: {  	_ =	swait.ge [sflag:s14], $0xE000  }
0x1fc: {  	[sflag:s14] =	ssyncset.done $0x0  }
0x1fd: {  	s1 =	rddreg [dreg:$0xc];
	[sflag:s14] =	ssyncadd.s32 $0xFFFF2000  }
0x1fe: {  	[hbm4b:s1+s10] =	stream.strided.scatter [tilespmem:s2], [sflag:$0x3], $0xE000, s11, s10, $0x38;
	[tilespmem:$0x1C000] =	vst v63  }
0x1ff: {  	_ =	swait.ge [sflag:s9], $0xE000  }
0x200: {  	[sflag:s9] =	ssyncset.done $0x0  }
0x201: {  	s1 =	rddreg [dreg:$0xd];
	[sflag:s9] =	ssyncadd.s32 $0xFFFF2000  }
0x202: {  	[tilespmem:s2], [sflag:$0x1] =	stream.linear.gather [hbm4b:s1+s2], $0xE000, $0x38;
	[tilespmem:$0x1C000] =	vst v63  }
0x203: {  	_ =	swait.ge [sflag:s15], $0xE000  }
0x204: {  	[sflag:s15] =	ssyncset.done $0x0  }
0x205: {  	s1 =	rddreg [dreg:$0xe];
	[sflag:s15] =	ssyncadd.s32 $0xFFFF2000  }
0x206: {  	[hbm4b:s1+s10] =	stream.strided.scatter [tilespmem:s5], [sflag:$0x4], $0xE000, s11, s10, $0x38;
	[tilespmem:$0x1C000] =	vst v63  }
0x207: {  	_ =	swait.ge [sflag:s8], $0xE000  }
0x208: {  	[sflag:s8] =	ssyncset.done $0x0  }
0x209: {  	s1 =	rddreg [dreg:$0xf];
	[sflag:s8] =	ssyncadd.s32 $0xFFFF2000  }
0x20a: {  	[tilespmem:s5], [sflag:$0x2] =	stream.linear.gather [hbm4b:s1+s2], $0xE000, $0x38;
	[tilespmem:$0x1C000] =	vst v63  }
0x20b: {  	_ =	swait.ge [sflag:s14], $0xE000  }
0x20c: {  	[sflag:s14] =	ssyncset.done $0x0  }
0x20d: {  	s1 =	rddreg [dreg:$0x10];
	[sflag:s14] =	ssyncadd.s32 $0xFFFF2000  }
0x20e: {  	[hbm4b:s1+s10] =	stream.strided.scatter [tilespmem:s2], [sflag:$0x3], $0xE000, s11, s10, $0x38;
	[tilespmem:$0x1C000] =	vst v63  }
0x20f: {  	_ =	swait.ge [sflag:s9], $0xE000  }
0x210: {  	[sflag:s9] =	ssyncset.done $0x0  }
0x211: {  	s1 =	rddreg [dreg:$0x11];
	[sflag:s9] =	ssyncadd.s32 $0xFFFF2000  }
0x212: {  	[tilespmem:s2], [sflag:$0x1] =	stream.linear.gather [hbm4b:s1+s2], $0xE000, $0x38;
	[tilespmem:$0x1C000] =	vst v63  }
0x213: {  	_ =	swait.ge [sflag:s15], $0xE000  }
0x214: {  	[sflag:s15] =	ssyncset.done $0x0  }
0x215: {  	s1 =	rddreg [dreg:$0x12];
	[sflag:s15] =	ssyncadd.s32 $0xFFFF2000  }
0x216: {  	[hbm4b:s1+s10] =	stream.strided.scatter [tilespmem:s5], [sflag:$0x4], $0xE000, s11, s10, $0x38;
	[tilespmem:$0x1C000] =	vst v63  }
0x217: {  	_ =	swait.ge [sflag:s8], $0xE000  }
0x218: {  	[sflag:s8] =	ssyncset.done $0x0  }
0x219: {  	s1 =	rddreg [dreg:$0x13];
	[sflag:s8] =	ssyncadd.s32 $0xFFFF2000  }
0x21a: {  	[tilespmem:s5], [sflag:$0x2] =	stream.linear.gather [hbm4b:s1+s2], $0xE000, $0x38;
	[tilespmem:$0x1C000] =	vst v63  }
0x21b: {  	_ =	swait.ge [sflag:s14], $0xE000  }
0x21c: {  	[sflag:s14] =	ssyncset.done $0x0  }
0x21d: {  	s1 =	rddreg [dreg:$0x14];
	[sflag:s14] =	ssyncadd.s32 $0xFFFF2000  }
0x21e: {  	[hbm4b:s1+s10] =	stream.strided.scatter [tilespmem:s2], [sflag:$0x3], $0xE000, s11, s10, $0x38;
	[tilespmem:$0x1C000] =	vst v63  }
0x21f: {  	_ =	swait.ge [sflag:s9], $0xE000  }
0x220: {  	[sflag:s9] =	ssyncset.done $0x0  }
0x221: {  	s1 =	rddreg [dreg:$0x15];
	[sflag:s9] =	ssyncadd.s32 $0xFFFF2000  }
0x222: {  	[tilespmem:s2], [sflag:$0x1] =	stream.linear.gather [hbm4b:s1+s2], $0xE000, $0x38;
	[tilespmem:$0x1C000] =	vst v63  }
0x223: {  	_ =	swait.ge [sflag:s15], $0xE000  }
0x224: {  	[sflag:s15] =	ssyncset.done $0x0  }
0x225: {  	s1 =	rddreg [dreg:$0x16];
	[sflag:s15] =	ssyncadd.s32 $0xFFFF2000  }
0x226: {  	[hbm4b:s1+s10] =	stream.strided.scatter [tilespmem:s5], [sflag:$0x4], $0xE000, s11, s10, $0x38;
	[tilespmem:$0x1C000] =	vst v63  }
0x227: {  	_ =	swait.ge [sflag:s8], $0xE000  }
0x228: {  	[sflag:s8] =	ssyncset.done $0x0  }
0x229: {  	s1 =	rddreg [dreg:$0x17];
	[sflag:s8] =	ssyncadd.s32 $0xFFFF2000  }
0x22a: {  	[tilespmem:s5], [sflag:$0x2] =	stream.linear.gather [hbm4b:s1+s2], $0xE000, $0x38;
	[tilespmem:$0x1C000] =	vst v63  }
0x22b: {  	_ =	swait.ge [sflag:s14], $0xE000  }
0x22c: {  	[sflag:s14] =	ssyncset.done $0x0  }
0x22d: {  	s1 =	rddreg [dreg:$0x18];
	[sflag:s14] =	ssyncadd.s32 $0xFFFF2000  }
0x22e: {  	[hbm4b:s1+s10] =	stream.strided.scatter [tilespmem:s2], [sflag:$0x3], $0xE000, s11, s10, $0x38;
	[tilespmem:$0x1C000] =	vst v63  }
0x22f: {  	_ =	swait.ge [sflag:s9], $0xE000  }
0x230: {  	[sflag:s9] =	ssyncset.done $0x0  }
0x231: {  	s1 =	rddreg [dreg:$0x19];
	[sflag:s9] =	ssyncadd.s32 $0xFFFF2000  }
0x232: {  	[tilespmem:s2], [sflag:$0x1] =	stream.linear.gather [hbm4b:s1+s2], $0xE000, $0x38;
	[tilespmem:$0x1C000] =	vst v63  }
0x233: {  	_ =	swait.ge [sflag:s15], $0xE000  }
0x234: {  	[sflag:s15] =	ssyncset.done $0x0  }
0x235: {  	s1 =	rddreg [dreg:$0x1a];
	[sflag:s15] =	ssyncadd.s32 $0xFFFF2000  }
0x236: {  	[hbm4b:s1+s10] =	stream.strided.scatter [tilespmem:s5], [sflag:$0x4], $0xE000, s11, s10, $0x38;
	[tilespmem:$0x1C000] =	vst v63  }
0x237: {  	_ =	swait.ge [sflag:s8], $0xE000  }
0x238: {  	[sflag:s8] =	ssyncset.done $0x0  }
0x239: {  	s1 =	rddreg [dreg:$0x1b];
	[sflag:s8] =	ssyncadd.s32 $0xFFFF2000  }
0x23a: {  	[tilespmem:s5], [sflag:$0x2] =	stream.linear.gather [hbm4b:s1+s2], $0xE000, $0x38;
	[tilespmem:$0x1C000] =	vst v63  }
0x23b: {  	_ =	swait.ge [sflag:s14], $0xE000  }
0x23c: {  	[sflag:s14] =	ssyncset.done $0x0  }
0x23d: {  	s1 =	rddreg [dreg:$0x1c];
	[sflag:s14] =	ssyncadd.s32 $0xFFFF2000  }
0x23e: {  	[hbm4b:s1+s10] =	stream.strided.scatter [tilespmem:s2], [sflag:$0x3], $0xE000, s11, s10, $0x38;
	[tilespmem:$0x1C000] =	vst v63  }
0x23f: {  	_ =	swait.ge [sflag:s9], $0xE000  }
0x240: {  	[sflag:s9] =	ssyncset.done $0x0  }
0x241: {  	[sflag:s9] =	ssyncadd.s32 $0xFFFF2000  }
0x242: {  	[tilespmem:s2], [sflag:$0x1] =	stream.linear.gather [hbm4b:s29+s2], $0xE000, $0x38;
	[tilespmem:$0x1C000] =	vst v63  }
0x243: {  	_ =	swait.ge [sflag:s15], $0xE000  }
0x244: {  	[sflag:s15] =	ssyncset.done $0x0  }
0x245: {  	[sflag:s15] =	ssyncadd.s32 $0xFFFF2000  }
0x246: {  	[hbm4b:s31+s10] =	stream.strided.scatter [tilespmem:s5], [sflag:$0x4], $0xE000, s11, s10, $0x38;
	[tilespmem:$0x1C000] =	vst v63  }
0x247: {  	_ =	swait.ge [sflag:s8], $0xE000  }
0x248: {  	[sflag:s8] =	ssyncset.done $0x0  }
0x249: {  	[sflag:s8] =	ssyncadd.s32 $0xFFFF2000  }
0x24a: {  	[tilespmem:s5], [sflag:$0x2] =	stream.linear.gather [hbm4b:s26+s2], $0xE000, $0x38;
	[tilespmem:$0x1C000] =	vst v63  }
0x24b: {  	_ =	swait.ge [sflag:s14], $0xE000  }
0x24c: {  	[sflag:s14] =	ssyncset.done $0x0  }
0x24d: {  	[sflag:s14] =	ssyncadd.s32 $0xFFFF2000  }
0x24e: {  	[hbm4b:s30+s10] =	stream.strided.scatter [tilespmem:s2], [sflag:$0x3], $0xE000, s11, s10, $0x38;
	[tilespmem:$0x1C000] =	vst v63  }
0x24f: {  	_ =	swait.ge [sflag:s9], $0xE000  }
0x250: {  	[sflag:s9] =	ssyncset.done $0x0  }
0x251: {  	[sflag:s9] =	ssyncadd.s32 $0xFFFF2000  }
0x252: {  	[tilespmem:s2], [sflag:$0x1] =	stream.linear.gather [hbm4b:s24+s2], $0xE000, $0x38;
	[tilespmem:$0x1C000] =	vst v63  }
0x253: {  	_ =	swait.ge [sflag:s15], $0xE000  }
0x254: {  	[sflag:s15] =	ssyncset.done $0x0  }
0x255: {  	[sflag:s15] =	ssyncadd.s32 $0xFFFF2000  }
0x256: {  	[hbm4b:s28+s10] =	stream.strided.scatter [tilespmem:s5], [sflag:$0x4], $0xE000, s11, s10, $0x38;
	[tilespmem:$0x1C000] =	vst v63  }
0x257: {  	_ =	swait.ge [sflag:s8], $0xE000  }
0x258: {  	[sflag:s8] =	ssyncset.done $0x0  }
0x259: {  	[sflag:s8] =	ssyncadd.s32 $0xFFFF2000  }
0x25a: {  	[tilespmem:s5], [sflag:$0x2] =	stream.linear.gather [hbm4b:s22+s2], $0xE000, $0x38;
	[tilespmem:$0x1C000] =	vst v63  }
0x25b: {  	_ =	swait.ge [sflag:s14], $0xE000  }
0x25c: {  	[sflag:s14] =	ssyncset.done $0x0  }
0x25d: {  	[sflag:s14] =	ssyncadd.s32 $0xFFFF2000  }
0x25e: {  	[hbm4b:s25+s10] =	stream.strided.scatter [tilespmem:s2], [sflag:$0x3], $0xE000, s11, s10, $0x38;
	[tilespmem:$0x1C000] =	vst v63  }
0x25f: {  	_ =	swait.ge [sflag:s9], $0xE000  }
0x260: {  	[sflag:s9] =	ssyncset.done $0x0  }
0x261: {  	[sflag:s9] =	ssyncadd.s32 $0xFFFF2000  }
0x262: {  	[tilespmem:s2], [sflag:$0x1] =	stream.linear.gather [hbm4b:s20+s2], $0xE000, $0x38;
	[tilespmem:$0x1C000] =	vst v63  }
0x263: {  	_ =	swait.ge [sflag:s15], $0xE000  }
0x264: {  	[sflag:s15] =	ssyncset.done $0x0  }
0x265: {  	[sflag:s15] =	ssyncadd.s32 $0xFFFF2000  }
0x266: {  	[hbm4b:s23+s10] =	stream.strided.scatter [tilespmem:s5], [sflag:$0x4], $0xE000, s11, s10, $0x38;
	[tilespmem:$0x1C000] =	vst v63  }
0x267: {  	_ =	swait.ge [sflag:s8], $0xE000  }
0x268: {  	[sflag:s8] =	ssyncset.done $0x0  }
0x269: {  	[sflag:s8] =	ssyncadd.s32 $0xFFFF2000  }
0x26a: {  	[tilespmem:s5], [sflag:$0x2] =	stream.linear.gather [hbm4b:s18+s2], $0xE000, $0x38;
	[tilespmem:$0x1C000] =	vst v63  }
0x26b: {  	_ =	swait.ge [sflag:s14], $0xE000  }
0x26c: {  	[sflag:s14] =	ssyncset.done $0x0  }
0x26d: {  	[sflag:s14] =	ssyncadd.s32 $0xFFFF2000  }
0x26e: {  	[hbm4b:s21+s10] =	stream.strided.scatter [tilespmem:s2], [sflag:$0x3], $0xE000, s11, s10, $0x38;
	[tilespmem:$0x1C000] =	vst v63  }
0x26f: {  	_ =	swait.ge [sflag:s9], $0xE000  }
0x270: {  	[sflag:s9] =	ssyncset.done $0x0  }
0x271: {  	[sflag:s9] =	ssyncadd.s32 $0xFFFF2000  }
0x272: {  	[tilespmem:s2], [sflag:$0x1] =	stream.linear.gather [hbm4b:s17+s2], $0xE000, $0x38;
	[tilespmem:$0x1C000] =	vst v63  }
0x273: {  	_ =	swait.ge [sflag:s15], $0xE000  }
0x274: {  	[sflag:s15] =	ssyncset.done $0x0  }
0x275: {  	[sflag:s15] =	ssyncadd.s32 $0xFFFF2000  }
0x276: {  	[hbm4b:s19+s10] =	stream.strided.scatter [tilespmem:s5], [sflag:$0x4], $0xE000, s11, s10, $0x38;
	[tilespmem:$0x1C000] =	vst v63  }
0x277: {  	_ =	swait.ge [sflag:s8], $0xE000  }
0x278: {  	[sflag:s8] =	ssyncset.done $0x0  }
0x279: {  	[sflag:s8] =	ssyncadd.s32 $0xFFFF2000  }
0x27a: {  	[tilespmem:s5], [sflag:$0x2] =	stream.linear.gather [hbm4b:s13+s2], $0xE000, $0x38;
	[tilespmem:$0x1C000] =	vst v63  }
0x27b: {  	_ =	swait.ge [sflag:s14], $0xE000  }
0x27c: {  	[sflag:s14] =	ssyncset.done $0x0  }
0x27d: {  	[sflag:s14] =	ssyncadd.s32 $0xFFFF2000  }
0x27e: {  	[hbm4b:s16+s10] =	stream.strided.scatter [tilespmem:s2], [sflag:$0x3], $0xE000, s11, s10, $0x38;
	[tilespmem:$0x1C000] =	vst v63  }
0x27f: {  	_ =	swait.ge [sflag:s9], $0xE000  }
0x280: {  	[sflag:s9] =	ssyncset.done $0x0  }
0x281: {  	[sflag:s9] =	ssyncadd.s32 $0xFFFF2000  }
0x282: {  	[tilespmem:s2], [sflag:$0x1] =	stream.linear.gather [hbm4b:s7+s2], $0xE000, $0x38;
	[tilespmem:$0x1C000] =	vst v63  }
0x283: {  	_ =	swait.ge [sflag:s15], $0xE000  }
0x284: {  	[sflag:s15] =	ssyncset.done $0x0  }
0x285: {  	[sflag:s15] =	ssyncadd.s32 $0xFFFF2000  }
0x286: {  	[hbm4b:s12+s10] =	stream.strided.scatter [tilespmem:s5], [sflag:$0x4], $0xE000, s11, s10, $0x38;
	[tilespmem:$0x1C000] =	vst v63  }
0x287: {  	_ =	swait.ge [sflag:s8], $0xE000  }
0x288: {  	[sflag:s8] =	ssyncset.done $0x0  }
0x289: {  	[sflag:s8] =	ssyncadd.s32 $0xFFFF2000  }
0x28a: {  	[tilespmem:s5], [sflag:$0x2] =	stream.linear.gather [hbm4b:s3+s2], $0xE000, $0x38;
	[tilespmem:$0x1C000] =	vst v63  }
0x28b: {  	_ =	swait.ge [sflag:s14], $0xE000  }
0x28c: {  	[sflag:s14] =	ssyncset.done $0x0  }
0x28d: {  	[sflag:s14] =	ssyncadd.s32 $0xFFFF2000  }
0x28e: {  	[hbm4b:s6+s10] =	stream.strided.scatter [tilespmem:s2], [sflag:$0x3], $0xE000, s11, s10, $0x38;
	[tilespmem:$0x1C000] =	vst v63  }
0x28f: {  	_ =	swait.ge [sflag:s15], $0xE000  }
0x290: {  	[sflag:s15] =	ssyncset.done $0x0  }
0x291: {  	[sflag:s15] =	ssyncadd.s32 $0xFFFF2000  }
0x292: {  	[hbm4b:s4+s10] =	stream.strided.scatter [tilespmem:s5], [sflag:$0x4], $0xE000, s11, s10, $0x38;
	[tilespmem:$0x1C000] =	vst v63  }
0x293: {  	_ =	swait.ge [sflag:s9], $0xE000  }
0x294: {  	[sflag:s9] =	ssyncset.done $0x0  }
0x295: {  	[sflag:s9] =	ssyncadd.s32 $0xFFFF2000  }
0x296: {  	_ =	swait.ge [sflag:s8], $0xE000  }
0x297: {  	[sflag:s8] =	ssyncset.done $0x0  }
0x298: {  	[sflag:s8] =	ssyncadd.s32 $0xFFFF2000  }
0x299: {  	_ =	sfence.sel $0x180000  }
0x29a: {  	[bflag:$0x0] =	sbarrier.arrive $0xFFFF  }
0x29b: {  	_ =	strace $0x90000047  }
0x29c: {  	s31 =	stileid.u32;
	[bflag:$0x2] =	sbarrier.arrive $0xFFFF  }
0x29d: {  	p0 =	sne.s32 s31, $0x0;
	s0 =	rddreg [dreg:$0x1]  }
0x29e: {  	s0 =	sadd.s32 @!p0 $0x100000, s0  }
0x29f: {  	[sflag:s0] =	ssyncadd.tile.s32 @!p0 $0x1;
	_ =	shalt  }
.Lfunc_end2:
_tile_overlayer_lowered:
.L_overlay_start_2:
0x2a0: {  	(tag) =	ssettag $0x2  }
0x2a1: {  	s0 =	rddreg [dreg:$0x0];
	s2 =	stileid.u32  }
0x2a2: {  	s1 =	rddreg [dreg:$0x1];
	p0 =	sne.s32 s2, $0x0  }
0x2a3: {  	s3 =	rddreg [dreg:$0x2];
	[bflag:$0x3] =	sbarrier.arrive $0xFFFF;
	s2 =	simm.s32 @!p0 $0x1C05  }
0x2a4: {  	[timem:s3], [sflag:s2] =	dma.local @!p0 [hbm:s0], s1  }
0x2a5: {  	s0 =	simm.s32 @!p0 $0x5  }
0x2a6: {  	_ =	swait.ge @!p0 [sflag:s0], s1  }
0x2a7: {  	s1 =	ssub.s32 @!p0 $0x0, s1;
	[sflag:s0] =	ssyncset.done @!p0 $0x0  }
0x2a8: {  	[sflag:s0] =	ssyncadd.s32 @!p0 s1  }
0x2a9: {  	[bflag:$0x3] =	sbarrier.arrive $0xFFFF  }
0x2aa: {  	_ =	shalt  }

// kernel: sparse-core-data-format-call.1.cloned.1.call-start
scs
called_computation.1_lowered:
.L_overlay_start_0:
0x0: {  	s2 =	sld [smem:$0x3FD9]  }
0x1: {  	s3 =	sld [smem:$0x3FFE];
	_ =	sdelay $0x1  }
0x2: {  	s1 =	srdreg.scid  }
0x3: {  	s0 =	sand.u32 $0x1, s1  }
0x4: {  	s16 =	sshll.u32 s0, $0xA;
	s2 =	sadd.s32 s3, s2  }
0x5: {  	s2 =	sadd.s32 s2, s16  }
0x6: {  	[smem:$0x3FC6] =	sst s2  }
0x7: {  	_ = 	snop  }
0x8: {  	s2 =	sld [smem:$0x3FD0];
	_ =	sdelay $0x2  }
0x9: {  	s17 =	simm.s32 $0xB;
	s4 =	simm.s32 $0x10  }
0xa: {  	[smem:s4], [sflag:s17] =	dma.local [hbm:s2], $0x1  }
0xb: {  	_ =	swait.eq [sflag:s17], $0x1  }
0xc: {  	[sflag:s17] =	ssyncset.done $0x0  }
0xd: {  	[sflag:s17] =	ssyncadd.s32 $0xFFFFFFFF  }
0xe: {  	s18 =	sld [smem:$0x10];
	(tm) =	ssettm $0x1  }
0xf: {  	s19 =	sld [smem:$0x3FFB];
	_ =	sdelay $0x3  }
0x10: {  	_ =	strace s19  }
0x11: {  	s2 =	sld [smem:$0x3FFC];
	_ =	sdelay $0x3  }
0x12: {  	_ =	strace s2  }
0x13: {  	s2 =	sld [smem:$0x3FFD];
	_ =	sdelay $0x3  }
0x14: {  	_ =	strace s2  }
0x15: {  	_ =	strace $0x8FFFFFFF  }
0x16: {  	s20 =	sld [smem:$0x3FDB];
	_ =	sdelay $0x1  }
0x17: {  	s21 =	simm.s32 $_scs_section_size  }
0x18: {  	s5 =	simm.s32 $_size__tile_overlayer_lowered;
	s6 =	simm.s32 $_tile_overlayer_lowered  }
0x19: {  	s7 =	simm.s32 $0x1BFF;
	s22 =	sshll.u32 s6, $0x1;
	s4 =	sadd.s32 s21, s20  }
0x1a: {  	s23 =	simm.s32 $0x0;
	s5 =	sshll.u32 s5, $0x1;
	s6 =	sadd.s32 s22, s4  }
0x1b: {  	[timem:s23], [sflag:s7] =	dma.local [hbm:s6], s5  }
0x1c: {  	_ =	swait.ge [sflag:s7], s5  }
0x1d: {  	s5 =	ssub.s32 $0x0, s5;
	[sflag:s7] =	ssyncset.done $0x0  }
0x1e: {  	[sflag:s7] =	ssyncadd.s32 s5;
	_ =	sdelay $0x1  }
0x1f: {  	s24 =	simm.s32 $0x1B8B  }
0x20: {  	_ =	swait.ge [sflag:s24], $0x1  }
0x21: {  	[sflag:s24] =	ssyncset.done $0x0  }
0x22: {  	[sflag:s24] =	ssyncadd.s32 $0xFFFFFFFF  }
0x23: {  	s5 =	sld [smem:$0x0]  }
0x24: {  	s6 =	sand.u32 $0xFFFFFFFE, s1  }
0x25: {  	p0 =	sne.s32 s1, s6  }
0x26: {  	s6 =	sshll.u32 @p0 s6, $0xE  }
0x27: {  	s6 =	sadd.s32 @p0 $0x11B8D, s6;
	s7 =	sshll.u32 @p0 s5, $0x11  }
0x28: {  	s6 =	sor.u32 @p0 s7, s6  }
0x29: {  	[sflag:s6] =	ssyncadd.remote.s32 @p0 $0x1;
	_ =	sdelay $0x1  }
0x2a: {  	s6 =	simm.s32 @p0 $0x1B8D  }
0x2b: {  	_ =	swait.eq @p0 [sflag:s6], $0x1  }
0x2c: {  	[sflag:s6] =	ssyncadd.s32 @p0 $0xFFFFFFFF  }
0x2d: {  	s7 =	sshll.u32 @!p0 s1, $0xE  }
0x2e: {  	s7 =	sor.u32 @!p0 $0x4000, s7;
	s6 =	simm.s32 @!p0 $0x1B8D  }
0x2f: {  	s5 =	sshll.u32 @!p0 s5, $0x11;
	s7 =	sadd.s32 @!p0 $0x11B8D, s7;
	_ =	swait.eq @!p0 [sflag:s6], $0x1  }
0x30: {  	s5 =	sor.u32 @!p0 s5, s7;
	[sflag:s6] =	ssyncadd.s32 @!p0 $0xFFFFFFFF  }
0x31: {  	s26 =	simm.s32 $0x1B8E;
	s25 =	sld [smem:$0x3FFE];
	[sflag:s5] =	ssyncadd.remote.s32 @!p0 $0x1  }
0x32: {  	s27 =	simm.s32 $execute0_lowered;
	[smem:$0x3FD2] =	sst s26  }
0x33: {  	s6 =	sshll.u32 s27, $0x1;
	_ =	strace $0x8000004C;
	[dreg:$0x1] =	wrdreg $0xFFFFFFFF  }
0x34: {  	s28 =	simm.s32 $_size_execute0_lowered;
	s4 =	sadd.s32 s4, s6;
	[dreg:$0x0] =	wrdreg $0x0  }
0x35: {  	s6 =	sshll.u32 s28, $0x1;
	[dreg:$0x2] =	wrdreg s4  }
0x36: {  	[dreg:$0x3] =	wrdreg s6  }
0x37: {  	[dreg:$0x4] =	wrdreg $0xC0  }
0x38: {  	_ =	task [dreg:s23], $0x5FFFF  }
0x39: {  	[dreg:$0x1] =	wrdreg $0xFFFFFFFF  }
0x3a: {  	[dreg:$0x0] =	wrdreg $0x60  }
0x3b: {  	[dreg:$0x2] =	wrdreg s25  }
0x3c: {  	[dreg:$0x3] =	wrdreg s18  }
0x3d: {  	[dreg:$0x4] =	wrdreg $0xA  }
0x3e: {  	_ =	task.clear_ibuf [dreg:s23], $0x5FFFF;
	_ =	strace $0x9000004C  }
0x3f: {  	s29 =	simm.s32 $0xA;
	_ =	strace $0x8000004E  }
0x40: {  	_ =	swait.ge [sflag:s29], $0x1  }
0x41: {  	[sflag:s29] =	ssyncadd.s32 $0xFFFFFFFF  }
0x42: {  	_ =	strace $0x9000004E  }
0x43: {  	_ =	sfence  }
0x44: {  	s30 =	sld [smem:$0x0];
	_ =	sdelay $0x2  }
0x45: {  	s31 =	sshll.u32 s1, $0xD;
	s1 =	sshrl.u32 s1, $0x2  }
0x46: {  	s4 =	sand.u32 $0x4000, s31;
	s1 =	sadd.s32 s1, s30  }
0x47: {  	s0 =	sor.u32 s4, s0;
	s1 =	sshll.u32 s1, $0x11  }
0x48: {  	s0 =	sor.u32 s1, s0  }
0x49: {  	s0 =	sadd.s32 $0x8F2B, s0  }
0x4a: {  	[sflag:s0] =	ssyncadd.remote.s32 $0x1  }
0x4b: {  	_ =	sfence.sel $0xFFFF  }
0x4c: {  	[dreg:$0x0] =	wrdreg $0xFFFFFFFF;
	(pc) =	sbr.abs _section_cstart, $3  }
0x4d: {  	[dreg:$0x1] =	wrdreg $0xFFFFFFFF  }
0x4e: {  	_ =	task.clear_ibuf [dreg:s23], $0x2FFFF;
	_ =	strace $0x9FFFFFFF  }
0x4f: {  	(tm) =	ssettm $0x7FFFFFFF  }
tec
execute0_lowered:
.L_overlay_start_1:
0x0: {  	(tag) =	ssettag $0x1  }
0x1: {  	s0 =	rddreg [dreg:$0x0]  }
0x2: {  	_ =	strace $0x8000004D;
	s30 =	srdreg.scid;
	s6 =	stileid.u32  }
0x3: {  	s1 =	simm.s32 $0x1;
	s31 =	simm.s32 $0x2;
	s18 =	simm.s32 $0x0  }
0x4: {  	p0 =	por $0x0, $0x0;
	s15 =	simm.s32 $0x0;
	s16 =	simm.s32 $0x0  }
.Ltmp0:
0x5: {  	s17 =	simm.s32 $0x0;
	s9 =	simm.s32 $0x0;
	(pc) =	sbr.rel .LBB1_1-.Ltmp0, $4  }
0x6: {  	s10 =	simm.s32 $0x0;
	s11 =	simm.s32 $0x0;
	s13 =	stileid.u32  }
0x7: {  	s8 =	simm.s32 $0x0;
	s7 =	sadd.s32 $0x7E1000, s0;
	s0 =	sshll.u32 s30, $0x7  }
0x8: {  	[sflag:s1] =	ssyncpa.u1 $0x0;
	s14 =	sand.u32 $0x80, s0;
	[dreg:$0x3] =	wrdreg s7  }
0x9: {  	[sflag:s31] =	ssyncpa.u1 $0x0;
	s12 =	smov.u32 s14;
	[dreg:$0x4] =	wrdreg s14  }
.LBB1_13:
0xa: {  	s1 =	rddreg [dreg:$0x9]  }
0xb: {  	p1 =	sgt.s32 s9, $0x80;
	s25 =	rddreg [dreg:$0xa]  }
0xc: {  	s0 =	smov.u32 s9;
	s2 =	sshrl.u32 s9, $0x5;
	s3 =	rddreg [dreg:$0x7]  }
0xd: {  	s4 =	rddreg [dreg:$0x8];
	s27 =	smul.u32 $0x18800, s10;
	s0 =	simm.s32 @!p1 $0x80  }
0xe: {  	s17 =	rddreg [dreg:$0x5];
	s5 =	sshrl.u32 s9, $0x3;
	s0 =	sadd.s32 s1, s0  }
0xf: {  	s2 =	sand.u32 $0xFFFFFC, s2;
	s28 =	smul.u32 $0x700, s17;
	s1 =	sadd.s32 $0xFFFFFF80, s0  }
0x10: {  	s26 =	smulhi.u32 $0x4924925, s2;
	s0 =	ssub.s32 $0x100, s0;
	p1 =	sgt.s32 s1, $0x7F  }
0x11: {  	s6 =	rddreg [dreg:$0x1];
	s1 =	smul.u32 $0x2040, s25;
	s0 =	simm.s32 @p1 $0x0  }
0x12: {  	s29 =	sand.u32 $0x7, s9;
	s7 =	rddreg [dreg:$0x3];
	s0 =	smul.u32 s0, s3  }
0x13: {  	s31 =	simm.s32 $0x800;
	s14 =	rddreg [dreg:$0x4];
	s3 =	smul.u32 $0x38, s26  }
0x14: {  	s18 =	rddreg [dreg:$0x6];
	s5 =	sand.u32 $0xF, s5;
	s0 =	smul.u32 s4, s0  }
0x15: {  	s1 =	sor.u32 $0x4000, s1;
	s2 =	ssub.s32 s2, s3;
	s4 =	sadd.s32 s6, s27  }
0x16: {  	s6 =	stileid.u32;
	s3 =	sadd.s32 s28, s4;
	s0 =	smul.u32 $0x38, s0  }
0x17: {  	s2 =	sshll.u32 s2, $0x5;
	s4 =	sshll.u32 s29, $0x12;
	s3 =	sadd.s32 s5, s3  }
0x18: {  	s30 =	sor.u32 $0x400, s4;
	s2 =	sadd.s32 s2, s3;
	s0 =	sand.u32 $0x3FFFFFF8, s0  }
0x19: {  	[hbm4b:s2+s30] =	stream.strided.scatter [tilespmem:s1], [sflag:$0x2], s0, s31, s30, $0x20;
	[tilespmem:$0x8080] =	vst v63  }
.LBB1_14:
0x1a: {  	p1 =	slt.u32 s8, $0x2  }
0x1b: {  	p2 =	sgt.s32 @!p1 s16, $0xF  }
0x1c: {  	s0 =	smov.u32 s16;
	s1 =	sshra.s32 @!p1 s16, $0x1F;
	p2 =	por !p2, p1  }
0x1d: {  	s1 =	sand.u32 @!p1 s1, s16;
	s0 =	simm.s32 @p2 $0xF  }
0x1e: {  	s0 =	ssub.s32 @!p1 s0, s1  }
0x1f: {  	s3 =	smov.u32 s18;
	p3 =	sgt.s32 @!p1 s15, $0x80;
	s1 =	sadd.s32 @!p1 $0xFFFFFFF1, s0  }
0x20: {  	p3 =	por !p3, p1;
	p2 =	sgt.s32 @!p1 s1, $0x0;
	s1 =	smov.u32 s15  }
0x21: {  	s2 =	sshra.s32 @!p1 s15, $0x1F;
	s1 =	simm.s32 @p3 $0x80;
	p3 =	sgt.s32 @!p1 s18, $0x37  }
0x22: {  	s4 =	sshra.s32 @!p1 s18, $0x1F;
	s2 =	sand.u32 @!p1 s2, s15;
	p3 =	por !p3, p1  }
0x23: {  	s4 =	sand.u32 @!p1 s4, s18;
	s1 =	ssub.s32 @!p1 s1, s2;
	s3 =	simm.s32 @p3 $0x37  }
0x24: {  	s0 =	ssub.s32 @!p1 $0x10, s0;
	s2 =	ssub.s32 @!p1 s3, s4;
	s3 =	sadd.s32 @!p1 $0xFFFFFF80, s1  }
0x25: {  	s0 =	smul.u32 @!p1 $0x38, s0;
	p2 =	por !p2, p1;
	p3 =	sgt.s32 @!p1 s3, $0x7F  }
0x26: {  	s1 =	ssub.s32 @!p1 $0x100, s1;
	s4 =	sadd.s32 @!p1 $0xFFFFFFC9, s2;
	p3 =	por !p3, p1  }
0x27: {  	s0 =	simm.s32 @!p2 $0x0;
	s1 =	simm.s32 @!p3 $0x0;
	p3 =	sgt.s32 @!p1 s4, $0x0  }
0x28: {  	s2 =	ssub.s32 @!p1 $0x38, s2;
	p2 =	por !p3, p1;
	s0 =	smul.u32 @!p1 s1, s0  }
0x29: {  	s3 =	smov.u32 s12;
	s1 =	sadd.s32 $0x1, s11;
	s2 =	simm.s32 @!p2 $0x0  }
0x2a: {  	p2 =	sgt.s32 s1, $0x37;
	s0 =	smul.u32 @!p1 s2, s0;
	s2 =	sadd.s32 $0x100, s12  }
0x2b: {  	s3 =	smov.u32 @p2 s2  }
0x2c: {  	s5 =	smov.u32 s13;
	s2 =	sadd.s32 $0x10, s13;
	p3 =	sgt.s32 s3, $0xBF  }
0x2d: {  	s8 =	sadd.s32 $0x1, s8;
	p0 =	por !p0, !p0;
	s5 =	smov.u32 @p3 s2  }
0x2e: {  	s16 =	smov.u32 s10;
	s1 =	simm.s32 @p2 $0x0;
	p2 =	sgt.s32 s5, $0xF  }
0x2f: {  	s10 =	smov.u32 s13;
	s5 =	smov.u32 @p2 s6;
	p2 =	sne.s32 s8, $0x3A  }
.Ltmp1:
0x30: {  	s15 =	smov.u32 s9;
	s9 =	smov.u32 s12;
	(pc) =	sbr.rel @!p2 .LBB1_15-.Ltmp1, $4  }
0x31: {  	s18 =	smov.u32 s17;
	s4 =	simm.s32 @!p1 $0x2;
	s0 =	sand.u32 @!p1 $0x3FFFFFF8, s0  }
0x32: {  	s17 =	smov.u32 s11;
	s11 =	smov.u32 s1;
	_ =	swait.ge @!p1 [sflag:s4], s0  }
0x33: {  	s0 =	ssub.s32 @!p1 $0x0, s0;
	s3 =	smov.u32 @p3 s14;
	[sflag:s4] =	ssyncset.done @!p1 $0x0  }
0x34: {  	s12 =	smov.u32 s3;
	[sflag:s4] =	ssyncadd.s32 @!p1 s0;
	s13 =	smov.u32 s5  }
.LBB1_1:
0x35: {  	p1 =	sgt.u32 s8, $0x37  }
0x36: {  	s1 =	smov.u32 s13;
	s4 =	smov.u32 s12;
	p2 =	sgt.s32 @!p1 s13, $0xF  }
0x37: {  	s0 =	sand.u32 @!p1 $0x1FFFFFF, s11;
	s3 =	sshra.s32 @!p1 s13, $0x1F;
	p2 =	por !p2, p1  }
0x38: {  	s5 =	sshra.s32 @!p1 s12, $0x1F;
	s1 =	simm.s32 @p2 $0xF;
	p2 =	sgt.s32 @!p1 s12, $0x40  }
0x39: {  	s2 =	smulhi.u32 @!p1 $0x4924925, s0;
	s3 =	sand.u32 @!p1 s3, s13;
	p2 =	por !p2, p1  }
0x3a: {  	s5 =	sand.u32 @!p1 s5, s12;
	s1 =	ssub.s32 @!p1 s1, s3;
	s4 =	simm.s32 @p2 $0x40  }
0x3b: {  	p2 =	sgt.s32 @!p1 s11, $0x37;
	s1 =	sadd.s32 @!p1 $0xFFFFFFF1, s1;
	s3 =	ssub.s32 @!p1 s4, s5  }
0x3c: {  	p2 =	por !p2, p1;
	s5 =	smov.u32 s11;
	s4 =	sadd.s32 @!p1 $0xFFFFFFC0, s3  }
0x3d: {  	s5 =	simm.s32 @p2 $0x37;
	p3 =	sgt.s32 @!p1 s4, $0x7F;
	s4 =	sshra.s32 @!p1 s11, $0x1F  }
0x3e: {  	p2 =	sgt.s32 @!p1 s1, $0x0;
	s1 =	sshll.u32 @!p1 s1, $0x6;
	s4 =	sand.u32 @!p1 s4, s11  }
0x3f: {  	s3 =	ssub.s32 @!p1 $0xC0, s3;
	s1 =	ssub.s32 @!p1 $0x40, s1;
	s4 =	ssub.s32 @!p1 s5, s4  }
0x40: {  	p2 =	por !p2, p1;
	p3 =	por !p3, p1;
	s5 =	sadd.s32 @!p1 $0xFFFFFFC9, s4  }
0x41: {  	s1 =	simm.s32 @!p2 $0x0;
	s3 =	simm.s32 @!p3 $0x0;
	p3 =	sgt.s32 @!p1 s5, $0x0  }
0x42: {  	s4 =	ssub.s32 @!p1 $0x38, s4;
	s1 =	smul.u32 @!p1 s3, s1;
	p2 =	por !p3, p1  }
0x43: {  	s2 =	smul.u32 @!p1 $0x38, s2;
	s4 =	simm.s32 @!p2 $0x0  }
0x44: {  	s1 =	smul.u32 @!p1 s4, s1  }
0x45: {  	s4 =	smul.u32 @!p1 $0x2A000, s13  }
0x46: {  	s0 =	ssub.s32 @!p1 s0, s2;
	s3 =	sxor.u32 @!p1 $0xFFFFFFFF, s8;
	s5 =	smul.u32 @!p1 $0x380, s12  }
0x47: {  	s0 =	sshll.u32 @!p1 s0, $0x4;
	s3 =	sshll.u32 @!p1 s3, $0xD;
	s2 =	sadd.s32 @!p1 s7, s4  }
0x48: {  	s3 =	sand.u32 @!p1 $0x2000, s3;
	s1 =	sand.u32 @!p1 $0x3FFFFFC0, s1;
	s2 =	sadd.s32 @!p1 s5, s2  }
0x49: {  	s4 =	simm.s32 @!p1 $0x1C00;
	s0 =	sadd.s32 @!p1 s0, s2;
	s2 =	simm.s32 @!p1 $0x40  }
0x4a: {  	[tilespmem:s3], [sflag:$0x1] =	stream.strided.gather @!p1 [hbm4b:s0+s2], s1, s4, s2, $0x38;
	[tilespmem:$0x8080] =	vst v63  }
0x4b: {  	p1 =	seq.s32 s8, $0x0  }
0x4c: {  	p2 =	seq.s32 @!p1 s8, $0x39  }
0x4d: {  	p1 =	por p1, p2  }
.Ltmp2:
0x4e: {  	_ = 	snop;
	(pc) =	sbr.rel @p1 .LBB1_14-.Ltmp2, $1  }
0x4f: {  	_ =	sdelay $0x3  }
0x50: {  	p1 =	sgt.s32 s10, $0xF  }
0x51: {  	s0 =	smov.u32 s10;
	s1 =	sshra.s32 s10, $0x1F;
	s25 =	ssub.s32 $0x0, s9  }
0x52: {  	s2 =	sshra.s32 s9, $0x1F;
	p2 =	sgt.s32 s17, $0x37;
	s3 =	smov.u32 s17  }
0x53: {  	s4 =	sshra.s32 s17, $0x1F;
	p3 =	sgt.s32 s9, $0x40;
	s5 =	smov.u32 s9  }
0x54: {  	s0 =	simm.s32 @!p1 $0xF;
	s1 =	sand.u32 s1, s10;
	s3 =	simm.s32 @!p2 $0x37  }
0x55: {  	s4 =	sand.u32 s4, s17;
	s2 =	sand.u32 s25, s2;
	s5 =	simm.s32 @!p3 $0x40  }
0x56: {  	s0 =	ssub.s32 s0, s1;
	s26 =	ssub.s32 s3, s4;
	[dreg:$0x9] =	wrdreg s2  }
0x57: {  	s27 =	sadd.s32 s2, s5;
	s2 =	sadd.s32 $0x1, s10;
	s1 =	sadd.s32 $0xFFFFFFF1, s0  }
0x58: {  	s4 =	ssub.s32 $0x10, s0;
	s28 =	sadd.s32 $0xFFFFFFC9, s26;
	s29 =	sadd.s32 $0xFFFFFFC0, s27  }
0x59: {  	p1 =	sgt.s32 s1, $0x0;
	p2 =	sgt.s32 s28, $0x0;
	s1 =	ssub.s32 $0x38, s26  }
0x5a: {  	s0 =	ssub.s32 $0xC0, s27;
	s4 =	simm.s32 @p1 $0x0;
	s1 =	simm.s32 @p2 $0x0  }
0x5b: {  	p1 =	sgt.s32 s29, $0x7F;
	[dreg:$0x8] =	wrdreg s1;
	s1 =	smul.u32 s4, s1  }
0x5c: {  	s3 =	sadd.s32 $0x80, s9;
	s0 =	simm.s32 @p1 $0x0;
	p1 =	slt.s32 s2, $0x10  }
0x5d: {  	s2 =	simm.s32 @!p1 $0x10;
	p1 =	slt.s32 s3, $0xC0;
	s0 =	smul.u32 s0, s1  }
0x5e: {  	s20 =	ssub.s32 s2, s10;
	s3 =	simm.s32 @!p1 $0xC0;
	s1 =	sadd.s32 $0x1, s17  }
0x5f: {  	s21 =	ssub.s32 s3, s9;
	p2 =	slt.s32 s1, $0x38;
	p1 =	slt.s32 s20, $0x1  }
0x60: {  	s1 =	simm.s32 @!p2 $0x38;
	p2 =	slt.s32 @!p1 s21, $0x1  }
0x61: {  	s23 =	ssub.s32 s1, s17;
	p2 =	por p1, p2  }
0x62: {  	p3 =	slt.s32 @!p2 s23, $0x1  }
0x63: {  	[dreg:$0x6] =	wrdreg s18;
	p2 =	por p2, p3  }
.Ltmp3:
0x64: {  	[dreg:$0x5] =	wrdreg s17;
	s0 =	sshll.u32 s0, $0x6;
	(pc) =	sbr.rel @p2 .LBB1_13-.Ltmp3, $4  }
0x65: {  	s30 =	simm.s32 $0x1;
	[dreg:$0x7] =	wrdreg s4;
	s0 =	sand.u32 $0x3FFFFFC0, s0  }
0x66: {  	_ =	swait.ge [sflag:s30], s0  }
0x67: {  	s31 =	sand.u32 $0x1, s8;
	s0 =	ssub.s32 $0x0, s0;
	[sflag:s30] =	ssyncset.done $0x0  }
0x68: {  	[dreg:$0xa] =	wrdreg s31;
	[sflag:s30] =	ssyncadd.s32 s0  }
0x69: {  	s0 =	simm.s32 $0x1  }
0x6a: {  	s0 =	simm.s32 @!p0 $0x0  }
0x6b: {  	s0 =	smul.u32 $0x8100, s0  }
.Ltmp4:
0x6c: {  	_ = 	snop;
	(pc) =	sbr.rel .LBB1_4-.Ltmp4, $4  }
0x6d: {  	_ = 	snop  }
0x6e: {  	s0 =	sshrl.u32 s0, $0x2  }
0x6f: {  	s24 =	sor.u32 $0x4000, s0;
	s0 =	rddreg [dreg:$0xa]  }
0x70: {  	s26 =	simm.s32 $0x0;
	s25 =	sshll.u32 @!p1 s0, $0xD  }
.LBB1_12:
0x71: {  	s26 =	sadd.s32 $0x1, s26  }
0x72: {  	p1 =	sne.s32 s26, s20  }
.Ltmp5:
0x73: {  	_ = 	snop;
	(pc) =	sbr.rel @!p1 .LBB1_13-.Ltmp5, $2  }
0x74: {  	_ =	sdelay $0x2  }
0x75: {  	s24 =	sadd.s32 $0x2040, s24  }
.LBB1_4:
0x76: {  	s0 =	sshll.u32 s26, $0xF;
	s28 =	simm.s32 $0x800  }
0x77: {  	s29 =	simm.s32 $0x1800;
	s30 =	simm.s32 $0x0;
	s0 =	sshra.s32 s0, $0x2  }
0x78: {  	s31 =	simm.s32 $0x0;
	s27 =	sadd.s32 s0, s25;
	s0 =	simm.s32 $0x0  }
.LBB1_5:
0x79: {  	s1 =	sshrl.u32 s30, $0xA;
	s2 =	sshll.u32 s0, $0x8  }
0x7a: {  	s3 =	sshrl.u32 s28, $0xA;
	s4 =	sshrl.u32 s29, $0xA;
	s2 =	sshra.s32 s2, $0x2  }
0x7b: {  	s5 =	sshrl.u32 s0, $0x4;
	s1 =	sand.u32 $0x7, s1;
	s2 =	sadd.s32 s2, s27  }
0x7c: {  	s7 =	sand.u32 $0x7F, s31;
	s3 =	sand.u32 $0x7, s3;
	s1 =	smul.u32 $0x1020, s1;
	v0 =	vmov s2  }
0x7d: {  	s4 =	sand.u32 $0x7, s4;
	s6 =	sand.u32 $0x38, s5;
	s22 =	smul.u32 $0x1020, s3  }
0x7e: {  	s17 =	simm.s32 $0x0;
	s3 =	smul.u32 $0x1020, s4;
	s4 =	sxor.u32 $0x20, s6  }
0x7f: {  	p2 =	sne.s32 s23, $0x1;
	p1 =	por $0x0, $0x0;
	s4 =	smul.u32 $0x204, s4  }
.Ltmp6:
0x80: {  	s18 =	sshll.u32 s7, $0x2;
	s17 =	sand.u32 $0x1C0, s17;
	(pc) =	sbr.rel @!p2 .LBB1_6-.Ltmp6, $4  }
0x81: {  	s1 =	sshrl.u32 s1, $0x2;
	s14 =	sshrl.u32 s22, $0x2;
	s19 =	sshrl.u32 s3, $0x2;
	v7 =	vld.idx.msk [tilespmem:v0+s17+$0x30 ss:$0x1], $0xffff  }
0x82: {  	s6 =	sadd.s32 s1, s24;
	s22 =	sshrl.u32 s4, $0x2;
	s5 =	sadd.s32 s14, s24;
	v8 =	vld.idx.msk [tilespmem:v0+s17+$0x0 ss:$0x1], $0xffff  }
0x83: {  	s2 =	sadd.s32 s19, s24;
	s1 =	sshrl.u32 s18, $0x2;
	s4 =	sadd.s32 $0xFFFFFFFF, s23;
	v6 =	vld.idx.msk [tilespmem:v0+s17+$0x10 ss:$0x1], $0xffff  }
0x84: {  	s19 =	sadd.s32 s22, s24;
	s3 =	sadd.s32 s1, s2;
	v5 =	vld.idx.msk [tilespmem:v0+s17+$0x20 ss:$0x1], $0xffff;
	s17 =	simm.s32 $0x40  }
0x85: {  	_ =	sdelay $0x1  }
0x86: {  	p2 =	sne.s32 s4, $0x1  }
.Ltmp7:
0x87: {  	s18 =	sand.u32 $0x1C0, s17;
	(pc) =	sbr.rel @!p2 .LBB1_8-.Ltmp7, $4  }
0x88: {  	s22 =	sadd.s32 s1, s6;
	s7 =	sadd.s32 s1, s5;
	v1 =	vld.idx.msk [tilespmem:v0+s18+$0x30 ss:$0x1], $0xffff;
	[tilespmem:s3+$0x0 ss:$0x81] =	vst.msk $0xffff, v7  }
0x89: {  	s17 =	sadd.s32 $0xFFFFFFFF, s4;
	s14 =	sadd.s32 s1, s19;
	s6 =	sadd.s32 $0x2040, s6;
	v2 =	vld.idx.msk [tilespmem:v0+s18+$0x0 ss:$0x1], $0xffff;
	[tilespmem:s22+$0x0 ss:$0x81] =	vst.msk $0xffff, v8  }
0x8a: {  	p1 =	por $0x1, $0x1;
	s4 =	smov.u32 s5;
	v3 =	vld.idx.msk [tilespmem:v0+s18+$0x10 ss:$0x1], $0xffff;
	s22 =	sadd.s32 $0x2040, s2;
	[tilespmem:s7+$0x0 ss:$0x81] =	vst.msk $0xffff, v6  }
0x8b: {  	v4 =	vld.idx.msk [tilespmem:v0+s18+$0x20 ss:$0x1], $0xffff;
	s18 =	simm.s32 $0x80;
	s2 =	smov.u32 s19;
	s3 =	sadd.s32 s1, s22;
	[tilespmem:s14+$0x0 ss:$0x81] =	vst.msk $0xffff, v5  }
.LBB1_9:
0x8c: {  	s14 =	sand.u32 $0x1C0, s18;
	p2 =	sne.s32 s17, $0x1;
	s17 =	sadd.s32 $0xFFFFFFFF, s17  }
.Ltmp8:
0x8d: {  	s7 =	sadd.s32 s1, s6;
	s4 =	sadd.s32 $0x2040, s4;
	[tilespmem:s3+$0x0 ss:$0x81] =	vst.msk $0xffff, v1;
	v1 =	vld.idx.msk [tilespmem:v0+s14+$0x30 ss:$0x1], $0xffff;
	(pc) =	sbr.rel @p2 .LBB1_9-.Ltmp8, $4  }
0x8e: {  	s2 =	sadd.s32 $0x2040, s2;
	s3 =	sadd.s32 s1, s4;
	[tilespmem:s7+$0x0 ss:$0x81] =	vst.msk $0xffff, v2;
	v2 =	vld.idx.msk [tilespmem:v0+s14+$0x0 ss:$0x1], $0xffff  }
0x8f: {  	[tilespmem:s3+$0x0 ss:$0x81] =	vst.msk $0xffff, v3;
	v3 =	vld.idx.msk [tilespmem:v0+s14+$0x10 ss:$0x1], $0xffff;
	s3 =	sadd.s32 s1, s2  }
0x90: {  	s22 =	sadd.s32 $0x2040, s22;
	[tilespmem:s3+$0x0 ss:$0x81] =	vst.msk $0xffff, v4;
	v4 =	vld.idx.msk [tilespmem:v0+s14+$0x20 ss:$0x1], $0xffff  }
0x91: {  	s18 =	sadd.s32 $0x40, s18;
	s6 =	sadd.s32 $0x2040, s6;
	s3 =	sadd.s32 s1, s22  }
0x92: {  	_ =	sdelay $0x2  }
0x93: {  	v7 =	vmovc v1;
	v8 =	vmov v2;
	v6 =	vmov v3;
	v5 =	vmov v4  }
.LBB1_11:
0x94: {  	s4 =	sadd.s32 @p1 $0x2040, s4;
	s2 =	sadd.s32 @p1 $0x2040, s2;
	s0 =	sadd.s32 $0x1, s0  }
0x95: {  	s5 =	smov.u32 @p1 s4;
	s19 =	smov.u32 @p1 s2;
	p1 =	sne.s32 s0, s21  }
.Ltmp9:
0x96: {  	_ = 	snop;
	(pc) =	sbr.rel @p1 .LBB1_5-.Ltmp9, $4  }
.Ltmp10:
0x97: {  	s6 =	sadd.s32 s1, s6;
	[tilespmem:s3+$0x0 ss:$0x81] =	vst.msk $0xffff, v7;
	(pc) =	sbr.rel @!p1 .LBB1_12-.Ltmp10, $4  }
0x98: {  	[tilespmem:s6+$0x0 ss:$0x81] =	vst.msk $0xffff, v8;
	s18 =	sadd.s32 s1, s5  }
0x99: {  	s31 =	sadd.s32 $0x1, s31;
	s22 =	sadd.s32 s1, s19;
	[tilespmem:s18+$0x0 ss:$0x81] =	vst.msk $0xffff, v6  }
0x9a: {  	s30 =	sadd.s32 $0x8, s30;
	s28 =	sadd.s32 $0x8, s28;
	s29 =	sadd.s32 $0x8, s29;
	[tilespmem:s22+$0x0 ss:$0x81] =	vst.msk $0xffff, v5  }
0x9b: {  	_ = 	snop  }
.LBB1_6:
.Ltmp11:
0x9c: {  	(pc) =	sbr.rel .LBB1_11-.Ltmp11, $2  }
0x9d: {  	_ =	sdelay $0x2  }
0x9e: {  	s4 =	smov.u32 s5;
	s2 =	smov.u32 s19  }
.LBB1_8:
.Ltmp12:
0x9f: {  	_ = 	snop;
	(pc) =	sbr.rel .LBB1_11-.Ltmp12, $2  }
0xa0: {  	_ =	sdelay $0x2  }
0xa1: {  	s4 =	smov.u32 s5;
	s2 =	smov.u32 s19;
	v7 =	vmovc v1;
	v8 =	vmov v2;
	v6 =	vmov v3;
	v5 =	vmov v4  }
.LBB1_15:
0xa2: {  	_ =	sfence.sel $0x180000  }
0xa3: {  	s0 =	simm.s32 $0x1;
	[bflag:$0x0] =	sbarrier.arrive $0xFFFF  }
0xa4: {  	s31 =	simm.s32 $0x2;
	[sflag:s0] =	ssyncpa.u1 $0x1  }
0xa5: {  	[sflag:s31] =	ssyncpa.u1 $0x1  }
0xa6: {  	_ =	strace $0x9000004D  }
0xa7: {  	[bflag:$0x2] =	sbarrier.arrive $0xFFFF  }
0xa8: {  	p0 =	sne.s32 s6, $0x0;
	s0 =	rddreg [dreg:$0x2]  }
0xa9: {  	s0 =	sadd.s32 @!p0 $0x100000, s0  }
0xaa: {  	[sflag:s0] =	ssyncadd.tile.s32 @!p0 $0x1;
	_ =	shalt  }
.Lfunc_end1:
_tile_overlayer_lowered:
.L_overlay_start_2:
0xab: {  	(tag) =	ssettag $0x2  }
0xac: {  	s0 =	rddreg [dreg:$0x0];
	s2 =	stileid.u32  }
0xad: {  	s1 =	rddreg [dreg:$0x1];
	p0 =	sne.s32 s2, $0x0  }
0xae: {  	s3 =	rddreg [dreg:$0x2];
	[bflag:$0x3] =	sbarrier.arrive $0xFFFF;
	s2 =	simm.s32 @!p0 $0x1C01  }
0xaf: {  	[timem:s3], [sflag:s2] =	dma.local @!p0 [hbm:s0], s1  }
0xb0: {  	s0 =	simm.s32 @!p0 $0x1  }
0xb1: {  	_ =	swait.ge @!p0 [sflag:s0], s1  }
0xb2: {  	s1 =	ssub.s32 @!p0 $0x0, s1;
	[sflag:s0] =	ssyncset.done @!p0 $0x0  }
0xb3: {  	[sflag:s0] =	ssyncadd.s32 @!p0 s1  }
0xb4: {  	[bflag:$0x3] =	sbarrier.arrive $0xFFFF  }
0xb5: {  	_ =	shalt  }

// kernel: sparse-core-data-format-call.cloned.1.call-start
scs
called_computation_lowered:
.L_overlay_start_0:
0x0: {  	s2 =	sld [smem:$0x3FD9]  }
0x1: {  	s3 =	sld [smem:$0x3FFE];
	_ =	sdelay $0x1  }
0x2: {  	s1 =	srdreg.scid  }
0x3: {  	s0 =	sand.u32 $0x1, s1  }
0x4: {  	s15 =	sshll.u32 s0, $0xA;
	s2 =	sadd.s32 s3, s2  }
0x5: {  	s2 =	sadd.s32 s2, s15  }
0x6: {  	[smem:$0x3FC6] =	sst s2  }
0x7: {  	_ = 	snop  }
0x8: {  	s2 =	sld [smem:$0x3FD0];
	_ =	sdelay $0x2  }
0x9: {  	s16 =	simm.s32 $0xB;
	s4 =	simm.s32 $0x10  }
0xa: {  	[smem:s4], [sflag:s16] =	dma.local [hbm:s2], $0x1  }
0xb: {  	_ =	swait.eq [sflag:s16], $0x1  }
0xc: {  	[sflag:s16] =	ssyncset.done $0x0  }
0xd: {  	[sflag:s16] =	ssyncadd.s32 $0xFFFFFFFF  }
0xe: {  	s17 =	sld [smem:$0x11];
	(tm) =	ssettm $0x1  }
0xf: {  	s18 =	sld [smem:$0x3FFB];
	_ =	sdelay $0x3  }
0x10: {  	_ =	strace s18  }
0x11: {  	s3 =	sld [smem:$0x3FFC];
	_ =	sdelay $0x3  }
0x12: {  	_ =	strace s3  }
0x13: {  	s3 =	sld [smem:$0x3FFD];
	_ =	sdelay $0x3  }
0x14: {  	_ =	strace s3  }
0x15: {  	_ =	strace $0x8FFFFFFF  }
0x16: {  	s19 =	sld [smem:$0x3FDB];
	_ =	sdelay $0x1  }
0x17: {  	s20 =	simm.s32 $_scs_section_size  }
0x18: {  	s5 =	simm.s32 $_size__tile_overlayer_lowered;
	s6 =	simm.s32 $_tile_overlayer_lowered  }
0x19: {  	s23 =	simm.s32 $0x1BFF;
	s22 =	sshll.u32 s6, $0x1;
	s3 =	sadd.s32 s20, s19  }
0x1a: {  	s7 =	simm.s32 $0x0;
	s21 =	sshll.u32 s5, $0x1;
	s5 =	sadd.s32 s22, s3  }
0x1b: {  	[timem:s7], [sflag:s23] =	dma.local [hbm:s5], s21  }
0x1c: {  	_ =	swait.ge [sflag:s23], s21  }
0x1d: {  	s4 =	ssub.s32 $0x0, s21;
	[sflag:s23] =	ssyncset.done $0x0  }
0x1e: {  	[sflag:s23] =	ssyncadd.s32 s4;
	_ =	sdelay $0x1  }
0x1f: {  	s24 =	simm.s32 $0x1B8B  }
0x20: {  	_ =	swait.ge [sflag:s24], $0x1  }
0x21: {  	[sflag:s24] =	ssyncset.done $0x0  }
0x22: {  	s26 =	simm.s32 $0x1B8E;
	s25 =	sld [smem:$0x3FFE];
	[sflag:s24] =	ssyncadd.s32 $0xFFFFFFFF  }
0x23: {  	s27 =	simm.s32 $execute0_lowered;
	[smem:$0x3FD2] =	sst s26  }
0x24: {  	s5 =	sshll.u32 s27, $0x1;
	_ =	strace $0x80000049;
	[dreg:$0x1] =	wrdreg $0xFFFFFFFF  }
0x25: {  	s28 =	simm.s32 $_size_execute0_lowered;
	s3 =	sadd.s32 s3, s5;
	[dreg:$0x0] =	wrdreg $0x0  }
0x26: {  	s5 =	sshll.u32 s28, $0x1;
	[dreg:$0x2] =	wrdreg s3  }
0x27: {  	[dreg:$0x3] =	wrdreg s5  }
0x28: {  	[dreg:$0x4] =	wrdreg $0xC0  }
0x29: {  	_ =	task [dreg:s7], $0x5FFFF  }
0x2a: {  	[dreg:$0x1] =	wrdreg $0xFFFFFFFF  }
0x2b: {  	[dreg:$0x0] =	wrdreg $0x60  }
0x2c: {  	[dreg:$0x2] =	wrdreg s25  }
0x2d: {  	[dreg:$0x3] =	wrdreg s17  }
0x2e: {  	[dreg:$0x4] =	wrdreg $0x9  }
0x2f: {  	_ =	task.clear_ibuf [dreg:s7], $0x5FFFF;
	_ =	strace $0x90000049  }
0x30: {  	s29 =	simm.s32 $0x9;
	_ =	strace $0x8000004B  }
0x31: {  	_ =	swait.ge [sflag:s29], $0x1  }
0x32: {  	[sflag:s29] =	ssyncadd.s32 $0xFFFFFFFF  }
0x33: {  	_ =	strace $0x9000004B  }
0x34: {  	_ =	sfence  }
0x35: {  	s30 =	sld [smem:$0x0];
	_ =	sdelay $0x2  }
0x36: {  	s31 =	sshll.u32 s1, $0xD;
	s1 =	sshrl.u32 s1, $0x2  }
0x37: {  	s3 =	sand.u32 $0x4000, s31;
	s1 =	sadd.s32 s1, s30  }
0x38: {  	s0 =	sor.u32 s3, s0;
	s1 =	sshll.u32 s1, $0x11  }
0x39: {  	s0 =	sor.u32 s1, s0  }
0x3a: {  	s0 =	sadd.s32 $0x8F2B, s0  }
0x3b: {  	[sflag:s0] =	ssyncadd.remote.s32 $0x1  }
0x3c: {  	_ =	sfence.sel $0xFFFF  }
0x3d: {  	[dreg:$0x0] =	wrdreg $0xFFFFFFFF;
	(pc) =	sbr.abs _section_cstart, $3  }
0x3e: {  	[dreg:$0x1] =	wrdreg $0xFFFFFFFF  }
0x3f: {  	_ =	task.clear_ibuf [dreg:s7], $0x2FFFF;
	_ =	strace $0x9FFFFFFF  }
0x40: {  	(tm) =	ssettm $0x7FFFFFFF  }
0x41: {  	_ =	shalt  }
tec
execute0_lowered:
.L_overlay_start_1:
0x0: {  	(tag) =	ssettag $0x1  }
0x1: {  	s0 =	rddreg [dreg:$0x0]  }
0x2: {  	_ =	strace $0x8000004A;
	s30 =	srdreg.scid;
	s6 =	stileid.u32  }
0x3: {  	s1 =	simm.s32 $0x1;
	s31 =	simm.s32 $0x2;
	s18 =	simm.s32 $0x0  }
0x4: {  	p0 =	por $0x0, $0x0;
	s15 =	simm.s32 $0x0;
	s16 =	simm.s32 $0x0  }
.Ltmp0:
0x5: {  	s17 =	simm.s32 $0x0;
	s9 =	simm.s32 $0x0;
	(pc) =	sbr.rel .LBB1_1-.Ltmp0, $4  }
0x6: {  	s10 =	simm.s32 $0x0;
	s11 =	simm.s32 $0x0;
	s13 =	stileid.u32  }
0x7: {  	s8 =	simm.s32 $0x0;
	s7 =	sadd.s32 $0x541000, s0;
	s0 =	sshll.u32 s30, $0x7  }
0x8: {  	[sflag:s1] =	ssyncpa.u1 $0x0;
	s14 =	sand.u32 $0x80, s0;
	[dreg:$0x3] =	wrdreg s7  }
0x9: {  	[sflag:s31] =	ssyncpa.u1 $0x0;
	s12 =	smov.u32 s14;
	[dreg:$0x4] =	wrdreg s14  }
.LBB1_13:
0xa: {  	s1 =	rddreg [dreg:$0x9]  }
0xb: {  	p1 =	sgt.s32 s9, $0x80;
	s25 =	rddreg [dreg:$0xa]  }
0xc: {  	s0 =	smov.u32 s9;
	s2 =	sshrl.u32 s9, $0x5;
	s3 =	rddreg [dreg:$0x7]  }
0xd: {  	s4 =	rddreg [dreg:$0x8];
	s27 =	smul.u32 $0x18800, s10;
	s0 =	simm.s32 @!p1 $0x80  }
0xe: {  	s17 =	rddreg [dreg:$0x5];
	s5 =	sshrl.u32 s9, $0x3;
	s0 =	sadd.s32 s1, s0  }
0xf: {  	s2 =	sand.u32 $0xFFFFFC, s2;
	s28 =	smul.u32 $0x700, s17;
	s1 =	sadd.s32 $0xFFFFFF80, s0  }
0x10: {  	s26 =	smulhi.u32 $0x4924925, s2;
	s0 =	ssub.s32 $0x100, s0;
	p1 =	sgt.s32 s1, $0x7F  }
0x11: {  	s6 =	rddreg [dreg:$0x1];
	s1 =	smul.u32 $0x2040, s25;
	s0 =	simm.s32 @p1 $0x0  }
0x12: {  	s29 =	sand.u32 $0x7, s9;
	s7 =	rddreg [dreg:$0x3];
	s0 =	smul.u32 s0, s3  }
0x13: {  	s31 =	simm.s32 $0x800;
	s14 =	rddreg [dreg:$0x4];
	s3 =	smul.u32 $0x38, s26  }
0x14: {  	s18 =	rddreg [dreg:$0x6];
	s5 =	sand.u32 $0xF, s5;
	s0 =	smul.u32 s4, s0  }
0x15: {  	s1 =	sor.u32 $0x4000, s1;
	s2 =	ssub.s32 s2, s3;
	s4 =	sadd.s32 s6, s27  }
0x16: {  	s6 =	stileid.u32;
	s3 =	sadd.s32 s28, s4;
	s0 =	smul.u32 $0x38, s0  }
0x17: {  	s2 =	sshll.u32 s2, $0x5;
	s4 =	sshll.u32 s29, $0x12;
	s3 =	sadd.s32 s5, s3  }
0x18: {  	s30 =	sor.u32 $0x400, s4;
	s2 =	sadd.s32 s2, s3;
	s0 =	sand.u32 $0x3FFFFFF8, s0  }
0x19: {  	[hbm4b:s2+s30] =	stream.strided.scatter [tilespmem:s1], [sflag:$0x2], s0, s31, s30, $0x20;
	[tilespmem:$0x8080] =	vst v63  }
.LBB1_14:
0x1a: {  	p1 =	slt.u32 s8, $0x2  }
0x1b: {  	p2 =	sgt.s32 @!p1 s16, $0xF  }
0x1c: {  	s0 =	smov.u32 s16;
	s1 =	sshra.s32 @!p1 s16, $0x1F;
	p2 =	por !p2, p1  }
0x1d: {  	s1 =	sand.u32 @!p1 s1, s16;
	s0 =	simm.s32 @p2 $0xF  }
0x1e: {  	s0 =	ssub.s32 @!p1 s0, s1  }
0x1f: {  	s3 =	smov.u32 s18;
	p3 =	sgt.s32 @!p1 s15, $0x80;
	s1 =	sadd.s32 @!p1 $0xFFFFFFF1, s0  }
0x20: {  	p3 =	por !p3, p1;
	p2 =	sgt.s32 @!p1 s1, $0x0;
	s1 =	smov.u32 s15  }
0x21: {  	s2 =	sshra.s32 @!p1 s15, $0x1F;
	s1 =	simm.s32 @p3 $0x80;
	p3 =	sgt.s32 @!p1 s18, $0x37  }
0x22: {  	s4 =	sshra.s32 @!p1 s18, $0x1F;
	s2 =	sand.u32 @!p1 s2, s15;
	p3 =	por !p3, p1  }
0x23: {  	s4 =	sand.u32 @!p1 s4, s18;
	s1 =	ssub.s32 @!p1 s1, s2;
	s3 =	simm.s32 @p3 $0x37  }
0x24: {  	s0 =	ssub.s32 @!p1 $0x10, s0;
	s2 =	ssub.s32 @!p1 s3, s4;
	s3 =	sadd.s32 @!p1 $0xFFFFFF80, s1  }
0x25: {  	s0 =	smul.u32 @!p1 $0x38, s0;
	p2 =	por !p2, p1;
	p3 =	sgt.s32 @!p1 s3, $0x7F  }
0x26: {  	s1 =	ssub.s32 @!p1 $0x100, s1;
	s4 =	sadd.s32 @!p1 $0xFFFFFFC9, s2;
	p3 =	por !p3, p1  }
0x27: {  	s0 =	simm.s32 @!p2 $0x0;
	s1 =	simm.s32 @!p3 $0x0;
	p3 =	sgt.s32 @!p1 s4, $0x0  }
0x28: {  	s2 =	ssub.s32 @!p1 $0x38, s2;
	p2 =	por !p3, p1;
	s0 =	smul.u32 @!p1 s1, s0  }
0x29: {  	s3 =	smov.u32 s12;
	s1 =	sadd.s32 $0x1, s11;
	s2 =	simm.s32 @!p2 $0x0  }
0x2a: {  	p2 =	sgt.s32 s1, $0x37;
	s0 =	smul.u32 @!p1 s2, s0;
	s2 =	sadd.s32 $0x100, s12  }
0x2b: {  	s3 =	smov.u32 @p2 s2  }
0x2c: {  	s5 =	smov.u32 s13;
	s2 =	sadd.s32 $0x10, s13;
	p3 =	sgt.s32 s3, $0xBF  }
0x2d: {  	s8 =	sadd.s32 $0x1, s8;
	p0 =	por !p0, !p0;
	s5 =	smov.u32 @p3 s2  }
0x2e: {  	s16 =	smov.u32 s10;
	s1 =	simm.s32 @p2 $0x0;
	p2 =	sgt.s32 s5, $0xF  }
0x2f: {  	s10 =	smov.u32 s13;
	s5 =	smov.u32 @p2 s6;
	p2 =	sne.s32 s8, $0x3A  }
.Ltmp1:
0x30: {  	s15 =	smov.u32 s9;
	s9 =	smov.u32 s12;
	(pc) =	sbr.rel @!p2 .LBB1_15-.Ltmp1, $4  }
0x31: {  	s18 =	smov.u32 s17;
	s4 =	simm.s32 @!p1 $0x2;
	s0 =	sand.u32 @!p1 $0x3FFFFFF8, s0  }
0x32: {  	s17 =	smov.u32 s11;
	s11 =	smov.u32 s1;
	_ =	swait.ge @!p1 [sflag:s4], s0  }
0x33: {  	s0 =	ssub.s32 @!p1 $0x0, s0;
	s3 =	smov.u32 @p3 s14;
	[sflag:s4] =	ssyncset.done @!p1 $0x0  }
0x34: {  	s12 =	smov.u32 s3;
	[sflag:s4] =	ssyncadd.s32 @!p1 s0;
	s13 =	smov.u32 s5  }
.LBB1_1:
0x35: {  	p1 =	sgt.u32 s8, $0x37  }
0x36: {  	s1 =	smov.u32 s13;
	s4 =	smov.u32 s12;
	p2 =	sgt.s32 @!p1 s13, $0xF  }
0x37: {  	s0 =	sand.u32 @!p1 $0x1FFFFFF, s11;
	s3 =	sshra.s32 @!p1 s13, $0x1F;
	p2 =	por !p2, p1  }
0x38: {  	s5 =	sshra.s32 @!p1 s12, $0x1F;
	s1 =	simm.s32 @p2 $0xF;
	p2 =	sgt.s32 @!p1 s12, $0x40  }
0x39: {  	s2 =	smulhi.u32 @!p1 $0x4924925, s0;
	s3 =	sand.u32 @!p1 s3, s13;
	p2 =	por !p2, p1  }
0x3a: {  	s5 =	sand.u32 @!p1 s5, s12;
	s1 =	ssub.s32 @!p1 s1, s3;
	s4 =	simm.s32 @p2 $0x40  }
0x3b: {  	p2 =	sgt.s32 @!p1 s11, $0x37;
	s1 =	sadd.s32 @!p1 $0xFFFFFFF1, s1;
	s3 =	ssub.s32 @!p1 s4, s5  }
0x3c: {  	p2 =	por !p2, p1;
	s5 =	smov.u32 s11;
	s4 =	sadd.s32 @!p1 $0xFFFFFFC0, s3  }
0x3d: {  	s5 =	simm.s32 @p2 $0x37;
	p3 =	sgt.s32 @!p1 s4, $0x7F;
	s4 =	sshra.s32 @!p1 s11, $0x1F  }
0x3e: {  	p2 =	sgt.s32 @!p1 s1, $0x0;
	s1 =	sshll.u32 @!p1 s1, $0x6;
	s4 =	sand.u32 @!p1 s4, s11  }
0x3f: {  	s3 =	ssub.s32 @!p1 $0xC0, s3;
	s1 =	ssub.s32 @!p1 $0x40, s1;
	s4 =	ssub.s32 @!p1 s5, s4  }
0x40: {  	p2 =	por !p2, p1;
	p3 =	por !p3, p1;
	s5 =	sadd.s32 @!p1 $0xFFFFFFC9, s4  }
0x41: {  	s1 =	simm.s32 @!p2 $0x0;
	s3 =	simm.s32 @!p3 $0x0;
	p3 =	sgt.s32 @!p1 s5, $0x0  }
0x42: {  	s4 =	ssub.s32 @!p1 $0x38, s4;
	s1 =	smul.u32 @!p1 s3, s1;
	p2 =	por !p3, p1  }
0x43: {  	s2 =	smul.u32 @!p1 $0x38, s2;
	s4 =	simm.s32 @!p2 $0x0  }
0x44: {  	s1 =	smul.u32 @!p1 s4, s1  }
0x45: {  	s4 =	smul.u32 @!p1 $0x2A000, s13  }
0x46: {  	s0 =	ssub.s32 @!p1 s0, s2;
	s3 =	sxor.u32 @!p1 $0xFFFFFFFF, s8;
	s5 =	smul.u32 @!p1 $0x380, s12  }
0x47: {  	s0 =	sshll.u32 @!p1 s0, $0x4;
	s3 =	sshll.u32 @!p1 s3, $0xD;
	s2 =	sadd.s32 @!p1 s7, s4  }
0x48: {  	s3 =	sand.u32 @!p1 $0x2000, s3;
	s1 =	sand.u32 @!p1 $0x3FFFFFC0, s1;
	s2 =	sadd.s32 @!p1 s5, s2  }
0x49: {  	s4 =	simm.s32 @!p1 $0x1C00;
	s0 =	sadd.s32 @!p1 s0, s2;
	s2 =	simm.s32 @!p1 $0x40  }
0x4a: {  	[tilespmem:s3], [sflag:$0x1] =	stream.strided.gather @!p1 [hbm4b:s0+s2], s1, s4, s2, $0x38;
	[tilespmem:$0x8080] =	vst v63  }
0x4b: {  	p1 =	seq.s32 s8, $0x0  }
0x4c: {  	p2 =	seq.s32 @!p1 s8, $0x39  }
0x4d: {  	p1 =	por p1, p2  }
.Ltmp2:
0x4e: {  	_ = 	snop;
	(pc) =	sbr.rel @p1 .LBB1_14-.Ltmp2, $1  }
0x4f: {  	_ =	sdelay $0x3  }
0x50: {  	p1 =	sgt.s32 s10, $0xF  }
0x51: {  	s0 =	smov.u32 s10;
	s1 =	sshra.s32 s10, $0x1F;
	s25 =	ssub.s32 $0x0, s9  }
0x52: {  	s2 =	sshra.s32 s9, $0x1F;
	p2 =	sgt.s32 s17, $0x37;
	s3 =	smov.u32 s17  }
0x53: {  	s4 =	sshra.s32 s17, $0x1F;
	p3 =	sgt.s32 s9, $0x40;
	s5 =	smov.u32 s9  }
0x54: {  	s0 =	simm.s32 @!p1 $0xF;
	s1 =	sand.u32 s1, s10;
	s3 =	simm.s32 @!p2 $0x37  }
0x55: {  	s4 =	sand.u32 s4, s17;
	s2 =	sand.u32 s25, s2;
	s5 =	simm.s32 @!p3 $0x40  }
0x56: {  	s0 =	ssub.s32 s0, s1;
	s26 =	ssub.s32 s3, s4;
	[dreg:$0x9] =	wrdreg s2  }
0x57: {  	s27 =	sadd.s32 s2, s5;
	s2 =	sadd.s32 $0x1, s10;
	s1 =	sadd.s32 $0xFFFFFFF1, s0  }
0x58: {  	s4 =	ssub.s32 $0x10, s0;
	s28 =	sadd.s32 $0xFFFFFFC9, s26;
	s29 =	sadd.s32 $0xFFFFFFC0, s27  }
0x59: {  	p1 =	sgt.s32 s1, $0x0;
	p2 =	sgt.s32 s28, $0x0;
	s1 =	ssub.s32 $0x38, s26  }
0x5a: {  	s0 =	ssub.s32 $0xC0, s27;
	s4 =	simm.s32 @p1 $0x0;
	s1 =	simm.s32 @p2 $0x0  }
0x5b: {  	p1 =	sgt.s32 s29, $0x7F;
	[dreg:$0x8] =	wrdreg s1;
	s1 =	smul.u32 s4, s1  }
0x5c: {  	s3 =	sadd.s32 $0x80, s9;
	s0 =	simm.s32 @p1 $0x0;
	p1 =	slt.s32 s2, $0x10  }
0x5d: {  	s2 =	simm.s32 @!p1 $0x10;
	p1 =	slt.s32 s3, $0xC0;
	s0 =	smul.u32 s0, s1  }
0x5e: {  	s20 =	ssub.s32 s2, s10;
	s3 =	simm.s32 @!p1 $0xC0;
	s1 =	sadd.s32 $0x1, s17  }
0x5f: {  	s21 =	ssub.s32 s3, s9;
	p2 =	slt.s32 s1, $0x38;
	p1 =	slt.s32 s20, $0x1  }
0x60: {  	s1 =	simm.s32 @!p2 $0x38;
	p2 =	slt.s32 @!p1 s21, $0x1  }
0x61: {  	s23 =	ssub.s32 s1, s17;
	p2 =	por p1, p2  }
0x62: {  	p3 =	slt.s32 @!p2 s23, $0x1  }
0x63: {  	[dreg:$0x6] =	wrdreg s18;
	p2 =	por p2, p3  }
.Ltmp3:
0x64: {  	[dreg:$0x5] =	wrdreg s17;
	s0 =	sshll.u32 s0, $0x6;
	(pc) =	sbr.rel @p2 .LBB1_13-.Ltmp3, $4  }
0x65: {  	s30 =	simm.s32 $0x1;
	[dreg:$0x7] =	wrdreg s4;
	s0 =	sand.u32 $0x3FFFFFC0, s0  }
0x66: {  	_ =	swait.ge [sflag:s30], s0  }
0x67: {  	s31 =	sand.u32 $0x1, s8;
	s0 =	ssub.s32 $0x0, s0;
	[sflag:s30] =	ssyncset.done $0x0  }
0x68: {  	[dreg:$0xa] =	wrdreg s31;
	[sflag:s30] =	ssyncadd.s32 s0  }
0x69: {  	s0 =	simm.s32 $0x1  }
0x6a: {  	s0 =	simm.s32 @!p0 $0x0  }
0x6b: {  	s0 =	smul.u32 $0x8100, s0  }
.Ltmp4:
0x6c: {  	_ = 	snop;
	(pc) =	sbr.rel .LBB1_4-.Ltmp4, $4  }
0x6d: {  	_ = 	snop  }
0x6e: {  	s0 =	sshrl.u32 s0, $0x2  }
0x6f: {  	s24 =	sor.u32 $0x4000, s0;
	s0 =	rddreg [dreg:$0xa]  }
0x70: {  	s26 =	simm.s32 $0x0;
	s25 =	sshll.u32 @!p1 s0, $0xD  }
.LBB1_12:
0x71: {  	s26 =	sadd.s32 $0x1, s26  }
0x72: {  	p1 =	sne.s32 s26, s20  }
.Ltmp5:
0x73: {  	_ = 	snop;
	(pc) =	sbr.rel @!p1 .LBB1_13-.Ltmp5, $2  }
0x74: {  	_ =	sdelay $0x2  }
0x75: {  	s24 =	sadd.s32 $0x2040, s24  }
.LBB1_4:
0x76: {  	s0 =	sshll.u32 s26, $0xF;
	s28 =	simm.s32 $0x800  }
0x77: {  	s29 =	simm.s32 $0x1800;
	s30 =	simm.s32 $0x0;
	s0 =	sshra.s32 s0, $0x2  }
0x78: {  	s31 =	simm.s32 $0x0;
	s27 =	sadd.s32 s0, s25;
	s0 =	simm.s32 $0x0  }
.LBB1_5:
0x79: {  	s1 =	sshrl.u32 s30, $0xA;
	s2 =	sshll.u32 s0, $0x8  }
0x7a: {  	s3 =	sshrl.u32 s28, $0xA;
	s4 =	sshrl.u32 s29, $0xA;
	s2 =	sshra.s32 s2, $0x2  }
0x7b: {  	s5 =	sshrl.u32 s0, $0x4;
	s1 =	sand.u32 $0x7, s1;
	s2 =	sadd.s32 s2, s27  }
0x7c: {  	s7 =	sand.u32 $0x7F, s31;
	s3 =	sand.u32 $0x7, s3;
	s1 =	smul.u32 $0x1020, s1;
	v0 =	vmov s2  }
0x7d: {  	s4 =	sand.u32 $0x7, s4;
	s6 =	sand.u32 $0x38, s5;
	s22 =	smul.u32 $0x1020, s3  }
0x7e: {  	s17 =	simm.s32 $0x0;
	s3 =	smul.u32 $0x1020, s4;
	s4 =	sxor.u32 $0x20, s6  }
0x7f: {  	p2 =	sne.s32 s23, $0x1;
	p1 =	por $0x0, $0x0;
	s4 =	smul.u32 $0x204, s4  }
.Ltmp6:
0x80: {  	s18 =	sshll.u32 s7, $0x2;
	s17 =	sand.u32 $0x1C0, s17;
	(pc) =	sbr.rel @!p2 .LBB1_6-.Ltmp6, $4  }
0x81: {  	s1 =	sshrl.u32 s1, $0x2;
	s14 =	sshrl.u32 s22, $0x2;
	s19 =	sshrl.u32 s3, $0x2;
	v7 =	vld.idx.msk [tilespmem:v0+s17+$0x30 ss:$0x1], $0xffff  }
0x82: {  	s6 =	sadd.s32 s1, s24;
	s22 =	sshrl.u32 s4, $0x2;
	s5 =	sadd.s32 s14, s24;
	v8 =	vld.idx.msk [tilespmem:v0+s17+$0x0 ss:$0x1], $0xffff  }
0x83: {  	s2 =	sadd.s32 s19, s24;
	s1 =	sshrl.u32 s18, $0x2;
	s4 =	sadd.s32 $0xFFFFFFFF, s23;
	v6 =	vld.idx.msk [tilespmem:v0+s17+$0x10 ss:$0x1], $0xffff  }
0x84: {  	s19 =	sadd.s32 s22, s24;
	s3 =	sadd.s32 s1, s2;
	v5 =	vld.idx.msk [tilespmem:v0+s17+$0x20 ss:$0x1], $0xffff;
	s17 =	simm.s32 $0x40  }
0x85: {  	_ =	sdelay $0x1  }
0x86: {  	p2 =	sne.s32 s4, $0x1  }
.Ltmp7:
0x87: {  	s18 =	sand.u32 $0x1C0, s17;
	(pc) =	sbr.rel @!p2 .LBB1_8-.Ltmp7, $4  }
0x88: {  	s22 =	sadd.s32 s1, s6;
	s7 =	sadd.s32 s1, s5;
	v1 =	vld.idx.msk [tilespmem:v0+s18+$0x30 ss:$0x1], $0xffff;
	[tilespmem:s3+$0x0 ss:$0x81] =	vst.msk $0xffff, v7  }
0x89: {  	s17 =	sadd.s32 $0xFFFFFFFF, s4;
	s14 =	sadd.s32 s1, s19;
	s6 =	sadd.s32 $0x2040, s6;
	v2 =	vld.idx.msk [tilespmem:v0+s18+$0x0 ss:$0x1], $0xffff;
	[tilespmem:s22+$0x0 ss:$0x81] =	vst.msk $0xffff, v8  }
0x8a: {  	p1 =	por $0x1, $0x1;
	s4 =	smov.u32 s5;
	v3 =	vld.idx.msk [tilespmem:v0+s18+$0x10 ss:$0x1], $0xffff;
	s22 =	sadd.s32 $0x2040, s2;
	[tilespmem:s7+$0x0 ss:$0x81] =	vst.msk $0xffff, v6  }
0x8b: {  	v4 =	vld.idx.msk [tilespmem:v0+s18+$0x20 ss:$0x1], $0xffff;
	s18 =	simm.s32 $0x80;
	s2 =	smov.u32 s19;
	s3 =	sadd.s32 s1, s22;
	[tilespmem:s14+$0x0 ss:$0x81] =	vst.msk $0xffff, v5  }
.LBB1_9:
0x8c: {  	s14 =	sand.u32 $0x1C0, s18;
	p2 =	sne.s32 s17, $0x1;
	s17 =	sadd.s32 $0xFFFFFFFF, s17  }
.Ltmp8:
0x8d: {  	s7 =	sadd.s32 s1, s6;
	s4 =	sadd.s32 $0x2040, s4;
	[tilespmem:s3+$0x0 ss:$0x81] =	vst.msk $0xffff, v1;
	v1 =	vld.idx.msk [tilespmem:v0+s14+$0x30 ss:$0x1], $0xffff;
	(pc) =	sbr.rel @p2 .LBB1_9-.Ltmp8, $4  }
0x8e: {  	s2 =	sadd.s32 $0x2040, s2;
	s3 =	sadd.s32 s1, s4;
	[tilespmem:s7+$0x0 ss:$0x81] =	vst.msk $0xffff, v2;
	v2 =	vld.idx.msk [tilespmem:v0+s14+$0x0 ss:$0x1], $0xffff  }
0x8f: {  	[tilespmem:s3+$0x0 ss:$0x81] =	vst.msk $0xffff, v3;
	v3 =	vld.idx.msk [tilespmem:v0+s14+$0x10 ss:$0x1], $0xffff;
	s3 =	sadd.s32 s1, s2  }
0x90: {  	s22 =	sadd.s32 $0x2040, s22;
	[tilespmem:s3+$0x0 ss:$0x81] =	vst.msk $0xffff, v4;
	v4 =	vld.idx.msk [tilespmem:v0+s14+$0x20 ss:$0x1], $0xffff  }
0x91: {  	s18 =	sadd.s32 $0x40, s18;
	s6 =	sadd.s32 $0x2040, s6;
	s3 =	sadd.s32 s1, s22  }
0x92: {  	_ =	sdelay $0x2  }
0x93: {  	v7 =	vmovc v1;
	v8 =	vmov v2;
	v6 =	vmov v3;
	v5 =	vmov v4  }
.LBB1_11:
0x94: {  	s4 =	sadd.s32 @p1 $0x2040, s4;
	s2 =	sadd.s32 @p1 $0x2040, s2;
	s0 =	sadd.s32 $0x1, s0  }
0x95: {  	s5 =	smov.u32 @p1 s4;
	s19 =	smov.u32 @p1 s2;
	p1 =	sne.s32 s0, s21  }
.Ltmp9:
0x96: {  	_ = 	snop;
	(pc) =	sbr.rel @p1 .LBB1_5-.Ltmp9, $4  }
.Ltmp10:
0x97: {  	s6 =	sadd.s32 s1, s6;
	[tilespmem:s3+$0x0 ss:$0x81] =	vst.msk $0xffff, v7;
	(pc) =	sbr.rel @!p1 .LBB1_12-.Ltmp10, $4  }
0x98: {  	[tilespmem:s6+$0x0 ss:$0x81] =	vst.msk $0xffff, v8;
	s18 =	sadd.s32 s1, s5  }
0x99: {  	s31 =	sadd.s32 $0x1, s31;
	s22 =	sadd.s32 s1, s19;
	[tilespmem:s18+$0x0 ss:$0x81] =	vst.msk $0xffff, v6  }
0x9a: {  	s30 =	sadd.s32 $0x8, s30;
	s28 =	sadd.s32 $0x8, s28;
	s29 =	sadd.s32 $0x8, s29;
	[tilespmem:s22+$0x0 ss:$0x81] =	vst.msk $0xffff, v5  }
0x9b: {  	_ = 	snop  }
.LBB1_6:
.Ltmp11:
0x9c: {  	(pc) =	sbr.rel .LBB1_11-.Ltmp11, $2  }
0x9d: {  	_ =	sdelay $0x2  }
0x9e: {  	s4 =	smov.u32 s5;
	s2 =	smov.u32 s19  }
.LBB1_8:
.Ltmp12:
0x9f: {  	_ = 	snop;
	(pc) =	sbr.rel .LBB1_11-.Ltmp12, $2  }
0xa0: {  	_ =	sdelay $0x2  }
0xa1: {  	s4 =	smov.u32 s5;
	s2 =	smov.u32 s19;
	v7 =	vmovc v1;
	v8 =	vmov v2;
	v6 =	vmov v3;
	v5 =	vmov v4  }
.LBB1_15:
0xa2: {  	_ =	sfence.sel $0x180000  }
0xa3: {  	s0 =	simm.s32 $0x1;
	[bflag:$0x0] =	sbarrier.arrive $0xFFFF  }
0xa4: {  	s31 =	simm.s32 $0x2;
	[sflag:s0] =	ssyncpa.u1 $0x1  }
0xa5: {  	[sflag:s31] =	ssyncpa.u1 $0x1  }
0xa6: {  	_ =	strace $0x9000004A  }
0xa7: {  	[bflag:$0x2] =	sbarrier.arrive $0xFFFF  }
0xa8: {  	p0 =	sne.s32 s6, $0x0;
	s0 =	rddreg [dreg:$0x2]  }
0xa9: {  	s0 =	sadd.s32 @!p0 $0x100000, s0  }
0xaa: {  	[sflag:s0] =	ssyncadd.tile.s32 @!p0 $0x1;
	_ =	shalt  }
.Lfunc_end1:
_tile_overlayer_lowered:
.L_overlay_start_2:
0xab: {  	(tag) =	ssettag $0x2  }
0xac: {  	s0 =	rddreg [dreg:$0x0];
	s2 =	stileid.u32  }
0xad: {  	s1 =	rddreg [dreg:$0x1];
	p0 =	sne.s32 s2, $0x0  }
0xae: {  	s3 =	rddreg [dreg:$0x2];
	[bflag:$0x3] =	sbarrier.arrive $0xFFFF;
	s2 =	simm.s32 @!p0 $0x1C01  }
0xaf: {  	[timem:s3], [sflag:s2] =	dma.local @!p0 [hbm:s0], s1  }
0xb0: {  	s0 =	simm.s32 @!p0 $0x1  }
0xb1: {  	_ =	swait.ge @!p0 [sflag:s0], s1  }
0xb2: {  	s1 =	ssub.s32 @!p0 $0x0, s1;
	[sflag:s0] =	ssyncset.done @!p0 $0x0  }
0xb3: {  	[sflag:s0] =	ssyncadd.s32 @!p0 s1  }
0xb4: {  	[bflag:$0x3] =	sbarrier.arrive $0xFFFF  }
0xb5: {  	_ =	shalt  }

</sc_bundles>
